<compile_context>
chip_gen: v7x
topology: tpu7x:2x2x1
jax: 0.10.2.dev20260603
libtpu: 0.0.44.dev20260713+nightly
codegen_flags: <defaults>
</compile_context>

<pallas_src>
import functools

import jax
import jax.numpy as jnp
from jax import lax
from jax.experimental import pallas as pl
from jax.experimental.pallas import tpu as pltpu
from jax.experimental.pallas import tpu_sc as plsc

_B = 16384
_D = 64
_MARGIN = 1.0
_NC = 2
_NS = 16
_NW = _NC * _NS
_PER_W = _B // _NW
_CHUNK = 128
_NCHUNK = _PER_W // _CHUNK


def _rsqrt_nr(x):
    i = lax.bitcast_convert_type(x, jnp.int32)
    i = 0x5F3759DF - lax.shift_right_arithmetic(i, 1)
    y = lax.bitcast_convert_type(i, jnp.float32)
    for _ in range(2):
        y = y * (1.5 - 0.5 * x * y * y)
    return y


def _row_chunks(ref, i):
    return [ref[i, pl.ds(16 * c, 16)] for c in range(4)]


def _sumsq(chunks):
    v = chunks[0] * chunks[0]
    for c in chunks[1:]:
        v = v + c * c
    return jnp.sum(v)


def _sc_body(ph_h, pr_h, pt_h, nh_h, nr_h, nt_h, ent_h, rel_h, out_h,
             ph_v, pr_v, pt_v, nh_v, nr_v, nt_v,
             hp_r, rp_r, tp_r, hn_r, rn_r, tn_r,
             ost_r, sem):
    wid = lax.axis_index("s") * _NC + lax.axis_index("c")
    base = wid * _PER_W

    pltpu.sync_copy(ph_h.at[pl.ds(base, _PER_W)], ph_v)
    pltpu.sync_copy(pr_h.at[pl.ds(base, _PER_W)], pr_v)
    pltpu.sync_copy(pt_h.at[pl.ds(base, _PER_W)], pt_v)
    pltpu.sync_copy(nh_h.at[pl.ds(base, _PER_W)], nh_v)
    pltpu.sync_copy(nr_h.at[pl.ds(base, _PER_W)], nr_v)
    pltpu.sync_copy(nt_h.at[pl.ds(base, _PER_W)], nt_v)

    acc_total = jnp.float32(0.0)
    for g in range(_NCHUNK):
        sl = pl.ds(g * _CHUNK, _CHUNK)
        cps = [
            pltpu.async_copy(ent_h.at[ph_v.at[sl]], hp_r, sem),
            pltpu.async_copy(rel_h.at[pr_v.at[sl]], rp_r, sem),
            pltpu.async_copy(ent_h.at[pt_v.at[sl]], tp_r, sem),
            pltpu.async_copy(ent_h.at[nh_v.at[sl]], hn_r, sem),
            pltpu.async_copy(rel_h.at[nr_v.at[sl]], rn_r, sem),
            pltpu.async_copy(ent_h.at[nt_v.at[sl]], tn_r, sem),
        ]
        for cp in cps:
            cp.wait()

        def body(i, acc):
            hp = _row_chunks(hp_r, i)
            rp = _row_chunks(rp_r, i)
            tp = _row_chunks(tp_r, i)
            hn = _row_chunks(hn_r, i)
            rn = _row_chunks(rn_r, i)
            tn = _row_chunks(tn_r, i)
            ihp = _rsqrt_nr(_sumsq(hp))
            itp = _rsqrt_nr(_sumsq(tp))
            ihn = _rsqrt_nr(_sumsq(hn))
            itn = _rsqrt_nr(_sumsq(tn))
            dv = None
            for c in range(4):
                p = jnp.abs(hp[c] * ihp + rp[c] - tp[c] * itp)
                n = jnp.abs(hn[c] * ihn + rn[c] - tn[c] * itn)
                d = p - n
                dv = d if dv is None else dv + d
            s = jnp.sum(dv)
            return acc + jnp.maximum(s + _MARGIN, 0.0)

        acc_total = lax.fori_loop(0, _CHUNK, body, acc_total)

    ost_r[...] = lax.broadcast(acc_total, (16,))
    pltpu.sync_copy(ost_r, out_h.at[wid])


@jax.jit
def _sc_call(ph, pr, pt, nh, nr, nt, ent, rel):
    mesh = plsc.VectorSubcoreMesh(core_axis_name="c", subcore_axis_name="s")
    f = pl.kernel(
        _sc_body,
        out_type=jax.ShapeDtypeStruct((_NW, 16), jnp.float32),
        mesh=mesh,
        compiler_params=pltpu.CompilerParams(
            needs_layout_passes=False, use_tc_tiling_on_sc=False),
        scratch_types=[
            pltpu.VMEM((_PER_W,), jnp.int32),
            pltpu.VMEM((_PER_W,), jnp.int32),
            pltpu.VMEM((_PER_W,), jnp.int32),
            pltpu.VMEM((_PER_W,), jnp.int32),
            pltpu.VMEM((_PER_W,), jnp.int32),
            pltpu.VMEM((_PER_W,), jnp.int32),
            pltpu.VMEM((_CHUNK, _D), jnp.float32),
            pltpu.VMEM((_CHUNK, _D), jnp.float32),
            pltpu.VMEM((_CHUNK, _D), jnp.float32),
            pltpu.VMEM((_CHUNK, _D), jnp.float32),
            pltpu.VMEM((_CHUNK, _D), jnp.float32),
            pltpu.VMEM((_CHUNK, _D), jnp.float32),
            pltpu.VMEM((16,), jnp.float32),
            pltpu.SemaphoreType.DMA,
        ],
    )
    return f(ph, pr, pt, nh, nr, nt, ent, rel)


def kernel(pos_batch, neg_batch, entity_emb, relation_emb):
    ph, pr, pt = pos_batch[:, 0], pos_batch[:, 1], pos_batch[:, 2]
    nh, nr, nt = neg_batch[:, 0], neg_batch[:, 1], neg_batch[:, 2]
    partials = _sc_call(ph, pr, pt, nh, nr, nt, entity_emb, relation_emb)
    return jnp.sum(partials[:, 0]) / jnp.float32(_B)

# --- scband reference (transcript-rebuilt; emitter-appended) ---
"""Pipeline reference for scband-trans-e-42855183679600 (READ-ONLY COPY).

The authoritative reference and input builder live on the scoring server;
editing this copy changes nothing except your own understanding.
"""

import jax, jax.numpy as jnp
import numpy as np

NUM_ENTITIES = 100000
NUM_RELATIONS = 100000
EMBED_DIM = 64
BATCH = 16384
MARGIN = 1.0
SCORING_NORM = 1


def setup_inputs(seed: int = 0) -> dict:
    key = jax.random.key(seed)
    k1, k2, k3, k4 = jax.random.split(key, 4)
    pos_batch = jax.random.randint(k1, (BATCH, 3), 0, NUM_ENTITIES, dtype=jnp.int32)
    neg_batch = jax.random.randint(k2, (BATCH, 3), 0, NUM_ENTITIES, dtype=jnp.int32)
    bound = 6.0 / np.sqrt(EMBED_DIM)
    entity_emb = jax.random.uniform(k3, (NUM_ENTITIES, EMBED_DIM), minval=-bound, maxval=bound, dtype=jnp.float32)
    relation_emb = jax.random.uniform(k4, (NUM_RELATIONS, EMBED_DIM), minval=-bound, maxval=bound, dtype=jnp.float32)
    # TransE._initialize(): relation embeddings L2-normalized after init
    rel_norms = jnp.linalg.norm(relation_emb, axis=1, keepdims=True)
    relation_emb = relation_emb / rel_norms
    return {"pos_batch": pos_batch, "neg_batch": neg_batch, "entity_emb": entity_emb, "relation_emb": relation_emb}


def _score_triples(triples, ent, rel):
    # slice_triples: head, relation, tail columns; embedding gathers
    h = jnp.take(ent, triples[:, 0], axis=0)
    r = jnp.take(rel, triples[:, 1], axis=0)
    t = jnp.take(ent, triples[:, 2], axis=0)
    diff = h + r - t
    if SCORING_NORM == 1:
        return jnp.sum(jnp.abs(diff), axis=1)
    return jnp.sqrt(jnp.sum(diff * diff, axis=1))


def reference(pos_batch, neg_batch, entity_emb, relation_emb):
    # forward: renormalize entity embedding table (l_p_norm_entities=2) on .data
    ent_norms = jnp.linalg.norm(entity_emb, axis=1, keepdims=True)
    ent = entity_emb / ent_norms
    pos_scores = _score_triples(pos_batch, ent, relation_emb)
    neg_scores = _score_triples(neg_batch, ent, relation_emb)
    # nn.MarginRankingLoss(margin) with target y = -1, reduction='mean':
    # loss = mean(max(0, -y*(pos - neg) + margin)) = mean(max(0, pos - neg + margin))
    loss = jnp.mean(jnp.maximum(0.0, pos_scores - neg_scores + MARGIN))
    return loss

if __name__ == "__main__":
    import jax
    _d = setup_inputs()
    print(jax.jit(kernel)(*tuple(_d.values())))

</pallas_src>

<mosaic_0001>
#map = affine_map<(d0, d1) -> (0)>
#map1 = affine_map<(d0, d1) -> (0, 0)>
module attributes {stable_mosaic.version = 14 : i64} {
  func.func @_sc_body(%arg0: i32, %arg1: i32, %arg2: memref<16384xi32, #tpu.memory_space<hbm>>, %arg3: memref<16384xi32, #tpu.memory_space<hbm>>, %arg4: memref<16384xi32, #tpu.memory_space<hbm>>, %arg5: memref<16384xi32, #tpu.memory_space<hbm>>, %arg6: memref<16384xi32, #tpu.memory_space<hbm>>, %arg7: memref<16384xi32, #tpu.memory_space<hbm>>, %arg8: memref<100000x64xf32, #tpu.memory_space<hbm>>, %arg9: memref<100000x64xf32, #tpu.memory_space<hbm>>, %arg10: memref<32x16xf32, #tpu.memory_space<hbm>>, %arg11: memref<512xi32, #tpu.memory_space<vmem>>, %arg12: memref<512xi32, #tpu.memory_space<vmem>>, %arg13: memref<512xi32, #tpu.memory_space<vmem>>, %arg14: memref<512xi32, #tpu.memory_space<vmem>>, %arg15: memref<512xi32, #tpu.memory_space<vmem>>, %arg16: memref<512xi32, #tpu.memory_space<vmem>>, %arg17: memref<128x64xf32, #tpu.memory_space<vmem>>, %arg18: memref<128x64xf32, #tpu.memory_space<vmem>>, %arg19: memref<128x64xf32, #tpu.memory_space<vmem>>, %arg20: memref<128x64xf32, #tpu.memory_space<vmem>>, %arg21: memref<128x64xf32, #tpu.memory_space<vmem>>, %arg22: memref<128x64xf32, #tpu.memory_space<vmem>>, %arg23: memref<16xf32, #tpu.memory_space<vmem>>, %arg24: memref<!tpu.dma_semaphore, #tpu.memory_space<semaphore_mem>>) attributes {dimension_semantics = [#tpu.dimension_semantics<core_parallel>, #tpu.dimension_semantics<subcore_parallel>], iteration_bounds = array<i64: 2, 16>, scalar_prefetch = 0 : i64, scratch_operands = 14 : i64, tpu.core_type = #tpu.core_type<sc_vector_subcore>, window_params = [{transform_indices = #map}, {transform_indices = #map}, {transform_indices = #map}, {transform_indices = #map}, {transform_indices = #map}, {transform_indices = #map}, {transform_indices = #map1}, {transform_indices = #map1}, {transform_indices = #map1}]} {
    %mul3A = arith.constant 2 : i32
    %mul3A_0 = arith.muli %arg1, %mul3A : i32
    %add3A = arith.addi %mul3A_0, %arg0 : i32
    %mul3A_1 = arith.constant 512 : i32
    %mul3A_2 = arith.muli %add3A, %mul3A_1 : i32
    "tpu.region"() ({
      %run_scoped3A = tpu.sem_alloc : memref<!tpu.dma_semaphore, #tpu.memory_space<semaphore_mem>>
      %dma_start3A_266 = tpu.memref_slice %arg2[%mul3A_2] : memref<16384xi32, #tpu.memory_space<hbm>> -> memref<512xi32, #tpu.memory_space<hbm>>
      %dma_start3A_267 = tpu.memref_slice %arg2[%mul3A_2] : memref<16384xi32, #tpu.memory_space<hbm>> -> memref<512xi32, #tpu.memory_space<hbm>>
      tpu.enqueue_dma source(%dma_start3A_267 : memref<512xi32, #tpu.memory_space<hbm>>) target(%arg11 : memref<512xi32, #tpu.memory_space<vmem>>) target_semaphore(%run_scoped3A : memref<!tpu.dma_semaphore, #tpu.memory_space<semaphore_mem>>)
      %dma_wait3A_268 = tpu.memref_slice %arg2[%mul3A_2] : memref<16384xi32, #tpu.memory_space<hbm>> -> memref<512xi32, #tpu.memory_space<hbm>>
      %dma_wait3A_269 = tpu.memref_slice %arg2[%mul3A_2] : memref<16384xi32, #tpu.memory_space<hbm>> -> memref<512xi32, #tpu.memory_space<hbm>>
      tpu.wait_dma2 semaphore(%run_scoped3A : memref<!tpu.dma_semaphore, #tpu.memory_space<semaphore_mem>>) src(%dma_wait3A_269 : memref<512xi32, #tpu.memory_space<hbm>>) dst(%arg11 : memref<512xi32, #tpu.memory_space<vmem>>)
      tpu.yield
    }) : () -> ()
    "tpu.region"() ({
      %run_scoped3A = tpu.sem_alloc : memref<!tpu.dma_semaphore, #tpu.memory_space<semaphore_mem>>
      %dma_start3A_266 = tpu.memref_slice %arg3[%mul3A_2] : memref<16384xi32, #tpu.memory_space<hbm>> -> memref<512xi32, #tpu.memory_space<hbm>>
      %dma_start3A_267 = tpu.memref_slice %arg3[%mul3A_2] : memref<16384xi32, #tpu.memory_space<hbm>> -> memref<512xi32, #tpu.memory_space<hbm>>
      tpu.enqueue_dma source(%dma_start3A_267 : memref<512xi32, #tpu.memory_space<hbm>>) target(%arg12 : memref<512xi32, #tpu.memory_space<vmem>>) target_semaphore(%run_scoped3A : memref<!tpu.dma_semaphore, #tpu.memory_space<semaphore_mem>>)
      %dma_wait3A_268 = tpu.memref_slice %arg3[%mul3A_2] : memref<16384xi32, #tpu.memory_space<hbm>> -> memref<512xi32, #tpu.memory_space<hbm>>
      %dma_wait3A_269 = tpu.memref_slice %arg3[%mul3A_2] : memref<16384xi32, #tpu.memory_space<hbm>> -> memref<512xi32, #tpu.memory_space<hbm>>
      tpu.wait_dma2 semaphore(%run_scoped3A : memref<!tpu.dma_semaphore, #tpu.memory_space<semaphore_mem>>) src(%dma_wait3A_269 : memref<512xi32, #tpu.memory_space<hbm>>) dst(%arg12 : memref<512xi32, #tpu.memory_space<vmem>>)
      tpu.yield
    }) : () -> ()
    "tpu.region"() ({
      %run_scoped3A = tpu.sem_alloc : memref<!tpu.dma_semaphore, #tpu.memory_space<semaphore_mem>>
      %dma_start3A_266 = tpu.memref_slice %arg4[%mul3A_2] : memref<16384xi32, #tpu.memory_space<hbm>> -> memref<512xi32, #tpu.memory_space<hbm>>
      %dma_start3A_267 = tpu.memref_slice %arg4[%mul3A_2] : memref<16384xi32, #tpu.memory_space<hbm>> -> memref<512xi32, #tpu.memory_space<hbm>>
      tpu.enqueue_dma source(%dma_start3A_267 : memref<512xi32, #tpu.memory_space<hbm>>) target(%arg13 : memref<512xi32, #tpu.memory_space<vmem>>) target_semaphore(%run_scoped3A : memref<!tpu.dma_semaphore, #tpu.memory_space<semaphore_mem>>)
      %dma_wait3A_268 = tpu.memref_slice %arg4[%mul3A_2] : memref<16384xi32, #tpu.memory_space<hbm>> -> memref<512xi32, #tpu.memory_space<hbm>>
      %dma_wait3A_269 = tpu.memref_slice %arg4[%mul3A_2] : memref<16384xi32, #tpu.memory_space<hbm>> -> memref<512xi32, #tpu.memory_space<hbm>>
      tpu.wait_dma2 semaphore(%run_scoped3A : memref<!tpu.dma_semaphore, #tpu.memory_space<semaphore_mem>>) src(%dma_wait3A_269 : memref<512xi32, #tpu.memory_space<hbm>>) dst(%arg13 : memref<512xi32, #tpu.memory_space<vmem>>)
      tpu.yield
    }) : () -> ()
    "tpu.region"() ({
      %run_scoped3A = tpu.sem_alloc : memref<!tpu.dma_semaphore, #tpu.memory_space<semaphore_mem>>
      %dma_start3A_266 = tpu.memref_slice %arg5[%mul3A_2] : memref<16384xi32, #tpu.memory_space<hbm>> -> memref<512xi32, #tpu.memory_space<hbm>>
      %dma_start3A_267 = tpu.memref_slice %arg5[%mul3A_2] : memref<16384xi32, #tpu.memory_space<hbm>> -> memref<512xi32, #tpu.memory_space<hbm>>
      tpu.enqueue_dma source(%dma_start3A_267 : memref<512xi32, #tpu.memory_space<hbm>>) target(%arg14 : memref<512xi32, #tpu.memory_space<vmem>>) target_semaphore(%run_scoped3A : memref<!tpu.dma_semaphore, #tpu.memory_space<semaphore_mem>>)
      %dma_wait3A_268 = tpu.memref_slice %arg5[%mul3A_2] : memref<16384xi32, #tpu.memory_space<hbm>> -> memref<512xi32, #tpu.memory_space<hbm>>
      %dma_wait3A_269 = tpu.memref_slice %arg5[%mul3A_2] : memref<16384xi32, #tpu.memory_space<hbm>> -> memref<512xi32, #tpu.memory_space<hbm>>
      tpu.wait_dma2 semaphore(%run_scoped3A : memref<!tpu.dma_semaphore, #tpu.memory_space<semaphore_mem>>) src(%dma_wait3A_269 : memref<512xi32, #tpu.memory_space<hbm>>) dst(%arg14 : memref<512xi32, #tpu.memory_space<vmem>>)
      tpu.yield
    }) : () -> ()
    "tpu.region"() ({
      %run_scoped3A = tpu.sem_alloc : memref<!tpu.dma_semaphore, #tpu.memory_space<semaphore_mem>>
      %dma_start3A_266 = tpu.memref_slice %arg6[%mul3A_2] : memref<16384xi32, #tpu.memory_space<hbm>> -> memref<512xi32, #tpu.memory_space<hbm>>
      %dma_start3A_267 = tpu.memref_slice %arg6[%mul3A_2] : memref<16384xi32, #tpu.memory_space<hbm>> -> memref<512xi32, #tpu.memory_space<hbm>>
      tpu.enqueue_dma source(%dma_start3A_267 : memref<512xi32, #tpu.memory_space<hbm>>) target(%arg15 : memref<512xi32, #tpu.memory_space<vmem>>) target_semaphore(%run_scoped3A : memref<!tpu.dma_semaphore, #tpu.memory_space<semaphore_mem>>)
      %dma_wait3A_268 = tpu.memref_slice %arg6[%mul3A_2] : memref<16384xi32, #tpu.memory_space<hbm>> -> memref<512xi32, #tpu.memory_space<hbm>>
      %dma_wait3A_269 = tpu.memref_slice %arg6[%mul3A_2] : memref<16384xi32, #tpu.memory_space<hbm>> -> memref<512xi32, #tpu.memory_space<hbm>>
      tpu.wait_dma2 semaphore(%run_scoped3A : memref<!tpu.dma_semaphore, #tpu.memory_space<semaphore_mem>>) src(%dma_wait3A_269 : memref<512xi32, #tpu.memory_space<hbm>>) dst(%arg15 : memref<512xi32, #tpu.memory_space<vmem>>)
      tpu.yield
    }) : () -> ()
    "tpu.region"() ({
      %run_scoped3A = tpu.sem_alloc : memref<!tpu.dma_semaphore, #tpu.memory_space<semaphore_mem>>
      %dma_start3A_266 = tpu.memref_slice %arg7[%mul3A_2] : memref<16384xi32, #tpu.memory_space<hbm>> -> memref<512xi32, #tpu.memory_space<hbm>>
      %dma_start3A_267 = tpu.memref_slice %arg7[%mul3A_2] : memref<16384xi32, #tpu.memory_space<hbm>> -> memref<512xi32, #tpu.memory_space<hbm>>
      tpu.enqueue_dma source(%dma_start3A_267 : memref<512xi32, #tpu.memory_space<hbm>>) target(%arg16 : memref<512xi32, #tpu.memory_space<vmem>>) target_semaphore(%run_scoped3A : memref<!tpu.dma_semaphore, #tpu.memory_space<semaphore_mem>>)
      %dma_wait3A_268 = tpu.memref_slice %arg7[%mul3A_2] : memref<16384xi32, #tpu.memory_space<hbm>> -> memref<512xi32, #tpu.memory_space<hbm>>
      %dma_wait3A_269 = tpu.memref_slice %arg7[%mul3A_2] : memref<16384xi32, #tpu.memory_space<hbm>> -> memref<512xi32, #tpu.memory_space<hbm>>
      tpu.wait_dma2 semaphore(%run_scoped3A : memref<!tpu.dma_semaphore, #tpu.memory_space<semaphore_mem>>) src(%dma_wait3A_269 : memref<512xi32, #tpu.memory_space<hbm>>) dst(%arg16 : memref<512xi32, #tpu.memory_space<vmem>>)
      tpu.yield
    }) : () -> ()
    %dma_start3A = arith.constant 0 : i32
    %dma_start3A_3 = tpu.memref_slice %arg11[%dma_start3A] : memref<512xi32, #tpu.memory_space<vmem>> -> memref<128xi32, #tpu.memory_space<vmem>>
    %dma_start3A_4 = arith.constant 0 : i32
    %dma_start3A_5 = arith.constant 0 : i32
    %dma_start3A_6 = tpu.memref_slice %arg8[%dma_start3A_4, %dma_start3A_5] : memref<100000x64xf32, #tpu.memory_space<hbm>> -> memref<100000x64xf32, #tpu.memory_space<hbm>>
    tpu.enqueue_indirect_dma source(%dma_start3A_6 : memref<100000x64xf32, #tpu.memory_space<hbm>>) target(%arg17 : memref<128x64xf32, #tpu.memory_space<vmem>>) offsets(%dma_start3A_3 : memref<128xi32, #tpu.memory_space<vmem>>) semaphore(%arg24 : memref<!tpu.dma_semaphore, #tpu.memory_space<semaphore_mem>>)
    %dma_start3A_7 = arith.constant 0 : i32
    %dma_start3A_8 = tpu.memref_slice %arg12[%dma_start3A_7] : memref<512xi32, #tpu.memory_space<vmem>> -> memref<128xi32, #tpu.memory_space<vmem>>
    %dma_start3A_9 = arith.constant 0 : i32
    %dma_start3A_10 = arith.constant 0 : i32
    %dma_start3A_11 = tpu.memref_slice %arg9[%dma_start3A_9, %dma_start3A_10] : memref<100000x64xf32, #tpu.memory_space<hbm>> -> memref<100000x64xf32, #tpu.memory_space<hbm>>
    tpu.enqueue_indirect_dma source(%dma_start3A_11 : memref<100000x64xf32, #tpu.memory_space<hbm>>) target(%arg18 : memref<128x64xf32, #tpu.memory_space<vmem>>) offsets(%dma_start3A_8 : memref<128xi32, #tpu.memory_space<vmem>>) semaphore(%arg24 : memref<!tpu.dma_semaphore, #tpu.memory_space<semaphore_mem>>)
    %dma_start3A_12 = arith.constant 0 : i32
    %dma_start3A_13 = tpu.memref_slice %arg13[%dma_start3A_12] : memref<512xi32, #tpu.memory_space<vmem>> -> memref<128xi32, #tpu.memory_space<vmem>>
    %dma_start3A_14 = arith.constant 0 : i32
    %dma_start3A_15 = arith.constant 0 : i32
    %dma_start3A_16 = tpu.memref_slice %arg8[%dma_start3A_14, %dma_start3A_15] : memref<100000x64xf32, #tpu.memory_space<hbm>> -> memref<100000x64xf32, #tpu.memory_space<hbm>>
    tpu.enqueue_indirect_dma source(%dma_start3A_16 : memref<100000x64xf32, #tpu.memory_space<hbm>>) target(%arg19 : memref<128x64xf32, #tpu.memory_space<vmem>>) offsets(%dma_start3A_13 : memref<128xi32, #tpu.memory_space<vmem>>) semaphore(%arg24 : memref<!tpu.dma_semaphore, #tpu.memory_space<semaphore_mem>>)
    %dma_start3A_17 = arith.constant 0 : i32
    %dma_start3A_18 = tpu.memref_slice %arg14[%dma_start3A_17] : memref<512xi32, #tpu.memory_space<vmem>> -> memref<128xi32, #tpu.memory_space<vmem>>
    %dma_start3A_19 = arith.constant 0 : i32
    %dma_start3A_20 = arith.constant 0 : i32
    %dma_start3A_21 = tpu.memref_slice %arg8[%dma_start3A_19, %dma_start3A_20] : memref<100000x64xf32, #tpu.memory_space<hbm>> -> memref<100000x64xf32, #tpu.memory_space<hbm>>
    tpu.enqueue_indirect_dma source(%dma_start3A_21 : memref<100000x64xf32, #tpu.memory_space<hbm>>) target(%arg20 : memref<128x64xf32, #tpu.memory_space<vmem>>) offsets(%dma_start3A_18 : memref<128xi32, #tpu.memory_space<vmem>>) semaphore(%arg24 : memref<!tpu.dma_semaphore, #tpu.memory_space<semaphore_mem>>)
    %dma_start3A_22 = arith.constant 0 : i32
    %dma_start3A_23 = tpu.memref_slice %arg15[%dma_start3A_22] : memref<512xi32, #tpu.memory_space<vmem>> -> memref<128xi32, #tpu.memory_space<vmem>>
    %dma_start3A_24 = arith.constant 0 : i32
    %dma_start3A_25 = arith.constant 0 : i32
    %dma_start3A_26 = tpu.memref_slice %arg9[%dma_start3A_24, %dma_start3A_25] : memref<100000x64xf32, #tpu.memory_space<hbm>> -> memref<100000x64xf32, #tpu.memory_space<hbm>>
    tpu.enqueue_indirect_dma source(%dma_start3A_26 : memref<100000x64xf32, #tpu.memory_space<hbm>>) target(%arg21 : memref<128x64xf32, #tpu.memory_space<vmem>>) offsets(%dma_start3A_23 : memref<128xi32, #tpu.memory_space<vmem>>) semaphore(%arg24 : memref<!tpu.dma_semaphore, #tpu.memory_space<semaphore_mem>>)
    %dma_start3A_27 = arith.constant 0 : i32
    %dma_start3A_28 = tpu.memref_slice %arg16[%dma_start3A_27] : memref<512xi32, #tpu.memory_space<vmem>> -> memref<128xi32, #tpu.memory_space<vmem>>
    %dma_start3A_29 = arith.constant 0 : i32
    %dma_start3A_30 = arith.constant 0 : i32
    %dma_start3A_31 = tpu.memref_slice %arg8[%dma_start3A_29, %dma_start3A_30] : memref<100000x64xf32, #tpu.memory_space<hbm>> -> memref<100000x64xf32, #tpu.memory_space<hbm>>
    tpu.enqueue_indirect_dma source(%dma_start3A_31 : memref<100000x64xf32, #tpu.memory_space<hbm>>) target(%arg22 : memref<128x64xf32, #tpu.memory_space<vmem>>) offsets(%dma_start3A_28 : memref<128xi32, #tpu.memory_space<vmem>>) semaphore(%arg24 : memref<!tpu.dma_semaphore, #tpu.memory_space<semaphore_mem>>)
    %dma_wait3A = arith.constant 0 : i32
    %dma_wait3A_32 = tpu.memref_slice %arg11[%dma_wait3A] : memref<512xi32, #tpu.memory_space<vmem>> -> memref<128xi32, #tpu.memory_space<vmem>>
    %dma_wait3A_33 = arith.constant 0 : i32
    %dma_wait3A_34 = arith.constant 0 : i32
    %dma_wait3A_35 = tpu.memref_slice %arg8[%dma_wait3A_33, %dma_wait3A_34] : memref<100000x64xf32, #tpu.memory_space<hbm>> -> memref<100000x64xf32, #tpu.memory_space<hbm>>
    tpu.wait_indirect_dma semaphore(%arg24 : memref<!tpu.dma_semaphore, #tpu.memory_space<semaphore_mem>>) src(%dma_wait3A_35 : memref<100000x64xf32, #tpu.memory_space<hbm>>) dst(%arg17 : memref<128x64xf32, #tpu.memory_space<vmem>>)
    %dma_wait3A_36 = arith.constant 0 : i32
    %dma_wait3A_37 = tpu.memref_slice %arg12[%dma_wait3A_36] : memref<512xi32, #tpu.memory_space<vmem>> -> memref<128xi32, #tpu.memory_space<vmem>>
    %dma_wait3A_38 = arith.constant 0 : i32
    %dma_wait3A_39 = arith.constant 0 : i32
    %dma_wait3A_40 = tpu.memref_slice %arg9[%dma_wait3A_38, %dma_wait3A_39] : memref<100000x64xf32, #tpu.memory_space<hbm>> -> memref<100000x64xf32, #tpu.memory_space<hbm>>
    tpu.wait_indirect_dma semaphore(%arg24 : memref<!tpu.dma_semaphore, #tpu.memory_space<semaphore_mem>>) src(%dma_wait3A_40 : memref<100000x64xf32, #tpu.memory_space<hbm>>) dst(%arg18 : memref<128x64xf32, #tpu.memory_space<vmem>>)
    %dma_wait3A_41 = arith.constant 0 : i32
    %dma_wait3A_42 = tpu.memref_slice %arg13[%dma_wait3A_41] : memref<512xi32, #tpu.memory_space<vmem>> -> memref<128xi32, #tpu.memory_space<vmem>>
    %dma_wait3A_43 = arith.constant 0 : i32
    %dma_wait3A_44 = arith.constant 0 : i32
    %dma_wait3A_45 = tpu.memref_slice %arg8[%dma_wait3A_43, %dma_wait3A_44] : memref<100000x64xf32, #tpu.memory_space<hbm>> -> memref<100000x64xf32, #tpu.memory_space<hbm>>
    tpu.wait_indirect_dma semaphore(%arg24 : memref<!tpu.dma_semaphore, #tpu.memory_space<semaphore_mem>>) src(%dma_wait3A_45 : memref<100000x64xf32, #tpu.memory_space<hbm>>) dst(%arg19 : memref<128x64xf32, #tpu.memory_space<vmem>>)
    %dma_wait3A_46 = arith.constant 0 : i32
    %dma_wait3A_47 = tpu.memref_slice %arg14[%dma_wait3A_46] : memref<512xi32, #tpu.memory_space<vmem>> -> memref<128xi32, #tpu.memory_space<vmem>>
    %dma_wait3A_48 = arith.constant 0 : i32
    %dma_wait3A_49 = arith.constant 0 : i32
    %dma_wait3A_50 = tpu.memref_slice %arg8[%dma_wait3A_48, %dma_wait3A_49] : memref<100000x64xf32, #tpu.memory_space<hbm>> -> memref<100000x64xf32, #tpu.memory_space<hbm>>
    tpu.wait_indirect_dma semaphore(%arg24 : memref<!tpu.dma_semaphore, #tpu.memory_space<semaphore_mem>>) src(%dma_wait3A_50 : memref<100000x64xf32, #tpu.memory_space<hbm>>) dst(%arg20 : memref<128x64xf32, #tpu.memory_space<vmem>>)
    %dma_wait3A_51 = arith.constant 0 : i32
    %dma_wait3A_52 = tpu.memref_slice %arg15[%dma_wait3A_51] : memref<512xi32, #tpu.memory_space<vmem>> -> memref<128xi32, #tpu.memory_space<vmem>>
    %dma_wait3A_53 = arith.constant 0 : i32
    %dma_wait3A_54 = arith.constant 0 : i32
    %dma_wait3A_55 = tpu.memref_slice %arg9[%dma_wait3A_53, %dma_wait3A_54] : memref<100000x64xf32, #tpu.memory_space<hbm>> -> memref<100000x64xf32, #tpu.memory_space<hbm>>
    tpu.wait_indirect_dma semaphore(%arg24 : memref<!tpu.dma_semaphore, #tpu.memory_space<semaphore_mem>>) src(%dma_wait3A_55 : memref<100000x64xf32, #tpu.memory_space<hbm>>) dst(%arg21 : memref<128x64xf32, #tpu.memory_space<vmem>>)
    %dma_wait3A_56 = arith.constant 0 : i32
    %dma_wait3A_57 = tpu.memref_slice %arg16[%dma_wait3A_56] : memref<512xi32, #tpu.memory_space<vmem>> -> memref<128xi32, #tpu.memory_space<vmem>>
    %dma_wait3A_58 = arith.constant 0 : i32
    %dma_wait3A_59 = arith.constant 0 : i32
    %dma_wait3A_60 = tpu.memref_slice %arg8[%dma_wait3A_58, %dma_wait3A_59] : memref<100000x64xf32, #tpu.memory_space<hbm>> -> memref<100000x64xf32, #tpu.memory_space<hbm>>
    tpu.wait_indirect_dma semaphore(%arg24 : memref<!tpu.dma_semaphore, #tpu.memory_space<semaphore_mem>>) src(%dma_wait3A_60 : memref<100000x64xf32, #tpu.memory_space<hbm>>) dst(%arg22 : memref<128x64xf32, #tpu.memory_space<vmem>>)
    %scan3A = arith.constant 0.000000e+00 : f32
    %scan3A_61 = arith.constant 0 : i32
    %scan3A_62 = arith.constant 128 : i32
    %scan3A_63 = arith.addi %scan3A_61, %scan3A_62 : i32
    %scan3A_64 = arith.constant 1 : i32
    %scan3A_65 = scf.for %scan3A_266 = %scan3A_61 to %scan3A_63 step %scan3A_64 iter_args(%scan3A_267 = %scan3A) -> (f32)  : i32 {
      %get3A = arith.index_cast %scan3A_266 : i32 to index
      %get3A_268 = arith.constant 0 : index
      %get3A_269 = tpu.vector_load %arg17[%get3A, %get3A_268] {strides = array<i32>} : memref<128x64xf32, #tpu.memory_space<vmem>>, vector<16xf32>,
      %get3A_270 = arith.index_cast %scan3A_266 : i32 to index
      %get3A_271 = arith.constant 16 : index
      %get3A_272 = tpu.vector_load %arg17[%get3A_270, %get3A_271] {strides = array<i32>} : memref<128x64xf32, #tpu.memory_space<vmem>>, vector<16xf32>,
      %get3A_273 = arith.index_cast %scan3A_266 : i32 to index
      %get3A_274 = arith.constant 32 : index
      %get3A_275 = tpu.vector_load %arg17[%get3A_273, %get3A_274] {strides = array<i32>} : memref<128x64xf32, #tpu.memory_space<vmem>>, vector<16xf32>,
      %get3A_276 = arith.index_cast %scan3A_266 : i32 to index
      %get3A_277 = arith.constant 48 : index
      %get3A_278 = tpu.vector_load %arg17[%get3A_276, %get3A_277] {strides = array<i32>} : memref<128x64xf32, #tpu.memory_space<vmem>>, vector<16xf32>,
      %get3A_279 = arith.index_cast %scan3A_266 : i32 to index
      %get3A_280 = arith.constant 0 : index
      %get3A_281 = tpu.vector_load %arg18[%get3A_279, %get3A_280] {strides = array<i32>} : memref<128x64xf32, #tpu.memory_space<vmem>>, vector<16xf32>,
      %get3A_282 = arith.index_cast %scan3A_266 : i32 to index
      %get3A_283 = arith.constant 16 : index
      %get3A_284 = tpu.vector_load %arg18[%get3A_282, %get3A_283] {strides = array<i32>} : memref<128x64xf32, #tpu.memory_space<vmem>>, vector<16xf32>,
      %get3A_285 = arith.index_cast %scan3A_266 : i32 to index
      %get3A_286 = arith.constant 32 : index
      %get3A_287 = tpu.vector_load %arg18[%get3A_285, %get3A_286] {strides = array<i32>} : memref<128x64xf32, #tpu.memory_space<vmem>>, vector<16xf32>,
      %get3A_288 = arith.index_cast %scan3A_266 : i32 to index
      %get3A_289 = arith.constant 48 : index
      %get3A_290 = tpu.vector_load %arg18[%get3A_288, %get3A_289] {strides = array<i32>} : memref<128x64xf32, #tpu.memory_space<vmem>>, vector<16xf32>,
      %get3A_291 = arith.index_cast %scan3A_266 : i32 to index
      %get3A_292 = arith.constant 0 : index
      %get3A_293 = tpu.vector_load %arg19[%get3A_291, %get3A_292] {strides = array<i32>} : memref<128x64xf32, #tpu.memory_space<vmem>>, vector<16xf32>,
      %get3A_294 = arith.index_cast %scan3A_266 : i32 to index
      %get3A_295 = arith.constant 16 : index
      %get3A_296 = tpu.vector_load %arg19[%get3A_294, %get3A_295] {strides = array<i32>} : memref<128x64xf32, #tpu.memory_space<vmem>>, vector<16xf32>,
      %get3A_297 = arith.index_cast %scan3A_266 : i32 to index
      %get3A_298 = arith.constant 32 : index
      %get3A_299 = tpu.vector_load %arg19[%get3A_297, %get3A_298] {strides = array<i32>} : memref<128x64xf32, #tpu.memory_space<vmem>>, vector<16xf32>,
      %get3A_300 = arith.index_cast %scan3A_266 : i32 to index
      %get3A_301 = arith.constant 48 : index
      %get3A_302 = tpu.vector_load %arg19[%get3A_300, %get3A_301] {strides = array<i32>} : memref<128x64xf32, #tpu.memory_space<vmem>>, vector<16xf32>,
      %get3A_303 = arith.index_cast %scan3A_266 : i32 to index
      %get3A_304 = arith.constant 0 : index
      %get3A_305 = tpu.vector_load %arg20[%get3A_303, %get3A_304] {strides = array<i32>} : memref<128x64xf32, #tpu.memory_space<vmem>>, vector<16xf32>,
      %get3A_306 = arith.index_cast %scan3A_266 : i32 to index
      %get3A_307 = arith.constant 16 : index
      %get3A_308 = tpu.vector_load %arg20[%get3A_306, %get3A_307] {strides = array<i32>} : memref<128x64xf32, #tpu.memory_space<vmem>>, vector<16xf32>,
      %get3A_309 = arith.index_cast %scan3A_266 : i32 to index
      %get3A_310 = arith.constant 32 : index
      %get3A_311 = tpu.vector_load %arg20[%get3A_309, %get3A_310] {strides = array<i32>} : memref<128x64xf32, #tpu.memory_space<vmem>>, vector<16xf32>,
      %get3A_312 = arith.index_cast %scan3A_266 : i32 to index
      %get3A_313 = arith.constant 48 : index
      %get3A_314 = tpu.vector_load %arg20[%get3A_312, %get3A_313] {strides = array<i32>} : memref<128x64xf32, #tpu.memory_space<vmem>>, vector<16xf32>,
      %get3A_315 = arith.index_cast %scan3A_266 : i32 to index
      %get3A_316 = arith.constant 0 : index
      %get3A_317 = tpu.vector_load %arg21[%get3A_315, %get3A_316] {strides = array<i32>} : memref<128x64xf32, #tpu.memory_space<vmem>>, vector<16xf32>,
      %get3A_318 = arith.index_cast %scan3A_266 : i32 to index
      %get3A_319 = arith.constant 16 : index
      %get3A_320 = tpu.vector_load %arg21[%get3A_318, %get3A_319] {strides = array<i32>} : memref<128x64xf32, #tpu.memory_space<vmem>>, vector<16xf32>,
      %get3A_321 = arith.index_cast %scan3A_266 : i32 to index
      %get3A_322 = arith.constant 32 : index
      %get3A_323 = tpu.vector_load %arg21[%get3A_321, %get3A_322] {strides = array<i32>} : memref<128x64xf32, #tpu.memory_space<vmem>>, vector<16xf32>,
      %get3A_324 = arith.index_cast %scan3A_266 : i32 to index
      %get3A_325 = arith.constant 48 : index
      %get3A_326 = tpu.vector_load %arg21[%get3A_324, %get3A_325] {strides = array<i32>} : memref<128x64xf32, #tpu.memory_space<vmem>>, vector<16xf32>,
      %get3A_327 = arith.index_cast %scan3A_266 : i32 to index
      %get3A_328 = arith.constant 0 : index
      %get3A_329 = tpu.vector_load %arg22[%get3A_327, %get3A_328] {strides = array<i32>} : memref<128x64xf32, #tpu.memory_space<vmem>>, vector<16xf32>,
      %get3A_330 = arith.index_cast %scan3A_266 : i32 to index
      %get3A_331 = arith.constant 16 : index
      %get3A_332 = tpu.vector_load %arg22[%get3A_330, %get3A_331] {strides = array<i32>} : memref<128x64xf32, #tpu.memory_space<vmem>>, vector<16xf32>,
      %get3A_333 = arith.index_cast %scan3A_266 : i32 to index
      %get3A_334 = arith.constant 32 : index
      %get3A_335 = tpu.vector_load %arg22[%get3A_333, %get3A_334] {strides = array<i32>} : memref<128x64xf32, #tpu.memory_space<vmem>>, vector<16xf32>,
      %get3A_336 = arith.index_cast %scan3A_266 : i32 to index
      %get3A_337 = arith.constant 48 : index
      %get3A_338 = tpu.vector_load %arg22[%get3A_336, %get3A_337] {strides = array<i32>} : memref<128x64xf32, #tpu.memory_space<vmem>>, vector<16xf32>,
      %mul3A_339 = arith.mulf %get3A_269, %get3A_269 : vector<16xf32>
      %mul3A_340 = arith.mulf %get3A_272, %get3A_272 : vector<16xf32>
      %add3A_341 = arith.addf %mul3A_339, %mul3A_340 : vector<16xf32>
      %mul3A_342 = arith.mulf %get3A_275, %get3A_275 : vector<16xf32>
      %add3A_343 = arith.addf %add3A_341, %mul3A_342 : vector<16xf32>
      %mul3A_344 = arith.mulf %get3A_278, %get3A_278 : vector<16xf32>
      %add3A_345 = arith.addf %add3A_343, %mul3A_344 : vector<16xf32>
      %reduce_sum3A = arith.constant true
      %reduce_sum3A_346 = vector.broadcast %reduce_sum3A : i1 to vector<16xi1>
      %reduce_sum3A_347 = tpu.scan <sum>, %add3A_345 masked %reduce_sum3A_346 : vector<16xf32>, vector<16xi1> -> vector<16xf32>
      %reduce_sum3A_348 = vector.extract %reduce_sum3A_347[15] : f32 from vector<16xf32>
      %bitcast_convert_type3A = arith.bitcast %reduce_sum3A_348 : f32 to i32
      %shift_right_arithmetic3A = arith.constant 1 : i32
      %shift_right_arithmetic3A_349 = arith.shrsi %bitcast_convert_type3A, %shift_right_arithmetic3A : i32
      %sub3A = arith.constant 1597463007 : i32
      %sub3A_350 = arith.subi %sub3A, %shift_right_arithmetic3A_349 : i32
      %bitcast_convert_type3A_351 = arith.bitcast %sub3A_350 : i32 to f32
      %mul3A_352 = arith.constant 5.000000e-01 : f32
      %mul3A_353 = arith.mulf %mul3A_352, %reduce_sum3A_348 : f32
      %mul3A_354 = arith.mulf %mul3A_353, %bitcast_convert_type3A_351 : f32
      %mul3A_355 = arith.mulf %mul3A_354, %bitcast_convert_type3A_351 : f32
      %sub3A_356 = arith.constant 1.500000e+00 : f32
      %sub3A_357 = arith.subf %sub3A_356, %mul3A_355 : f32
      %mul3A_358 = arith.mulf %bitcast_convert_type3A_351, %sub3A_357 : f32
      %mul3A_359 = arith.constant 5.000000e-01 : f32
      %mul3A_360 = arith.mulf %mul3A_359, %reduce_sum3A_348 : f32
      %mul3A_361 = arith.mulf %mul3A_360, %mul3A_358 : f32
      %mul3A_362 = arith.mulf %mul3A_361, %mul3A_358 : f32
      %sub3A_363 = arith.constant 1.500000e+00 : f32
      %sub3A_364 = arith.subf %sub3A_363, %mul3A_362 : f32
      %mul3A_365 = arith.mulf %mul3A_358, %sub3A_364 : f32
      %mul3A_366 = arith.mulf %get3A_293, %get3A_293 : vector<16xf32>
      %mul3A_367 = arith.mulf %get3A_296, %get3A_296 : vector<16xf32>
      %add3A_368 = arith.addf %mul3A_366, %mul3A_367 : vector<16xf32>
      %mul3A_369 = arith.mulf %get3A_299, %get3A_299 : vector<16xf32>
      %add3A_370 = arith.addf %add3A_368, %mul3A_369 : vector<16xf32>
      %mul3A_371 = arith.mulf %get3A_302, %get3A_302 : vector<16xf32>
      %add3A_372 = arith.addf %add3A_370, %mul3A_371 : vector<16xf32>
      %reduce_sum3A_373 = arith.constant true
      %reduce_sum3A_374 = vector.broadcast %reduce_sum3A_373 : i1 to vector<16xi1>
      %reduce_sum3A_375 = tpu.scan <sum>, %add3A_372 masked %reduce_sum3A_374 : vector<16xf32>, vector<16xi1> -> vector<16xf32>
      %reduce_sum3A_376 = vector.extract %reduce_sum3A_375[15] : f32 from vector<16xf32>
      %bitcast_convert_type3A_377 = arith.bitcast %reduce_sum3A_376 : f32 to i32
      %shift_right_arithmetic3A_378 = arith.constant 1 : i32
      %shift_right_arithmetic3A_379 = arith.shrsi %bitcast_convert_type3A_377, %shift_right_arithmetic3A_378 : i32
      %sub3A_380 = arith.constant 1597463007 : i32
      %sub3A_381 = arith.subi %sub3A_380, %shift_right_arithmetic3A_379 : i32
      %bitcast_convert_type3A_382 = arith.bitcast %sub3A_381 : i32 to f32
      %mul3A_383 = arith.constant 5.000000e-01 : f32
      %mul3A_384 = arith.mulf %mul3A_383, %reduce_sum3A_376 : f32
      %mul3A_385 = arith.mulf %mul3A_384, %bitcast_convert_type3A_382 : f32
      %mul3A_386 = arith.mulf %mul3A_385, %bitcast_convert_type3A_382 : f32
      %sub3A_387 = arith.constant 1.500000e+00 : f32
      %sub3A_388 = arith.subf %sub3A_387, %mul3A_386 : f32
      %mul3A_389 = arith.mulf %bitcast_convert_type3A_382, %sub3A_388 : f32
      %mul3A_390 = arith.constant 5.000000e-01 : f32
      %mul3A_391 = arith.mulf %mul3A_390, %reduce_sum3A_376 : f32
      %mul3A_392 = arith.mulf %mul3A_391, %mul3A_389 : f32
      %mul3A_393 = arith.mulf %mul3A_392, %mul3A_389 : f32
      %sub3A_394 = arith.constant 1.500000e+00 : f32
      %sub3A_395 = arith.subf %sub3A_394, %mul3A_393 : f32
      %mul3A_396 = arith.mulf %mul3A_389, %sub3A_395 : f32
      %mul3A_397 = arith.mulf %get3A_305, %get3A_305 : vector<16xf32>
      %mul3A_398 = arith.mulf %get3A_308, %get3A_308 : vector<16xf32>
      %add3A_399 = arith.addf %mul3A_397, %mul3A_398 : vector<16xf32>
      %mul3A_400 = arith.mulf %get3A_311, %get3A_311 : vector<16xf32>
      %add3A_401 = arith.addf %add3A_399, %mul3A_400 : vector<16xf32>
      %mul3A_402 = arith.mulf %get3A_314, %get3A_314 : vector<16xf32>
      %add3A_403 = arith.addf %add3A_401, %mul3A_402 : vector<16xf32>
      %reduce_sum3A_404 = arith.constant true
      %reduce_sum3A_405 = vector.broadcast %reduce_sum3A_404 : i1 to vector<16xi1>
      %reduce_sum3A_406 = tpu.scan <sum>, %add3A_403 masked %reduce_sum3A_405 : vector<16xf32>, vector<16xi1> -> vector<16xf32>
      %reduce_sum3A_407 = vector.extract %reduce_sum3A_406[15] : f32 from vector<16xf32>
      %bitcast_convert_type3A_408 = arith.bitcast %reduce_sum3A_407 : f32 to i32
      %shift_right_arithmetic3A_409 = arith.constant 1 : i32
      %shift_right_arithmetic3A_410 = arith.shrsi %bitcast_convert_type3A_408, %shift_right_arithmetic3A_409 : i32
      %sub3A_411 = arith.constant 1597463007 : i32
      %sub3A_412 = arith.subi %sub3A_411, %shift_right_arithmetic3A_410 : i32
      %bitcast_convert_type3A_413 = arith.bitcast %sub3A_412 : i32 to f32
      %mul3A_414 = arith.constant 5.000000e-01 : f32
      %mul3A_415 = arith.mulf %mul3A_414, %reduce_sum3A_407 : f32
      %mul3A_416 = arith.mulf %mul3A_415, %bitcast_convert_type3A_413 : f32
      %mul3A_417 = arith.mulf %mul3A_416, %bitcast_convert_type3A_413 : f32
      %sub3A_418 = arith.constant 1.500000e+00 : f32
      %sub3A_419 = arith.subf %sub3A_418, %mul3A_417 : f32
      %mul3A_420 = arith.mulf %bitcast_convert_type3A_413, %sub3A_419 : f32
      %mul3A_421 = arith.constant 5.000000e-01 : f32
      %mul3A_422 = arith.mulf %mul3A_421, %reduce_sum3A_407 : f32
      %mul3A_423 = arith.mulf %mul3A_422, %mul3A_420 : f32
      %mul3A_424 = arith.mulf %mul3A_423, %mul3A_420 : f32
      %sub3A_425 = arith.constant 1.500000e+00 : f32
      %sub3A_426 = arith.subf %sub3A_425, %mul3A_424 : f32
      %mul3A_427 = arith.mulf %mul3A_420, %sub3A_426 : f32
      %mul3A_428 = arith.mulf %get3A_329, %get3A_329 : vector<16xf32>
      %mul3A_429 = arith.mulf %get3A_332, %get3A_332 : vector<16xf32>
      %add3A_430 = arith.addf %mul3A_428, %mul3A_429 : vector<16xf32>
      %mul3A_431 = arith.mulf %get3A_335, %get3A_335 : vector<16xf32>
      %add3A_432 = arith.addf %add3A_430, %mul3A_431 : vector<16xf32>
      %mul3A_433 = arith.mulf %get3A_338, %get3A_338 : vector<16xf32>
      %add3A_434 = arith.addf %add3A_432, %mul3A_433 : vector<16xf32>
      %reduce_sum3A_435 = arith.constant true
      %reduce_sum3A_436 = vector.broadcast %reduce_sum3A_435 : i1 to vector<16xi1>
      %reduce_sum3A_437 = tpu.scan <sum>, %add3A_434 masked %reduce_sum3A_436 : vector<16xf32>, vector<16xi1> -> vector<16xf32>
      %reduce_sum3A_438 = vector.extract %reduce_sum3A_437[15] : f32 from vector<16xf32>
      %bitcast_convert_type3A_439 = arith.bitcast %reduce_sum3A_438 : f32 to i32
      %shift_right_arithmetic3A_440 = arith.constant 1 : i32
      %shift_right_arithmetic3A_441 = arith.shrsi %bitcast_convert_type3A_439, %shift_right_arithmetic3A_440 : i32
      %sub3A_442 = arith.constant 1597463007 : i32
      %sub3A_443 = arith.subi %sub3A_442, %shift_right_arithmetic3A_441 : i32
      %bitcast_convert_type3A_444 = arith.bitcast %sub3A_443 : i32 to f32
      %mul3A_445 = arith.constant 5.000000e-01 : f32
      %mul3A_446 = arith.mulf %mul3A_445, %reduce_sum3A_438 : f32
      %mul3A_447 = arith.mulf %mul3A_446, %bitcast_convert_type3A_444 : f32
      %mul3A_448 = arith.mulf %mul3A_447, %bitcast_convert_type3A_444 : f32
      %sub3A_449 = arith.constant 1.500000e+00 : f32
      %sub3A_450 = arith.subf %sub3A_449, %mul3A_448 : f32
      %mul3A_451 = arith.mulf %bitcast_convert_type3A_444, %sub3A_450 : f32
      %mul3A_452 = arith.constant 5.000000e-01 : f32
      %mul3A_453 = arith.mulf %mul3A_452, %reduce_sum3A_438 : f32
      %mul3A_454 = arith.mulf %mul3A_453, %mul3A_451 : f32
      %mul3A_455 = arith.mulf %mul3A_454, %mul3A_451 : f32
      %sub3A_456 = arith.constant 1.500000e+00 : f32
      %sub3A_457 = arith.subf %sub3A_456, %mul3A_455 : f32
      %mul3A_458 = arith.mulf %mul3A_451, %sub3A_457 : f32
      %mul3A_459 = vector.broadcast %mul3A_365 : f32 to vector<16xf32>
      %mul3A_460 = arith.mulf %get3A_269, %mul3A_459 : vector<16xf32>
      %add3A_461 = arith.addf %mul3A_460, %get3A_281 : vector<16xf32>
      %mul3A_462 = vector.broadcast %mul3A_396 : f32 to vector<16xf32>
      %mul3A_463 = arith.mulf %get3A_293, %mul3A_462 : vector<16xf32>
      %sub3A_464 = arith.subf %add3A_461, %mul3A_463 : vector<16xf32>
      %abs3A = math.absf %sub3A_464 : vector<16xf32>
      %mul3A_465 = vector.broadcast %mul3A_427 : f32 to vector<16xf32>
      %mul3A_466 = arith.mulf %get3A_305, %mul3A_465 : vector<16xf32>
      %add3A_467 = arith.addf %mul3A_466, %get3A_317 : vector<16xf32>
      %mul3A_468 = vector.broadcast %mul3A_458 : f32 to vector<16xf32>
      %mul3A_469 = arith.mulf %get3A_329, %mul3A_468 : vector<16xf32>
      %sub3A_470 = arith.subf %add3A_467, %mul3A_469 : vector<16xf32>
      %abs3A_471 = math.absf %sub3A_470 : vector<16xf32>
      %sub3A_472 = arith.subf %abs3A, %abs3A_471 : vector<16xf32>
      %mul3A_473 = vector.broadcast %mul3A_365 : f32 to vector<16xf32>
      %mul3A_474 = arith.mulf %get3A_272, %mul3A_473 : vector<16xf32>
      %add3A_475 = arith.addf %mul3A_474, %get3A_284 : vector<16xf32>
      %mul3A_476 = vector.broadcast %mul3A_396 : f32 to vector<16xf32>
      %mul3A_477 = arith.mulf %get3A_296, %mul3A_476 : vector<16xf32>
      %sub3A_478 = arith.subf %add3A_475, %mul3A_477 : vector<16xf32>
      %abs3A_479 = math.absf %sub3A_478 : vector<16xf32>
      %mul3A_480 = vector.broadcast %mul3A_427 : f32 to vector<16xf32>
      %mul3A_481 = arith.mulf %get3A_308, %mul3A_480 : vector<16xf32>
      %add3A_482 = arith.addf %mul3A_481, %get3A_320 : vector<16xf32>
      %mul3A_483 = vector.broadcast %mul3A_458 : f32 to vector<16xf32>
      %mul3A_484 = arith.mulf %get3A_332, %mul3A_483 : vector<16xf32>
      %sub3A_485 = arith.subf %add3A_482, %mul3A_484 : vector<16xf32>
      %abs3A_486 = math.absf %sub3A_485 : vector<16xf32>
      %sub3A_487 = arith.subf %abs3A_479, %abs3A_486 : vector<16xf32>
      %add3A_488 = arith.addf %sub3A_472, %sub3A_487 : vector<16xf32>
      %mul3A_489 = vector.broadcast %mul3A_365 : f32 to vector<16xf32>
      %mul3A_490 = arith.mulf %get3A_275, %mul3A_489 : vector<16xf32>
      %add3A_491 = arith.addf %mul3A_490, %get3A_287 : vector<16xf32>
      %mul3A_492 = vector.broadcast %mul3A_396 : f32 to vector<16xf32>
      %mul3A_493 = arith.mulf %get3A_299, %mul3A_492 : vector<16xf32>
      %sub3A_494 = arith.subf %add3A_491, %mul3A_493 : vector<16xf32>
      %abs3A_495 = math.absf %sub3A_494 : vector<16xf32>
      %mul3A_496 = vector.broadcast %mul3A_427 : f32 to vector<16xf32>
      %mul3A_497 = arith.mulf %get3A_311, %mul3A_496 : vector<16xf32>
      %add3A_498 = arith.addf %mul3A_497, %get3A_323 : vector<16xf32>
      %mul3A_499 = vector.broadcast %mul3A_458 : f32 to vector<16xf32>
      %mul3A_500 = arith.mulf %get3A_335, %mul3A_499 : vector<16xf32>
      %sub3A_501 = arith.subf %add3A_498, %mul3A_500 : vector<16xf32>
      %abs3A_502 = math.absf %sub3A_501 : vector<16xf32>
      %sub3A_503 = arith.subf %abs3A_495, %abs3A_502 : vector<16xf32>
      %add3A_504 = arith.addf %add3A_488, %sub3A_503 : vector<16xf32>
      %mul3A_505 = vector.broadcast %mul3A_365 : f32 to vector<16xf32>
      %mul3A_506 = arith.mulf %get3A_278, %mul3A_505 : vector<16xf32>
      %add3A_507 = arith.addf %mul3A_506, %get3A_290 : vector<16xf32>
      %mul3A_508 = vector.broadcast %mul3A_396 : f32 to vector<16xf32>
      %mul3A_509 = arith.mulf %get3A_302, %mul3A_508 : vector<16xf32>
      %sub3A_510 = arith.subf %add3A_507, %mul3A_509 : vector<16xf32>
      %abs3A_511 = math.absf %sub3A_510 : vector<16xf32>
      %mul3A_512 = vector.broadcast %mul3A_427 : f32 to vector<16xf32>
      %mul3A_513 = arith.mulf %get3A_314, %mul3A_512 : vector<16xf32>
      %add3A_514 = arith.addf %mul3A_513, %get3A_326 : vector<16xf32>
      %mul3A_515 = vector.broadcast %mul3A_458 : f32 to vector<16xf32>
      %mul3A_516 = arith.mulf %get3A_338, %mul3A_515 : vector<16xf32>
      %sub3A_517 = arith.subf %add3A_514, %mul3A_516 : vector<16xf32>
      %abs3A_518 = math.absf %sub3A_517 : vector<16xf32>
      %sub3A_519 = arith.subf %abs3A_511, %abs3A_518 : vector<16xf32>
      %add3A_520 = arith.addf %add3A_504, %sub3A_519 : vector<16xf32>
      %reduce_sum3A_521 = arith.constant true
      %reduce_sum3A_522 = vector.broadcast %reduce_sum3A_521 : i1 to vector<16xi1>
      %reduce_sum3A_523 = tpu.scan <sum>, %add3A_520 masked %reduce_sum3A_522 : vector<16xf32>, vector<16xi1> -> vector<16xf32>
      %reduce_sum3A_524 = vector.extract %reduce_sum3A_523[15] : f32 from vector<16xf32>
      %add3A_525 = arith.constant 1.000000e+00 : f32
      %add3A_526 = arith.addf %reduce_sum3A_524, %add3A_525 : f32
      %max3A = arith.constant 0.000000e+00 : f32
      %max3A_527 = arith.maximumf %add3A_526, %max3A : f32
      %add3A_528 = arith.addf %scan3A_267, %max3A_527 : f32
      scf.yield %add3A_528 : f32
    }
    %scan3A_66 = arith.constant 128 : i32
    %dma_start3A_67 = arith.constant 128 : i32
    %dma_start3A_68 = tpu.memref_slice %arg11[%dma_start3A_67] : memref<512xi32, #tpu.memory_space<vmem>> -> memref<128xi32, #tpu.memory_space<vmem>>
    %dma_start3A_69 = arith.constant 0 : i32
    %dma_start3A_70 = arith.constant 0 : i32
    %dma_start3A_71 = tpu.memref_slice %arg8[%dma_start3A_69, %dma_start3A_70] : memref<100000x64xf32, #tpu.memory_space<hbm>> -> memref<100000x64xf32, #tpu.memory_space<hbm>>
    tpu.enqueue_indirect_dma source(%dma_start3A_71 : memref<100000x64xf32, #tpu.memory_space<hbm>>) target(%arg17 : memref<128x64xf32, #tpu.memory_space<vmem>>) offsets(%dma_start3A_68 : memref<128xi32, #tpu.memory_space<vmem>>) semaphore(%arg24 : memref<!tpu.dma_semaphore, #tpu.memory_space<semaphore_mem>>)
    %dma_start3A_72 = arith.constant 128 : i32
    %dma_start3A_73 = tpu.memref_slice %arg12[%dma_start3A_72] : memref<512xi32, #tpu.memory_space<vmem>> -> memref<128xi32, #tpu.memory_space<vmem>>
    %dma_start3A_74 = arith.constant 0 : i32
    %dma_start3A_75 = arith.constant 0 : i32
    %dma_start3A_76 = tpu.memref_slice %arg9[%dma_start3A_74, %dma_start3A_75] : memref<100000x64xf32, #tpu.memory_space<hbm>> -> memref<100000x64xf32, #tpu.memory_space<hbm>>
    tpu.enqueue_indirect_dma source(%dma_start3A_76 : memref<100000x64xf32, #tpu.memory_space<hbm>>) target(%arg18 : memref<128x64xf32, #tpu.memory_space<vmem>>) offsets(%dma_start3A_73 : memref<128xi32, #tpu.memory_space<vmem>>) semaphore(%arg24 : memref<!tpu.dma_semaphore, #tpu.memory_space<semaphore_mem>>)
    %dma_start3A_77 = arith.constant 128 : i32
    %dma_start3A_78 = tpu.memref_slice %arg13[%dma_start3A_77] : memref<512xi32, #tpu.memory_space<vmem>> -> memref<128xi32, #tpu.memory_space<vmem>>
    %dma_start3A_79 = arith.constant 0 : i32
    %dma_start3A_80 = arith.constant 0 : i32
    %dma_start3A_81 = tpu.memref_slice %arg8[%dma_start3A_79, %dma_start3A_80] : memref<100000x64xf32, #tpu.memory_space<hbm>> -> memref<100000x64xf32, #tpu.memory_space<hbm>>
    tpu.enqueue_indirect_dma source(%dma_start3A_81 : memref<100000x64xf32, #tpu.memory_space<hbm>>) target(%arg19 : memref<128x64xf32, #tpu.memory_space<vmem>>) offsets(%dma_start3A_78 : memref<128xi32, #tpu.memory_space<vmem>>) semaphore(%arg24 : memref<!tpu.dma_semaphore, #tpu.memory_space<semaphore_mem>>)
    %dma_start3A_82 = arith.constant 128 : i32
    %dma_start3A_83 = tpu.memref_slice %arg14[%dma_start3A_82] : memref<512xi32, #tpu.memory_space<vmem>> -> memref<128xi32, #tpu.memory_space<vmem>>
    %dma_start3A_84 = arith.constant 0 : i32
    %dma_start3A_85 = arith.constant 0 : i32
    %dma_start3A_86 = tpu.memref_slice %arg8[%dma_start3A_84, %dma_start3A_85] : memref<100000x64xf32, #tpu.memory_space<hbm>> -> memref<100000x64xf32, #tpu.memory_space<hbm>>
    tpu.enqueue_indirect_dma source(%dma_start3A_86 : memref<100000x64xf32, #tpu.memory_space<hbm>>) target(%arg20 : memref<128x64xf32, #tpu.memory_space<vmem>>) offsets(%dma_start3A_83 : memref<128xi32, #tpu.memory_space<vmem>>) semaphore(%arg24 : memref<!tpu.dma_semaphore, #tpu.memory_space<semaphore_mem>>)
    %dma_start3A_87 = arith.constant 128 : i32
    %dma_start3A_88 = tpu.memref_slice %arg15[%dma_start3A_87] : memref<512xi32, #tpu.memory_space<vmem>> -> memref<128xi32, #tpu.memory_space<vmem>>
    %dma_start3A_89 = arith.constant 0 : i32
    %dma_start3A_90 = arith.constant 0 : i32
    %dma_start3A_91 = tpu.memref_slice %arg9[%dma_start3A_89, %dma_start3A_90] : memref<100000x64xf32, #tpu.memory_space<hbm>> -> memref<100000x64xf32, #tpu.memory_space<hbm>>
    tpu.enqueue_indirect_dma source(%dma_start3A_91 : memref<100000x64xf32, #tpu.memory_space<hbm>>) target(%arg21 : memref<128x64xf32, #tpu.memory_space<vmem>>) offsets(%dma_start3A_88 : memref<128xi32, #tpu.memory_space<vmem>>) semaphore(%arg24 : memref<!tpu.dma_semaphore, #tpu.memory_space<semaphore_mem>>)
    %dma_start3A_92 = arith.constant 128 : i32
    %dma_start3A_93 = tpu.memref_slice %arg16[%dma_start3A_92] : memref<512xi32, #tpu.memory_space<vmem>> -> memref<128xi32, #tpu.memory_space<vmem>>
    %dma_start3A_94 = arith.constant 0 : i32
    %dma_start3A_95 = arith.constant 0 : i32
    %dma_start3A_96 = tpu.memref_slice %arg8[%dma_start3A_94, %dma_start3A_95] : memref<100000x64xf32, #tpu.memory_space<hbm>> -> memref<100000x64xf32, #tpu.memory_space<hbm>>
    tpu.enqueue_indirect_dma source(%dma_start3A_96 : memref<100000x64xf32, #tpu.memory_space<hbm>>) target(%arg22 : memref<128x64xf32, #tpu.memory_space<vmem>>) offsets(%dma_start3A_93 : memref<128xi32, #tpu.memory_space<vmem>>) semaphore(%arg24 : memref<!tpu.dma_semaphore, #tpu.memory_space<semaphore_mem>>)
    %dma_wait3A_97 = arith.constant 128 : i32
    %dma_wait3A_98 = tpu.memref_slice %arg11[%dma_wait3A_97] : memref<512xi32, #tpu.memory_space<vmem>> -> memref<128xi32, #tpu.memory_space<vmem>>
    %dma_wait3A_99 = arith.constant 0 : i32
    %dma_wait3A_100 = arith.constant 0 : i32
    %dma_wait3A_101 = tpu.memref_slice %arg8[%dma_wait3A_99, %dma_wait3A_100] : memref<100000x64xf32, #tpu.memory_space<hbm>> -> memref<100000x64xf32, #tpu.memory_space<hbm>>
    tpu.wait_indirect_dma semaphore(%arg24 : memref<!tpu.dma_semaphore, #tpu.memory_space<semaphore_mem>>) src(%dma_wait3A_101 : memref<100000x64xf32, #tpu.memory_space<hbm>>) dst(%arg17 : memref<128x64xf32, #tpu.memory_space<vmem>>)
    %dma_wait3A_102 = arith.constant 128 : i32
    %dma_wait3A_103 = tpu.memref_slice %arg12[%dma_wait3A_102] : memref<512xi32, #tpu.memory_space<vmem>> -> memref<128xi32, #tpu.memory_space<vmem>>
    %dma_wait3A_104 = arith.constant 0 : i32
    %dma_wait3A_105 = arith.constant 0 : i32
    %dma_wait3A_106 = tpu.memref_slice %arg9[%dma_wait3A_104, %dma_wait3A_105] : memref<100000x64xf32, #tpu.memory_space<hbm>> -> memref<100000x64xf32, #tpu.memory_space<hbm>>
    tpu.wait_indirect_dma semaphore(%arg24 : memref<!tpu.dma_semaphore, #tpu.memory_space<semaphore_mem>>) src(%dma_wait3A_106 : memref<100000x64xf32, #tpu.memory_space<hbm>>) dst(%arg18 : memref<128x64xf32, #tpu.memory_space<vmem>>)
    %dma_wait3A_107 = arith.constant 128 : i32
    %dma_wait3A_108 = tpu.memref_slice %arg13[%dma_wait3A_107] : memref<512xi32, #tpu.memory_space<vmem>> -> memref<128xi32, #tpu.memory_space<vmem>>
    %dma_wait3A_109 = arith.constant 0 : i32
    %dma_wait3A_110 = arith.constant 0 : i32
    %dma_wait3A_111 = tpu.memref_slice %arg8[%dma_wait3A_109, %dma_wait3A_110] : memref<100000x64xf32, #tpu.memory_space<hbm>> -> memref<100000x64xf32, #tpu.memory_space<hbm>>
    tpu.wait_indirect_dma semaphore(%arg24 : memref<!tpu.dma_semaphore, #tpu.memory_space<semaphore_mem>>) src(%dma_wait3A_111 : memref<100000x64xf32, #tpu.memory_space<hbm>>) dst(%arg19 : memref<128x64xf32, #tpu.memory_space<vmem>>)
    %dma_wait3A_112 = arith.constant 128 : i32
    %dma_wait3A_113 = tpu.memref_slice %arg14[%dma_wait3A_112] : memref<512xi32, #tpu.memory_space<vmem>> -> memref<128xi32, #tpu.memory_space<vmem>>
    %dma_wait3A_114 = arith.constant 0 : i32
    %dma_wait3A_115 = arith.constant 0 : i32
    %dma_wait3A_116 = tpu.memref_slice %arg8[%dma_wait3A_114, %dma_wait3A_115] : memref<100000x64xf32, #tpu.memory_space<hbm>> -> memref<100000x64xf32, #tpu.memory_space<hbm>>
    tpu.wait_indirect_dma semaphore(%arg24 : memref<!tpu.dma_semaphore, #tpu.memory_space<semaphore_mem>>) src(%dma_wait3A_116 : memref<100000x64xf32, #tpu.memory_space<hbm>>) dst(%arg20 : memref<128x64xf32, #tpu.memory_space<vmem>>)
    %dma_wait3A_117 = arith.constant 128 : i32
    %dma_wait3A_118 = tpu.memref_slice %arg15[%dma_wait3A_117] : memref<512xi32, #tpu.memory_space<vmem>> -> memref<128xi32, #tpu.memory_space<vmem>>
    %dma_wait3A_119 = arith.constant 0 : i32
    %dma_wait3A_120 = arith.constant 0 : i32
    %dma_wait3A_121 = tpu.memref_slice %arg9[%dma_wait3A_119, %dma_wait3A_120] : memref<100000x64xf32, #tpu.memory_space<hbm>> -> memref<100000x64xf32, #tpu.memory_space<hbm>>
    tpu.wait_indirect_dma semaphore(%arg24 : memref<!tpu.dma_semaphore, #tpu.memory_space<semaphore_mem>>) src(%dma_wait3A_121 : memref<100000x64xf32, #tpu.memory_space<hbm>>) dst(%arg21 : memref<128x64xf32, #tpu.memory_space<vmem>>)
    %dma_wait3A_122 = arith.constant 128 : i32
    %dma_wait3A_123 = tpu.memref_slice %arg16[%dma_wait3A_122] : memref<512xi32, #tpu.memory_space<vmem>> -> memref<128xi32, #tpu.memory_space<vmem>>
    %dma_wait3A_124 = arith.constant 0 : i32
    %dma_wait3A_125 = arith.constant 0 : i32
    %dma_wait3A_126 = tpu.memref_slice %arg8[%dma_wait3A_124, %dma_wait3A_125] : memref<100000x64xf32, #tpu.memory_space<hbm>> -> memref<100000x64xf32, #tpu.memory_space<hbm>>
    tpu.wait_indirect_dma semaphore(%arg24 : memref<!tpu.dma_semaphore, #tpu.memory_space<semaphore_mem>>) src(%dma_wait3A_126 : memref<100000x64xf32, #tpu.memory_space<hbm>>) dst(%arg22 : memref<128x64xf32, #tpu.memory_space<vmem>>)
    %scan3A_127 = arith.constant 0 : i32
    %scan3A_128 = arith.constant 128 : i32
    %scan3A_129 = arith.addi %scan3A_127, %scan3A_128 : i32
    %scan3A_130 = arith.constant 1 : i32
    %scan3A_131 = scf.for %scan3A_266 = %scan3A_127 to %scan3A_129 step %scan3A_130 iter_args(%scan3A_267 = %scan3A_65) -> (f32)  : i32 {
      %get3A = arith.index_cast %scan3A_266 : i32 to index
      %get3A_268 = arith.constant 0 : index
      %get3A_269 = tpu.vector_load %arg17[%get3A, %get3A_268] {strides = array<i32>} : memref<128x64xf32, #tpu.memory_space<vmem>>, vector<16xf32>,
      %get3A_270 = arith.index_cast %scan3A_266 : i32 to index
      %get3A_271 = arith.constant 16 : index
      %get3A_272 = tpu.vector_load %arg17[%get3A_270, %get3A_271] {strides = array<i32>} : memref<128x64xf32, #tpu.memory_space<vmem>>, vector<16xf32>,
      %get3A_273 = arith.index_cast %scan3A_266 : i32 to index
      %get3A_274 = arith.constant 32 : index
      %get3A_275 = tpu.vector_load %arg17[%get3A_273, %get3A_274] {strides = array<i32>} : memref<128x64xf32, #tpu.memory_space<vmem>>, vector<16xf32>,
      %get3A_276 = arith.index_cast %scan3A_266 : i32 to index
      %get3A_277 = arith.constant 48 : index
      %get3A_278 = tpu.vector_load %arg17[%get3A_276, %get3A_277] {strides = array<i32>} : memref<128x64xf32, #tpu.memory_space<vmem>>, vector<16xf32>,
      %get3A_279 = arith.index_cast %scan3A_266 : i32 to index
      %get3A_280 = arith.constant 0 : index
      %get3A_281 = tpu.vector_load %arg18[%get3A_279, %get3A_280] {strides = array<i32>} : memref<128x64xf32, #tpu.memory_space<vmem>>, vector<16xf32>,
      %get3A_282 = arith.index_cast %scan3A_266 : i32 to index
      %get3A_283 = arith.constant 16 : index
      %get3A_284 = tpu.vector_load %arg18[%get3A_282, %get3A_283] {strides = array<i32>} : memref<128x64xf32, #tpu.memory_space<vmem>>, vector<16xf32>,
      %get3A_285 = arith.index_cast %scan3A_266 : i32 to index
      %get3A_286 = arith.constant 32 : index
      %get3A_287 = tpu.vector_load %arg18[%get3A_285, %get3A_286] {strides = array<i32>} : memref<128x64xf32, #tpu.memory_space<vmem>>, vector<16xf32>,
      %get3A_288 = arith.index_cast %scan3A_266 : i32 to index
      %get3A_289 = arith.constant 48 : index
      %get3A_290 = tpu.vector_load %arg18[%get3A_288, %get3A_289] {strides = array<i32>} : memref<128x64xf32, #tpu.memory_space<vmem>>, vector<16xf32>,
      %get3A_291 = arith.index_cast %scan3A_266 : i32 to index
      %get3A_292 = arith.constant 0 : index
      %get3A_293 = tpu.vector_load %arg19[%get3A_291, %get3A_292] {strides = array<i32>} : memref<128x64xf32, #tpu.memory_space<vmem>>, vector<16xf32>,
      %get3A_294 = arith.index_cast %scan3A_266 : i32 to index
      %get3A_295 = arith.constant 16 : index
      %get3A_296 = tpu.vector_load %arg19[%get3A_294, %get3A_295] {strides = array<i32>} : memref<128x64xf32, #tpu.memory_space<vmem>>, vector<16xf32>,
      %get3A_297 = arith.index_cast %scan3A_266 : i32 to index
      %get3A_298 = arith.constant 32 : index
      %get3A_299 = tpu.vector_load %arg19[%get3A_297, %get3A_298] {strides = array<i32>} : memref<128x64xf32, #tpu.memory_space<vmem>>, vector<16xf32>,
      %get3A_300 = arith.index_cast %scan3A_266 : i32 to index
      %get3A_301 = arith.constant 48 : index
      %get3A_302 = tpu.vector_load %arg19[%get3A_300, %get3A_301] {strides = array<i32>} : memref<128x64xf32, #tpu.memory_space<vmem>>, vector<16xf32>,
      %get3A_303 = arith.index_cast %scan3A_266 : i32 to index
      %get3A_304 = arith.constant 0 : index
      %get3A_305 = tpu.vector_load %arg20[%get3A_303, %get3A_304] {strides = array<i32>} : memref<128x64xf32, #tpu.memory_space<vmem>>, vector<16xf32>,
      %get3A_306 = arith.index_cast %scan3A_266 : i32 to index
      %get3A_307 = arith.constant 16 : index
      %get3A_308 = tpu.vector_load %arg20[%get3A_306, %get3A_307] {strides = array<i32>} : memref<128x64xf32, #tpu.memory_space<vmem>>, vector<16xf32>,
      %get3A_309 = arith.index_cast %scan3A_266 : i32 to index
      %get3A_310 = arith.constant 32 : index
      %get3A_311 = tpu.vector_load %arg20[%get3A_309, %get3A_310] {strides = array<i32>} : memref<128x64xf32, #tpu.memory_space<vmem>>, vector<16xf32>,
      %get3A_312 = arith.index_cast %scan3A_266 : i32 to index
      %get3A_313 = arith.constant 48 : index
      %get3A_314 = tpu.vector_load %arg20[%get3A_312, %get3A_313] {strides = array<i32>} : memref<128x64xf32, #tpu.memory_space<vmem>>, vector<16xf32>,
      %get3A_315 = arith.index_cast %scan3A_266 : i32 to index
      %get3A_316 = arith.constant 0 : index
      %get3A_317 = tpu.vector_load %arg21[%get3A_315, %get3A_316] {strides = array<i32>} : memref<128x64xf32, #tpu.memory_space<vmem>>, vector<16xf32>,
      %get3A_318 = arith.index_cast %scan3A_266 : i32 to index
      %get3A_319 = arith.constant 16 : index
      %get3A_320 = tpu.vector_load %arg21[%get3A_318, %get3A_319] {strides = array<i32>} : memref<128x64xf32, #tpu.memory_space<vmem>>, vector<16xf32>,
      %get3A_321 = arith.index_cast %scan3A_266 : i32 to index
      %get3A_322 = arith.constant 32 : index
      %get3A_323 = tpu.vector_load %arg21[%get3A_321, %get3A_322] {strides = array<i32>} : memref<128x64xf32, #tpu.memory_space<vmem>>, vector<16xf32>,
      %get3A_324 = arith.index_cast %scan3A_266 : i32 to index
      %get3A_325 = arith.constant 48 : index
      %get3A_326 = tpu.vector_load %arg21[%get3A_324, %get3A_325] {strides = array<i32>} : memref<128x64xf32, #tpu.memory_space<vmem>>, vector<16xf32>,
      %get3A_327 = arith.index_cast %scan3A_266 : i32 to index
      %get3A_328 = arith.constant 0 : index
      %get3A_329 = tpu.vector_load %arg22[%get3A_327, %get3A_328] {strides = array<i32>} : memref<128x64xf32, #tpu.memory_space<vmem>>, vector<16xf32>,
      %get3A_330 = arith.index_cast %scan3A_266 : i32 to index
      %get3A_331 = arith.constant 16 : index
      %get3A_332 = tpu.vector_load %arg22[%get3A_330, %get3A_331] {strides = array<i32>} : memref<128x64xf32, #tpu.memory_space<vmem>>, vector<16xf32>,
      %get3A_333 = arith.index_cast %scan3A_266 : i32 to index
      %get3A_334 = arith.constant 32 : index
      %get3A_335 = tpu.vector_load %arg22[%get3A_333, %get3A_334] {strides = array<i32>} : memref<128x64xf32, #tpu.memory_space<vmem>>, vector<16xf32>,
      %get3A_336 = arith.index_cast %scan3A_266 : i32 to index
      %get3A_337 = arith.constant 48 : index
      %get3A_338 = tpu.vector_load %arg22[%get3A_336, %get3A_337] {strides = array<i32>} : memref<128x64xf32, #tpu.memory_space<vmem>>, vector<16xf32>,
      %mul3A_339 = arith.mulf %get3A_269, %get3A_269 : vector<16xf32>
      %mul3A_340 = arith.mulf %get3A_272, %get3A_272 : vector<16xf32>
      %add3A_341 = arith.addf %mul3A_339, %mul3A_340 : vector<16xf32>
      %mul3A_342 = arith.mulf %get3A_275, %get3A_275 : vector<16xf32>
      %add3A_343 = arith.addf %add3A_341, %mul3A_342 : vector<16xf32>
      %mul3A_344 = arith.mulf %get3A_278, %get3A_278 : vector<16xf32>
      %add3A_345 = arith.addf %add3A_343, %mul3A_344 : vector<16xf32>
      %reduce_sum3A = arith.constant true
      %reduce_sum3A_346 = vector.broadcast %reduce_sum3A : i1 to vector<16xi1>
      %reduce_sum3A_347 = tpu.scan <sum>, %add3A_345 masked %reduce_sum3A_346 : vector<16xf32>, vector<16xi1> -> vector<16xf32>
      %reduce_sum3A_348 = vector.extract %reduce_sum3A_347[15] : f32 from vector<16xf32>
      %bitcast_convert_type3A = arith.bitcast %reduce_sum3A_348 : f32 to i32
      %shift_right_arithmetic3A = arith.constant 1 : i32
      %shift_right_arithmetic3A_349 = arith.shrsi %bitcast_convert_type3A, %shift_right_arithmetic3A : i32
      %sub3A = arith.constant 1597463007 : i32
      %sub3A_350 = arith.subi %sub3A, %shift_right_arithmetic3A_349 : i32
      %bitcast_convert_type3A_351 = arith.bitcast %sub3A_350 : i32 to f32
      %mul3A_352 = arith.constant 5.000000e-01 : f32
      %mul3A_353 = arith.mulf %mul3A_352, %reduce_sum3A_348 : f32
      %mul3A_354 = arith.mulf %mul3A_353, %bitcast_convert_type3A_351 : f32
      %mul3A_355 = arith.mulf %mul3A_354, %bitcast_convert_type3A_351 : f32
      %sub3A_356 = arith.constant 1.500000e+00 : f32
      %sub3A_357 = arith.subf %sub3A_356, %mul3A_355 : f32
      %mul3A_358 = arith.mulf %bitcast_convert_type3A_351, %sub3A_357 : f32
      %mul3A_359 = arith.constant 5.000000e-01 : f32
      %mul3A_360 = arith.mulf %mul3A_359, %reduce_sum3A_348 : f32
      %mul3A_361 = arith.mulf %mul3A_360, %mul3A_358 : f32
      %mul3A_362 = arith.mulf %mul3A_361, %mul3A_358 : f32
      %sub3A_363 = arith.constant 1.500000e+00 : f32
      %sub3A_364 = arith.subf %sub3A_363, %mul3A_362 : f32
      %mul3A_365 = arith.mulf %mul3A_358, %sub3A_364 : f32
      %mul3A_366 = arith.mulf %get3A_293, %get3A_293 : vector<16xf32>
      %mul3A_367 = arith.mulf %get3A_296, %get3A_296 : vector<16xf32>
      %add3A_368 = arith.addf %mul3A_366, %mul3A_367 : vector<16xf32>
      %mul3A_369 = arith.mulf %get3A_299, %get3A_299 : vector<16xf32>
      %add3A_370 = arith.addf %add3A_368, %mul3A_369 : vector<16xf32>
      %mul3A_371 = arith.mulf %get3A_302, %get3A_302 : vector<16xf32>
      %add3A_372 = arith.addf %add3A_370, %mul3A_371 : vector<16xf32>
      %reduce_sum3A_373 = arith.constant true
      %reduce_sum3A_374 = vector.broadcast %reduce_sum3A_373 : i1 to vector<16xi1>
      %reduce_sum3A_375 = tpu.scan <sum>, %add3A_372 masked %reduce_sum3A_374 : vector<16xf32>, vector<16xi1> -> vector<16xf32>
      %reduce_sum3A_376 = vector.extract %reduce_sum3A_375[15] : f32 from vector<16xf32>
      %bitcast_convert_type3A_377 = arith.bitcast %reduce_sum3A_376 : f32 to i32
      %shift_right_arithmetic3A_378 = arith.constant 1 : i32
      %shift_right_arithmetic3A_379 = arith.shrsi %bitcast_convert_type3A_377, %shift_right_arithmetic3A_378 : i32
      %sub3A_380 = arith.constant 1597463007 : i32
      %sub3A_381 = arith.subi %sub3A_380, %shift_right_arithmetic3A_379 : i32
      %bitcast_convert_type3A_382 = arith.bitcast %sub3A_381 : i32 to f32
      %mul3A_383 = arith.constant 5.000000e-01 : f32
      %mul3A_384 = arith.mulf %mul3A_383, %reduce_sum3A_376 : f32
      %mul3A_385 = arith.mulf %mul3A_384, %bitcast_convert_type3A_382 : f32
      %mul3A_386 = arith.mulf %mul3A_385, %bitcast_convert_type3A_382 : f32
      %sub3A_387 = arith.constant 1.500000e+00 : f32
      %sub3A_388 = arith.subf %sub3A_387, %mul3A_386 : f32
      %mul3A_389 = arith.mulf %bitcast_convert_type3A_382, %sub3A_388 : f32
      %mul3A_390 = arith.constant 5.000000e-01 : f32
      %mul3A_391 = arith.mulf %mul3A_390, %reduce_sum3A_376 : f32
      %mul3A_392 = arith.mulf %mul3A_391, %mul3A_389 : f32
      %mul3A_393 = arith.mulf %mul3A_392, %mul3A_389 : f32
      %sub3A_394 = arith.constant 1.500000e+00 : f32
      %sub3A_395 = arith.subf %sub3A_394, %mul3A_393 : f32
      %mul3A_396 = arith.mulf %mul3A_389, %sub3A_395 : f32
      %mul3A_397 = arith.mulf %get3A_305, %get3A_305 : vector<16xf32>
      %mul3A_398 = arith.mulf %get3A_308, %get3A_308 : vector<16xf32>
      %add3A_399 = arith.addf %mul3A_397, %mul3A_398 : vector<16xf32>
      %mul3A_400 = arith.mulf %get3A_311, %get3A_311 : vector<16xf32>
      %add3A_401 = arith.addf %add3A_399, %mul3A_400 : vector<16xf32>
      %mul3A_402 = arith.mulf %get3A_314, %get3A_314 : vector<16xf32>
      %add3A_403 = arith.addf %add3A_401, %mul3A_402 : vector<16xf32>
      %reduce_sum3A_404 = arith.constant true
      %reduce_sum3A_405 = vector.broadcast %reduce_sum3A_404 : i1 to vector<16xi1>
      %reduce_sum3A_406 = tpu.scan <sum>, %add3A_403 masked %reduce_sum3A_405 : vector<16xf32>, vector<16xi1> -> vector<16xf32>
      %reduce_sum3A_407 = vector.extract %reduce_sum3A_406[15] : f32 from vector<16xf32>
      %bitcast_convert_type3A_408 = arith.bitcast %reduce_sum3A_407 : f32 to i32
      %shift_right_arithmetic3A_409 = arith.constant 1 : i32
      %shift_right_arithmetic3A_410 = arith.shrsi %bitcast_convert_type3A_408, %shift_right_arithmetic3A_409 : i32
      %sub3A_411 = arith.constant 1597463007 : i32
      %sub3A_412 = arith.subi %sub3A_411, %shift_right_arithmetic3A_410 : i32
      %bitcast_convert_type3A_413 = arith.bitcast %sub3A_412 : i32 to f32
      %mul3A_414 = arith.constant 5.000000e-01 : f32
      %mul3A_415 = arith.mulf %mul3A_414, %reduce_sum3A_407 : f32
      %mul3A_416 = arith.mulf %mul3A_415, %bitcast_convert_type3A_413 : f32
      %mul3A_417 = arith.mulf %mul3A_416, %bitcast_convert_type3A_413 : f32
      %sub3A_418 = arith.constant 1.500000e+00 : f32
      %sub3A_419 = arith.subf %sub3A_418, %mul3A_417 : f32
      %mul3A_420 = arith.mulf %bitcast_convert_type3A_413, %sub3A_419 : f32
      %mul3A_421 = arith.constant 5.000000e-01 : f32
      %mul3A_422 = arith.mulf %mul3A_421, %reduce_sum3A_407 : f32
      %mul3A_423 = arith.mulf %mul3A_422, %mul3A_420 : f32
      %mul3A_424 = arith.mulf %mul3A_423, %mul3A_420 : f32
      %sub3A_425 = arith.constant 1.500000e+00 : f32
      %sub3A_426 = arith.subf %sub3A_425, %mul3A_424 : f32
      %mul3A_427 = arith.mulf %mul3A_420, %sub3A_426 : f32
      %mul3A_428 = arith.mulf %get3A_329, %get3A_329 : vector<16xf32>
      %mul3A_429 = arith.mulf %get3A_332, %get3A_332 : vector<16xf32>
      %add3A_430 = arith.addf %mul3A_428, %mul3A_429 : vector<16xf32>
      %mul3A_431 = arith.mulf %get3A_335, %get3A_335 : vector<16xf32>
      %add3A_432 = arith.addf %add3A_430, %mul3A_431 : vector<16xf32>
      %mul3A_433 = arith.mulf %get3A_338, %get3A_338 : vector<16xf32>
      %add3A_434 = arith.addf %add3A_432, %mul3A_433 : vector<16xf32>
      %reduce_sum3A_435 = arith.constant true
      %reduce_sum3A_436 = vector.broadcast %reduce_sum3A_435 : i1 to vector<16xi1>
      %reduce_sum3A_437 = tpu.scan <sum>, %add3A_434 masked %reduce_sum3A_436 : vector<16xf32>, vector<16xi1> -> vector<16xf32>
      %reduce_sum3A_438 = vector.extract %reduce_sum3A_437[15] : f32 from vector<16xf32>
      %bitcast_convert_type3A_439 = arith.bitcast %reduce_sum3A_438 : f32 to i32
      %shift_right_arithmetic3A_440 = arith.constant 1 : i32
      %shift_right_arithmetic3A_441 = arith.shrsi %bitcast_convert_type3A_439, %shift_right_arithmetic3A_440 : i32
      %sub3A_442 = arith.constant 1597463007 : i32
      %sub3A_443 = arith.subi %sub3A_442, %shift_right_arithmetic3A_441 : i32
      %bitcast_convert_type3A_444 = arith.bitcast %sub3A_443 : i32 to f32
      %mul3A_445 = arith.constant 5.000000e-01 : f32
      %mul3A_446 = arith.mulf %mul3A_445, %reduce_sum3A_438 : f32
      %mul3A_447 = arith.mulf %mul3A_446, %bitcast_convert_type3A_444 : f32
      %mul3A_448 = arith.mulf %mul3A_447, %bitcast_convert_type3A_444 : f32
      %sub3A_449 = arith.constant 1.500000e+00 : f32
      %sub3A_450 = arith.subf %sub3A_449, %mul3A_448 : f32
      %mul3A_451 = arith.mulf %bitcast_convert_type3A_444, %sub3A_450 : f32
      %mul3A_452 = arith.constant 5.000000e-01 : f32
      %mul3A_453 = arith.mulf %mul3A_452, %reduce_sum3A_438 : f32
      %mul3A_454 = arith.mulf %mul3A_453, %mul3A_451 : f32
      %mul3A_455 = arith.mulf %mul3A_454, %mul3A_451 : f32
      %sub3A_456 = arith.constant 1.500000e+00 : f32
      %sub3A_457 = arith.subf %sub3A_456, %mul3A_455 : f32
      %mul3A_458 = arith.mulf %mul3A_451, %sub3A_457 : f32
      %mul3A_459 = vector.broadcast %mul3A_365 : f32 to vector<16xf32>
      %mul3A_460 = arith.mulf %get3A_269, %mul3A_459 : vector<16xf32>
      %add3A_461 = arith.addf %mul3A_460, %get3A_281 : vector<16xf32>
      %mul3A_462 = vector.broadcast %mul3A_396 : f32 to vector<16xf32>
      %mul3A_463 = arith.mulf %get3A_293, %mul3A_462 : vector<16xf32>
      %sub3A_464 = arith.subf %add3A_461, %mul3A_463 : vector<16xf32>
      %abs3A = math.absf %sub3A_464 : vector<16xf32>
      %mul3A_465 = vector.broadcast %mul3A_427 : f32 to vector<16xf32>
      %mul3A_466 = arith.mulf %get3A_305, %mul3A_465 : vector<16xf32>
      %add3A_467 = arith.addf %mul3A_466, %get3A_317 : vector<16xf32>
      %mul3A_468 = vector.broadcast %mul3A_458 : f32 to vector<16xf32>
      %mul3A_469 = arith.mulf %get3A_329, %mul3A_468 : vector<16xf32>
      %sub3A_470 = arith.subf %add3A_467, %mul3A_469 : vector<16xf32>
      %abs3A_471 = math.absf %sub3A_470 : vector<16xf32>
      %sub3A_472 = arith.subf %abs3A, %abs3A_471 : vector<16xf32>
      %mul3A_473 = vector.broadcast %mul3A_365 : f32 to vector<16xf32>
      %mul3A_474 = arith.mulf %get3A_272, %mul3A_473 : vector<16xf32>
      %add3A_475 = arith.addf %mul3A_474, %get3A_284 : vector<16xf32>
      %mul3A_476 = vector.broadcast %mul3A_396 : f32 to vector<16xf32>
      %mul3A_477 = arith.mulf %get3A_296, %mul3A_476 : vector<16xf32>
      %sub3A_478 = arith.subf %add3A_475, %mul3A_477 : vector<16xf32>
      %abs3A_479 = math.absf %sub3A_478 : vector<16xf32>
      %mul3A_480 = vector.broadcast %mul3A_427 : f32 to vector<16xf32>
      %mul3A_481 = arith.mulf %get3A_308, %mul3A_480 : vector<16xf32>
      %add3A_482 = arith.addf %mul3A_481, %get3A_320 : vector<16xf32>
      %mul3A_483 = vector.broadcast %mul3A_458 : f32 to vector<16xf32>
      %mul3A_484 = arith.mulf %get3A_332, %mul3A_483 : vector<16xf32>
      %sub3A_485 = arith.subf %add3A_482, %mul3A_484 : vector<16xf32>
      %abs3A_486 = math.absf %sub3A_485 : vector<16xf32>
      %sub3A_487 = arith.subf %abs3A_479, %abs3A_486 : vector<16xf32>
      %add3A_488 = arith.addf %sub3A_472, %sub3A_487 : vector<16xf32>
      %mul3A_489 = vector.broadcast %mul3A_365 : f32 to vector<16xf32>
      %mul3A_490 = arith.mulf %get3A_275, %mul3A_489 : vector<16xf32>
      %add3A_491 = arith.addf %mul3A_490, %get3A_287 : vector<16xf32>
      %mul3A_492 = vector.broadcast %mul3A_396 : f32 to vector<16xf32>
      %mul3A_493 = arith.mulf %get3A_299, %mul3A_492 : vector<16xf32>
      %sub3A_494 = arith.subf %add3A_491, %mul3A_493 : vector<16xf32>
      %abs3A_495 = math.absf %sub3A_494 : vector<16xf32>
      %mul3A_496 = vector.broadcast %mul3A_427 : f32 to vector<16xf32>
      %mul3A_497 = arith.mulf %get3A_311, %mul3A_496 : vector<16xf32>
      %add3A_498 = arith.addf %mul3A_497, %get3A_323 : vector<16xf32>
      %mul3A_499 = vector.broadcast %mul3A_458 : f32 to vector<16xf32>
      %mul3A_500 = arith.mulf %get3A_335, %mul3A_499 : vector<16xf32>
      %sub3A_501 = arith.subf %add3A_498, %mul3A_500 : vector<16xf32>
      %abs3A_502 = math.absf %sub3A_501 : vector<16xf32>
      %sub3A_503 = arith.subf %abs3A_495, %abs3A_502 : vector<16xf32>
      %add3A_504 = arith.addf %add3A_488, %sub3A_503 : vector<16xf32>
      %mul3A_505 = vector.broadcast %mul3A_365 : f32 to vector<16xf32>
      %mul3A_506 = arith.mulf %get3A_278, %mul3A_505 : vector<16xf32>
      %add3A_507 = arith.addf %mul3A_506, %get3A_290 : vector<16xf32>
      %mul3A_508 = vector.broadcast %mul3A_396 : f32 to vector<16xf32>
      %mul3A_509 = arith.mulf %get3A_302, %mul3A_508 : vector<16xf32>
      %sub3A_510 = arith.subf %add3A_507, %mul3A_509 : vector<16xf32>
      %abs3A_511 = math.absf %sub3A_510 : vector<16xf32>
      %mul3A_512 = vector.broadcast %mul3A_427 : f32 to vector<16xf32>
      %mul3A_513 = arith.mulf %get3A_314, %mul3A_512 : vector<16xf32>
      %add3A_514 = arith.addf %mul3A_513, %get3A_326 : vector<16xf32>
      %mul3A_515 = vector.broadcast %mul3A_458 : f32 to vector<16xf32>
      %mul3A_516 = arith.mulf %get3A_338, %mul3A_515 : vector<16xf32>
      %sub3A_517 = arith.subf %add3A_514, %mul3A_516 : vector<16xf32>
      %abs3A_518 = math.absf %sub3A_517 : vector<16xf32>
      %sub3A_519 = arith.subf %abs3A_511, %abs3A_518 : vector<16xf32>
      %add3A_520 = arith.addf %add3A_504, %sub3A_519 : vector<16xf32>
      %reduce_sum3A_521 = arith.constant true
      %reduce_sum3A_522 = vector.broadcast %reduce_sum3A_521 : i1 to vector<16xi1>
      %reduce_sum3A_523 = tpu.scan <sum>, %add3A_520 masked %reduce_sum3A_522 : vector<16xf32>, vector<16xi1> -> vector<16xf32>
      %reduce_sum3A_524 = vector.extract %reduce_sum3A_523[15] : f32 from vector<16xf32>
      %add3A_525 = arith.constant 1.000000e+00 : f32
      %add3A_526 = arith.addf %reduce_sum3A_524, %add3A_525 : f32
      %max3A = arith.constant 0.000000e+00 : f32
      %max3A_527 = arith.maximumf %add3A_526, %max3A : f32
      %add3A_528 = arith.addf %scan3A_267, %max3A_527 : f32
      scf.yield %add3A_528 : f32
    }
    %scan3A_132 = arith.constant 128 : i32
    %dma_start3A_133 = arith.constant 256 : i32
    %dma_start3A_134 = tpu.memref_slice %arg11[%dma_start3A_133] : memref<512xi32, #tpu.memory_space<vmem>> -> memref<128xi32, #tpu.memory_space<vmem>>
    %dma_start3A_135 = arith.constant 0 : i32
    %dma_start3A_136 = arith.constant 0 : i32
    %dma_start3A_137 = tpu.memref_slice %arg8[%dma_start3A_135, %dma_start3A_136] : memref<100000x64xf32, #tpu.memory_space<hbm>> -> memref<100000x64xf32, #tpu.memory_space<hbm>>
    tpu.enqueue_indirect_dma source(%dma_start3A_137 : memref<100000x64xf32, #tpu.memory_space<hbm>>) target(%arg17 : memref<128x64xf32, #tpu.memory_space<vmem>>) offsets(%dma_start3A_134 : memref<128xi32, #tpu.memory_space<vmem>>) semaphore(%arg24 : memref<!tpu.dma_semaphore, #tpu.memory_space<semaphore_mem>>)
    %dma_start3A_138 = arith.constant 256 : i32
    %dma_start3A_139 = tpu.memref_slice %arg12[%dma_start3A_138] : memref<512xi32, #tpu.memory_space<vmem>> -> memref<128xi32, #tpu.memory_space<vmem>>
    %dma_start3A_140 = arith.constant 0 : i32
    %dma_start3A_141 = arith.constant 0 : i32
    %dma_start3A_142 = tpu.memref_slice %arg9[%dma_start3A_140, %dma_start3A_141] : memref<100000x64xf32, #tpu.memory_space<hbm>> -> memref<100000x64xf32, #tpu.memory_space<hbm>>
    tpu.enqueue_indirect_dma source(%dma_start3A_142 : memref<100000x64xf32, #tpu.memory_space<hbm>>) target(%arg18 : memref<128x64xf32, #tpu.memory_space<vmem>>) offsets(%dma_start3A_139 : memref<128xi32, #tpu.memory_space<vmem>>) semaphore(%arg24 : memref<!tpu.dma_semaphore, #tpu.memory_space<semaphore_mem>>)
    %dma_start3A_143 = arith.constant 256 : i32
    %dma_start3A_144 = tpu.memref_slice %arg13[%dma_start3A_143] : memref<512xi32, #tpu.memory_space<vmem>> -> memref<128xi32, #tpu.memory_space<vmem>>
    %dma_start3A_145 = arith.constant 0 : i32
    %dma_start3A_146 = arith.constant 0 : i32
    %dma_start3A_147 = tpu.memref_slice %arg8[%dma_start3A_145, %dma_start3A_146] : memref<100000x64xf32, #tpu.memory_space<hbm>> -> memref<100000x64xf32, #tpu.memory_space<hbm>>
    tpu.enqueue_indirect_dma source(%dma_start3A_147 : memref<100000x64xf32, #tpu.memory_space<hbm>>) target(%arg19 : memref<128x64xf32, #tpu.memory_space<vmem>>) offsets(%dma_start3A_144 : memref<128xi32, #tpu.memory_space<vmem>>) semaphore(%arg24 : memref<!tpu.dma_semaphore, #tpu.memory_space<semaphore_mem>>)
    %dma_start3A_148 = arith.constant 256 : i32
    %dma_start3A_149 = tpu.memref_slice %arg14[%dma_start3A_148] : memref<512xi32, #tpu.memory_space<vmem>> -> memref<128xi32, #tpu.memory_space<vmem>>
    %dma_start3A_150 = arith.constant 0 : i32
    %dma_start3A_151 = arith.constant 0 : i32
    %dma_start3A_152 = tpu.memref_slice %arg8[%dma_start3A_150, %dma_start3A_151] : memref<100000x64xf32, #tpu.memory_space<hbm>> -> memref<100000x64xf32, #tpu.memory_space<hbm>>
    tpu.enqueue_indirect_dma source(%dma_start3A_152 : memref<100000x64xf32, #tpu.memory_space<hbm>>) target(%arg20 : memref<128x64xf32, #tpu.memory_space<vmem>>) offsets(%dma_start3A_149 : memref<128xi32, #tpu.memory_space<vmem>>) semaphore(%arg24 : memref<!tpu.dma_semaphore, #tpu.memory_space<semaphore_mem>>)
    %dma_start3A_153 = arith.constant 256 : i32
    %dma_start3A_154 = tpu.memref_slice %arg15[%dma_start3A_153] : memref<512xi32, #tpu.memory_space<vmem>> -> memref<128xi32, #tpu.memory_space<vmem>>
    %dma_start3A_155 = arith.constant 0 : i32
    %dma_start3A_156 = arith.constant 0 : i32
    %dma_start3A_157 = tpu.memref_slice %arg9[%dma_start3A_155, %dma_start3A_156] : memref<100000x64xf32, #tpu.memory_space<hbm>> -> memref<100000x64xf32, #tpu.memory_space<hbm>>
    tpu.enqueue_indirect_dma source(%dma_start3A_157 : memref<100000x64xf32, #tpu.memory_space<hbm>>) target(%arg21 : memref<128x64xf32, #tpu.memory_space<vmem>>) offsets(%dma_start3A_154 : memref<128xi32, #tpu.memory_space<vmem>>) semaphore(%arg24 : memref<!tpu.dma_semaphore, #tpu.memory_space<semaphore_mem>>)
    %dma_start3A_158 = arith.constant 256 : i32
    %dma_start3A_159 = tpu.memref_slice %arg16[%dma_start3A_158] : memref<512xi32, #tpu.memory_space<vmem>> -> memref<128xi32, #tpu.memory_space<vmem>>
    %dma_start3A_160 = arith.constant 0 : i32
    %dma_start3A_161 = arith.constant 0 : i32
    %dma_start3A_162 = tpu.memref_slice %arg8[%dma_start3A_160, %dma_start3A_161] : memref<100000x64xf32, #tpu.memory_space<hbm>> -> memref<100000x64xf32, #tpu.memory_space<hbm>>
    tpu.enqueue_indirect_dma source(%dma_start3A_162 : memref<100000x64xf32, #tpu.memory_space<hbm>>) target(%arg22 : memref<128x64xf32, #tpu.memory_space<vmem>>) offsets(%dma_start3A_159 : memref<128xi32, #tpu.memory_space<vmem>>) semaphore(%arg24 : memref<!tpu.dma_semaphore, #tpu.memory_space<semaphore_mem>>)
    %dma_wait3A_163 = arith.constant 256 : i32
    %dma_wait3A_164 = tpu.memref_slice %arg11[%dma_wait3A_163] : memref<512xi32, #tpu.memory_space<vmem>> -> memref<128xi32, #tpu.memory_space<vmem>>
    %dma_wait3A_165 = arith.constant 0 : i32
    %dma_wait3A_166 = arith.constant 0 : i32
    %dma_wait3A_167 = tpu.memref_slice %arg8[%dma_wait3A_165, %dma_wait3A_166] : memref<100000x64xf32, #tpu.memory_space<hbm>> -> memref<100000x64xf32, #tpu.memory_space<hbm>>
    tpu.wait_indirect_dma semaphore(%arg24 : memref<!tpu.dma_semaphore, #tpu.memory_space<semaphore_mem>>) src(%dma_wait3A_167 : memref<100000x64xf32, #tpu.memory_space<hbm>>) dst(%arg17 : memref<128x64xf32, #tpu.memory_space<vmem>>)
    %dma_wait3A_168 = arith.constant 256 : i32
    %dma_wait3A_169 = tpu.memref_slice %arg12[%dma_wait3A_168] : memref<512xi32, #tpu.memory_space<vmem>> -> memref<128xi32, #tpu.memory_space<vmem>>
    %dma_wait3A_170 = arith.constant 0 : i32
    %dma_wait3A_171 = arith.constant 0 : i32
    %dma_wait3A_172 = tpu.memref_slice %arg9[%dma_wait3A_170, %dma_wait3A_171] : memref<100000x64xf32, #tpu.memory_space<hbm>> -> memref<100000x64xf32, #tpu.memory_space<hbm>>
    tpu.wait_indirect_dma semaphore(%arg24 : memref<!tpu.dma_semaphore, #tpu.memory_space<semaphore_mem>>) src(%dma_wait3A_172 : memref<100000x64xf32, #tpu.memory_space<hbm>>) dst(%arg18 : memref<128x64xf32, #tpu.memory_space<vmem>>)
    %dma_wait3A_173 = arith.constant 256 : i32
    %dma_wait3A_174 = tpu.memref_slice %arg13[%dma_wait3A_173] : memref<512xi32, #tpu.memory_space<vmem>> -> memref<128xi32, #tpu.memory_space<vmem>>
    %dma_wait3A_175 = arith.constant 0 : i32
    %dma_wait3A_176 = arith.constant 0 : i32
    %dma_wait3A_177 = tpu.memref_slice %arg8[%dma_wait3A_175, %dma_wait3A_176] : memref<100000x64xf32, #tpu.memory_space<hbm>> -> memref<100000x64xf32, #tpu.memory_space<hbm>>
    tpu.wait_indirect_dma semaphore(%arg24 : memref<!tpu.dma_semaphore, #tpu.memory_space<semaphore_mem>>) src(%dma_wait3A_177 : memref<100000x64xf32, #tpu.memory_space<hbm>>) dst(%arg19 : memref<128x64xf32, #tpu.memory_space<vmem>>)
    %dma_wait3A_178 = arith.constant 256 : i32
    %dma_wait3A_179 = tpu.memref_slice %arg14[%dma_wait3A_178] : memref<512xi32, #tpu.memory_space<vmem>> -> memref<128xi32, #tpu.memory_space<vmem>>
    %dma_wait3A_180 = arith.constant 0 : i32
    %dma_wait3A_181 = arith.constant 0 : i32
    %dma_wait3A_182 = tpu.memref_slice %arg8[%dma_wait3A_180, %dma_wait3A_181] : memref<100000x64xf32, #tpu.memory_space<hbm>> -> memref<100000x64xf32, #tpu.memory_space<hbm>>
    tpu.wait_indirect_dma semaphore(%arg24 : memref<!tpu.dma_semaphore, #tpu.memory_space<semaphore_mem>>) src(%dma_wait3A_182 : memref<100000x64xf32, #tpu.memory_space<hbm>>) dst(%arg20 : memref<128x64xf32, #tpu.memory_space<vmem>>)
    %dma_wait3A_183 = arith.constant 256 : i32
    %dma_wait3A_184 = tpu.memref_slice %arg15[%dma_wait3A_183] : memref<512xi32, #tpu.memory_space<vmem>> -> memref<128xi32, #tpu.memory_space<vmem>>
    %dma_wait3A_185 = arith.constant 0 : i32
    %dma_wait3A_186 = arith.constant 0 : i32
    %dma_wait3A_187 = tpu.memref_slice %arg9[%dma_wait3A_185, %dma_wait3A_186] : memref<100000x64xf32, #tpu.memory_space<hbm>> -> memref<100000x64xf32, #tpu.memory_space<hbm>>
    tpu.wait_indirect_dma semaphore(%arg24 : memref<!tpu.dma_semaphore, #tpu.memory_space<semaphore_mem>>) src(%dma_wait3A_187 : memref<100000x64xf32, #tpu.memory_space<hbm>>) dst(%arg21 : memref<128x64xf32, #tpu.memory_space<vmem>>)
    %dma_wait3A_188 = arith.constant 256 : i32
    %dma_wait3A_189 = tpu.memref_slice %arg16[%dma_wait3A_188] : memref<512xi32, #tpu.memory_space<vmem>> -> memref<128xi32, #tpu.memory_space<vmem>>
    %dma_wait3A_190 = arith.constant 0 : i32
    %dma_wait3A_191 = arith.constant 0 : i32
    %dma_wait3A_192 = tpu.memref_slice %arg8[%dma_wait3A_190, %dma_wait3A_191] : memref<100000x64xf32, #tpu.memory_space<hbm>> -> memref<100000x64xf32, #tpu.memory_space<hbm>>
    tpu.wait_indirect_dma semaphore(%arg24 : memref<!tpu.dma_semaphore, #tpu.memory_space<semaphore_mem>>) src(%dma_wait3A_192 : memref<100000x64xf32, #tpu.memory_space<hbm>>) dst(%arg22 : memref<128x64xf32, #tpu.memory_space<vmem>>)
    %scan3A_193 = arith.constant 0 : i32
    %scan3A_194 = arith.constant 128 : i32
    %scan3A_195 = arith.addi %scan3A_193, %scan3A_194 : i32
    %scan3A_196 = arith.constant 1 : i32
    %scan3A_197 = scf.for %scan3A_266 = %scan3A_193 to %scan3A_195 step %scan3A_196 iter_args(%scan3A_267 = %scan3A_131) -> (f32)  : i32 {
      %get3A = arith.index_cast %scan3A_266 : i32 to index
      %get3A_268 = arith.constant 0 : index
      %get3A_269 = tpu.vector_load %arg17[%get3A, %get3A_268] {strides = array<i32>} : memref<128x64xf32, #tpu.memory_space<vmem>>, vector<16xf32>,
      %get3A_270 = arith.index_cast %scan3A_266 : i32 to index
      %get3A_271 = arith.constant 16 : index
      %get3A_272 = tpu.vector_load %arg17[%get3A_270, %get3A_271] {strides = array<i32>} : memref<128x64xf32, #tpu.memory_space<vmem>>, vector<16xf32>,
      %get3A_273 = arith.index_cast %scan3A_266 : i32 to index
      %get3A_274 = arith.constant 32 : index
      %get3A_275 = tpu.vector_load %arg17[%get3A_273, %get3A_274] {strides = array<i32>} : memref<128x64xf32, #tpu.memory_space<vmem>>, vector<16xf32>,
      %get3A_276 = arith.index_cast %scan3A_266 : i32 to index
      %get3A_277 = arith.constant 48 : index
      %get3A_278 = tpu.vector_load %arg17[%get3A_276, %get3A_277] {strides = array<i32>} : memref<128x64xf32, #tpu.memory_space<vmem>>, vector<16xf32>,
      %get3A_279 = arith.index_cast %scan3A_266 : i32 to index
      %get3A_280 = arith.constant 0 : index
      %get3A_281 = tpu.vector_load %arg18[%get3A_279, %get3A_280] {strides = array<i32>} : memref<128x64xf32, #tpu.memory_space<vmem>>, vector<16xf32>,
      %get3A_282 = arith.index_cast %scan3A_266 : i32 to index
      %get3A_283 = arith.constant 16 : index
      %get3A_284 = tpu.vector_load %arg18[%get3A_282, %get3A_283] {strides = array<i32>} : memref<128x64xf32, #tpu.memory_space<vmem>>, vector<16xf32>,
      %get3A_285 = arith.index_cast %scan3A_266 : i32 to index
      %get3A_286 = arith.constant 32 : index
      %get3A_287 = tpu.vector_load %arg18[%get3A_285, %get3A_286] {strides = array<i32>} : memref<128x64xf32, #tpu.memory_space<vmem>>, vector<16xf32>,
      %get3A_288 = arith.index_cast %scan3A_266 : i32 to index
      %get3A_289 = arith.constant 48 : index
      %get3A_290 = tpu.vector_load %arg18[%get3A_288, %get3A_289] {strides = array<i32>} : memref<128x64xf32, #tpu.memory_space<vmem>>, vector<16xf32>,
      %get3A_291 = arith.index_cast %scan3A_266 : i32 to index
      %get3A_292 = arith.constant 0 : index
      %get3A_293 = tpu.vector_load %arg19[%get3A_291, %get3A_292] {strides = array<i32>} : memref<128x64xf32, #tpu.memory_space<vmem>>, vector<16xf32>,
      %get3A_294 = arith.index_cast %scan3A_266 : i32 to index
      %get3A_295 = arith.constant 16 : index
      %get3A_296 = tpu.vector_load %arg19[%get3A_294, %get3A_295] {strides = array<i32>} : memref<128x64xf32, #tpu.memory_space<vmem>>, vector<16xf32>,
      %get3A_297 = arith.index_cast %scan3A_266 : i32 to index
      %get3A_298 = arith.constant 32 : index
      %get3A_299 = tpu.vector_load %arg19[%get3A_297, %get3A_298] {strides = array<i32>} : memref<128x64xf32, #tpu.memory_space<vmem>>, vector<16xf32>,
      %get3A_300 = arith.index_cast %scan3A_266 : i32 to index
      %get3A_301 = arith.constant 48 : index
      %get3A_302 = tpu.vector_load %arg19[%get3A_300, %get3A_301] {strides = array<i32>} : memref<128x64xf32, #tpu.memory_space<vmem>>, vector<16xf32>,
      %get3A_303 = arith.index_cast %scan3A_266 : i32 to index
      %get3A_304 = arith.constant 0 : index
      %get3A_305 = tpu.vector_load %arg20[%get3A_303, %get3A_304] {strides = array<i32>} : memref<128x64xf32, #tpu.memory_space<vmem>>, vector<16xf32>,
      %get3A_306 = arith.index_cast %scan3A_266 : i32 to index
      %get3A_307 = arith.constant 16 : index
      %get3A_308 = tpu.vector_load %arg20[%get3A_306, %get3A_307] {strides = array<i32>} : memref<128x64xf32, #tpu.memory_space<vmem>>, vector<16xf32>,
      %get3A_309 = arith.index_cast %scan3A_266 : i32 to index
      %get3A_310 = arith.constant 32 : index
      %get3A_311 = tpu.vector_load %arg20[%get3A_309, %get3A_310] {strides = array<i32>} : memref<128x64xf32, #tpu.memory_space<vmem>>, vector<16xf32>,
      %get3A_312 = arith.index_cast %scan3A_266 : i32 to index
      %get3A_313 = arith.constant 48 : index
      %get3A_314 = tpu.vector_load %arg20[%get3A_312, %get3A_313] {strides = array<i32>} : memref<128x64xf32, #tpu.memory_space<vmem>>, vector<16xf32>,
      %get3A_315 = arith.index_cast %scan3A_266 : i32 to index
      %get3A_316 = arith.constant 0 : index
      %get3A_317 = tpu.vector_load %arg21[%get3A_315, %get3A_316] {strides = array<i32>} : memref<128x64xf32, #tpu.memory_space<vmem>>, vector<16xf32>,
      %get3A_318 = arith.index_cast %scan3A_266 : i32 to index
      %get3A_319 = arith.constant 16 : index
      %get3A_320 = tpu.vector_load %arg21[%get3A_318, %get3A_319] {strides = array<i32>} : memref<128x64xf32, #tpu.memory_space<vmem>>, vector<16xf32>,
      %get3A_321 = arith.index_cast %scan3A_266 : i32 to index
      %get3A_322 = arith.constant 32 : index
      %get3A_323 = tpu.vector_load %arg21[%get3A_321, %get3A_322] {strides = array<i32>} : memref<128x64xf32, #tpu.memory_space<vmem>>, vector<16xf32>,
      %get3A_324 = arith.index_cast %scan3A_266 : i32 to index
      %get3A_325 = arith.constant 48 : index
      %get3A_326 = tpu.vector_load %arg21[%get3A_324, %get3A_325] {strides = array<i32>} : memref<128x64xf32, #tpu.memory_space<vmem>>, vector<16xf32>,
      %get3A_327 = arith.index_cast %scan3A_266 : i32 to index
      %get3A_328 = arith.constant 0 : index
      %get3A_329 = tpu.vector_load %arg22[%get3A_327, %get3A_328] {strides = array<i32>} : memref<128x64xf32, #tpu.memory_space<vmem>>, vector<16xf32>,
      %get3A_330 = arith.index_cast %scan3A_266 : i32 to index
      %get3A_331 = arith.constant 16 : index
      %get3A_332 = tpu.vector_load %arg22[%get3A_330, %get3A_331] {strides = array<i32>} : memref<128x64xf32, #tpu.memory_space<vmem>>, vector<16xf32>,
      %get3A_333 = arith.index_cast %scan3A_266 : i32 to index
      %get3A_334 = arith.constant 32 : index
      %get3A_335 = tpu.vector_load %arg22[%get3A_333, %get3A_334] {strides = array<i32>} : memref<128x64xf32, #tpu.memory_space<vmem>>, vector<16xf32>,
      %get3A_336 = arith.index_cast %scan3A_266 : i32 to index
      %get3A_337 = arith.constant 48 : index
      %get3A_338 = tpu.vector_load %arg22[%get3A_336, %get3A_337] {strides = array<i32>} : memref<128x64xf32, #tpu.memory_space<vmem>>, vector<16xf32>,
      %mul3A_339 = arith.mulf %get3A_269, %get3A_269 : vector<16xf32>
      %mul3A_340 = arith.mulf %get3A_272, %get3A_272 : vector<16xf32>
      %add3A_341 = arith.addf %mul3A_339, %mul3A_340 : vector<16xf32>
      %mul3A_342 = arith.mulf %get3A_275, %get3A_275 : vector<16xf32>
      %add3A_343 = arith.addf %add3A_341, %mul3A_342 : vector<16xf32>
      %mul3A_344 = arith.mulf %get3A_278, %get3A_278 : vector<16xf32>
      %add3A_345 = arith.addf %add3A_343, %mul3A_344 : vector<16xf32>
      %reduce_sum3A = arith.constant true
      %reduce_sum3A_346 = vector.broadcast %reduce_sum3A : i1 to vector<16xi1>
      %reduce_sum3A_347 = tpu.scan <sum>, %add3A_345 masked %reduce_sum3A_346 : vector<16xf32>, vector<16xi1> -> vector<16xf32>
      %reduce_sum3A_348 = vector.extract %reduce_sum3A_347[15] : f32 from vector<16xf32>
      %bitcast_convert_type3A = arith.bitcast %reduce_sum3A_348 : f32 to i32
      %shift_right_arithmetic3A = arith.constant 1 : i32
      %shift_right_arithmetic3A_349 = arith.shrsi %bitcast_convert_type3A, %shift_right_arithmetic3A : i32
      %sub3A = arith.constant 1597463007 : i32
      %sub3A_350 = arith.subi %sub3A, %shift_right_arithmetic3A_349 : i32
      %bitcast_convert_type3A_351 = arith.bitcast %sub3A_350 : i32 to f32
      %mul3A_352 = arith.constant 5.000000e-01 : f32
      %mul3A_353 = arith.mulf %mul3A_352, %reduce_sum3A_348 : f32
      %mul3A_354 = arith.mulf %mul3A_353, %bitcast_convert_type3A_351 : f32
      %mul3A_355 = arith.mulf %mul3A_354, %bitcast_convert_type3A_351 : f32
      %sub3A_356 = arith.constant 1.500000e+00 : f32
      %sub3A_357 = arith.subf %sub3A_356, %mul3A_355 : f32
      %mul3A_358 = arith.mulf %bitcast_convert_type3A_351, %sub3A_357 : f32
      %mul3A_359 = arith.constant 5.000000e-01 : f32
      %mul3A_360 = arith.mulf %mul3A_359, %reduce_sum3A_348 : f32
      %mul3A_361 = arith.mulf %mul3A_360, %mul3A_358 : f32
      %mul3A_362 = arith.mulf %mul3A_361, %mul3A_358 : f32
      %sub3A_363 = arith.constant 1.500000e+00 : f32
      %sub3A_364 = arith.subf %sub3A_363, %mul3A_362 : f32
      %mul3A_365 = arith.mulf %mul3A_358, %sub3A_364 : f32
      %mul3A_366 = arith.mulf %get3A_293, %get3A_293 : vector<16xf32>
      %mul3A_367 = arith.mulf %get3A_296, %get3A_296 : vector<16xf32>
      %add3A_368 = arith.addf %mul3A_366, %mul3A_367 : vector<16xf32>
      %mul3A_369 = arith.mulf %get3A_299, %get3A_299 : vector<16xf32>
      %add3A_370 = arith.addf %add3A_368, %mul3A_369 : vector<16xf32>
      %mul3A_371 = arith.mulf %get3A_302, %get3A_302 : vector<16xf32>
      %add3A_372 = arith.addf %add3A_370, %mul3A_371 : vector<16xf32>
      %reduce_sum3A_373 = arith.constant true
      %reduce_sum3A_374 = vector.broadcast %reduce_sum3A_373 : i1 to vector<16xi1>
      %reduce_sum3A_375 = tpu.scan <sum>, %add3A_372 masked %reduce_sum3A_374 : vector<16xf32>, vector<16xi1> -> vector<16xf32>
      %reduce_sum3A_376 = vector.extract %reduce_sum3A_375[15] : f32 from vector<16xf32>
      %bitcast_convert_type3A_377 = arith.bitcast %reduce_sum3A_376 : f32 to i32
      %shift_right_arithmetic3A_378 = arith.constant 1 : i32
      %shift_right_arithmetic3A_379 = arith.shrsi %bitcast_convert_type3A_377, %shift_right_arithmetic3A_378 : i32
      %sub3A_380 = arith.constant 1597463007 : i32
      %sub3A_381 = arith.subi %sub3A_380, %shift_right_arithmetic3A_379 : i32
      %bitcast_convert_type3A_382 = arith.bitcast %sub3A_381 : i32 to f32
      %mul3A_383 = arith.constant 5.000000e-01 : f32
      %mul3A_384 = arith.mulf %mul3A_383, %reduce_sum3A_376 : f32
      %mul3A_385 = arith.mulf %mul3A_384, %bitcast_convert_type3A_382 : f32
      %mul3A_386 = arith.mulf %mul3A_385, %bitcast_convert_type3A_382 : f32
      %sub3A_387 = arith.constant 1.500000e+00 : f32
      %sub3A_388 = arith.subf %sub3A_387, %mul3A_386 : f32
      %mul3A_389 = arith.mulf %bitcast_convert_type3A_382, %sub3A_388 : f32
      %mul3A_390 = arith.constant 5.000000e-01 : f32
      %mul3A_391 = arith.mulf %mul3A_390, %reduce_sum3A_376 : f32
      %mul3A_392 = arith.mulf %mul3A_391, %mul3A_389 : f32
      %mul3A_393 = arith.mulf %mul3A_392, %mul3A_389 : f32
      %sub3A_394 = arith.constant 1.500000e+00 : f32
      %sub3A_395 = arith.subf %sub3A_394, %mul3A_393 : f32
      %mul3A_396 = arith.mulf %mul3A_389, %sub3A_395 : f32
      %mul3A_397 = arith.mulf %get3A_305, %get3A_305 : vector<16xf32>
      %mul3A_398 = arith.mulf %get3A_308, %get3A_308 : vector<16xf32>
      %add3A_399 = arith.addf %mul3A_397, %mul3A_398 : vector<16xf32>
      %mul3A_400 = arith.mulf %get3A_311, %get3A_311 : vector<16xf32>
      %add3A_401 = arith.addf %add3A_399, %mul3A_400 : vector<16xf32>
      %mul3A_402 = arith.mulf %get3A_314, %get3A_314 : vector<16xf32>
      %add3A_403 = arith.addf %add3A_401, %mul3A_402 : vector<16xf32>
      %reduce_sum3A_404 = arith.constant true
      %reduce_sum3A_405 = vector.broadcast %reduce_sum3A_404 : i1 to vector<16xi1>
      %reduce_sum3A_406 = tpu.scan <sum>, %add3A_403 masked %reduce_sum3A_405 : vector<16xf32>, vector<16xi1> -> vector<16xf32>
      %reduce_sum3A_407 = vector.extract %reduce_sum3A_406[15] : f32 from vector<16xf32>
      %bitcast_convert_type3A_408 = arith.bitcast %reduce_sum3A_407 : f32 to i32
      %shift_right_arithmetic3A_409 = arith.constant 1 : i32
      %shift_right_arithmetic3A_410 = arith.shrsi %bitcast_convert_type3A_408, %shift_right_arithmetic3A_409 : i32
      %sub3A_411 = arith.constant 1597463007 : i32
      %sub3A_412 = arith.subi %sub3A_411, %shift_right_arithmetic3A_410 : i32
      %bitcast_convert_type3A_413 = arith.bitcast %sub3A_412 : i32 to f32
      %mul3A_414 = arith.constant 5.000000e-01 : f32
      %mul3A_415 = arith.mulf %mul3A_414, %reduce_sum3A_407 : f32
      %mul3A_416 = arith.mulf %mul3A_415, %bitcast_convert_type3A_413 : f32
      %mul3A_417 = arith.mulf %mul3A_416, %bitcast_convert_type3A_413 : f32
      %sub3A_418 = arith.constant 1.500000e+00 : f32
      %sub3A_419 = arith.subf %sub3A_418, %mul3A_417 : f32
      %mul3A_420 = arith.mulf %bitcast_convert_type3A_413, %sub3A_419 : f32
      %mul3A_421 = arith.constant 5.000000e-01 : f32
      %mul3A_422 = arith.mulf %mul3A_421, %reduce_sum3A_407 : f32
      %mul3A_423 = arith.mulf %mul3A_422, %mul3A_420 : f32
      %mul3A_424 = arith.mulf %mul3A_423, %mul3A_420 : f32
      %sub3A_425 = arith.constant 1.500000e+00 : f32
      %sub3A_426 = arith.subf %sub3A_425, %mul3A_424 : f32
      %mul3A_427 = arith.mulf %mul3A_420, %sub3A_426 : f32
      %mul3A_428 = arith.mulf %get3A_329, %get3A_329 : vector<16xf32>
      %mul3A_429 = arith.mulf %get3A_332, %get3A_332 : vector<16xf32>
      %add3A_430 = arith.addf %mul3A_428, %mul3A_429 : vector<16xf32>
      %mul3A_431 = arith.mulf %get3A_335, %get3A_335 : vector<16xf32>
      %add3A_432 = arith.addf %add3A_430, %mul3A_431 : vector<16xf32>
      %mul3A_433 = arith.mulf %get3A_338, %get3A_338 : vector<16xf32>
      %add3A_434 = arith.addf %add3A_432, %mul3A_433 : vector<16xf32>
      %reduce_sum3A_435 = arith.constant true
      %reduce_sum3A_436 = vector.broadcast %reduce_sum3A_435 : i1 to vector<16xi1>
      %reduce_sum3A_437 = tpu.scan <sum>, %add3A_434 masked %reduce_sum3A_436 : vector<16xf32>, vector<16xi1> -> vector<16xf32>
      %reduce_sum3A_438 = vector.extract %reduce_sum3A_437[15] : f32 from vector<16xf32>
      %bitcast_convert_type3A_439 = arith.bitcast %reduce_sum3A_438 : f32 to i32
      %shift_right_arithmetic3A_440 = arith.constant 1 : i32
      %shift_right_arithmetic3A_441 = arith.shrsi %bitcast_convert_type3A_439, %shift_right_arithmetic3A_440 : i32
      %sub3A_442 = arith.constant 1597463007 : i32
      %sub3A_443 = arith.subi %sub3A_442, %shift_right_arithmetic3A_441 : i32
      %bitcast_convert_type3A_444 = arith.bitcast %sub3A_443 : i32 to f32
      %mul3A_445 = arith.constant 5.000000e-01 : f32
      %mul3A_446 = arith.mulf %mul3A_445, %reduce_sum3A_438 : f32
      %mul3A_447 = arith.mulf %mul3A_446, %bitcast_convert_type3A_444 : f32
      %mul3A_448 = arith.mulf %mul3A_447, %bitcast_convert_type3A_444 : f32
      %sub3A_449 = arith.constant 1.500000e+00 : f32
      %sub3A_450 = arith.subf %sub3A_449, %mul3A_448 : f32
      %mul3A_451 = arith.mulf %bitcast_convert_type3A_444, %sub3A_450 : f32
      %mul3A_452 = arith.constant 5.000000e-01 : f32
      %mul3A_453 = arith.mulf %mul3A_452, %reduce_sum3A_438 : f32
      %mul3A_454 = arith.mulf %mul3A_453, %mul3A_451 : f32
      %mul3A_455 = arith.mulf %mul3A_454, %mul3A_451 : f32
      %sub3A_456 = arith.constant 1.500000e+00 : f32
      %sub3A_457 = arith.subf %sub3A_456, %mul3A_455 : f32
      %mul3A_458 = arith.mulf %mul3A_451, %sub3A_457 : f32
      %mul3A_459 = vector.broadcast %mul3A_365 : f32 to vector<16xf32>
      %mul3A_460 = arith.mulf %get3A_269, %mul3A_459 : vector<16xf32>
      %add3A_461 = arith.addf %mul3A_460, %get3A_281 : vector<16xf32>
      %mul3A_462 = vector.broadcast %mul3A_396 : f32 to vector<16xf32>
      %mul3A_463 = arith.mulf %get3A_293, %mul3A_462 : vector<16xf32>
      %sub3A_464 = arith.subf %add3A_461, %mul3A_463 : vector<16xf32>
      %abs3A = math.absf %sub3A_464 : vector<16xf32>
      %mul3A_465 = vector.broadcast %mul3A_427 : f32 to vector<16xf32>
      %mul3A_466 = arith.mulf %get3A_305, %mul3A_465 : vector<16xf32>
      %add3A_467 = arith.addf %mul3A_466, %get3A_317 : vector<16xf32>
      %mul3A_468 = vector.broadcast %mul3A_458 : f32 to vector<16xf32>
      %mul3A_469 = arith.mulf %get3A_329, %mul3A_468 : vector<16xf32>
      %sub3A_470 = arith.subf %add3A_467, %mul3A_469 : vector<16xf32>
      %abs3A_471 = math.absf %sub3A_470 : vector<16xf32>
      %sub3A_472 = arith.subf %abs3A, %abs3A_471 : vector<16xf32>
      %mul3A_473 = vector.broadcast %mul3A_365 : f32 to vector<16xf32>
      %mul3A_474 = arith.mulf %get3A_272, %mul3A_473 : vector<16xf32>
      %add3A_475 = arith.addf %mul3A_474, %get3A_284 : vector<16xf32>
      %mul3A_476 = vector.broadcast %mul3A_396 : f32 to vector<16xf32>
      %mul3A_477 = arith.mulf %get3A_296, %mul3A_476 : vector<16xf32>
      %sub3A_478 = arith.subf %add3A_475, %mul3A_477 : vector<16xf32>
      %abs3A_479 = math.absf %sub3A_478 : vector<16xf32>
      %mul3A_480 = vector.broadcast %mul3A_427 : f32 to vector<16xf32>
      %mul3A_481 = arith.mulf %get3A_308, %mul3A_480 : vector<16xf32>
      %add3A_482 = arith.addf %mul3A_481, %get3A_320 : vector<16xf32>
      %mul3A_483 = vector.broadcast %mul3A_458 : f32 to vector<16xf32>
      %mul3A_484 = arith.mulf %get3A_332, %mul3A_483 : vector<16xf32>
      %sub3A_485 = arith.subf %add3A_482, %mul3A_484 : vector<16xf32>
      %abs3A_486 = math.absf %sub3A_485 : vector<16xf32>
      %sub3A_487 = arith.subf %abs3A_479, %abs3A_486 : vector<16xf32>
      %add3A_488 = arith.addf %sub3A_472, %sub3A_487 : vector<16xf32>
      %mul3A_489 = vector.broadcast %mul3A_365 : f32 to vector<16xf32>
      %mul3A_490 = arith.mulf %get3A_275, %mul3A_489 : vector<16xf32>
      %add3A_491 = arith.addf %mul3A_490, %get3A_287 : vector<16xf32>
      %mul3A_492 = vector.broadcast %mul3A_396 : f32 to vector<16xf32>
      %mul3A_493 = arith.mulf %get3A_299, %mul3A_492 : vector<16xf32>
      %sub3A_494 = arith.subf %add3A_491, %mul3A_493 : vector<16xf32>
      %abs3A_495 = math.absf %sub3A_494 : vector<16xf32>
      %mul3A_496 = vector.broadcast %mul3A_427 : f32 to vector<16xf32>
      %mul3A_497 = arith.mulf %get3A_311, %mul3A_496 : vector<16xf32>
      %add3A_498 = arith.addf %mul3A_497, %get3A_323 : vector<16xf32>
      %mul3A_499 = vector.broadcast %mul3A_458 : f32 to vector<16xf32>
      %mul3A_500 = arith.mulf %get3A_335, %mul3A_499 : vector<16xf32>
      %sub3A_501 = arith.subf %add3A_498, %mul3A_500 : vector<16xf32>
      %abs3A_502 = math.absf %sub3A_501 : vector<16xf32>
      %sub3A_503 = arith.subf %abs3A_495, %abs3A_502 : vector<16xf32>
      %add3A_504 = arith.addf %add3A_488, %sub3A_503 : vector<16xf32>
      %mul3A_505 = vector.broadcast %mul3A_365 : f32 to vector<16xf32>
      %mul3A_506 = arith.mulf %get3A_278, %mul3A_505 : vector<16xf32>
      %add3A_507 = arith.addf %mul3A_506, %get3A_290 : vector<16xf32>
      %mul3A_508 = vector.broadcast %mul3A_396 : f32 to vector<16xf32>
      %mul3A_509 = arith.mulf %get3A_302, %mul3A_508 : vector<16xf32>
      %sub3A_510 = arith.subf %add3A_507, %mul3A_509 : vector<16xf32>
      %abs3A_511 = math.absf %sub3A_510 : vector<16xf32>
      %mul3A_512 = vector.broadcast %mul3A_427 : f32 to vector<16xf32>
      %mul3A_513 = arith.mulf %get3A_314, %mul3A_512 : vector<16xf32>
      %add3A_514 = arith.addf %mul3A_513, %get3A_326 : vector<16xf32>
      %mul3A_515 = vector.broadcast %mul3A_458 : f32 to vector<16xf32>
      %mul3A_516 = arith.mulf %get3A_338, %mul3A_515 : vector<16xf32>
      %sub3A_517 = arith.subf %add3A_514, %mul3A_516 : vector<16xf32>
      %abs3A_518 = math.absf %sub3A_517 : vector<16xf32>
      %sub3A_519 = arith.subf %abs3A_511, %abs3A_518 : vector<16xf32>
      %add3A_520 = arith.addf %add3A_504, %sub3A_519 : vector<16xf32>
      %reduce_sum3A_521 = arith.constant true
      %reduce_sum3A_522 = vector.broadcast %reduce_sum3A_521 : i1 to vector<16xi1>
      %reduce_sum3A_523 = tpu.scan <sum>, %add3A_520 masked %reduce_sum3A_522 : vector<16xf32>, vector<16xi1> -> vector<16xf32>
      %reduce_sum3A_524 = vector.extract %reduce_sum3A_523[15] : f32 from vector<16xf32>
      %add3A_525 = arith.constant 1.000000e+00 : f32
      %add3A_526 = arith.addf %reduce_sum3A_524, %add3A_525 : f32
      %max3A = arith.constant 0.000000e+00 : f32
      %max3A_527 = arith.maximumf %add3A_526, %max3A : f32
      %add3A_528 = arith.addf %scan3A_267, %max3A_527 : f32
      scf.yield %add3A_528 : f32
    }
    %scan3A_198 = arith.constant 128 : i32
    %dma_start3A_199 = arith.constant 384 : i32
    %dma_start3A_200 = tpu.memref_slice %arg11[%dma_start3A_199] : memref<512xi32, #tpu.memory_space<vmem>> -> memref<128xi32, #tpu.memory_space<vmem>>
    %dma_start3A_201 = arith.constant 0 : i32
    %dma_start3A_202 = arith.constant 0 : i32
    %dma_start3A_203 = tpu.memref_slice %arg8[%dma_start3A_201, %dma_start3A_202] : memref<100000x64xf32, #tpu.memory_space<hbm>> -> memref<100000x64xf32, #tpu.memory_space<hbm>>
    tpu.enqueue_indirect_dma source(%dma_start3A_203 : memref<100000x64xf32, #tpu.memory_space<hbm>>) target(%arg17 : memref<128x64xf32, #tpu.memory_space<vmem>>) offsets(%dma_start3A_200 : memref<128xi32, #tpu.memory_space<vmem>>) semaphore(%arg24 : memref<!tpu.dma_semaphore, #tpu.memory_space<semaphore_mem>>)
    %dma_start3A_204 = arith.constant 384 : i32
    %dma_start3A_205 = tpu.memref_slice %arg12[%dma_start3A_204] : memref<512xi32, #tpu.memory_space<vmem>> -> memref<128xi32, #tpu.memory_space<vmem>>
    %dma_start3A_206 = arith.constant 0 : i32
    %dma_start3A_207 = arith.constant 0 : i32
    %dma_start3A_208 = tpu.memref_slice %arg9[%dma_start3A_206, %dma_start3A_207] : memref<100000x64xf32, #tpu.memory_space<hbm>> -> memref<100000x64xf32, #tpu.memory_space<hbm>>
    tpu.enqueue_indirect_dma source(%dma_start3A_208 : memref<100000x64xf32, #tpu.memory_space<hbm>>) target(%arg18 : memref<128x64xf32, #tpu.memory_space<vmem>>) offsets(%dma_start3A_205 : memref<128xi32, #tpu.memory_space<vmem>>) semaphore(%arg24 : memref<!tpu.dma_semaphore, #tpu.memory_space<semaphore_mem>>)
    %dma_start3A_209 = arith.constant 384 : i32
    %dma_start3A_210 = tpu.memref_slice %arg13[%dma_start3A_209] : memref<512xi32, #tpu.memory_space<vmem>> -> memref<128xi32, #tpu.memory_space<vmem>>
    %dma_start3A_211 = arith.constant 0 : i32
    %dma_start3A_212 = arith.constant 0 : i32
    %dma_start3A_213 = tpu.memref_slice %arg8[%dma_start3A_211, %dma_start3A_212] : memref<100000x64xf32, #tpu.memory_space<hbm>> -> memref<100000x64xf32, #tpu.memory_space<hbm>>
    tpu.enqueue_indirect_dma source(%dma_start3A_213 : memref<100000x64xf32, #tpu.memory_space<hbm>>) target(%arg19 : memref<128x64xf32, #tpu.memory_space<vmem>>) offsets(%dma_start3A_210 : memref<128xi32, #tpu.memory_space<vmem>>) semaphore(%arg24 : memref<!tpu.dma_semaphore, #tpu.memory_space<semaphore_mem>>)
    %dma_start3A_214 = arith.constant 384 : i32
    %dma_start3A_215 = tpu.memref_slice %arg14[%dma_start3A_214] : memref<512xi32, #tpu.memory_space<vmem>> -> memref<128xi32, #tpu.memory_space<vmem>>
    %dma_start3A_216 = arith.constant 0 : i32
    %dma_start3A_217 = arith.constant 0 : i32
    %dma_start3A_218 = tpu.memref_slice %arg8[%dma_start3A_216, %dma_start3A_217] : memref<100000x64xf32, #tpu.memory_space<hbm>> -> memref<100000x64xf32, #tpu.memory_space<hbm>>
    tpu.enqueue_indirect_dma source(%dma_start3A_218 : memref<100000x64xf32, #tpu.memory_space<hbm>>) target(%arg20 : memref<128x64xf32, #tpu.memory_space<vmem>>) offsets(%dma_start3A_215 : memref<128xi32, #tpu.memory_space<vmem>>) semaphore(%arg24 : memref<!tpu.dma_semaphore, #tpu.memory_space<semaphore_mem>>)
    %dma_start3A_219 = arith.constant 384 : i32
    %dma_start3A_220 = tpu.memref_slice %arg15[%dma_start3A_219] : memref<512xi32, #tpu.memory_space<vmem>> -> memref<128xi32, #tpu.memory_space<vmem>>
    %dma_start3A_221 = arith.constant 0 : i32
    %dma_start3A_222 = arith.constant 0 : i32
    %dma_start3A_223 = tpu.memref_slice %arg9[%dma_start3A_221, %dma_start3A_222] : memref<100000x64xf32, #tpu.memory_space<hbm>> -> memref<100000x64xf32, #tpu.memory_space<hbm>>
    tpu.enqueue_indirect_dma source(%dma_start3A_223 : memref<100000x64xf32, #tpu.memory_space<hbm>>) target(%arg21 : memref<128x64xf32, #tpu.memory_space<vmem>>) offsets(%dma_start3A_220 : memref<128xi32, #tpu.memory_space<vmem>>) semaphore(%arg24 : memref<!tpu.dma_semaphore, #tpu.memory_space<semaphore_mem>>)
    %dma_start3A_224 = arith.constant 384 : i32
    %dma_start3A_225 = tpu.memref_slice %arg16[%dma_start3A_224] : memref<512xi32, #tpu.memory_space<vmem>> -> memref<128xi32, #tpu.memory_space<vmem>>
    %dma_start3A_226 = arith.constant 0 : i32
    %dma_start3A_227 = arith.constant 0 : i32
    %dma_start3A_228 = tpu.memref_slice %arg8[%dma_start3A_226, %dma_start3A_227] : memref<100000x64xf32, #tpu.memory_space<hbm>> -> memref<100000x64xf32, #tpu.memory_space<hbm>>
    tpu.enqueue_indirect_dma source(%dma_start3A_228 : memref<100000x64xf32, #tpu.memory_space<hbm>>) target(%arg22 : memref<128x64xf32, #tpu.memory_space<vmem>>) offsets(%dma_start3A_225 : memref<128xi32, #tpu.memory_space<vmem>>) semaphore(%arg24 : memref<!tpu.dma_semaphore, #tpu.memory_space<semaphore_mem>>)
    %dma_wait3A_229 = arith.constant 384 : i32
    %dma_wait3A_230 = tpu.memref_slice %arg11[%dma_wait3A_229] : memref<512xi32, #tpu.memory_space<vmem>> -> memref<128xi32, #tpu.memory_space<vmem>>
    %dma_wait3A_231 = arith.constant 0 : i32
    %dma_wait3A_232 = arith.constant 0 : i32
    %dma_wait3A_233 = tpu.memref_slice %arg8[%dma_wait3A_231, %dma_wait3A_232] : memref<100000x64xf32, #tpu.memory_space<hbm>> -> memref<100000x64xf32, #tpu.memory_space<hbm>>
    tpu.wait_indirect_dma semaphore(%arg24 : memref<!tpu.dma_semaphore, #tpu.memory_space<semaphore_mem>>) src(%dma_wait3A_233 : memref<100000x64xf32, #tpu.memory_space<hbm>>) dst(%arg17 : memref<128x64xf32, #tpu.memory_space<vmem>>)
    %dma_wait3A_234 = arith.constant 384 : i32
    %dma_wait3A_235 = tpu.memref_slice %arg12[%dma_wait3A_234] : memref<512xi32, #tpu.memory_space<vmem>> -> memref<128xi32, #tpu.memory_space<vmem>>
    %dma_wait3A_236 = arith.constant 0 : i32
    %dma_wait3A_237 = arith.constant 0 : i32
    %dma_wait3A_238 = tpu.memref_slice %arg9[%dma_wait3A_236, %dma_wait3A_237] : memref<100000x64xf32, #tpu.memory_space<hbm>> -> memref<100000x64xf32, #tpu.memory_space<hbm>>
    tpu.wait_indirect_dma semaphore(%arg24 : memref<!tpu.dma_semaphore, #tpu.memory_space<semaphore_mem>>) src(%dma_wait3A_238 : memref<100000x64xf32, #tpu.memory_space<hbm>>) dst(%arg18 : memref<128x64xf32, #tpu.memory_space<vmem>>)
    %dma_wait3A_239 = arith.constant 384 : i32
    %dma_wait3A_240 = tpu.memref_slice %arg13[%dma_wait3A_239] : memref<512xi32, #tpu.memory_space<vmem>> -> memref<128xi32, #tpu.memory_space<vmem>>
    %dma_wait3A_241 = arith.constant 0 : i32
    %dma_wait3A_242 = arith.constant 0 : i32
    %dma_wait3A_243 = tpu.memref_slice %arg8[%dma_wait3A_241, %dma_wait3A_242] : memref<100000x64xf32, #tpu.memory_space<hbm>> -> memref<100000x64xf32, #tpu.memory_space<hbm>>
    tpu.wait_indirect_dma semaphore(%arg24 : memref<!tpu.dma_semaphore, #tpu.memory_space<semaphore_mem>>) src(%dma_wait3A_243 : memref<100000x64xf32, #tpu.memory_space<hbm>>) dst(%arg19 : memref<128x64xf32, #tpu.memory_space<vmem>>)
    %dma_wait3A_244 = arith.constant 384 : i32
    %dma_wait3A_245 = tpu.memref_slice %arg14[%dma_wait3A_244] : memref<512xi32, #tpu.memory_space<vmem>> -> memref<128xi32, #tpu.memory_space<vmem>>
    %dma_wait3A_246 = arith.constant 0 : i32
    %dma_wait3A_247 = arith.constant 0 : i32
    %dma_wait3A_248 = tpu.memref_slice %arg8[%dma_wait3A_246, %dma_wait3A_247] : memref<100000x64xf32, #tpu.memory_space<hbm>> -> memref<100000x64xf32, #tpu.memory_space<hbm>>
    tpu.wait_indirect_dma semaphore(%arg24 : memref<!tpu.dma_semaphore, #tpu.memory_space<semaphore_mem>>) src(%dma_wait3A_248 : memref<100000x64xf32, #tpu.memory_space<hbm>>) dst(%arg20 : memref<128x64xf32, #tpu.memory_space<vmem>>)
    %dma_wait3A_249 = arith.constant 384 : i32
    %dma_wait3A_250 = tpu.memref_slice %arg15[%dma_wait3A_249] : memref<512xi32, #tpu.memory_space<vmem>> -> memref<128xi32, #tpu.memory_space<vmem>>
    %dma_wait3A_251 = arith.constant 0 : i32
    %dma_wait3A_252 = arith.constant 0 : i32
    %dma_wait3A_253 = tpu.memref_slice %arg9[%dma_wait3A_251, %dma_wait3A_252] : memref<100000x64xf32, #tpu.memory_space<hbm>> -> memref<100000x64xf32, #tpu.memory_space<hbm>>
    tpu.wait_indirect_dma semaphore(%arg24 : memref<!tpu.dma_semaphore, #tpu.memory_space<semaphore_mem>>) src(%dma_wait3A_253 : memref<100000x64xf32, #tpu.memory_space<hbm>>) dst(%arg21 : memref<128x64xf32, #tpu.memory_space<vmem>>)
    %dma_wait3A_254 = arith.constant 384 : i32
    %dma_wait3A_255 = tpu.memref_slice %arg16[%dma_wait3A_254] : memref<512xi32, #tpu.memory_space<vmem>> -> memref<128xi32, #tpu.memory_space<vmem>>
    %dma_wait3A_256 = arith.constant 0 : i32
    %dma_wait3A_257 = arith.constant 0 : i32
    %dma_wait3A_258 = tpu.memref_slice %arg8[%dma_wait3A_256, %dma_wait3A_257] : memref<100000x64xf32, #tpu.memory_space<hbm>> -> memref<100000x64xf32, #tpu.memory_space<hbm>>
    tpu.wait_indirect_dma semaphore(%arg24 : memref<!tpu.dma_semaphore, #tpu.memory_space<semaphore_mem>>) src(%dma_wait3A_258 : memref<100000x64xf32, #tpu.memory_space<hbm>>) dst(%arg22 : memref<128x64xf32, #tpu.memory_space<vmem>>)
    %scan3A_259 = arith.constant 0 : i32
    %scan3A_260 = arith.constant 128 : i32
    %scan3A_261 = arith.addi %scan3A_259, %scan3A_260 : i32
    %scan3A_262 = arith.constant 1 : i32
    %scan3A_263 = scf.for %scan3A_266 = %scan3A_259 to %scan3A_261 step %scan3A_262 iter_args(%scan3A_267 = %scan3A_197) -> (f32)  : i32 {
      %get3A = arith.index_cast %scan3A_266 : i32 to index
      %get3A_268 = arith.constant 0 : index
      %get3A_269 = tpu.vector_load %arg17[%get3A, %get3A_268] {strides = array<i32>} : memref<128x64xf32, #tpu.memory_space<vmem>>, vector<16xf32>,
      %get3A_270 = arith.index_cast %scan3A_266 : i32 to index
      %get3A_271 = arith.constant 16 : index
      %get3A_272 = tpu.vector_load %arg17[%get3A_270, %get3A_271] {strides = array<i32>} : memref<128x64xf32, #tpu.memory_space<vmem>>, vector<16xf32>,
      %get3A_273 = arith.index_cast %scan3A_266 : i32 to index
      %get3A_274 = arith.constant 32 : index
      %get3A_275 = tpu.vector_load %arg17[%get3A_273, %get3A_274] {strides = array<i32>} : memref<128x64xf32, #tpu.memory_space<vmem>>, vector<16xf32>,
      %get3A_276 = arith.index_cast %scan3A_266 : i32 to index
      %get3A_277 = arith.constant 48 : index
      %get3A_278 = tpu.vector_load %arg17[%get3A_276, %get3A_277] {strides = array<i32>} : memref<128x64xf32, #tpu.memory_space<vmem>>, vector<16xf32>,
      %get3A_279 = arith.index_cast %scan3A_266 : i32 to index
      %get3A_280 = arith.constant 0 : index
      %get3A_281 = tpu.vector_load %arg18[%get3A_279, %get3A_280] {strides = array<i32>} : memref<128x64xf32, #tpu.memory_space<vmem>>, vector<16xf32>,
      %get3A_282 = arith.index_cast %scan3A_266 : i32 to index
      %get3A_283 = arith.constant 16 : index
      %get3A_284 = tpu.vector_load %arg18[%get3A_282, %get3A_283] {strides = array<i32>} : memref<128x64xf32, #tpu.memory_space<vmem>>, vector<16xf32>,
      %get3A_285 = arith.index_cast %scan3A_266 : i32 to index
      %get3A_286 = arith.constant 32 : index
      %get3A_287 = tpu.vector_load %arg18[%get3A_285, %get3A_286] {strides = array<i32>} : memref<128x64xf32, #tpu.memory_space<vmem>>, vector<16xf32>,
      %get3A_288 = arith.index_cast %scan3A_266 : i32 to index
      %get3A_289 = arith.constant 48 : index
      %get3A_290 = tpu.vector_load %arg18[%get3A_288, %get3A_289] {strides = array<i32>} : memref<128x64xf32, #tpu.memory_space<vmem>>, vector<16xf32>,
      %get3A_291 = arith.index_cast %scan3A_266 : i32 to index
      %get3A_292 = arith.constant 0 : index
      %get3A_293 = tpu.vector_load %arg19[%get3A_291, %get3A_292] {strides = array<i32>} : memref<128x64xf32, #tpu.memory_space<vmem>>, vector<16xf32>,
      %get3A_294 = arith.index_cast %scan3A_266 : i32 to index
      %get3A_295 = arith.constant 16 : index
      %get3A_296 = tpu.vector_load %arg19[%get3A_294, %get3A_295] {strides = array<i32>} : memref<128x64xf32, #tpu.memory_space<vmem>>, vector<16xf32>,
      %get3A_297 = arith.index_cast %scan3A_266 : i32 to index
      %get3A_298 = arith.constant 32 : index
      %get3A_299 = tpu.vector_load %arg19[%get3A_297, %get3A_298] {strides = array<i32>} : memref<128x64xf32, #tpu.memory_space<vmem>>, vector<16xf32>,
      %get3A_300 = arith.index_cast %scan3A_266 : i32 to index
      %get3A_301 = arith.constant 48 : index
      %get3A_302 = tpu.vector_load %arg19[%get3A_300, %get3A_301] {strides = array<i32>} : memref<128x64xf32, #tpu.memory_space<vmem>>, vector<16xf32>,
      %get3A_303 = arith.index_cast %scan3A_266 : i32 to index
      %get3A_304 = arith.constant 0 : index
      %get3A_305 = tpu.vector_load %arg20[%get3A_303, %get3A_304] {strides = array<i32>} : memref<128x64xf32, #tpu.memory_space<vmem>>, vector<16xf32>,
      %get3A_306 = arith.index_cast %scan3A_266 : i32 to index
      %get3A_307 = arith.constant 16 : index
      %get3A_308 = tpu.vector_load %arg20[%get3A_306, %get3A_307] {strides = array<i32>} : memref<128x64xf32, #tpu.memory_space<vmem>>, vector<16xf32>,
      %get3A_309 = arith.index_cast %scan3A_266 : i32 to index
      %get3A_310 = arith.constant 32 : index
      %get3A_311 = tpu.vector_load %arg20[%get3A_309, %get3A_310] {strides = array<i32>} : memref<128x64xf32, #tpu.memory_space<vmem>>, vector<16xf32>,
      %get3A_312 = arith.index_cast %scan3A_266 : i32 to index
      %get3A_313 = arith.constant 48 : index
      %get3A_314 = tpu.vector_load %arg20[%get3A_312, %get3A_313] {strides = array<i32>} : memref<128x64xf32, #tpu.memory_space<vmem>>, vector<16xf32>,
      %get3A_315 = arith.index_cast %scan3A_266 : i32 to index
      %get3A_316 = arith.constant 0 : index
      %get3A_317 = tpu.vector_load %arg21[%get3A_315, %get3A_316] {strides = array<i32>} : memref<128x64xf32, #tpu.memory_space<vmem>>, vector<16xf32>,
      %get3A_318 = arith.index_cast %scan3A_266 : i32 to index
      %get3A_319 = arith.constant 16 : index
      %get3A_320 = tpu.vector_load %arg21[%get3A_318, %get3A_319] {strides = array<i32>} : memref<128x64xf32, #tpu.memory_space<vmem>>, vector<16xf32>,
      %get3A_321 = arith.index_cast %scan3A_266 : i32 to index
      %get3A_322 = arith.constant 32 : index
      %get3A_323 = tpu.vector_load %arg21[%get3A_321, %get3A_322] {strides = array<i32>} : memref<128x64xf32, #tpu.memory_space<vmem>>, vector<16xf32>,
      %get3A_324 = arith.index_cast %scan3A_266 : i32 to index
      %get3A_325 = arith.constant 48 : index
      %get3A_326 = tpu.vector_load %arg21[%get3A_324, %get3A_325] {strides = array<i32>} : memref<128x64xf32, #tpu.memory_space<vmem>>, vector<16xf32>,
      %get3A_327 = arith.index_cast %scan3A_266 : i32 to index
      %get3A_328 = arith.constant 0 : index
      %get3A_329 = tpu.vector_load %arg22[%get3A_327, %get3A_328] {strides = array<i32>} : memref<128x64xf32, #tpu.memory_space<vmem>>, vector<16xf32>,
      %get3A_330 = arith.index_cast %scan3A_266 : i32 to index
      %get3A_331 = arith.constant 16 : index
      %get3A_332 = tpu.vector_load %arg22[%get3A_330, %get3A_331] {strides = array<i32>} : memref<128x64xf32, #tpu.memory_space<vmem>>, vector<16xf32>,
      %get3A_333 = arith.index_cast %scan3A_266 : i32 to index
      %get3A_334 = arith.constant 32 : index
      %get3A_335 = tpu.vector_load %arg22[%get3A_333, %get3A_334] {strides = array<i32>} : memref<128x64xf32, #tpu.memory_space<vmem>>, vector<16xf32>,
      %get3A_336 = arith.index_cast %scan3A_266 : i32 to index
      %get3A_337 = arith.constant 48 : index
      %get3A_338 = tpu.vector_load %arg22[%get3A_336, %get3A_337] {strides = array<i32>} : memref<128x64xf32, #tpu.memory_space<vmem>>, vector<16xf32>,
      %mul3A_339 = arith.mulf %get3A_269, %get3A_269 : vector<16xf32>
      %mul3A_340 = arith.mulf %get3A_272, %get3A_272 : vector<16xf32>
      %add3A_341 = arith.addf %mul3A_339, %mul3A_340 : vector<16xf32>
      %mul3A_342 = arith.mulf %get3A_275, %get3A_275 : vector<16xf32>
      %add3A_343 = arith.addf %add3A_341, %mul3A_342 : vector<16xf32>
      %mul3A_344 = arith.mulf %get3A_278, %get3A_278 : vector<16xf32>
      %add3A_345 = arith.addf %add3A_343, %mul3A_344 : vector<16xf32>
      %reduce_sum3A = arith.constant true
      %reduce_sum3A_346 = vector.broadcast %reduce_sum3A : i1 to vector<16xi1>
      %reduce_sum3A_347 = tpu.scan <sum>, %add3A_345 masked %reduce_sum3A_346 : vector<16xf32>, vector<16xi1> -> vector<16xf32>
      %reduce_sum3A_348 = vector.extract %reduce_sum3A_347[15] : f32 from vector<16xf32>
      %bitcast_convert_type3A = arith.bitcast %reduce_sum3A_348 : f32 to i32
      %shift_right_arithmetic3A = arith.constant 1 : i32
      %shift_right_arithmetic3A_349 = arith.shrsi %bitcast_convert_type3A, %shift_right_arithmetic3A : i32
      %sub3A = arith.constant 1597463007 : i32
      %sub3A_350 = arith.subi %sub3A, %shift_right_arithmetic3A_349 : i32
      %bitcast_convert_type3A_351 = arith.bitcast %sub3A_350 : i32 to f32
      %mul3A_352 = arith.constant 5.000000e-01 : f32
      %mul3A_353 = arith.mulf %mul3A_352, %reduce_sum3A_348 : f32
      %mul3A_354 = arith.mulf %mul3A_353, %bitcast_convert_type3A_351 : f32
      %mul3A_355 = arith.mulf %mul3A_354, %bitcast_convert_type3A_351 : f32
      %sub3A_356 = arith.constant 1.500000e+00 : f32
      %sub3A_357 = arith.subf %sub3A_356, %mul3A_355 : f32
      %mul3A_358 = arith.mulf %bitcast_convert_type3A_351, %sub3A_357 : f32
      %mul3A_359 = arith.constant 5.000000e-01 : f32
      %mul3A_360 = arith.mulf %mul3A_359, %reduce_sum3A_348 : f32
      %mul3A_361 = arith.mulf %mul3A_360, %mul3A_358 : f32
      %mul3A_362 = arith.mulf %mul3A_361, %mul3A_358 : f32
      %sub3A_363 = arith.constant 1.500000e+00 : f32
      %sub3A_364 = arith.subf %sub3A_363, %mul3A_362 : f32
      %mul3A_365 = arith.mulf %mul3A_358, %sub3A_364 : f32
      %mul3A_366 = arith.mulf %get3A_293, %get3A_293 : vector<16xf32>
      %mul3A_367 = arith.mulf %get3A_296, %get3A_296 : vector<16xf32>
      %add3A_368 = arith.addf %mul3A_366, %mul3A_367 : vector<16xf32>
      %mul3A_369 = arith.mulf %get3A_299, %get3A_299 : vector<16xf32>
      %add3A_370 = arith.addf %add3A_368, %mul3A_369 : vector<16xf32>
      %mul3A_371 = arith.mulf %get3A_302, %get3A_302 : vector<16xf32>
      %add3A_372 = arith.addf %add3A_370, %mul3A_371 : vector<16xf32>
      %reduce_sum3A_373 = arith.constant true
      %reduce_sum3A_374 = vector.broadcast %reduce_sum3A_373 : i1 to vector<16xi1>
      %reduce_sum3A_375 = tpu.scan <sum>, %add3A_372 masked %reduce_sum3A_374 : vector<16xf32>, vector<16xi1> -> vector<16xf32>
      %reduce_sum3A_376 = vector.extract %reduce_sum3A_375[15] : f32 from vector<16xf32>
      %bitcast_convert_type3A_377 = arith.bitcast %reduce_sum3A_376 : f32 to i32
      %shift_right_arithmetic3A_378 = arith.constant 1 : i32
      %shift_right_arithmetic3A_379 = arith.shrsi %bitcast_convert_type3A_377, %shift_right_arithmetic3A_378 : i32
      %sub3A_380 = arith.constant 1597463007 : i32
      %sub3A_381 = arith.subi %sub3A_380, %shift_right_arithmetic3A_379 : i32
      %bitcast_convert_type3A_382 = arith.bitcast %sub3A_381 : i32 to f32
      %mul3A_383 = arith.constant 5.000000e-01 : f32
      %mul3A_384 = arith.mulf %mul3A_383, %reduce_sum3A_376 : f32
      %mul3A_385 = arith.mulf %mul3A_384, %bitcast_convert_type3A_382 : f32
      %mul3A_386 = arith.mulf %mul3A_385, %bitcast_convert_type3A_382 : f32
      %sub3A_387 = arith.constant 1.500000e+00 : f32
      %sub3A_388 = arith.subf %sub3A_387, %mul3A_386 : f32
      %mul3A_389 = arith.mulf %bitcast_convert_type3A_382, %sub3A_388 : f32
      %mul3A_390 = arith.constant 5.000000e-01 : f32
      %mul3A_391 = arith.mulf %mul3A_390, %reduce_sum3A_376 : f32
      %mul3A_392 = arith.mulf %mul3A_391, %mul3A_389 : f32
      %mul3A_393 = arith.mulf %mul3A_392, %mul3A_389 : f32
      %sub3A_394 = arith.constant 1.500000e+00 : f32
      %sub3A_395 = arith.subf %sub3A_394, %mul3A_393 : f32
      %mul3A_396 = arith.mulf %mul3A_389, %sub3A_395 : f32
      %mul3A_397 = arith.mulf %get3A_305, %get3A_305 : vector<16xf32>
      %mul3A_398 = arith.mulf %get3A_308, %get3A_308 : vector<16xf32>
      %add3A_399 = arith.addf %mul3A_397, %mul3A_398 : vector<16xf32>
      %mul3A_400 = arith.mulf %get3A_311, %get3A_311 : vector<16xf32>
      %add3A_401 = arith.addf %add3A_399, %mul3A_400 : vector<16xf32>
      %mul3A_402 = arith.mulf %get3A_314, %get3A_314 : vector<16xf32>
      %add3A_403 = arith.addf %add3A_401, %mul3A_402 : vector<16xf32>
      %reduce_sum3A_404 = arith.constant true
      %reduce_sum3A_405 = vector.broadcast %reduce_sum3A_404 : i1 to vector<16xi1>
      %reduce_sum3A_406 = tpu.scan <sum>, %add3A_403 masked %reduce_sum3A_405 : vector<16xf32>, vector<16xi1> -> vector<16xf32>
      %reduce_sum3A_407 = vector.extract %reduce_sum3A_406[15] : f32 from vector<16xf32>
      %bitcast_convert_type3A_408 = arith.bitcast %reduce_sum3A_407 : f32 to i32
      %shift_right_arithmetic3A_409 = arith.constant 1 : i32
      %shift_right_arithmetic3A_410 = arith.shrsi %bitcast_convert_type3A_408, %shift_right_arithmetic3A_409 : i32
      %sub3A_411 = arith.constant 1597463007 : i32
      %sub3A_412 = arith.subi %sub3A_411, %shift_right_arithmetic3A_410 : i32
      %bitcast_convert_type3A_413 = arith.bitcast %sub3A_412 : i32 to f32
      %mul3A_414 = arith.constant 5.000000e-01 : f32
      %mul3A_415 = arith.mulf %mul3A_414, %reduce_sum3A_407 : f32
      %mul3A_416 = arith.mulf %mul3A_415, %bitcast_convert_type3A_413 : f32
      %mul3A_417 = arith.mulf %mul3A_416, %bitcast_convert_type3A_413 : f32
      %sub3A_418 = arith.constant 1.500000e+00 : f32
      %sub3A_419 = arith.subf %sub3A_418, %mul3A_417 : f32
      %mul3A_420 = arith.mulf %bitcast_convert_type3A_413, %sub3A_419 : f32
      %mul3A_421 = arith.constant 5.000000e-01 : f32
      %mul3A_422 = arith.mulf %mul3A_421, %reduce_sum3A_407 : f32
      %mul3A_423 = arith.mulf %mul3A_422, %mul3A_420 : f32
      %mul3A_424 = arith.mulf %mul3A_423, %mul3A_420 : f32
      %sub3A_425 = arith.constant 1.500000e+00 : f32
      %sub3A_426 = arith.subf %sub3A_425, %mul3A_424 : f32
      %mul3A_427 = arith.mulf %mul3A_420, %sub3A_426 : f32
      %mul3A_428 = arith.mulf %get3A_329, %get3A_329 : vector<16xf32>
      %mul3A_429 = arith.mulf %get3A_332, %get3A_332 : vector<16xf32>
      %add3A_430 = arith.addf %mul3A_428, %mul3A_429 : vector<16xf32>
      %mul3A_431 = arith.mulf %get3A_335, %get3A_335 : vector<16xf32>
      %add3A_432 = arith.addf %add3A_430, %mul3A_431 : vector<16xf32>
      %mul3A_433 = arith.mulf %get3A_338, %get3A_338 : vector<16xf32>
      %add3A_434 = arith.addf %add3A_432, %mul3A_433 : vector<16xf32>
      %reduce_sum3A_435 = arith.constant true
      %reduce_sum3A_436 = vector.broadcast %reduce_sum3A_435 : i1 to vector<16xi1>
      %reduce_sum3A_437 = tpu.scan <sum>, %add3A_434 masked %reduce_sum3A_436 : vector<16xf32>, vector<16xi1> -> vector<16xf32>
      %reduce_sum3A_438 = vector.extract %reduce_sum3A_437[15] : f32 from vector<16xf32>
      %bitcast_convert_type3A_439 = arith.bitcast %reduce_sum3A_438 : f32 to i32
      %shift_right_arithmetic3A_440 = arith.constant 1 : i32
      %shift_right_arithmetic3A_441 = arith.shrsi %bitcast_convert_type3A_439, %shift_right_arithmetic3A_440 : i32
      %sub3A_442 = arith.constant 1597463007 : i32
      %sub3A_443 = arith.subi %sub3A_442, %shift_right_arithmetic3A_441 : i32
      %bitcast_convert_type3A_444 = arith.bitcast %sub3A_443 : i32 to f32
      %mul3A_445 = arith.constant 5.000000e-01 : f32
      %mul3A_446 = arith.mulf %mul3A_445, %reduce_sum3A_438 : f32
      %mul3A_447 = arith.mulf %mul3A_446, %bitcast_convert_type3A_444 : f32
      %mul3A_448 = arith.mulf %mul3A_447, %bitcast_convert_type3A_444 : f32
      %sub3A_449 = arith.constant 1.500000e+00 : f32
      %sub3A_450 = arith.subf %sub3A_449, %mul3A_448 : f32
      %mul3A_451 = arith.mulf %bitcast_convert_type3A_444, %sub3A_450 : f32
      %mul3A_452 = arith.constant 5.000000e-01 : f32
      %mul3A_453 = arith.mulf %mul3A_452, %reduce_sum3A_438 : f32
      %mul3A_454 = arith.mulf %mul3A_453, %mul3A_451 : f32
      %mul3A_455 = arith.mulf %mul3A_454, %mul3A_451 : f32
      %sub3A_456 = arith.constant 1.500000e+00 : f32
      %sub3A_457 = arith.subf %sub3A_456, %mul3A_455 : f32
      %mul3A_458 = arith.mulf %mul3A_451, %sub3A_457 : f32
      %mul3A_459 = vector.broadcast %mul3A_365 : f32 to vector<16xf32>
      %mul3A_460 = arith.mulf %get3A_269, %mul3A_459 : vector<16xf32>
      %add3A_461 = arith.addf %mul3A_460, %get3A_281 : vector<16xf32>
      %mul3A_462 = vector.broadcast %mul3A_396 : f32 to vector<16xf32>
      %mul3A_463 = arith.mulf %get3A_293, %mul3A_462 : vector<16xf32>
      %sub3A_464 = arith.subf %add3A_461, %mul3A_463 : vector<16xf32>
      %abs3A = math.absf %sub3A_464 : vector<16xf32>
      %mul3A_465 = vector.broadcast %mul3A_427 : f32 to vector<16xf32>
      %mul3A_466 = arith.mulf %get3A_305, %mul3A_465 : vector<16xf32>
      %add3A_467 = arith.addf %mul3A_466, %get3A_317 : vector<16xf32>
      %mul3A_468 = vector.broadcast %mul3A_458 : f32 to vector<16xf32>
      %mul3A_469 = arith.mulf %get3A_329, %mul3A_468 : vector<16xf32>
      %sub3A_470 = arith.subf %add3A_467, %mul3A_469 : vector<16xf32>
      %abs3A_471 = math.absf %sub3A_470 : vector<16xf32>
      %sub3A_472 = arith.subf %abs3A, %abs3A_471 : vector<16xf32>
      %mul3A_473 = vector.broadcast %mul3A_365 : f32 to vector<16xf32>
      %mul3A_474 = arith.mulf %get3A_272, %mul3A_473 : vector<16xf32>
      %add3A_475 = arith.addf %mul3A_474, %get3A_284 : vector<16xf32>
      %mul3A_476 = vector.broadcast %mul3A_396 : f32 to vector<16xf32>
      %mul3A_477 = arith.mulf %get3A_296, %mul3A_476 : vector<16xf32>
      %sub3A_478 = arith.subf %add3A_475, %mul3A_477 : vector<16xf32>
      %abs3A_479 = math.absf %sub3A_478 : vector<16xf32>
      %mul3A_480 = vector.broadcast %mul3A_427 : f32 to vector<16xf32>
      %mul3A_481 = arith.mulf %get3A_308, %mul3A_480 : vector<16xf32>
      %add3A_482 = arith.addf %mul3A_481, %get3A_320 : vector<16xf32>
      %mul3A_483 = vector.broadcast %mul3A_458 : f32 to vector<16xf32>
      %mul3A_484 = arith.mulf %get3A_332, %mul3A_483 : vector<16xf32>
      %sub3A_485 = arith.subf %add3A_482, %mul3A_484 : vector<16xf32>
      %abs3A_486 = math.absf %sub3A_485 : vector<16xf32>
      %sub3A_487 = arith.subf %abs3A_479, %abs3A_486 : vector<16xf32>
      %add3A_488 = arith.addf %sub3A_472, %sub3A_487 : vector<16xf32>
      %mul3A_489 = vector.broadcast %mul3A_365 : f32 to vector<16xf32>
      %mul3A_490 = arith.mulf %get3A_275, %mul3A_489 : vector<16xf32>
      %add3A_491 = arith.addf %mul3A_490, %get3A_287 : vector<16xf32>
      %mul3A_492 = vector.broadcast %mul3A_396 : f32 to vector<16xf32>
      %mul3A_493 = arith.mulf %get3A_299, %mul3A_492 : vector<16xf32>
      %sub3A_494 = arith.subf %add3A_491, %mul3A_493 : vector<16xf32>
      %abs3A_495 = math.absf %sub3A_494 : vector<16xf32>
      %mul3A_496 = vector.broadcast %mul3A_427 : f32 to vector<16xf32>
      %mul3A_497 = arith.mulf %get3A_311, %mul3A_496 : vector<16xf32>
      %add3A_498 = arith.addf %mul3A_497, %get3A_323 : vector<16xf32>
      %mul3A_499 = vector.broadcast %mul3A_458 : f32 to vector<16xf32>
      %mul3A_500 = arith.mulf %get3A_335, %mul3A_499 : vector<16xf32>
      %sub3A_501 = arith.subf %add3A_498, %mul3A_500 : vector<16xf32>
      %abs3A_502 = math.absf %sub3A_501 : vector<16xf32>
      %sub3A_503 = arith.subf %abs3A_495, %abs3A_502 : vector<16xf32>
      %add3A_504 = arith.addf %add3A_488, %sub3A_503 : vector<16xf32>
      %mul3A_505 = vector.broadcast %mul3A_365 : f32 to vector<16xf32>
      %mul3A_506 = arith.mulf %get3A_278, %mul3A_505 : vector<16xf32>
      %add3A_507 = arith.addf %mul3A_506, %get3A_290 : vector<16xf32>
      %mul3A_508 = vector.broadcast %mul3A_396 : f32 to vector<16xf32>
      %mul3A_509 = arith.mulf %get3A_302, %mul3A_508 : vector<16xf32>
      %sub3A_510 = arith.subf %add3A_507, %mul3A_509 : vector<16xf32>
      %abs3A_511 = math.absf %sub3A_510 : vector<16xf32>
      %mul3A_512 = vector.broadcast %mul3A_427 : f32 to vector<16xf32>
      %mul3A_513 = arith.mulf %get3A_314, %mul3A_512 : vector<16xf32>
      %add3A_514 = arith.addf %mul3A_513, %get3A_326 : vector<16xf32>
      %mul3A_515 = vector.broadcast %mul3A_458 : f32 to vector<16xf32>
      %mul3A_516 = arith.mulf %get3A_338, %mul3A_515 : vector<16xf32>
      %sub3A_517 = arith.subf %add3A_514, %mul3A_516 : vector<16xf32>
      %abs3A_518 = math.absf %sub3A_517 : vector<16xf32>
      %sub3A_519 = arith.subf %abs3A_511, %abs3A_518 : vector<16xf32>
      %add3A_520 = arith.addf %add3A_504, %sub3A_519 : vector<16xf32>
      %reduce_sum3A_521 = arith.constant true
      %reduce_sum3A_522 = vector.broadcast %reduce_sum3A_521 : i1 to vector<16xi1>
      %reduce_sum3A_523 = tpu.scan <sum>, %add3A_520 masked %reduce_sum3A_522 : vector<16xf32>, vector<16xi1> -> vector<16xf32>
      %reduce_sum3A_524 = vector.extract %reduce_sum3A_523[15] : f32 from vector<16xf32>
      %add3A_525 = arith.constant 1.000000e+00 : f32
      %add3A_526 = arith.addf %reduce_sum3A_524, %add3A_525 : f32
      %max3A = arith.constant 0.000000e+00 : f32
      %max3A_527 = arith.maximumf %add3A_526, %max3A : f32
      %add3A_528 = arith.addf %scan3A_267, %max3A_527 : f32
      scf.yield %add3A_528 : f32
    }
    %scan3A_264 = arith.constant 128 : i32
    %broadcast_in_dim3A = vector.broadcast %scan3A_263 : f32 to vector<16xf32>
    %swap3A = arith.constant 0 : index
    %swap3A_265 = tpu.vector_load %arg23[%swap3A] {strides = array<i32>} : memref<16xf32, #tpu.memory_space<vmem>>, vector<16xf32>,
    tpu.vector_store %arg23[%swap3A], %broadcast_in_dim3A {strides = array<i32>} : memref<16xf32, #tpu.memory_space<vmem>>, vector<16xf32>,
    "tpu.region"() ({
      %run_scoped3A = tpu.sem_alloc : memref<!tpu.dma_semaphore, #tpu.memory_space<semaphore_mem>>
      %dma_start3A_266 = arith.constant 0 : i32
      %dma_start3A_267 = tpu.memref_slice %arg10[%add3A, %dma_start3A_266] : memref<32x16xf32, #tpu.memory_space<hbm>> -> memref<1x16xf32, #tpu.memory_space<hbm>>
      %dma_start3A_268 = tpu.memref_squeeze %dma_start3A_267 : memref<1x16xf32, #tpu.memory_space<hbm>> -> memref<16xf32, #tpu.memory_space<hbm>>
      %dma_start3A_269 = arith.constant 0 : i32
      %dma_start3A_270 = tpu.memref_slice %arg10[%add3A, %dma_start3A_269] : memref<32x16xf32, #tpu.memory_space<hbm>> -> memref<1x16xf32, #tpu.memory_space<hbm>>
      %dma_start3A_271 = tpu.memref_squeeze %dma_start3A_270 : memref<1x16xf32, #tpu.memory_space<hbm>> -> memref<16xf32, #tpu.memory_space<hbm>>
      tpu.enqueue_dma source(%arg23 : memref<16xf32, #tpu.memory_space<vmem>>) target(%dma_start3A_271 : memref<16xf32, #tpu.memory_space<hbm>>) target_semaphore(%run_scoped3A : memref<!tpu.dma_semaphore, #tpu.memory_space<semaphore_mem>>)
      %dma_wait3A_272 = arith.constant 0 : i32
      %dma_wait3A_273 = tpu.memref_slice %arg10[%add3A, %dma_wait3A_272] : memref<32x16xf32, #tpu.memory_space<hbm>> -> memref<1x16xf32, #tpu.memory_space<hbm>>
      %dma_wait3A_274 = tpu.memref_squeeze %dma_wait3A_273 : memref<1x16xf32, #tpu.memory_space<hbm>> -> memref<16xf32, #tpu.memory_space<hbm>>
      %dma_wait3A_275 = arith.constant 0 : i32
      %dma_wait3A_276 = tpu.memref_slice %arg10[%add3A, %dma_wait3A_275] : memref<32x16xf32, #tpu.memory_space<hbm>> -> memref<1x16xf32, #tpu.memory_space<hbm>>
      %dma_wait3A_277 = tpu.memref_squeeze %dma_wait3A_276 : memref<1x16xf32, #tpu.memory_space<hbm>> -> memref<16xf32, #tpu.memory_space<hbm>>
      tpu.wait_dma2 semaphore(%run_scoped3A : memref<!tpu.dma_semaphore, #tpu.memory_space<semaphore_mem>>) src(%arg23 : memref<16xf32, #tpu.memory_space<vmem>>) dst(%dma_wait3A_277 : memref<16xf32, #tpu.memory_space<hbm>>)
      tpu.yield
    }) : () -> ()
    return
  }
}

</mosaic_0001>

<sc_bundles>
// kernel: _sc_call.3.cloned.1.call-start
scs
__scs_entry_jumppad:
0x0: {  	(pc) =	sbr.rel $0x88, $3  }
0x1: {  	(tag) =	ssettag $0x0;
	lr =	simm.s32 $0x1  }
0x2: {  	[smem:$0x3F99] =	sst lr;
	_ =	strace $0xD0000000  }
0x3: {  	_ = 	snop  }
0x4: {  	_ = 	snop  }
0x5: {  	_ = 	snop  }
0x6: {  	_ = 	snop  }
0x7: {  	_ = 	snop  }
__scs_overlays_trampoline_lowered:
0x8: {  	[smem:$0x3FA8] =	sst s0  }
0x9: {  	[smem:$0x3FA9] =	sst s1  }
0xa: {  	[smem:$0x3FAA] =	sst s2  }
0xb: {  	[smem:$0x3FAB] =	sst s3  }
0xc: {  	[smem:$0x3FAC] =	sst s4  }
0xd: {  	[smem:$0x3FAD] =	sst s5  }
0xe: {  	[smem:$0x3FAE] =	sst s6  }
0xf: {  	[smem:$0x3FAF] =	sst s7  }
0x10: {  	[smem:$0x3FB0] =	sst s8  }
0x11: {  	[smem:$0x3FB1] =	sst s9;
	s0 =	simm.s32 @!p0 $0x0  }
0x12: {  	s1 =	sld [smem:$0x3F97];
	s0 =	simm.s32 @p0 $0x1  }
0x13: {  	[smem:$0x3FB2] =	sst s0;
	s0 =	simm.s32 @!p1 $0x0  }
0x14: {  	s2 =	sld [smem:$0x3F96];
	s0 =	simm.s32 @p1 $0x1  }
0x15: {  	[smem:$0x3FB3] =	sst s0;
	s0 =	simm.s32 @!p2 $0x0  }
0x16: {  	s3 =	sld [smem:$0x3FDB];
	s0 =	simm.s32 @p2 $0x1  }
0x17: {  	s4 =	simm.s32 $0x1BF5;
	[smem:$0x3FB5] =	sst s0  }
0x18: {  	s0 =	sld [smem:$0x3F98];
	_ =	swait.ge [sflag:s4], $0x0  }
0x19: {  	s7 =	sld [smem:$0x3F99]  }
0x1a: {  	s8 =	sadd.s32 $0xFFFFE003, lr  }
0x1b: {  	s9 =	sadd.s32 $0xFFFFFEF7, lr;
	s5 =	simm.s32 $0xFFFFFFFF;
	p2 =	slt.u32 s8, $0xFFFFF086  }
0x1c: {  	p1 =	slt.u32 s9, $0xF7A;
	s5 =	simm.s32 @!p2 $0x0  }
0x1d: {  	s5 =	simm.s32 @p1 $0x1;
	p0 =	seq.s32 s7, s2  }
0x1e: {  	s7 =	smul.u32 @!p0 $0xF7A, s2;
	p2 =	seq.s32 @!p0 s5, $0x0  }
0x1f: {  	s9 =	smul.u32 $0xF7A, s1;
	s8 =	simm.s32 @!p0 $0x1BF5;
	p2 =	por !p2, p0  }
0x20: {  	[sflag:s8] =	ssyncset.s32 @!p0 $0xFFFFF086;
	s6 =	sadd.s32 @!p0 s3, s7;
	s7 =	simm.s32 @!p0 $0x108  }
0x21: {  	s3 =	sadd.s32 s3, s9;
	s6 =	sadd.s32 @!p0 $0x88, s6;
	s7 =	simm.s32 @p2 $0x1082  }
0x22: {  	[simem:s7], [sflag:s8] =	dma.local @!p0 [hbm:s6], $0xF7A  }
0x23: {  	s9 =	sor.u32 $0xD0000000, s2;
	s6 =	simm.s32 $0x108;
	_ =	swait.ge @!p0 [sflag:s8], $0x0  }
0x24: {  	s3 =	sadd.s32 $0x88, s3;
	s6 =	simm.s32 @!p1 $0x1082;
	[sflag:s4] =	ssyncset.s32 $0xFFFFF086  }
0x25: {  	[simem:s6], [sflag:s4] =	dma.local [hbm:s3], $0xF7A  }
0x26: {  	[smem:$0x3F99] =	sst s1;
	(tag) =	ssettag s2;
	_ =	strace s9  }
0x27: {  	s1 =	sld [smem:$0x3FA9]  }
0x28: {  	s2 =	sld [smem:$0x3FAA]  }
0x29: {  	s4 =	sld [smem:$0x3FAC]  }
0x2a: {  	p0 =	seq.s32 s5, $0x0;
	s5 =	sld [smem:$0x3FAD]  }
0x2b: {  	s6 =	sld [smem:$0x3FAE]  }
0x2c: {  	s7 =	sld [smem:$0x3FAF]  }
0x2d: {  	s3 =	simm.s32 $0x108;
	s8 =	sld [smem:$0x3FB0]  }
0x2e: {  	s3 =	simm.s32 @!p0 $0x1082;
	s9 =	sld [smem:$0x3FB1]  }
0x2f: {  	lr =	sadd.s32 s0, s3;
	s0 =	sld [smem:$0x3FA8]  }
0x30: {  	s3 =	sld [smem:$0x3FAB]  }
0x31: {  	[smem:$0x3FB4] =	sst s10  }
0x32: {  	s10 =	sld [smem:$0x3FB2];
	_ =	sdelay $0x3  }
0x33: {  	p0 =	seq.s32 s10, $0x1;
	s10 =	sld [smem:$0x3FB4];
	_ =	sdelay $0x3  }
0x34: {  	[smem:$0x3FB4] =	sst s10  }
0x35: {  	s10 =	sld [smem:$0x3FB3];
	_ =	sdelay $0x3  }
0x36: {  	p1 =	seq.s32 s10, $0x1;
	s10 =	sld [smem:$0x3FB4];
	_ =	sdelay $0x3  }
0x37: {  	[smem:$0x3FB4] =	sst s10  }
0x38: {  	s10 =	sld [smem:$0x3FB5]  }
0x39: {  	_ = 	snop;
	(pc) =	sbr.ind lr, $3  }
0x3a: {  	_ = 	snop  }
0x3b: {  	_ = 	snop  }
0x3c: {  	p2 =	seq.s32 s10, $0x1;
	s10 =	sld [smem:$0x3FB4]  }
0x3d: {  	_ =	shalt  }
0x3e: {  	_ =	shalt  }
0x3f: {  	_ =	shalt  }
0x40: {  	_ =	shalt  }
0x41: {  	_ =	shalt  }
0x42: {  	_ =	shalt  }
0x43: {  	_ =	shalt  }
0x44: {  	_ =	shalt  }
0x45: {  	_ =	shalt  }
0x46: {  	_ =	shalt  }
0x47: {  	_ =	shalt  }
0x48: {  	_ =	shalt  }
0x49: {  	_ =	shalt  }
0x4a: {  	_ =	shalt  }
0x4b: {  	_ =	shalt  }
0x4c: {  	_ =	shalt  }
0x4d: {  	_ =	shalt  }
0x4e: {  	_ =	shalt  }
0x4f: {  	_ =	shalt  }
0x50: {  	_ =	shalt  }
0x51: {  	_ =	shalt  }
0x52: {  	_ =	shalt  }
0x53: {  	_ =	shalt  }
0x54: {  	_ =	shalt  }
0x55: {  	_ =	shalt  }
0x56: {  	_ =	shalt  }
0x57: {  	_ =	shalt  }
0x58: {  	_ =	shalt  }
0x59: {  	_ =	shalt  }
0x5a: {  	_ =	shalt  }
0x5b: {  	_ =	shalt  }
0x5c: {  	_ =	shalt  }
0x5d: {  	_ =	shalt  }
0x5e: {  	_ =	shalt  }
0x5f: {  	_ =	shalt  }
0x60: {  	_ =	shalt  }
0x61: {  	_ =	shalt  }
0x62: {  	_ =	shalt  }
0x63: {  	_ =	shalt  }
0x64: {  	_ =	shalt  }
0x65: {  	_ =	shalt  }
0x66: {  	_ =	shalt  }
0x67: {  	_ =	shalt  }
0x68: {  	_ =	shalt  }
0x69: {  	_ =	shalt  }
0x6a: {  	_ =	shalt  }
0x6b: {  	_ =	shalt  }
0x6c: {  	_ =	shalt  }
0x6d: {  	_ =	shalt  }
0x6e: {  	_ =	shalt  }
0x6f: {  	_ =	shalt  }
0x70: {  	_ =	shalt  }
0x71: {  	_ =	shalt  }
0x72: {  	_ =	shalt  }
0x73: {  	_ =	shalt  }
0x74: {  	_ =	shalt  }
0x75: {  	_ =	shalt  }
0x76: {  	_ =	shalt  }
0x77: {  	_ =	shalt  }
0x78: {  	_ =	shalt  }
0x79: {  	_ =	shalt  }
0x7a: {  	_ =	shalt  }
0x7b: {  	_ =	shalt  }
0x7c: {  	_ =	shalt  }
0x7d: {  	_ =	shalt  }
0x7e: {  	_ =	shalt  }
0x7f: {  	_ =	shalt  }
0x80: {  	_ =	shalt  }
0x81: {  	_ =	shalt  }
0x82: {  	_ =	shalt  }
0x83: {  	_ =	shalt  }
0x84: {  	_ =	shalt  }
0x85: {  	_ =	shalt  }
0x86: {  	_ =	shalt  }
0x87: {  	_ =	shalt  }
.Lfunc_end0:
.L_simem_size_0:
called_computation_lowered:
.L_overlay_start_0:
0x88: {  	s2 =	sld [smem:$0x3FD9]  }
0x89: {  	s3 =	sld [smem:$0x3FFE];
	_ =	sdelay $0x1  }
0x8a: {  	s1 =	srdreg.scid  }
0x8b: {  	s0 =	sand.u32 $0x1, s1  }
0x8c: {  	s17 =	sshll.u32 s0, $0xA;
	s2 =	sadd.s32 s3, s2  }
0x8d: {  	s2 =	sadd.s32 s2, s17  }
0x8e: {  	[smem:$0x3FC0] =	sst s2  }
0x8f: {  	_ = 	snop  }
0x90: {  	s2 =	sld [smem:$0x3FC9]  }
0x91: {  	s18 =	sld [smem:$0x3FC8]  }
0x92: {  	s4 =	sld [smem:$0x3FC7]  }
0x93: {  	s5 =	sld [smem:$0x3FC6]  }
0x94: {  	s6 =	sld [smem:$0x3FC5]  }
0x95: {  	s7 =	sld [smem:$0x3FC4]  }
0x96: {  	s8 =	sld [smem:$0x3FD0];
	(tm) =	ssettm $0x1  }
0x97: {  	s9 =	sld [smem:$0x3FFB];
	_ =	sdelay $0x3  }
0x98: {  	_ =	strace s9  }
0x99: {  	s9 =	sld [smem:$0x3FFC];
	_ =	sdelay $0x3  }
0x9a: {  	_ =	strace s9  }
0x9b: {  	s9 =	sld [smem:$0x3FFD];
	_ =	sdelay $0x3  }
0x9c: {  	_ =	strace s9  }
0x9d: {  	_ =	strace $0x8FFFFFFF  }
0x9e: {  	s19 =	sld [smem:$0x3FDB];
	_ =	sdelay $0x1  }
0x9f: {  	s10 =	simm.s32 $_scs_section_size  }
0xa0: {  	s11 =	simm.s32 $_size__tile_overlayer_lowered;
	s12 =	simm.s32 $_tile_overlayer_lowered  }
0xa1: {  	s22 =	simm.s32 $0x1BFF;
	s21 =	sshll.u32 s12, $0x1;
	s9 =	sadd.s32 s10, s19  }
0xa2: {  	s13 =	simm.s32 $0x0;
	s20 =	sshll.u32 s11, $0x1;
	s11 =	sadd.s32 s21, s9  }
0xa3: {  	[timem:s13], [sflag:s22] =	dma.local [hbm:s11], s20  }
0xa4: {  	_ =	swait.ge [sflag:s22], s20  }
0xa5: {  	s10 =	ssub.s32 $0x0, s20;
	[sflag:s22] =	ssyncset.done $0x0  }
0xa6: {  	[sflag:s22] =	ssyncadd.s32 s10;
	_ =	sdelay $0x1  }
0xa7: {  	s23 =	simm.s32 $0x1B8B  }
0xa8: {  	_ =	swait.ge [sflag:s23], $0x1  }
0xa9: {  	[sflag:s23] =	ssyncset.done $0x0  }
0xaa: {  	s25 =	simm.s32 $0x1B8E;
	s24 =	sld [smem:$0x3FFE];
	[sflag:s23] =	ssyncadd.s32 $0xFFFFFFFF  }
0xab: {  	s26 =	simm.s32 $execute0_lowered;
	[smem:$0x3FD2] =	sst s25  }
0xac: {  	s11 =	sshll.u32 s26, $0x1;
	_ =	strace $0x80000046;
	[dreg:$0x1] =	wrdreg $0xFFFFFFFF  }
0xad: {  	s28 =	simm.s32 $_size_execute0_lowered;
	s9 =	sadd.s32 s9, s11;
	[dreg:$0x0] =	wrdreg $0x0  }
0xae: {  	s11 =	sshll.u32 s28, $0x1;
	[dreg:$0x2] =	wrdreg s9  }
0xaf: {  	[dreg:$0x3] =	wrdreg s11  }
0xb0: {  	[dreg:$0x4] =	wrdreg $0xC0  }
0xb1: {  	_ =	task [dreg:s13], $0x5FFFF  }
0xb2: {  	[dreg:$0x1] =	wrdreg $0xFFFFFFFF  }
0xb3: {  	[dreg:$0x0] =	wrdreg $0x60  }
0xb4: {  	[dreg:$0x2] =	wrdreg s2  }
0xb5: {  	[dreg:$0x3] =	wrdreg s18  }
0xb6: {  	[dreg:$0x4] =	wrdreg s4  }
0xb7: {  	[dreg:$0x5] =	wrdreg s5  }
0xb8: {  	[dreg:$0x6] =	wrdreg s6  }
0xb9: {  	[dreg:$0x7] =	wrdreg s7  }
0xba: {  	[dreg:$0x8] =	wrdreg s24  }
0xbb: {  	[dreg:$0x9] =	wrdreg s8  }
0xbc: {  	[dreg:$0xa] =	wrdreg $0x9  }
0xbd: {  	_ =	task.clear_ibuf [dreg:s13], $0xBFFFF;
	_ =	strace $0x90000046  }
0xbe: {  	s29 =	simm.s32 $0x9;
	_ =	strace $0x80000048  }
0xbf: {  	_ =	swait.ge [sflag:s29], $0x1  }
0xc0: {  	[sflag:s29] =	ssyncadd.s32 $0xFFFFFFFF  }
0xc1: {  	_ =	strace $0x90000048  }
0xc2: {  	_ =	sfence  }
0xc3: {  	s30 =	sld [smem:$0x0];
	_ =	sdelay $0x2  }
0xc4: {  	s31 =	sshll.u32 s1, $0xD;
	s1 =	sshrl.u32 s1, $0x2  }
0xc5: {  	s3 =	sand.u32 $0x4000, s31;
	s1 =	sadd.s32 s1, s30  }
0xc6: {  	s0 =	sor.u32 s3, s0;
	s1 =	sshll.u32 s1, $0x11  }
0xc7: {  	s0 =	sor.u32 s1, s0  }
0xc8: {  	s0 =	sadd.s32 $0x8F2B, s0  }
0xc9: {  	[sflag:s0] =	ssyncadd.remote.s32 $0x1  }
0xca: {  	_ =	sfence.sel $0xFFFF  }
0xcb: {  	[dreg:$0x0] =	wrdreg $0xFFFFFFFF;
	(pc) =	sbr.abs _section_cstart, $3  }
0xcc: {  	[dreg:$0x1] =	wrdreg $0xFFFFFFFF  }
0xcd: {  	_ =	task.clear_ibuf [dreg:s13], $0x2FFFF;
	_ =	strace $0x9FFFFFFF  }
0xce: {  	(tm) =	ssettm $0x7FFFFFFF  }
0xcf: {  	_ =	shalt  }
tec
execute0_lowered:
.L_overlay_start_1:
0x0: {  	(tag) =	ssettag $0x1  }
0x1: {  	s0 =	rddreg [dreg:$0x0]  }
0x2: {  	s1 =	rddreg [dreg:$0x1]  }
0x3: {  	s5 =	rddreg [dreg:$0x2]  }
0x4: {  	s6 =	rddreg [dreg:$0x3]  }
0x5: {  	s7 =	rddreg [dreg:$0x4]  }
0x6: {  	s8 =	rddreg [dreg:$0x5]  }
0x7: {  	s4 =	rddreg [dreg:$0x6]  }
0x8: {  	s9 =	rddreg [dreg:$0x7]  }
0x9: {  	s3 =	srdreg.scid;
	s12 =	stileid.u32  }
0xa: {  	s2 =	simm.s32 $0x0;
	s10 =	sand.u32 $0x1, s3;
	s12 =	sshll.u32 s12, $0x1  }
0xb: {  	s19 =	simm.s32 $0x80;
	s11 =	ssub.s32 $0x2, s10;
	s10 =	sor.u32 s10, s12  }
0xc: {  	s28 =	simm.s32 $0x0;
	[smem:$0x7FF] =	sst s2;
	s12 =	sshll.u32 s10, $0x6  }
0xd: {  	s3 =	sadd.s32 $0x188A00, s4;
	s4 =	sadd.s32 $0x24C000, s4;
	s0 =	sadd.s32 s0, s12  }
0xe: {  	_ =	strace $0x80000047;
	s23 =	sadd.s32 s1, s12;
	[dreg:$0x9] =	wrdreg s0  }
0xf: {  	s13 =	sshrl.u32 s11, $0x1;
	s24 =	sadd.s32 s5, s12;
	[dreg:$0xa] =	wrdreg s23  }
0x10: {  	s29 =	sshll.u32 s10, $0x1;
	s25 =	sadd.s32 s6, s12;
	[dreg:$0xb] =	wrdreg s24  }
0x11: {  	s11 =	ssub.s32 s11, s13;
	s26 =	sadd.s32 s7, s12;
	[dreg:$0xc] =	wrdreg s25  }
0x12: {  	s30 =	sadd.s32 s8, s12;
	s13 =	simm.s32 $0x2;
	[dreg:$0xd] =	wrdreg s26  }
0x13: {  	[dreg:$0xe] =	wrdreg s30;
	s0 =	sadd.s32 s9, s29;
	s31 =	smax.u32 s11, $0x1  }
0x14: {  	s23 =	simm.s32 $0xC00;
	s24 =	simm.s32 $0x8C00;
	[dreg:$0xf] =	wrdreg s0  }
0x15: {  	s25 =	simm.s32 $0xAC00;
	s26 =	simm.s32 $0x1;
	[dreg:$0x10] =	wrdreg s31  }
.LBB2_1:
0x16: {  	s0 =	rddreg [dreg:$0x9]  }
0x17: {  	[tilespmem:s2], [sflag:$0x2] =	stream.linear.gather [hbm4b:s0+s2], $0x200, $0x38;
	[tilespmem:$0xCC10] =	vst v63  }
0x18: {  	_ =	swait.ge [sflag:s13], $0x200  }
0x19: {  	[sflag:s13] =	ssyncset.done $0x0  }
0x1a: {  	s1 =	simm.s32 $0x200;
	s5 =	rddreg [dreg:$0xa];
	[sflag:s13] =	ssyncadd.s32 $0xFFFFFE00  }
0x1b: {  	[tilespmem:s1], [sflag:$0x2] =	stream.linear.gather [hbm4b:s5+s2], $0x200, $0x38;
	[tilespmem:$0xCC10] =	vst v63  }
0x1c: {  	_ =	swait.ge [sflag:s13], $0x200  }
0x1d: {  	[sflag:s13] =	ssyncset.done $0x0  }
0x1e: {  	s5 =	simm.s32 $0x400;
	s6 =	rddreg [dreg:$0xb];
	[sflag:s13] =	ssyncadd.s32 $0xFFFFFE00  }
0x1f: {  	[tilespmem:s5], [sflag:$0x2] =	stream.linear.gather [hbm4b:s6+s2], $0x200, $0x38;
	[tilespmem:$0xCC10] =	vst v63  }
0x20: {  	_ =	swait.ge [sflag:s13], $0x200  }
0x21: {  	[sflag:s13] =	ssyncset.done $0x0  }
0x22: {  	s6 =	simm.s32 $0x600;
	s7 =	rddreg [dreg:$0xc];
	[sflag:s13] =	ssyncadd.s32 $0xFFFFFE00  }
0x23: {  	[tilespmem:s6], [sflag:$0x2] =	stream.linear.gather [hbm4b:s7+s2], $0x200, $0x38;
	[tilespmem:$0xCC10] =	vst v63  }
0x24: {  	_ =	swait.ge [sflag:s13], $0x200  }
0x25: {  	[sflag:s13] =	ssyncset.done $0x0  }
0x26: {  	s7 =	simm.s32 $0x800;
	s8 =	rddreg [dreg:$0xd];
	[sflag:s13] =	ssyncadd.s32 $0xFFFFFE00  }
0x27: {  	[tilespmem:s7], [sflag:$0x2] =	stream.linear.gather [hbm4b:s8+s2], $0x200, $0x38;
	[tilespmem:$0xCC10] =	vst v63  }
0x28: {  	_ =	swait.ge [sflag:s13], $0x200  }
0x29: {  	[sflag:s13] =	ssyncset.done $0x0  }
0x2a: {  	s8 =	simm.s32 $0xA00;
	s9 =	rddreg [dreg:$0xe];
	[sflag:s13] =	ssyncadd.s32 $0xFFFFFE00  }
0x2b: {  	[tilespmem:s8], [sflag:$0x2] =	stream.linear.gather [hbm4b:s9+s2], $0x200, $0x38;
	[tilespmem:$0xCC10] =	vst v63  }
0x2c: {  	_ =	swait.ge [sflag:s13], $0x200  }
0x2d: {  	[sflag:s13] =	ssyncset.done $0x0  }
0x2e: {  	[sflag:s13] =	ssyncadd.s32 $0xFFFFFE00  }
0x2f: {  	[tilespmem:s23], [sflag:$0x1] =	stream.indirect.gather [hbm4b:s3+s19], $0x40, s2, s19, $0xb8;
	[tilespmem:$0xCC10] =	vst v63  }
0x30: {  	s10 =	simm.s32 $0x2C00  }
0x31: {  	[tilespmem:s10], [sflag:$0x1] =	stream.indirect.gather [hbm4b:s4+s19], $0x40, s1, s19, $0xb8;
	[tilespmem:$0xCC10] =	vst v63  }
0x32: {  	s11 =	simm.s32 $0x4C00  }
0x33: {  	[tilespmem:s11], [sflag:$0x1] =	stream.indirect.gather [hbm4b:s3+s19], $0x40, s5, s19, $0xb8;
	[tilespmem:$0xCC10] =	vst v63  }
0x34: {  	s12 =	simm.s32 $0x6C00  }
0x35: {  	[tilespmem:s12], [sflag:$0x1] =	stream.indirect.gather [hbm4b:s3+s19], $0x40, s6, s19, $0xb8;
	[tilespmem:$0xCC10] =	vst v63  }
0x36: {  	_ = 	snop  }
0x37: {  	[tilespmem:s24], [sflag:$0x1] =	stream.indirect.gather [hbm4b:s4+s19], $0x40, s7, s19, $0xb8;
	[tilespmem:$0xCC10] =	vst v63  }
0x38: {  	_ = 	snop  }
0x39: {  	[tilespmem:s25], [sflag:$0x1] =	stream.indirect.gather [hbm4b:s3+s19], $0x40, s8, s19, $0xb8;
	[tilespmem:$0xCC10] =	vst v63  }
0x3a: {  	_ =	swait.ge [sflag:s26], $0x2000  }
0x3b: {  	[sflag:s26] =	ssyncset.done $0x0  }
0x3c: {  	[sflag:s26] =	ssyncadd.s32 $0xFFFFE000  }
0x3d: {  	_ =	swait.ge [sflag:s26], $0x2000  }
0x3e: {  	[sflag:s26] =	ssyncset.done $0x0  }
0x3f: {  	[sflag:s26] =	ssyncadd.s32 $0xFFFFE000  }
0x40: {  	_ =	swait.ge [sflag:s26], $0x2000  }
0x41: {  	[sflag:s26] =	ssyncset.done $0x0  }
0x42: {  	[sflag:s26] =	ssyncadd.s32 $0xFFFFE000  }
0x43: {  	_ =	swait.ge [sflag:s26], $0x2000  }
0x44: {  	[sflag:s26] =	ssyncset.done $0x0  }
0x45: {  	[sflag:s26] =	ssyncadd.s32 $0xFFFFE000  }
0x46: {  	_ =	swait.ge [sflag:s26], $0x2000  }
0x47: {  	[sflag:s26] =	ssyncset.done $0x0  }
0x48: {  	[sflag:s26] =	ssyncadd.s32 $0xFFFFE000  }
0x49: {  	_ =	swait.ge [sflag:s26], $0x2000  }
0x4a: {  	[sflag:s26] =	ssyncset.done $0x0  }
0x4b: {  	s1 =	simm.s32 $0x0;
	[sflag:s26] =	ssyncadd.s32 $0xFFFFE000  }
0x4c: {  	v60 =	vld [tilespmem:s1+$0xAC20]  }
0x4d: {  	v58 =	vld [tilespmem:s1+$0x4C10]  }
0x4e: {  	v16 =	vld [tilespmem:s1+$0xAC10]  }
0x4f: {  	v5 =	vld [tilespmem:s1+$0xAC00]  }
0x50: {  	v25 =	vld [tilespmem:s1+$0x4C00]  }
0x51: {  	v2 =	vld [tilespmem:s1+$0x6C10]  }
0x52: {  	v15 =	vld [tilespmem:s1+$0x4C20]  }
0x53: {  	v22 =	vld [tilespmem:s1+$0xAC30]  }
0x54: {  	v28 =	vld [tilespmem:s1+$0x4C30];
	v0 =	vmul.f32 v5, v5;
	v1 =	vmul.f32 v16, v16  }
0x55: {  	v55 =	vld [tilespmem:s1+$0x6C00];
	v3 =	vmul.f32 v58, v58;
	v4 =	vmul.f32 v25, v25  }
0x56: {  	v6 =	vmul.f32 v60, v60;
	v0 =	vadd.f32 v1, v0  }
0x57: {  	v29 =	vld [tilespmem:s1+$0x6C20];
	v1 =	vadd.f32 v3, v4;
	v3 =	vmul.f32 v15, v15  }
0x58: {  	v4 =	vmul.f32 v22, v22;
	v0 =	vadd.f32 v6, v0  }
0x59: {  	v17 =	vld [tilespmem:s1+$0x6C30];
	v1 =	vadd.f32 v3, v1;
	v3 =	vmul.f32 v28, v28  }
0x5a: {  	v7 =	vmul.f32 v55, v55;
	v6 =	vmul.f32 v2, v2;
	v0 =	vadd.f32 v4, v0  }
0x5b: {  	v1 =	vadd.f32 v3, v1  }
0x5c: {  	v3 =	vadd.f32 v6, v7;
	(xrf2) =	vadd.scan.msk.f32 $0xffff, v0;
	v0 =	vmul.f32 v29, v29  }
0x5d: {  	(xrf2) =	vadd.scan.msk.f32 $0xffff, v1  }
0x5e: {  	v34 =	vld [tilespmem:s1+$0xC00];
	v1 =	vmul.f32 v17, v17;
	v0 =	vadd.f32 v0, v3  }
0x5f: {  	v23 =	vld [tilespmem:s1+$0xC20]  }
0x60: {  	v26 =	vld [tilespmem:s1+$0xC10];
	v0 =	vadd.f32 v1, v0  }
0x61: {  	s0 =	simm.s32 $0x40;
	v30 =	vld [tilespmem:s1+$0xC30]  }
0x62: {  	v38 =	vld [tilespmem:s0+$0x4C10];
	(xrf2) =	vadd.scan.msk.f32 $0xffff, v0  }
0x63: {  	v44 =	vld [tilespmem:s0+$0x4C00];
	v1 =	vmul.f32 v34, v34  }
0x64: {  	v32 =	vld [tilespmem:s0+$0xAC10]  }
0x65: {  	v39 =	vld [tilespmem:s0+$0xAC00];
	v0 =	vmul.f32 v26, v26  }
0x66: {  	v3, _, _ =	vpop (xrf2)  }
0x67: {  	v40 =	vld [tilespmem:s0+$0xAC20];
	v4 =	vmul.f32 v23, v23;
	v0 =	vadd.f32 v0, v1;
	v1, _, _ =	vpop (xrf2);
	(v2sf) =	vpush v3, $0xF  }
0x68: {  	v46 =	vld [tilespmem:s0+$0x4C20];
	v7 =	vmul.f32 v44, v44;
	(v2sf) =	vpush v1, $0xF  }
0x69: {  	v41 =	vld [tilespmem:s0+$0xAC30];
	v6 =	vmul.f32 v38, v38;
	v0 =	vadd.f32 v4, v0;
	v3 =	vmul.f32 v30, v30  }
0x6a: {  	v47 =	vld [tilespmem:s0+$0x4C30];
	v4 =	vmul.f32 v32, v32;
	v1 =	vmul.f32 v39, v39  }
0x6b: {  	v0 =	vadd.f32 v3, v0  }
0x6c: {  	v3 =	vmul.f32 v40, v40;
	v1 =	vadd.f32 v4, v1;
	v4 =	vadd.f32 v6, v7;
	v7, _, _ =	vpop (xrf2)  }
0x6d: {  	v6 =	vmul.f32 v46, v46;
	(xrf2) =	vadd.scan.msk.f32 $0xffff, v0;
	(v2sf) =	vpush v7, $0xF  }
0x6e: {  	v0 =	vadd.f32 v3, v1;
	v1 =	vmul.f32 v41, v41  }
0x6f: {  	v3 =	vadd.f32 v6, v4;
	v4 =	vmul.f32 v47, v47  }
0x70: {  	v45 =	vld [tilespmem:s0+$0x6C10];
	v0 =	vadd.f32 v1, v0  }
0x71: {  	v31 =	vld [tilespmem:s0+$0x6C00];
	v1 =	vadd.f32 v4, v3  }
0x72: {  	(xrf2) =	vadd.scan.msk.f32 $0xffff, v0  }
0x73: {  	v43 =	vld [tilespmem:s0+$0x6C20];
	(xrf2) =	vadd.scan.msk.f32 $0xffff, v1;
	_ =	sdelay $0x2  }
0x74: {  	v50 =	vld [tilespmem:s0+$0x6C30];
	v0 =	vmul.f32 v45, v45;
	v1 =	vmul.f32 v31, v31;
	s14 =	spop (v2sf)  }
0x75: {  	v3, _, _ =	vpop (xrf2);
	s15 =	spop (v2sf);
	s10 =	sshra.s32 s14, $0x1;
	s6 =	smul.f32 $5.000000000e-01, s14  }
0x76: {  	v0 =	vadd.f32 v0, v1;
	v1 =	vmul.f32 v43, v43;
	(v2sf) =	vpush v3, $0xF;
	s16 =	sshra.s32 s15, $0x1;
	s17 =	smul.f32 $5.000000000e-01, s15;
	s10 =	ssub.s32 $0x5F3759DF, s10  }
0x77: {  	s7 =	ssub.s32 $0x5F3759DF, s16;
	s12 =	smul.f32 s10, s6  }
0x78: {  	s9 =	smul.f32 s7, s17  }
0x79: {  	v35 =	vld [tilespmem:s0+$0xC20];
	v0 =	vadd.f32 v1, v0;
	v3 =	vmul.f32 v50, v50;
	s12 =	smul.f32 s10, s12  }
0x7a: {  	v37 =	vld [tilespmem:s0+$0xC10];
	v1, _, _ =	vpop (xrf2);
	s18 =	smul.f32 s7, s9;
	s20 =	spop (v2sf)  }
0x7b: {  	v48 =	vld [tilespmem:s0+$0xC00];
	v0 =	vadd.f32 v3, v0;
	v4, _, _ =	vpop (xrf2);
	(v2sf) =	vpush v1, $0xF;
	s11 =	sshra.s32 s20, $0x1;
	s9 =	smul.f32 $5.000000000e-01, s20  }
0x7c: {  	s30 =	simm.s32 $0x80;
	v33 =	vld [tilespmem:s0+$0xC30];
	(v2sf) =	vpush v4, $0xF;
	s16 =	ssub.f32 $1.500000000e+00, s12;
	s11 =	ssub.s32 $0x5F3759DF, s11  }
0x7d: {  	v14 =	vld [tilespmem:s30+$0xAC10];
	(xrf2) =	vadd.scan.msk.f32 $0xffff, v0;
	s5 =	ssub.f32 $1.500000000e+00, s18;
	s14 =	smul.f32 s11, s9  }
0x7e: {  	v6 =	vld [tilespmem:s30+$0x4C10];
	s12 =	smul.f32 s10, s16  }
0x7f: {  	v9 =	vld [tilespmem:s30+$0x4C00];
	s5 =	smul.f32 s7, s5  }
0x80: {  	v0 =	vmul.f32 v37, v37;
	v1 =	vmul.f32 v48, v48;
	v4 =	vld [tilespmem:s30+$0xAC00];
	s21 =	smul.f32 s11, s14  }
0x81: {  	s6 =	smul.f32 s12, s6  }
0x82: {  	v3 =	vmul.f32 v35, v35;
	v0 =	vadd.f32 v0, v1;
	s22 =	smul.f32 s5, s17  }
0x83: {  	v19 =	vld [tilespmem:s30+$0xAC20];
	v7 =	vmul.f32 v6, v6;
	s7 =	ssub.f32 $1.500000000e+00, s21;
	s6 =	smul.f32 s6, s12  }
0x84: {  	v8 =	vld [tilespmem:s30+$0x4C20];
	v10 =	vmovc v9;
	v9 =	vmul.f32 v9, v9;
	v1 =	vmul.f32 v33, v33;
	v0 =	vadd.f32 v3, v0;
	s14 =	smul.f32 s22, s5  }
0x85: {  	v27 =	vld [tilespmem:s30+$0xAC30];
	[tilespmem:$0x1FF90] =	vst v4;
	v3 =	vmul.f32 v4, v4;
	v4 =	vmul.f32 v14, v14;
	s11 =	smul.f32 s11, s7;
	s17 =	spop (v2sf)  }
0x86: {  	v18 =	vld [tilespmem:s30+$0x4C30];
	v0 =	vadd.f32 v1, v0;
	s22 =	ssub.f32 $1.500000000e+00, s6;
	s8 =	smul.f32 $5.000000000e-01, s17  }
0x87: {  	v11 =	vld [tilespmem:s30+$0x6C10];
	v3 =	vadd.f32 v4, v3;
	v4 =	vadd.f32 v7, v9;
	v7, _, _ =	vpop (xrf2);
	s7 =	sshra.s32 s17, $0x1;
	s9 =	smul.f32 s11, s9  }
0x88: {  	v24 =	vld [tilespmem:s30+$0x6C00];
	v1 =	vmul.f32 v19, v19;
	(v2sf) =	vpush v7, $0xF;
	s15 =	ssub.s32 $0x5F3759DF, s7;
	s12 =	smul.f32 s22, s12  }
0x89: {  	v12 =	vld [tilespmem:s30+$0x6C30];
	(xrf2) =	vadd.scan.msk.f32 $0xffff, v0;
	s17 =	smul.f32 s15, s8  }
0x8a: {  	v42 =	vld [tilespmem:s1+$0x2C00];
	[tilespmem:$0x1FFA0] =	vst v6;
	v6 =	vmul.f32 v8, v8;
	v0 =	vadd.f32 v1, v3;
	v1 =	vmul.f32 v27, v27;
	s9 =	smul.f32 s9, s11;
	s16 =	spop (v2sf)  }
0x8b: {  	v51 =	vld [tilespmem:s1+$0x8C20];
	s20 =	smul.f32 s15, s17;
	s18 =	spop (v2sf)  }
0x8c: {  	v9 =	vld [tilespmem:s30+$0xC00];
	v3 =	vadd.f32 v6, v4;
	v4 =	vmul.f32 v18, v18;
	v0 =	vadd.f32 v1, v0;
	s9 =	ssub.f32 $1.500000000e+00, s9;
	s6 =	smul.f32 $5.000000000e-01, s16  }
0x8d: {  	[tilespmem:$0x1FFD0] =	vst v18;
	v18 =	vld [tilespmem:s30+$0x6C20];
	s7 =	smul.f32 $5.000000000e-01, s18;
	s18 =	sshra.s32 s18, $0x1  }
0x8e: {  	v7 =	vld [tilespmem:s30+$0xC10];
	v1 =	vadd.f32 v4, v3;
	(xrf2) =	vadd.scan.msk.f32 $0xffff, v0;
	s20 =	ssub.f32 $1.500000000e+00, s20;
	s10 =	smul.f32 s9, s11;
	s11 =	ssub.s32 $0x5F3759DF, s18  }
0x8f: {  	[tilespmem:$0x1FFC0] =	vst v8;
	v8 =	vld [tilespmem:s30+$0xC20];
	s18 =	sshra.s32 s16, $0x1;
	s21 =	smul.f32 s11, s7  }
0x90: {  	v6 =	vld [tilespmem:s30+$0xC30];
	v3 =	vmul.f32 v11, v11;
	v4 =	vmul.f32 v24, v24;
	(xrf2) =	vadd.scan.msk.f32 $0xffff, v1;
	s9 =	ssub.s32 $0x5F3759DF, s18;
	s15 =	smul.f32 s15, s20  }
0x91: {  	v52 =	vld [tilespmem:s1+$0x8C30];
	s17 =	smul.f32 s9, s6  }
0x92: {  	v56 =	vld [tilespmem:s1+$0x8C10];
	v54 =	vmul.f32 v12, v12;
	s14 =	ssub.f32 $1.500000000e+00, s14;
	v3 =	vadd.f32 v3, v4;
	v53 =	vmul.f32 v18, v18;
	s21 =	smul.f32 s11, s21  }
0x93: {  	s31 =	simm.s32 $0xC0;
	v4 =	vmul.f32 v9, v9;
	v1 =	vld [tilespmem:s1+$0x8C00];
	v63 =	vmul.f32 v7, v7;
	v36, _, _ =	vpop (xrf2);
	s22 =	smul.f32 s15, s8  }
0x94: {  	v59 =	vld [tilespmem:s31+$0xC20];
	v49 =	vmul.f32 v8, v8;
	v3 =	vadd.f32 v53, v3;
	(v2sf) =	vpush v36, $0xF;
	s8 =	smul.f32 s14, s5;
	s16 =	ssub.f32 $1.500000000e+00, s21  }
0x95: {  	v20 =	vmovc v12;
	v5 =	vmul.f32 s12, v5;
	v12 =	vmovc v6;
	v57 =	vmul.f32 v6, v6;
	v6 =	vld [tilespmem:s31+$0x4C10];
	v4 =	vadd.f32 v63, v4;
	s21 =	smul.f32 s22, s15  }
0x96: {  	v13 =	vmovc v7;
	v7 =	vld [tilespmem:s31+$0xAC20];
	v3 =	vadd.f32 v54, v3;
	v55 =	vmul.f32 s10, v55;
	v2 =	vmul.f32 s10, v2;
	s5 =	smul.f32 s11, s16  }
0x97: {  	v63 =	vmul.f32 s12, v16;
	v16 =	vld [tilespmem:s31+$0xAC00];
	v36 =	vmul.f32 s10, v17;
	v4 =	vadd.f32 v49, v4;
	s21 =	ssub.f32 $1.500000000e+00, s21;
	s20 =	spop (v2sf)  }
0x98: {  	v17 =	vld [tilespmem:s31+$0xAC10];
	(xrf2) =	vadd.scan.msk.f32 $0xffff, v3;
	v3 =	vmul.f32 s12, v22;
	v1 =	vadd.f32 v55, v1;
	v2 =	vadd.f32 v2, v56;
	v61, _, _ =	vpop (xrf2);
	s22 =	sshra.s32 s20, $0x1;
	s20 =	smul.f32 $5.000000000e-01, s20  }
0x99: {  	v21 =	vmovc v11;
	v11 =	vmovc v8;
	v22 =	vld [tilespmem:s31+$0x6C10];
	v4 =	vadd.f32 v57, v4;
	v54 =	vmul.f32 s8, v25;
	(v2sf) =	vpush v61, $0xF;
	s11 =	smul.f32 s21, s15  }
0x9a: {  	v8 =	vld [tilespmem:s31+$0x4C20];
	v49 =	vmul.f32 s8, v58;
	v1 =	vsub.f32 v1, v5;
	v5 =	vmul.f32 s10, v29;
	v62, _, _ =	vpop (xrf2);
	s21 =	smul.f32 s9, s17;
	s16 =	ssub.s32 $0x5F3759DF, s22  }
0x9b: {  	v0 =	vld [tilespmem:s1+$0x2C10];
	v29 =	vadd.f32 v36, v52;
	v36 =	vmul.f32 v7, v7;
	(v2sf) =	vpush v62, $0xF;
	s22 =	smul.f32 s16, s20  }
0x9c: {  	v2 =	vsub.f32 v2, v63;
	v52 =	vmul.f32 s8, v15;
	v63 =	vmul.f32 v6, v6;
	v62 =	vld [tilespmem:s31+$0x4C00];
	s15 =	ssub.f32 $1.500000000e+00, s21  }
0x9d: {  	v25 =	vld [tilespmem:s31+$0x6C00];
	v61 =	vmul.f32 s12, v60;
	(xrf2) =	vadd.scan.msk.f32 $0xffff, v4;
	v60 =	vmul.f32 v17, v17;
	v4 =	vadd.f32 v5, v51;
	s18 =	smul.f32 s16, s22  }
0x9e: {  	v58 =	vld [tilespmem:s1+$0x2C20];
	v5 =	vmul.f32 v16, v16;
	v3 =	vsub.f32 v29, v3;
	v57 =	vmul.f32 v22, v22;
	s9 =	smul.f32 s9, s15  }
0x9f: {  	[tilespmem:$0x1FFF0] =	vst v6;
	v6 =	vld [tilespmem:s31+$0x4C30];
	v2 =	vand.u32 $0x7FFFFFFF, v2;
	v4 =	vsub.f32 v4, v61;
	v34 =	vmul.f32 s11, v34;
	s22 =	smul.f32 s5, s7  }
0xa0: {  	v29 =	vld [tilespmem:s31+$0xAC30];
	v5 =	vadd.f32 v60, v5;
	v61 =	vmul.f32 s11, v26;
	v55 =	vmul.f32 s11, v23;
	s10 =	ssub.f32 $1.500000000e+00, s18;
	s6 =	smul.f32 s9, s6  }
0xa1: {  	[tilespmem:$0x1FFB0] =	vst v19;
	v19 =	vmovc v9;
	v9 =	vmovc v18;
	v1 =	vand.u32 $0x7FFFFFFF, v1;
	v26 =	vld [tilespmem:s31+$0xC10];
	v30 =	vmul.f32 s11, v30;
	v56 =	vmul.f32 v62, v62;
	s11 =	smul.f32 s22, s5  }
0xa2: {  	v18 =	vmovc v16;
	v3 =	vand.u32 $0x7FFFFFFF, v3;
	v23 =	vld [tilespmem:s31+$0xC30];
	v5 =	vadd.f32 v36, v5;
	v16 =	vmovc v62;
	v42 =	vadd.f32 v34, v42;
	s12 =	smul.f32 s16, s10  }
0xa3: {  	v36 =	vld [tilespmem:s31+$0x6C20];
	v0 =	vadd.f32 v61, v0;
	v62 =	vmul.f32 v8, v8;
	v60, _, _ =	vpop (xrf2);
	v51 =	vadd.f32 v63, v56;
	s16 =	spop (v2sf);
	s22 =	smul.f32 s6, s9  }
0xa4: {  	v61 =	vmul.f32 v25, v25;
	v42 =	vsub.f32 v42, v54;
	v54 =	vld [tilespmem:s1+$0x2C30];
	(v2sf) =	vpush v60, $0xF;
	s7 =	smul.f32 $5.000000000e-01, s16;
	s10 =	sshra.s32 s16, $0x1  }
0xa5: {  	v34 =	vld [tilespmem:s31+$0x6C30];
	v63 =	vmul.f32 v29, v29;
	v0 =	vsub.f32 v0, v49;
	v56 =	vmul.f32 s8, v28;
	s17 =	smul.f32 s12, s20;
	s10 =	ssub.s32 $0x5F3759DF, s10  }
0xa6: {  	v28 =	vld [tilespmem:s31+$0xC00];
	v53 =	vadd.f32 v57, v61;
	v51 =	vadd.f32 v62, v51;
	v62 =	vmul.f32 v6, v6;
	s14 =	ssub.f32 $1.500000000e+00, s22;
	s20 =	smul.f32 s10, s7  }
0xa7: {  	v15 =	vmovc v8;
	v8 =	vmovc v59;
	v49 =	vld [tilespmem:s0+$0x2C10];
	v5 =	vadd.f32 v63, v5;
	v63 =	vadd.f32 v55, v58;
	v0 =	vand.u32 $0x7FFFFFFF, v0;
	s18 =	smul.f32 s17, s12  }
0xa8: {  	v61 =	vmul.f32 v59, v59;
	v59 =	vld [tilespmem:s0+$0x8C10];
	v60, _, _ =	vpop (xrf2);
	v0 =	vsub.f32 v0, v2;
	v51 =	vadd.f32 v62, v51;
	s9 =	smul.f32 s14, s9;
	s17 =	spop (v2sf)  }
0xa9: {  	v42 =	vand.u32 $0x7FFFFFFF, v42;
	v62 =	vld [tilespmem:s0+$0x8C00];
	v30 =	vadd.f32 v30, v54;
	(v2sf) =	vpush v60, $0xF;
	s1 =	ssub.f32 $1.500000000e+00, s18;
	s18 =	smul.f32 s10, s20  }
0xaa: {  	v4 =	vand.u32 $0x7FFFFFFF, v4;
	v1 =	vsub.f32 v42, v1;
	v58 =	vsub.f32 v63, v52;
	(xrf2) =	vadd.scan.msk.f32 $0xffff, v5;
	v52 =	vld [tilespmem:s0+$0x2C00];
	s21 =	spop (v2sf);
	s15 =	smul.f32 $5.000000000e-01, s17  }
0xab: {  	v5 =	vmul.f32 v26, v26;
	(xrf2) =	vadd.scan.msk.f32 $0xffff, v51;
	v51 =	vld [tilespmem:s0+$0x8C30];
	s14 =	ssub.f32 $1.500000000e+00, s11;
	v54 =	vsub.f32 v30, v56;
	v30 =	vmul.f32 v28, v28;
	s16 =	smul.f32 $5.000000000e-01, s21  }
0xac: {  	v0 =	vadd.f32 v0, v1;
	v2 =	vand.u32 $0x7FFFFFFF, v58;
	v58 =	vmul.f32 v34, v34;
	v56 =	vld [tilespmem:s0+$0x8C20];
	s8 =	sshra.s32 s21, $0x1;
	s6 =	smul.f32 s1, s12;
	s1 =	simm.s32 $0x100  }
0xad: {  	v2 =	vsub.f32 v2, v4;
	v39 =	vmul.f32 s9, v39;
	s5 =	smul.f32 s14, s5;
	v4 =	vadd.f32 v5, v30;
	s8 =	ssub.s32 $0x5F3759DF, s8;
	s12 =	ssub.f32 $1.500000000e+00, s18;
	v30 =	vld [tilespmem:s1+$0xAC20]  }
0xae: {  	v32 =	vmul.f32 s9, v32;
	v63 =	vand.u32 $0x7FFFFFFF, v54;
	s20 =	smul.f32 s8, s16;
	v1 =	vld [tilespmem:s1+$0x4C10];
	v31 =	vmul.f32 s6, v31  }
0xaf: {  	v0 =	vadd.f32 v0, v2;
	v54 =	vsub.f32 v63, v3;
	v3 =	vmul.f32 v36, v36;
	v42 =	vld [tilespmem:s1+$0xC20];
	s12 =	smul.f32 s10, s12  }
0xb0: {  	v60 =	vmul.f32 s9, v40;
	s21 =	sshra.s32 s17, $0x1;
	v55 =	vadd.f32 v61, v4;
	v4 =	vld [tilespmem:s1+$0xAC10];
	s22 =	smul.f32 s8, s20;
	v31 =	vadd.f32 v31, v62  }
0xb1: {  	v5 =	vmul.f32 v23, v23;
	s18 =	ssub.s32 $0x5F3759DF, s21;
	v63 =	vmul.f32 s5, v44;
	v40 =	vld [tilespmem:s1+$0xAC00];
	v53 =	vadd.f32 v3, v53;
	s7 =	smul.f32 s12, s7  }
0xb2: {  	v57 =	vmul.f32 s6, v50;
	v2 =	vmul.f32 s6, v45;
	v3 =	vld [tilespmem:s1+$0x4C00];
	v0 =	vadd.f32 v0, v54;
	s20 =	smul.f32 s18, s15  }
0xb3: {  	v61 =	vadd.f32 v58, v53;
	v50 =	vsub.f32 v31, v39;
	v39 =	vmul.f32 s9, v41;
	s7 =	smul.f32 s7, s12;
	v41 =	vld [tilespmem:s1+$0x6C10];
	s21 =	spop (v2sf)  }
0xb4: {  	v44 =	vld [tilespmem:s1+$0xC10];
	v54 =	vmul.f32 s6, v43;
	v2 =	vadd.f32 v2, v59;
	v59 =	vadd.f32 v5, v55;
	s17 =	ssub.f32 $1.500000000e+00, s22;
	v31, _, _ =	vpop (xrf2);
	s22 =	sshra.s32 s21, $0x1;
	s6 =	smul.f32 $5.000000000e-01, s21  }
0xb5: {  	[tilespmem:$0x1FFE0] =	vst v7;
	v7 =	vmovc v17;
	v17 =	vmovc v6;
	v43 =	vld [tilespmem:s1+$0x6C00];
	v62 =	vmul.f32 s5, v38;
	s20 =	smul.f32 s18, s20;
	s7 =	ssub.f32 $1.500000000e+00, s7;
	(v2sf) =	vpush v31, $0xF;
	v31 =	vadd.f32 v57, v51;
	s10 =	ssub.s32 $0x5F3759DF, s22  }
0xb6: {  	v45 =	vld [tilespmem:s1+$0x6C30];
	(xrf2) =	vadd.scan.msk.f32 $0xffff, v0;
	v58 =	vmul.f32 s5, v46;
	v55 =	vmul.f32 s5, v47;
	v53 =	vsub.f32 v2, v32;
	v5, _, _ =	vpop (xrf2);
	s9 =	smul.f32 s10, s6  }
0xb7: {  	v46 =	vld [tilespmem:s1+$0xC30];
	v2 =	vmul.f32 v30, v30;
	v32 =	vmovc v3;
	(xrf2) =	vadd.scan.msk.f32 $0xffff, v61;
	(v2sf) =	vpush v5, $0xF;
	v5 =	vadd.f32 v54, v56;
	s5 =	smul.f32 s7, s12  }
0xb8: {  	s29 =	simm.f32 $0.0e+00;
	v38 =	vld [tilespmem:s1+$0x4C20];
	s14 =	smul.f32 s8, s17;
	v51 =	vmul.f32 v42, v42;
	(xrf2) =	vadd.scan.msk.f32 $0xffff, v59;
	v54 =	vsub.f32 v31, v39;
	v0 =	vmul.f32 v41, v41;
	s8 =	spop (v2sf)  }
0xb9: {  	v47 =	vld [tilespmem:s1+$0xAC30];
	s17 =	simm.s32 $0x500;
	v39 =	vmovc v4;
	s11 =	smul.f32 s10, s9;
	v57 =	vsub.f32 v5, v60;
	v5 =	vmul.f32 v40, v40;
	v56 =	vmul.f32 s5, v48;
	s7 =	sshra.s32 s8, $0x1;
	v31 =	vmovc v1  }
.LBB2_2:
0xba: {  	v39 =	vmul.f32 v39, v4;
	_ =	sdelay $0x1  }
0xbb: {  	s12 =	smul.f32 s14, s16;
	s9 =	smov.u32 s17;
	v59 =	vld [tilespmem:s0+$0x2C20];
	s11 =	ssub.f32 $1.500000000e+00, s11;
	v5 =	vadd.f32 v39, v5  }
0xbc: {  	v31 =	vmul.f32 v31, v1;
	v48 =	vmovc v29;
	s21 =	sadd.s32 $0x100, s17;
	p0 =	sne.s32 s17, $0x7F00;
	v32 =	vmul.f32 v32, v3;
	s17 =	ssub.f32 $1.500000000e+00, s20;
	v29 =	vadd.f32 v56, v52  }
0xbd: {  	s11 =	smul.f32 s10, s11;
	v52 =	vmul.f32 s5, v37;
	v2 =	vadd.f32 v2, v5;
	v5 =	vmul.f32 v47, v47  }
0xbe: {  	v50 =	vand.u32 $0x7FFFFFFF, v50;
	v57 =	vand.u32 $0x7FFFFFFF, v57;
	v39 =	vmul.f32 s5, v35;
	v35 =	vmovc v11;
	v11 =	vmovc v8;
	s10 =	smul.f32 s18, s17;
	v56 =	vld [tilespmem:s1+$0x4C30]  }
0xbf: {  	v8 =	vmovc v42;
	v31 =	vadd.f32 v31, v32;
	v42 =	vld [tilespmem:s0+$0x2C30];
	v61 =	vmul.f32 v45, v45;
	s18 =	smul.f32 s11, s6;
	v49 =	vadd.f32 v52, v49  }
0xc0: {  	v6, _, _ =	vpop (xrf2);
	s0 =	smov.u32 s30;
	s30 =	smov.u32 s31;
	s31 =	smov.u32 s1;
	v60 =	vmul.f32 v46, v46;
	v39 =	vadd.f32 v39, v59;
	v63 =	vsub.f32 v29, v63  }
0xc1: {  	v32 =	vmul.f32 v38, v38;
	v59 =	vld [tilespmem:s31+$0xC00];
	s17 =	smul.f32 s18, s11;
	v52 =	vsub.f32 v49, v62;
	v49 =	vadd.f32 v5, v2;
	v5, _, _ =	vpop (xrf2)  }
0xc2: {  	v37 =	vmovc v13;
	s6 =	smul.f32 $5.000000000e-01, s8;
	v29 =	vmovc v47;
	v47 =	vmul.f32 v43, v43;
	(v2sf) =	vpush v5, $0xF;
	v5 =	vmul.f32 s5, v33  }
0xc3: {  	v13 =	vmovc v26;
	v26 =	vmovc v44;
	s15 =	smul.f32 s10, s15;
	v31 =	vadd.f32 v32, v31;
	v32 =	vld [tilespmem:s0+$0x8C00];
	v62 =	vmul.f32 v56, v56;
	v33 =	vmov v12;
	s17 =	ssub.f32 $1.500000000e+00, s17  }
0xc4: {  	s8 =	smul.f32 s12, s14;
	v12 =	vmovc v23;
	v23 =	vmovc v46;
	v46 =	vand.u32 $0x7FFFFFFF, v54;
	v54 =	vld [tilespmem:s0+$0x8C20];
	v0 =	vadd.f32 v0, v47;
	v5 =	vadd.f32 v5, v42  }
0xc5: {  	v44 =	vmul.f32 v44, v26;
	(xrf2) =	vadd.scan.msk.f32 $0xffff, v49;
	v49 =	vld [tilespmem:s0+$0x2C10];
	s12 =	smul.f32 s17, s11;
	s1 =	spop (v2sf);
	(v2sf) =	vpush v6, $0xF;
	v6 =	vadd.f32 v62, v31  }
0xc6: {  	v2, _, _ =	vpop (xrf2);
	v47 =	vld [tilespmem:s31+$0x6C20];
	v31 =	vsub.f32 v39, v58;
	v5 =	vsub.f32 v5, v55;
	v58 =	vmul.f32 v59, v59  }
0xc7: {  	s7 =	ssub.s32 $0x5F3759DF, s7;
	s15 =	smul.f32 s15, s10;
	v55 =	vmul.f32 s12, v20;
	v20 =	vmovc v34;
	v34 =	vmovc v45;
	v45 =	vld [tilespmem:s0+$0x8C30];
	v62 =	vmul.f32 s12, v24;
	s20 =	spop (v2sf);
	(v2sf) =	vpush v2, $0xF  }
0xc8: {  	v2 =	vand.u32 $0x7FFFFFFF, v63;
	v63 =	vand.u32 $0x7FFFFFFF, v52;
	v52 =	vld [tilespmem:s0+$0x2C00];
	s22 =	sshra.s32 s20, $0x1;
	s16 =	smul.f32 $5.000000000e-01, s20;
	v39 =	vadd.f32 v44, v58  }
0xc9: {  	s18 =	smul.f32 s7, s6;
	s11 =	sshra.s32 s1, $0x1;
	(xrf2) =	vadd.scan.msk.f32 $0xffff, v6;
	v6 =	vand.u32 $0x7FFFFFFF, v53;
	v53 =	vmul.f32 s12, v21;
	v21 =	vmovc v22;
	v22 =	vmov v41;
	v41 =	vld [tilespmem:s0+$0x8C10];
	s5 =	ssub.s32 $0x5F3759DF, s22  }
0xca: {  	v31 =	vand.u32 $0x7FFFFFFF, v31;
	v2 =	vsub.f32 v2, v50;
	s22 =	ssub.f32 $1.500000000e+00, s15;
	s15 =	smul.f32 $5.000000000e-01, s1;
	s1 =	sshra.s32 s9, $0x2;
	v44 =	vadd.f32 v51, v39;
	v51 =	vld [tilespmem:$0x1FF90]  }
0xcb: {  	s20 =	smul.f32 s7, s18;
	v6 =	vsub.f32 v63, v6;
	v42 =	vsub.f32 v31, v57;
	v63 =	vmul.f32 v47, v47;
	v31 =	vld [tilespmem:s1+$0x4C10]  }
0xcc: {  	s18 =	smul.f32 s5, s16;
	v39 =	vld [tilespmem:s1+$0xAC10]  }
0xcd: {  	s17 =	ssub.f32 $1.500000000e+00, s20;
	s10 =	smul.f32 s22, s10;
	v2 =	vadd.f32 v6, v2;
	v0 =	vadd.f32 v63, v0;
	v63 =	vld [tilespmem:$0x1FFB0]  }
0xce: {  	s8 =	ssub.f32 $1.500000000e+00, s8;
	v5 =	vand.u32 $0x7FFFFFFF, v5;
	v32 =	vadd.f32 v62, v32;
	v62 =	vmovc v18;
	v18 =	vmov v40;
	v40 =	vld [tilespmem:s1+$0xAC00];
	s22 =	smul.f32 s5, s18  }
0xcf: {  	v58 =	vsub.f32 v5, v46;
	v6 =	vld [tilespmem:s1+$0xAC20];
	s18 =	ssub.s32 $0x5F3759DF, s11;
	s11 =	smul.f32 s7, s17;
	v2 =	vadd.f32 v2, v42;
	v46 =	vmul.f32 s10, v51  }
0xd0: {  	s17 =	smul.f32 s8, s14;
	v42 =	vld [tilespmem:s1+$0xC20]  }
0xd1: {  	v24 =	vmovc v25;
	v57 =	vmul.f32 s12, v9;
	v2 =	vadd.f32 v2, v58;
	v50 =	vsub.f32 v32, v46;
	v46 =	vld [tilespmem:$0x1FFE0]  }
0xd2: {  	v25 =	vmov v43;
	v43, _, _ =	vpop (xrf2);
	s6 =	smul.f32 s11, s6;
	v51 =	vmul.f32 s10, v63;
	v63 =	vmul.f32 s17, v10;
	v10 =	vld [tilespmem:$0x1FFF0]  }
0xd3: {  	v5 =	vmov v30;
	v14 =	vmul.f32 s10, v14;
	v27 =	vmul.f32 s10, v27;
	s10 =	ssub.f32 $1.500000000e+00, s22;
	v58, _, _ =	vpop (xrf2);
	(xrf2) =	vadd.scan.msk.f32 $0xffff, v2;
	v2 =	vld [tilespmem:$0x1FFA0]  }
0xd4: {  	v9 =	vmovc v36;
	v36 =	vmov v47;
	v47 =	vld [tilespmem:s1+$0xAC30];
	v0 =	vadd.f32 v61, v0;
	s22 =	smul.f32 s6, s11;
	[tilespmem:$0x1FFE0] =	vst v5;
	v5 =	vadd.f32 v53, v41  }
0xd5: {  	v61 =	vadd.f32 v57, v54;
	s12 =	spop (v2sf);
	v41 =	vld [tilespmem:s1+$0x6C10];
	s14 =	smul.f32 s5, s10  }
0xd6: {  	[tilespmem:$0x1FF90] =	vst v62;
	s20 =	sshra.s32 s12, $0x1;
	s6 =	smul.f32 $5.000000000e-01, s12;
	v53 =	vsub.f32 v5, v14;
	v5 =	vadd.f32 v55, v45;
	(xrf2) =	vadd.scan.msk.f32 $0xffff, v0;
	v0 =	vld [tilespmem:$0x1FFD0];
	s10 =	spop (v2sf);
	v32 =	vmovc v46  }
0xd7: {  	v60 =	vadd.f32 v60, v44;
	(v2sf) =	vpush v43, $0xF;
	v30 =	vmov v6;
	s5 =	sadd.f32 $1.000000000e+00, s10;
	s10 =	ssub.s32 $0x5F3759DF, s20;
	[tilespmem:$0x1FFB0] =	vst v32;
	v32 =	vld [tilespmem:s1+$0x4C00]  }
0xd8: {  	s12 =	ssub.f32 $1.500000000e+00, s22;
	v57 =	vsub.f32 v61, v51;
	v51 =	vmul.f32 v42, v42;
	v10 =	vmovc v10;
	v62 =	vmul.f32 s17, v2;
	v2 =	vmovc v1;
	v1 =	vld [tilespmem:$0x1FFC0];
	s20 =	smul.f32 s10, s6  }
.Ltmp0:
0xd9: {  	v44 =	vld [tilespmem:s1+$0xC10];
	v14 =	vmovc v7;
	v7 =	vmov v4;
	v4 =	vmov v39;
	(xrf2) =	vadd.scan.msk.f32 $0xffff, v60;
	[tilespmem:$0x1FFA0] =	vst v10;
	(pc) =	sbr.rel @p0 .LBB2_2-.Ltmp0, $4  }
0xda: {  	v43 =	vld [tilespmem:s1+$0x6C00];
	(v2sf) =	vpush v58, $0xF;
	v54 =	vsub.f32 v5, v27;
	v5 =	vmovc v15;
	[tilespmem:$0x1FFF0] =	vst v2;
	v2 =	vmul.f32 v6, v30;
	s22 =	smax.f32 s5, $0.0e+00;
	s5 =	smul.f32 s12, s11  }
0xdb: {  	s9 =	smul.f32 s18, s15;
	v45 =	vld [tilespmem:s1+$0x6C30];
	v27 =	vmovc v48;
	s8 =	spop (v2sf);
	v15 =	vmovc v38;
	v55 =	vmul.f32 s17, v0;
	v0 =	vmov v17;
	[tilespmem:$0x1FFC0] =	vst v5;
	v5 =	vmul.f32 v40, v40  }
0xdc: {  	v46 =	vld [tilespmem:s1+$0xC30];
	s7 =	sshra.s32 s8, $0x1;
	v17 =	vmovc v56;
	v10 =	vmovc v16;
	v16 =	vmov v3;
	[tilespmem:$0x1FFD0] =	vst v0;
	v0 =	vmul.f32 v41, v41;
	s11 =	smul.f32 s10, s20;
	v56 =	vmul.f32 s5, v19  }
0xdd: {  	v38 =	vld [tilespmem:s1+$0x4C20];
	s29 =	sadd.f32 s22, s29;
	s20 =	smul.f32 s18, s9;
	v19 =	vmovc v28;
	v28 =	vmovc v59;
	v58 =	vmul.f32 s17, v1;
	v1 =	vmov v31;
	v3 =	vmov v32;
	s17 =	smov.u32 s21  }
0xde: {  	s9 =	ssub.f32 $1.500000000e+00, s11;
	v6 =	vmul.f32 v39, v4  }
0xdf: {  	s17 =	smul.f32 s14, s16  }
0xe0: {  	s12 =	ssub.f32 $1.500000000e+00, s20;
	s10 =	smul.f32 s10, s9;
	v5 =	vadd.f32 v6, v5;
	v6 =	vmul.f32 v31, v1;
	v31 =	vmul.f32 v32, v3  }
0xe1: {  	v60 =	vadd.f32 v56, v52;
	v61 =	vld [tilespmem:s0+$0x2C20];
	s9 =	smul.f32 $5.000000000e-01, s8  }
0xe2: {  	v48 =	vmul.f32 s5, v37;
	v37 =	vld [tilespmem:s1+$0x4C30];
	s12 =	smul.f32 s18, s12  }
0xe3: {  	v56, _, _ =	vpop (xrf2);
	s7 =	ssub.s32 $0x5F3759DF, s7;
	v50 =	vand.u32 $0x7FFFFFFF, v50;
	v32 =	vsub.f32 v60, v63;
	s6 =	smul.f32 s10, s6  }
0xe4: {  	v2 =	vadd.f32 v2, v5;
	v5 =	vadd.f32 v6, v31;
	v6 =	vmul.f32 v47, v47;
	s18 =	smul.f32 s7, s9;
	v31, _, _ =	vpop (xrf2)  }
0xe5: {  	v60 =	vld [tilespmem:s0+$0x2C30];
	v59 =	vmul.f32 v38, v38;
	s21 =	smul.f32 s12, s15;
	(v2sf) =	vpush v31, $0xF;
	v31 =	vmul.f32 s5, v35  }
0xe6: {  	v63 =	vadd.f32 v48, v49;
	s6 =	smul.f32 s6, s10;
	v2 =	vadd.f32 v6, v2;
	v6 =	vmul.f32 v43, v43  }
0xe7: {  	v5 =	vadd.f32 v59, v5;
	s16 =	smul.f32 s7, s18;
	v31 =	vadd.f32 v31, v61;
	v61 =	vmul.f32 v37, v37  }
0xe8: {  	s11 =	smul.f32 s17, s14;
	v39 =	vsub.f32 v63, v62;
	v0 =	vadd.f32 v0, v6;
	v6 =	vmul.f32 s5, v33;
	s6 =	ssub.f32 $1.500000000e+00, s6  }
0xe9: {  	v49 =	vand.u32 $0x7FFFFFFF, v53;
	v32 =	vand.u32 $0x7FFFFFFF, v32;
	s8 =	smul.f32 s21, s12;
	s16 =	ssub.f32 $1.500000000e+00, s16;
	v5 =	vadd.f32 v61, v5  }
0xea: {  	v63 =	vld [tilespmem:s1+$0x6C20];
	s18 =	ssub.f32 $1.500000000e+00, s11;
	(xrf2) =	vadd.scan.msk.f32 $0xffff, v2;
	v2 =	vand.u32 $0x7FFFFFFF, v39;
	v6 =	vadd.f32 v6, v60;
	s6 =	smul.f32 s6, s10;
	v31 =	vsub.f32 v31, v58  }
0xeb: {  	v62, _, _ =	vpop (xrf2);
	v2 =	vsub.f32 v2, v49;
	s8 =	ssub.f32 $1.500000000e+00, s8;
	s16 =	smul.f32 s7, s16;
	(xrf2) =	vadd.scan.msk.f32 $0xffff, v5;
	v5 =	vsub.f32 v32, v50  }
0xec: {  	v52 =	vand.u32 $0x7FFFFFFF, v57;
	s22 =	spop (v2sf);
	s7 =	smul.f32 s18, s14;
	v6 =	vsub.f32 v6, v55;
	v31 =	vand.u32 $0x7FFFFFFF, v31  }
0xed: {  	s20 =	spop (v2sf);
	s8 =	smul.f32 s8, s12;
	v31 =	vsub.f32 v31, v52;
	v2 =	vadd.f32 v2, v5  }
0xee: {  	(v2sf) =	vpush v56, $0xF;
	s0 =	smul.f32 $5.000000000e-01, s20;
	s5 =	sshra.s32 s20, $0x1;
	v6 =	vand.u32 $0x7FFFFFFF, v6;
	v5 =	vand.u32 $0x7FFFFFFF, v54  }
0xef: {  	v53 =	vmul.f32 v63, v63;
	s9 =	smul.f32 s16, s9;
	s10 =	ssub.s32 $0x5F3759DF, s5;
	v5 =	vsub.f32 v6, v5;
	v2 =	vadd.f32 v2, v31  }
0xf0: {  	(v2sf) =	vpush v62, $0xF;
	s17 =	smul.f32 s10, s0  }
0xf1: {  	s21 =	sshra.s32 s22, $0x1;
	v0 =	vadd.f32 v53, v0;
	s5 =	smul.f32 $5.000000000e-01, s22;
	v54 =	vld [tilespmem:s1+$0xC00];
	v6 =	vmul.f32 v45, v45;
	v2 =	vadd.f32 v2, v5  }
0xf2: {  	s12 =	ssub.s32 $0x5F3759DF, s21;
	s22 =	smul.f32 s10, s17  }
0xf3: {  	s17 =	smul.f32 s12, s5;
	v0 =	vadd.f32 v6, v0  }
0xf4: {  	s9 =	smul.f32 s9, s16;
	s15 =	ssub.f32 $1.500000000e+00, s22  }
0xf5: {  	s17 =	smul.f32 s12, s17;
	(xrf2) =	vadd.scan.msk.f32 $0xffff, v2;
	s20 =	spop (v2sf);
	v2, _, _ =	vpop (xrf2)  }
0xf6: {  	v5 =	vmul.f32 v54, v54;
	s21 =	sshra.s32 s20, $0x1;
	s11 =	smul.f32 $5.000000000e-01, s20;
	(xrf2) =	vadd.scan.msk.f32 $0xffff, v0;
	(v2sf) =	vpush v2, $0xF;
	v2 =	vmul.f32 v44, v44  }
0xf7: {  	s9 =	ssub.f32 $1.500000000e+00, s9;
	s10 =	smul.f32 s10, s15;
	v0, _, _ =	vpop (xrf2);
	s14 =	ssub.s32 $0x5F3759DF, s21  }
0xf8: {  	(v2sf) =	vpush v0, $0xF;
	s22 =	smul.f32 s14, s11;
	v0 =	vadd.f32 v2, v5  }
0xf9: {  	s15 =	smul.f32 s9, s16  }
0xfa: {  	s20 =	ssub.f32 $1.500000000e+00, s17;
	v2 =	vmul.f32 v46, v46;
	s18 =	smul.f32 s14, s22;
	v0 =	vadd.f32 v51, v0  }
0xfb: {  	s0 =	smul.f32 s10, s0  }
0xfc: {  	s12 =	smul.f32 s12, s20;
	s18 =	ssub.f32 $1.500000000e+00, s18;
	v0 =	vadd.f32 v2, v0  }
0xfd: {  	s20 =	smul.f32 s0, s10  }
0xfe: {  	s9 =	smul.f32 s14, s18  }
0xff: {  	s5 =	smul.f32 s12, s5;
	s14 =	spop (v2sf);
	v2, _, _ =	vpop (xrf2);
	(xrf2) =	vadd.scan.msk.f32 $0xffff, v0  }
0x100: {  	v56 =	vld [tilespmem:$0x1FF90];
	s21 =	spop (v2sf);
	s11 =	smul.f32 s9, s11;
	v0, _, _ =	vpop (xrf2)  }
0x101: {  	v5 =	vld [tilespmem:s30+$0x8C10];
	s17 =	smul.f32 $5.000000000e-01, s21;
	s16 =	sshra.s32 s21, $0x1;
	(v2sf) =	vpush v0, $0xF  }
0x102: {  	v57 =	vld [tilespmem:$0x1FFB0];
	s16 =	ssub.s32 $0x5F3759DF, s16;
	s11 =	smul.f32 s11, s9  }
0x103: {  	s18 =	smul.f32 s16, s17  }
0x104: {  	v55 =	vmul.f32 s6, v21;
	v0 =	vld [tilespmem:s30+$0x8C00];
	s0 =	ssub.f32 $1.500000000e+00, s11;
	s11 =	smul.f32 s5, s12  }
0x105: {  	v32 =	vmul.f32 s8, v56;
	s18 =	smul.f32 s16, s18;
	s21 =	spop (v2sf)  }
0x106: {  	v14 =	vmul.f32 s8, v14;
	v6 =	vmul.f32 s6, v24;
	v24 =	vld [tilespmem:s30+$0x2C00];
	v5 =	vadd.f32 v55, v5;
	s5 =	smul.f32 s0, s9;
	s9 =	ssub.f32 $1.500000000e+00, s11  }
0x107: {  	v39 =	vmul.f32 s8, v57;
	v27 =	vmul.f32 s8, v27;
	v31 =	vld [tilespmem:s30+$0x8C30];
	s22 =	spop (v2sf);
	s8 =	smul.f32 $5.000000000e-01, s21  }
0x108: {  	v5 =	vsub.f32 v5, v14;
	v14 =	vmul.f32 s15, v19;
	v19 =	vld [tilespmem:$0x1FFA0];
	s18 =	ssub.f32 $1.500000000e+00, s18;
	s0 =	smul.f32 $5.000000000e-01, s22  }
0x109: {  	(v2sf) =	vpush v2, $0xF;
	v0 =	vadd.f32 v6, v0;
	v6 =	vld [tilespmem:s30+$0x8C20];
	s22 =	sshra.s32 s22, $0x1;
	s9 =	smul.f32 s9, s12;
	v2, _, _ =	vpop (xrf2)  }
0x10a: {  	s16 =	smul.f32 s16, s18;
	s11 =	ssub.s32 $0x5F3759DF, s22;
	(v2sf) =	vpush v2, $0xF;
	v2 =	vld [tilespmem:s30+$0x2C10]  }
0x10b: {  	v58 =	vmul.f32 s6, v20;
	v14 =	vadd.f32 v14, v24;
	v24 =	vmul.f32 s15, v11;
	v11 =	vld [tilespmem:$0x1FFC0];
	s18 =	ssub.f32 $1.500000000e+00, s20;
	s12 =	smul.f32 s11, s0  }
0x10c: {  	v20 =	vmul.f32 s6, v9;
	v21 =	vld [tilespmem:s30+$0x2C20];
	s17 =	smul.f32 s16, s17  }
0x10d: {  	v59 =	vmul.f32 s7, v10;
	v48 =	vadd.f32 v58, v31;
	v10 =	vmul.f32 s15, v13;
	v31 =	vld [tilespmem:s30+$0x2C30];
	s10 =	smul.f32 s18, s10  }
0x10e: {  	v0 =	vsub.f32 v0, v32;
	s22 =	sshra.s32 s21, $0x1;
	s21 =	smul.f32 s11, s12  }
0x10f: {  	v19 =	vmul.f32 s7, v19;
	s12 =	ssub.s32 $0x5F3759DF, s22;
	v6 =	vadd.f32 v20, v6;
	s17 =	smul.f32 s17, s16;
	v2 =	vadd.f32 v10, v2  }
0x110: {  	v20 =	vmul.f32 s7, v11;
	v11 =	vmul.f32 s15, v12;
	v12 =	vld [tilespmem:$0x1FFD0];
	s6 =	smul.f32 s12, s8;
	v10 =	vsub.f32 v14, v59;
	s20 =	spop (v2sf)  }
0x111: {  	v5 =	vand.u32 $0x7FFFFFFF, v5;
	s21 =	ssub.f32 $1.500000000e+00, s21;
	v14 =	vadd.f32 v24, v21;
	v2 =	vsub.f32 v2, v19;
	s22 =	sshra.s32 s20, $0x1;
	s20 =	smul.f32 $5.000000000e-01, s20  }
0x112: {  	v0 =	vand.u32 $0x7FFFFFFF, v0;
	v6 =	vsub.f32 v6, v39;
	v11 =	vadd.f32 v11, v31;
	s18 =	ssub.s32 $0x5F3759DF, s22;
	s22 =	smul.f32 s12, s6  }
0x113: {  	v19 =	vsub.f32 v14, v20;
	v10 =	vand.u32 $0x7FFFFFFF, v10;
	v2 =	vand.u32 $0x7FFFFFFF, v2;
	s6 =	smul.f32 s11, s21  }
0x114: {  	v0 =	vsub.f32 v10, v0;
	s15 =	smul.f32 s18, s20;
	v2 =	vsub.f32 v2, v5  }
0x115: {  	v6 =	vand.u32 $0x7FFFFFFF, v6;
	v12 =	vmul.f32 s7, v12;
	v14 =	vld [tilespmem:s31+$0x8C00];
	v24 =	vand.u32 $0x7FFFFFFF, v19;
	s0 =	smul.f32 s6, s0  }
0x116: {  	v10 =	vld [tilespmem:s31+$0x8C10];
	v6 =	vsub.f32 v24, v6;
	s21 =	ssub.f32 $1.500000000e+00, s22;
	s7 =	smul.f32 s18, s15;
	v0 =	vadd.f32 v2, v0  }
0x117: {  	v13 =	vsub.f32 v48, v27;
	v20 =	vmul.f32 s5, v22;
	v22 =	vld [tilespmem:s31+$0x8C30];
	v11 =	vsub.f32 v11, v12;
	s15 =	ssub.f32 $1.500000000e+00, s17  }
0x118: {  	v19 =	vmul.f32 s5, v25;
	s0 =	smul.f32 s0, s6;
	s7 =	ssub.f32 $1.500000000e+00, s7;
	v0 =	vadd.f32 v0, v6;
	v6 =	vmul.f32 s9, v7;
	v7 =	vld [tilespmem:$0x1FFE0]  }
0x119: {  	v13 =	vand.u32 $0x7FFFFFFF, v13;
	s11 =	smul.f32 s15, s16;
	s15 =	spop (v2sf)  }
0x11a: {  	v21 =	vld [tilespmem:s31+$0x8C20];
	v2 =	vand.u32 $0x7FFFFFFF, v11;
	v11 =	vadd.f32 v19, v14;
	v14 =	vmul.f32 s9, v18;
	s22 =	spop (v2sf);
	s17 =	smul.f32 s18, s7  }
0x11b: {  	v12 =	vld [tilespmem:s31+$0x2C10];
	v5 =	vmul.f32 s5, v34;
	v2 =	vsub.f32 v2, v13;
	v10 =	vadd.f32 v20, v10;
	s16 =	sshra.s32 s22, $0x1;
	s18 =	smul.f32 $5.000000000e-01, s22  }
0x11c: {  	v25 =	vld [tilespmem:s31+$0x2C00];
	v13 =	vmul.f32 s10, v16;
	v9 =	vsub.f32 v11, v14;
	v14 =	vmul.f32 s9, v29;
	s0 =	ssub.f32 $1.500000000e+00, s0;
	s7 =	smul.f32 s12, s21;
	s12 =	ssub.s32 $0x5F3759DF, s16  }
0x11d: {  	v5 =	vadd.f32 v5, v22;
	v11 =	vmul.f32 s10, v15;
	s22 =	smul.f32 s12, s18;
	v24 =	vmul.f32 s9, v7;
	v7 =	vld [tilespmem:$0x1FFF0]  }
0x11e: {  	v27 =	vld [tilespmem:s31+$0x2C20];
	v0 =	vadd.f32 v0, v2;
	v2 =	vmul.f32 s5, v36;
	v6 =	vsub.f32 v10, v6;
	s0 =	smul.f32 s0, s6  }
0x11f: {  	v10 =	vmul.f32 s11, v28;
	v18 =	vmul.f32 s11, v26;
	v5 =	vsub.f32 v5, v14;
	s5 =	smul.f32 s12, s22  }
0x120: {  	v19 =	vld [tilespmem:s31+$0x2C30];
	v9 =	vand.u32 $0x7FFFFFFF, v9;
	s21 =	smul.f32 s17, s20;
	v2 =	vadd.f32 v2, v21;
	v21 =	vmul.f32 s11, v8  }
0x121: {  	v10 =	vadd.f32 v10, v25;
	v12 =	vadd.f32 v18, v12;
	s8 =	smul.f32 s7, s8;
	v8 =	vmul.f32 s10, v17;
	s5 =	ssub.f32 $1.500000000e+00, s5  }
0x122: {  	v6 =	vand.u32 $0x7FFFFFFF, v6;
	v5 =	vand.u32 $0x7FFFFFFF, v5;
	s9 =	smul.f32 s21, s17;
	v20 =	vmul.f32 s10, v7  }
0x123: {  	v10 =	vsub.f32 v10, v13;
	v13 =	vmul.f32 s11, v23;
	v7 =	vadd.f32 v21, v27;
	s5 =	smul.f32 s12, s5  }
0x124: {  	v3 =	vmul.f32 s0, v3;
	s8 =	smul.f32 s8, s7;
	v2 =	vsub.f32 v2, v24;
	s9 =	ssub.f32 $1.500000000e+00, s9;
	v12 =	vsub.f32 v12, v20  }
0x125: {  	v10 =	vand.u32 $0x7FFFFFFF, v10;
	v7 =	vsub.f32 v7, v11;
	v11 =	vadd.f32 v13, v19;
	v13 =	vld [tilespmem:s1+$0x8C00];
	s18 =	smul.f32 s5, s18  }
0x126: {  	s8 =	ssub.f32 $1.500000000e+00, s8;
	v2 =	vand.u32 $0x7FFFFFFF, v2;
	v9 =	vsub.f32 v10, v9;
	v10 =	vld [tilespmem:s1+$0x8C10];
	s9 =	smul.f32 s9, s17;
	v12 =	vand.u32 $0x7FFFFFFF, v12  }
0x127: {  	v8 =	vsub.f32 v11, v8;
	v7 =	vand.u32 $0x7FFFFFFF, v7;
	s10 =	smul.f32 s18, s5;
	v6 =	vsub.f32 v12, v6  }
0x128: {  	v1 =	vmul.f32 s0, v1;
	s7 =	smul.f32 s8, s7;
	v11 =	vmul.f32 s9, v43;
	v12 =	vld [tilespmem:s1+$0x2C00];
	v2 =	vsub.f32 v7, v2  }
0x129: {  	v7 =	vld [tilespmem:s1+$0x8C30];
	v8 =	vand.u32 $0x7FFFFFFF, v8;
	s20 =	ssub.f32 $1.500000000e+00, s10;
	v6 =	vadd.f32 v6, v9;
	v9 =	vmul.f32 s9, v41  }
0x12a: {  	v11 =	vadd.f32 v11, v13;
	v13 =	vld [tilespmem:s1+$0x8C20];
	v5 =	vsub.f32 v8, v5;
	v8 =	vmul.f32 s7, v40  }
0x12b: {  	v4 =	vmul.f32 s7, v4;
	s5 =	smul.f32 s20, s5;
	v2 =	vadd.f32 v6, v2;
	v6 =	vld [tilespmem:s1+$0x2C10];
	v9 =	vadd.f32 v9, v10  }
0x12c: {  	v16 =	vld [tilespmem:s1+$0x2C20];
	v14 =	vmul.f32 s9, v45;
	v15 =	vmul.f32 s7, v30;
	v8 =	vsub.f32 v11, v8  }
0x12d: {  	v11 =	vmul.f32 s9, v63;
	v4 =	vsub.f32 v9, v4;
	v9 =	vmul.f32 s5, v54  }
0x12e: {  	v10 =	vmul.f32 s7, v47;
	v7 =	vadd.f32 v14, v7;
	v14 =	vmul.f32 s5, v44  }
0x12f: {  	v17 =	vld [tilespmem:s1+$0x2C30];
	v11 =	vadd.f32 v11, v13;
	v9 =	vadd.f32 v9, v12;
	v12 =	vmul.f32 s5, v42  }
0x130: {  	v8 =	vand.u32 $0x7FFFFFFF, v8;
	v7 =	vsub.f32 v7, v10;
	v6 =	vadd.f32 v14, v6  }
0x131: {  	v13 =	vmul.f32 s0, v38;
	v3 =	vsub.f32 v9, v3;
	v9 =	vadd.f32 v12, v16  }
0x132: {  	v10 =	vmul.f32 s5, v46;
	v4 =	vand.u32 $0x7FFFFFFF, v4;
	v1 =	vsub.f32 v6, v1  }
0x133: {  	v11 =	vsub.f32 v11, v15;
	v12 =	vmul.f32 s0, v37;
	v6 =	vsub.f32 v9, v13  }
0x134: {  	v3 =	vand.u32 $0x7FFFFFFF, v3;
	v9 =	vadd.f32 v10, v17;
	v1 =	vand.u32 $0x7FFFFFFF, v1  }
0x135: {  	v3 =	vsub.f32 v3, v8;
	v1 =	vsub.f32 v1, v4  }
0x136: {  	v4 =	vand.u32 $0x7FFFFFFF, v11;
	v8 =	vsub.f32 v9, v12;
	v6 =	vand.u32 $0x7FFFFFFF, v6  }
0x137: {  	v4 =	vsub.f32 v6, v4;
	v1 =	vadd.f32 v1, v3  }
0x138: {  	v2 =	vadd.f32 v2, v5;
	v3 =	vand.u32 $0x7FFFFFFF, v7;
	v5 =	vand.u32 $0x7FFFFFFF, v8  }
0x139: {  	(xrf2) =	vadd.scan.msk.f32 $0xffff, v0;
	v0 =	vsub.f32 v5, v3;
	v1 =	vadd.f32 v1, v4;
	_ =	sdelay $0x1  }
0x13a: {  	v0 =	vadd.f32 v1, v0  }
0x13b: {  	(xrf2) =	vadd.scan.msk.f32 $0xffff, v2  }
0x13c: {  	(xrf2) =	vadd.scan.msk.f32 $0xffff, v0;
	_ =	sdelay $0x7  }
0x13d: {  	v0, _, _ =	vpop (xrf2)  }
0x13e: {  	(v2sf) =	vpush v0, $0xF;
	v0, _, _ =	vpop (xrf2)  }
0x13f: {  	(v2sf) =	vpush v0, $0xF;
	v0, _, _ =	vpop (xrf2)  }
0x140: {  	(v2sf) =	vpush v0, $0xF;
	_ =	sdelay $0x1  }
0x141: {  	[tilespmem:s23], [sflag:$0x1] =	stream.indirect.gather [hbm4b:s3+s19], $0x40, s19, s19, $0xb8;
	[tilespmem:$0xCC10] =	vst v63  }
0x142: {  	s21 =	simm.s32 $0x2C00;
	s22 =	simm.s32 $0x280  }
0x143: {  	[tilespmem:s21], [sflag:$0x1] =	stream.indirect.gather [hbm4b:s4+s19], $0x40, s22, s19, $0xb8;
	[tilespmem:$0xCC10] =	vst v63  }
0x144: {  	s6 =	simm.s32 $0x480;
	s5 =	simm.s32 $0x4C00  }
0x145: {  	[tilespmem:s5], [sflag:$0x1] =	stream.indirect.gather [hbm4b:s3+s19], $0x40, s6, s19, $0xb8;
	[tilespmem:$0xCC10] =	vst v63  }
0x146: {  	s8 =	simm.s32 $0x680;
	s7 =	simm.s32 $0x6C00  }
0x147: {  	[tilespmem:s7], [sflag:$0x1] =	stream.indirect.gather [hbm4b:s3+s19], $0x40, s8, s19, $0xb8;
	[tilespmem:$0xCC10] =	vst v63  }
0x148: {  	s9 =	simm.s32 $0x880  }
0x149: {  	[tilespmem:s24], [sflag:$0x1] =	stream.indirect.gather [hbm4b:s4+s19], $0x40, s9, s19, $0xb8;
	[tilespmem:$0xCC10] =	vst v63  }
0x14a: {  	s10 =	simm.s32 $0xA80  }
0x14b: {  	[tilespmem:s25], [sflag:$0x1] =	stream.indirect.gather [hbm4b:s3+s19], $0x40, s10, s19, $0xb8;
	[tilespmem:$0xCC10] =	vst v63  }
0x14c: {  	s1 =	spop (v2sf)  }
0x14d: {  	s17 =	spop (v2sf)  }
0x14e: {  	s16 =	spop (v2sf)  }
0x14f: {  	_ =	swait.ge [sflag:s26], $0x2000  }
0x150: {  	[sflag:s26] =	ssyncset.done $0x0  }
0x151: {  	[sflag:s26] =	ssyncadd.s32 $0xFFFFE000  }
0x152: {  	_ =	swait.ge [sflag:s26], $0x2000  }
0x153: {  	[sflag:s26] =	ssyncset.done $0x0  }
0x154: {  	[sflag:s26] =	ssyncadd.s32 $0xFFFFE000  }
0x155: {  	_ =	swait.ge [sflag:s26], $0x2000  }
0x156: {  	[sflag:s26] =	ssyncset.done $0x0  }
0x157: {  	[sflag:s26] =	ssyncadd.s32 $0xFFFFE000  }
0x158: {  	_ =	swait.ge [sflag:s26], $0x2000  }
0x159: {  	[sflag:s26] =	ssyncset.done $0x0  }
0x15a: {  	[sflag:s26] =	ssyncadd.s32 $0xFFFFE000  }
0x15b: {  	_ =	swait.ge [sflag:s26], $0x2000  }
0x15c: {  	[sflag:s26] =	ssyncset.done $0x0  }
0x15d: {  	[sflag:s26] =	ssyncadd.s32 $0xFFFFE000  }
0x15e: {  	_ =	swait.ge [sflag:s26], $0x2000  }
0x15f: {  	[sflag:s26] =	ssyncset.done $0x0  }
0x160: {  	s18 =	simm.s32 $0x0;
	[sflag:s26] =	ssyncadd.s32 $0xFFFFE000  }
0x161: {  	v58 =	vld [tilespmem:s18+$0xAC20]  }
0x162: {  	v12 =	vld [tilespmem:s18+$0x4C10]  }
0x163: {  	v16 =	vld [tilespmem:s18+$0xAC10]  }
0x164: {  	v17 =	vld [tilespmem:s18+$0xAC00]  }
0x165: {  	v25 =	vld [tilespmem:s18+$0x4C00]  }
0x166: {  	v3 =	vld [tilespmem:s18+$0x6C10]  }
0x167: {  	v59 =	vld [tilespmem:s18+$0x4C20]  }
0x168: {  	v22 =	vld [tilespmem:s18+$0xAC30]  }
0x169: {  	v29 =	vld [tilespmem:s18+$0x4C30];
	v0 =	vmul.f32 v17, v17;
	v1 =	vmul.f32 v16, v16  }
0x16a: {  	v7 =	vld [tilespmem:s18+$0x6C00];
	v2 =	vmul.f32 v12, v12;
	v4 =	vmul.f32 v25, v25  }
0x16b: {  	v5 =	vmul.f32 v58, v58;
	v0 =	vadd.f32 v1, v0  }
0x16c: {  	v34 =	vld [tilespmem:s18+$0x6C20];
	v1 =	vadd.f32 v2, v4;
	v4 =	vmul.f32 v59, v59  }
0x16d: {  	v0 =	vadd.f32 v5, v0;
	v5 =	vmul.f32 v22, v22  }
0x16e: {  	v2 =	vld [tilespmem:s18+$0x6C30];
	v1 =	vadd.f32 v4, v1;
	v4 =	vmul.f32 v29, v29  }
0x16f: {  	v6 =	vmul.f32 v3, v3;
	v8 =	vmul.f32 v7, v7;
	v0 =	vadd.f32 v5, v0  }
0x170: {  	v1 =	vadd.f32 v4, v1  }
0x171: {  	v4 =	vadd.f32 v6, v8;
	(xrf2) =	vadd.scan.msk.f32 $0xffff, v0;
	v0 =	vmul.f32 v34, v34  }
0x172: {  	(xrf2) =	vadd.scan.msk.f32 $0xffff, v1  }
0x173: {  	v28 =	vld [tilespmem:s18+$0xC00];
	v1 =	vmul.f32 v2, v2;
	v0 =	vadd.f32 v0, v4  }
0x174: {  	v26 =	vld [tilespmem:s18+$0xC10]  }
0x175: {  	v0 =	vadd.f32 v1, v0  }
0x176: {  	v24 =	vld [tilespmem:s18+$0xC20]  }
0x177: {  	s0 =	simm.s32 $0x40;
	(xrf2) =	vadd.scan.msk.f32 $0xffff, v0  }
0x178: {  	v32 =	vld [tilespmem:s0+$0xAC10];
	v1 =	vmul.f32 v28, v28  }
0x179: {  	v31 =	vld [tilespmem:s18+$0xC30];
	v0 =	vmul.f32 v26, v26  }
0x17a: {  	v38 =	vld [tilespmem:s0+$0xAC00]  }
0x17b: {  	v44 =	vld [tilespmem:s0+$0x4C00];
	v5 =	vmul.f32 v24, v24;
	v0 =	vadd.f32 v0, v1;
	v4, _, _ =	vpop (xrf2)  }
0x17c: {  	v39 =	vld [tilespmem:s0+$0x4C10];
	v1, _, _ =	vpop (xrf2);
	(v2sf) =	vpush v4, $0xF  }
0x17d: {  	v40 =	vld [tilespmem:s0+$0xAC20];
	v0 =	vadd.f32 v5, v0;
	v5 =	vmul.f32 v32, v32;
	(v2sf) =	vpush v1, $0xF  }
0x17e: {  	v46 =	vld [tilespmem:s0+$0x4C20]  }
0x17f: {  	v42 =	vld [tilespmem:s0+$0xAC30];
	v4 =	vmul.f32 v38, v38;
	v1 =	vmul.f32 v31, v31  }
0x180: {  	v47 =	vld [tilespmem:s0+$0x4C30];
	v6 =	vmul.f32 v44, v44  }
0x181: {  	v4 =	vadd.f32 v5, v4;
	v0 =	vadd.f32 v1, v0;
	v1 =	vmul.f32 v39, v39;
	v5, _, _ =	vpop (xrf2)  }
0x182: {  	v8 =	vmul.f32 v40, v40;
	(v2sf) =	vpush v5, $0xF  }
0x183: {  	(xrf2) =	vadd.scan.msk.f32 $0xffff, v0;
	v0 =	vadd.f32 v1, v6;
	v1 =	vmul.f32 v46, v46  }
0x184: {  	v30 =	vld [tilespmem:s0+$0x6C00];
	v4 =	vadd.f32 v8, v4;
	v5 =	vmul.f32 v42, v42  }
0x185: {  	v0 =	vadd.f32 v1, v0;
	v1 =	vmul.f32 v47, v47  }
0x186: {  	v45 =	vld [tilespmem:s0+$0x6C10];
	v4 =	vadd.f32 v5, v4  }
0x187: {  	v0 =	vadd.f32 v1, v0  }
0x188: {  	v43 =	vld [tilespmem:s0+$0x6C20];
	(xrf2) =	vadd.scan.msk.f32 $0xffff, v4  }
0x189: {  	v50 =	vld [tilespmem:s0+$0x6C30];
	v1 =	vmul.f32 v30, v30;
	(xrf2) =	vadd.scan.msk.f32 $0xffff, v0;
	_ =	sdelay $0x1  }
0x18a: {  	v0 =	vmul.f32 v45, v45;
	s11 =	spop (v2sf)  }
0x18b: {  	s12 =	spop (v2sf)  }
0x18c: {  	v0 =	vadd.f32 v0, v1;
	v1, _, _ =	vpop (xrf2);
	s20 =	sshra.s32 s12, $0x1;
	s8 =	smul.f32 $5.000000000e-01, s12  }
0x18d: {  	v4 =	vmul.f32 v43, v43;
	(v2sf) =	vpush v1, $0xF;
	v1 =	vmul.f32 v50, v50;
	s7 =	ssub.s32 $0x5F3759DF, s20  }
0x18e: {  	s21 =	smul.f32 s7, s8  }
0x18f: {  	v0 =	vadd.f32 v4, v0;
	s6 =	smul.f32 $5.000000000e-01, s11  }
0x190: {  	s22 =	sshra.s32 s11, $0x1;
	s11 =	smul.f32 s7, s21;
	s12 =	spop (v2sf)  }
0x191: {  	v37 =	vld [tilespmem:s0+$0xC10];
	s10 =	ssub.s32 $0x5F3759DF, s22;
	v0 =	vadd.f32 v1, v0;
	v1, _, _ =	vpop (xrf2);
	s20 =	sshra.s32 s12, $0x1;
	s9 =	smul.f32 $5.000000000e-01, s12  }
0x192: {  	v48 =	vld [tilespmem:s0+$0xC00];
	v4, _, _ =	vpop (xrf2);
	(v2sf) =	vpush v1, $0xF;
	s12 =	smul.f32 s10, s6;
	s5 =	ssub.f32 $1.500000000e+00, s11;
	s11 =	ssub.s32 $0x5F3759DF, s20  }
0x193: {  	(xrf2) =	vadd.scan.msk.f32 $0xffff, v0;
	(v2sf) =	vpush v4, $0xF;
	s21 =	smul.f32 s11, s9  }
0x194: {  	v36 =	vld [tilespmem:s0+$0xC20];
	s12 =	smul.f32 s10, s12  }
0x195: {  	s30 =	simm.s32 $0x80;
	v33 =	vld [tilespmem:s0+$0xC30];
	s5 =	smul.f32 s7, s5  }
0x196: {  	v61 =	vld [tilespmem:s30+$0x4C10];
	s22 =	smul.f32 s11, s21  }
0x197: {  	v13 =	vld [tilespmem:s30+$0xAC10];
	v0 =	vmul.f32 v37, v37;
	v1 =	vmul.f32 v48, v48;
	s8 =	smul.f32 s5, s8  }
0x198: {  	v5 =	vld [tilespmem:s30+$0xAC00];
	s7 =	ssub.f32 $1.500000000e+00, s22  }
0x199: {  	v8 =	vld [tilespmem:s30+$0x4C00];
	v4 =	vmul.f32 v36, v36;
	v0 =	vadd.f32 v0, v1;
	s12 =	ssub.f32 $1.500000000e+00, s12;
	s8 =	smul.f32 s8, s5  }
0x19a: {  	v10 =	vld [tilespmem:s30+$0xAC20];
	s7 =	smul.f32 s11, s7  }
0x19b: {  	v18 =	vld [tilespmem:s30+$0x4C20];
	v1 =	vmul.f32 v33, v33;
	v0 =	vadd.f32 v4, v0;
	s11 =	smul.f32 s10, s12  }
0x19c: {  	v27 =	vld [tilespmem:s30+$0xAC30];
	s20 =	spop (v2sf);
	s9 =	smul.f32 s7, s9  }
0x19d: {  	v6 =	vld [tilespmem:s30+$0x4C30];
	[tilespmem:$0x1FF20] =	vst v5;
	v4 =	vmul.f32 v5, v5;
	v5 =	vmul.f32 v13, v13;
	v0 =	vadd.f32 v1, v0;
	v9, _, _ =	vpop (xrf2);
	s21 =	sshra.s32 s20, $0x1;
	s20 =	smul.f32 $5.000000000e-01, s20  }
0x19e: {  	[tilespmem:$0x1FF30] =	vst v8;
	v8 =	vmul.f32 v8, v8;
	v1 =	vmul.f32 v61, v61;
	(v2sf) =	vpush v9, $0xF;
	s12 =	ssub.s32 $0x5F3759DF, s21;
	s9 =	smul.f32 s9, s7  }
0x19f: {  	v19 =	vmul.f32 v10, v10;
	v4 =	vadd.f32 v5, v4;
	(xrf2) =	vadd.scan.msk.f32 $0xffff, v0;
	s22 =	smul.f32 s12, s20  }
0x1a0: {  	v23 =	vld [tilespmem:s30+$0x6C00];
	v5 =	vmul.f32 v18, v18;
	v1 =	vadd.f32 v1, v8;
	s6 =	smul.f32 s11, s6;
	s9 =	ssub.f32 $1.500000000e+00, s9  }
0x1a1: {  	v14 =	vld [tilespmem:s30+$0xC00];
	v0 =	vadd.f32 v19, v4;
	v4 =	vmul.f32 v27, v27;
	s10 =	spop (v2sf);
	s21 =	smul.f32 s12, s22  }
0x1a2: {  	v41 =	vld [tilespmem:s18+$0x2C00];
	v1 =	vadd.f32 v5, v1;
	v5 =	vmul.f32 v6, v6;
	s6 =	smul.f32 s6, s11;
	s22 =	spop (v2sf)  }
0x1a3: {  	[tilespmem:$0x1FF40] =	vst v10;
	v10 =	vld [tilespmem:s30+$0x6C10];
	v0 =	vadd.f32 v4, v0;
	s9 =	smul.f32 s9, s7;
	s21 =	ssub.f32 $1.500000000e+00, s21  }
0x1a4: {  	v51 =	vld [tilespmem:s18+$0x8C20];
	v1 =	vadd.f32 v5, v1;
	s7 =	smul.f32 $5.000000000e-01, s22;
	s22 =	sshra.s32 s22, $0x1  }
0x1a5: {  	v19 =	vld [tilespmem:s30+$0x6C20];
	(xrf2) =	vadd.scan.msk.f32 $0xffff, v0;
	s6 =	ssub.f32 $1.500000000e+00, s6;
	s22 =	ssub.s32 $0x5F3759DF, s22;
	s21 =	smul.f32 s12, s21  }
0x1a6: {  	v9 =	vld [tilespmem:s30+$0xC10];
	(xrf2) =	vadd.scan.msk.f32 $0xffff, v1;
	s12 =	smul.f32 s22, s7  }
0x1a7: {  	[tilespmem:$0x1FF50] =	vst v18;
	v18 =	vld [tilespmem:s30+$0x6C30];
	s11 =	smul.f32 s6, s11  }
0x1a8: {  	v8 =	vld [tilespmem:s30+$0xC20];
	v4 =	vmul.f32 v10, v10;
	v5 =	vmul.f32 v23, v23;
	s6 =	ssub.f32 $1.500000000e+00, s8;
	s12 =	smul.f32 s22, s12  }
0x1a9: {  	[tilespmem:$0x1FF60] =	vst v6;
	v6 =	vld [tilespmem:s30+$0xC30];
	v60, _, _ =	vpop (xrf2);
	s20 =	smul.f32 s21, s20  }
0x1aa: {  	v63 =	vmul.f32 v19, v19;
	v1 =	vld [tilespmem:s18+$0x8C00];
	v4 =	vadd.f32 v4, v5;
	(v2sf) =	vpush v60, $0xF;
	s6 =	smul.f32 s6, s5;
	s8 =	ssub.f32 $1.500000000e+00, s12  }
0x1ab: {  	v52 =	vld [tilespmem:s18+$0x8C30];
	v62 =	vmul.f32 v9, v9;
	s12 =	smul.f32 s20, s21  }
0x1ac: {  	s31 =	simm.s32 $0xC0;
	v56 =	vld [tilespmem:s18+$0x8C10];
	v54 =	vmul.f32 v18, v18;
	v5 =	vmul.f32 v14, v14;
	v4 =	vadd.f32 v63, v4;
	s5 =	smul.f32 s22, s8  }
0x1ad: {  	v20 =	vmovc v14;
	v21 =	vmov v18;
	v18 =	vld [tilespmem:s31+$0xAC00];
	v49 =	vmul.f32 v8, v8;
	v60 =	vmul.f32 s9, v7;
	s22 =	ssub.f32 $1.500000000e+00, s12;
	s20 =	spop (v2sf)  }
0x1ae: {  	v0 =	vld [tilespmem:s18+$0x2C10];
	v14 =	vmovc v6;
	v57 =	vmul.f32 v6, v6;
	v5 =	vadd.f32 v62, v5;
	v4 =	vadd.f32 v54, v4;
	s12 =	smul.f32 $5.000000000e-01, s20  }
0x1af: {  	[tilespmem:$0x1FF70] =	vst v8;
	v8 =	vld [tilespmem:s31+$0xAC20];
	v2 =	vmul.f32 s9, v2;
	v3 =	vmul.f32 s9, v3;
	v1 =	vadd.f32 v60, v1;
	v62, _, _ =	vpop (xrf2);
	s20 =	sshra.s32 s20, $0x1;
	s8 =	smul.f32 s22, s21  }
0x1b0: {  	v6 =	vld [tilespmem:s31+$0x4C10];
	v60 =	vmul.f32 s11, v17;
	(v2sf) =	vpush v62, $0xF;
	v62 =	vmul.f32 s11, v16;
	v63, _, _ =	vpop (xrf2);
	s22 =	sshra.s32 s10, $0x1;
	s10 =	smul.f32 $5.000000000e-01, s10;
	s20 =	ssub.s32 $0x5F3759DF, s20  }
0x1b1: {  	v15 =	vmovc v9;
	v9 =	vld [tilespmem:s31+$0x4C20];
	(v2sf) =	vpush v63, $0xF;
	v63 =	vmul.f32 s11, v58;
	v58 =	vmul.f32 s11, v22;
	s21 =	ssub.s32 $0x5F3759DF, s22;
	s11 =	smul.f32 s20, s12  }
0x1b2: {  	v5 =	vadd.f32 v49, v5;
	(xrf2) =	vadd.scan.msk.f32 $0xffff, v4;
	v4 =	vmul.f32 s9, v34;
	v17 =	vld [tilespmem:s31+$0xAC10];
	v3 =	vadd.f32 v3, v56;
	s22 =	smul.f32 s21, s10  }
0x1b3: {  	v35 =	vmul.f32 s6, v25;
	v49 =	vmul.f32 s6, v12;
	v2 =	vadd.f32 v2, v52;
	v16 =	vld [tilespmem:s31+$0x4C00];
	s11 =	smul.f32 s20, s11  }
0x1b4: {  	v7 =	vld [tilespmem:s31+$0xC20];
	v52 =	vmul.f32 v8, v8;
	v55 =	vmul.f32 s6, v59;
	v5 =	vadd.f32 v57, v5;
	s9 =	smul.f32 s21, s22  }
0x1b5: {  	v25 =	vld [tilespmem:s31+$0x6C00];
	v56 =	vmul.f32 s6, v29;
	v4 =	vadd.f32 v4, v51;
	v1 =	vsub.f32 v1, v60;
	s22 =	smul.f32 s5, s7  }
0x1b6: {  	v51 =	vmul.f32 v6, v6;
	(xrf2) =	vadd.scan.msk.f32 $0xffff, v5;
	v5 =	vmul.f32 v18, v18;
	v22 =	vld [tilespmem:s31+$0x6C10];
	v3 =	vsub.f32 v3, v62;
	s11 =	ssub.f32 $1.500000000e+00, s11  }
0x1b7: {  	v29 =	vld [tilespmem:s31+$0xC00];
	v1 =	vand.u32 $0x7FFFFFFF, v1;
	v60 =	vmul.f32 v17, v17;
	v2 =	vsub.f32 v2, v58;
	s9 =	ssub.f32 $1.500000000e+00, s9;
	s22 =	smul.f32 s22, s5  }
0x1b8: {  	s14 =	sadd.f32 $1.000000000e+00, s14;
	[tilespmem:$0x1FF80] =	vst v6;
	v6 =	vld [tilespmem:s31+$0x4C30];
	v4 =	vsub.f32 v4, v63;
	v63 =	vmul.f32 v16, v16;
	v62 =	vmul.f32 s8, v26;
	s11 =	smul.f32 s20, s11  }
0x1b9: {  	v58 =	vld [tilespmem:s18+$0x2C20];
	v5 =	vadd.f32 v60, v5;
	v60 =	vmul.f32 v9, v9;
	v34 =	vmul.f32 s8, v28;
	s9 =	smul.f32 s21, s9;
	s21 =	spop (v2sf)  }
0x1ba: {  	s14 =	smax.f32 s14, $0.0e+00;
	v3 =	vand.u32 $0x7FFFFFFF, v3;
	v28 =	vld [tilespmem:s31+$0xAC30];
	v54 =	vmul.f32 s8, v24;
	v31 =	vmul.f32 s8, v31;
	s7 =	smul.f32 $5.000000000e-01, s21  }
0x1bb: {  	v57 =	vmul.f32 v22, v22;
	v51 =	vadd.f32 v51, v63;
	v5 =	vadd.f32 v52, v5;
	v52 =	vld [tilespmem:s18+$0x2C30];
	s22 =	ssub.f32 $1.500000000e+00, s22;
	s12 =	smul.f32 s11, s12  }
0x1bc: {  	s15 =	sadd.f32 $1.000000000e+00, s15;
	v59 =	vld [tilespmem:s0+$0x8C10];
	v63 =	vmul.f32 v25, v25;
	v41 =	vadd.f32 v34, v41;
	v0 =	vadd.f32 v62, v0;
	v62, _, _ =	vpop (xrf2);
	s10 =	smul.f32 s9, s10  }
0x1bd: {  	s14 =	sadd.f32 s14, s29;
	v26 =	vld [tilespmem:s31+$0xC10];
	v51 =	vadd.f32 v60, v51;
	v60 =	vmul.f32 v6, v6;
	(v2sf) =	vpush v62, $0xF;
	s5 =	smul.f32 s22, s5  }
0x1be: {  	s15 =	smax.f32 s15, $0.0e+00;
	v24 =	vld [tilespmem:s31+$0xC30];
	v4 =	vand.u32 $0x7FFFFFFF, v4;
	v53 =	vadd.f32 v57, v63;
	v0 =	vsub.f32 v0, v49;
	s20 =	sshra.s32 s21, $0x1;
	s21 =	smul.f32 s12, s11  }
0x1bf: {  	v34 =	vld [tilespmem:s31+$0x6C30];
	v35 =	vsub.f32 v41, v35;
	v41 =	vmul.f32 v28, v28;
	v51 =	vadd.f32 v60, v51;
	s6 =	spop (v2sf);
	s12 =	ssub.s32 $0x5F3759DF, s20;
	s29 =	smul.f32 s10, s9  }
0x1c0: {  	v49 =	vld [tilespmem:s0+$0x2C10];
	v62 =	vadd.f32 v54, v58;
	v31 =	vadd.f32 v31, v52;
	v0 =	vand.u32 $0x7FFFFFFF, v0;
	s20 =	smul.f32 s12, s7;
	s8 =	spop (v2sf)  }
0x1c1: {  	v63, _, _ =	vpop (xrf2);
	v60 =	vand.u32 $0x7FFFFFFF, v35;
	v35 =	vld [tilespmem:s31+$0x6C20];
	v5 =	vadd.f32 v41, v5;
	v0 =	vsub.f32 v0, v3;
	s18 =	smul.f32 $5.000000000e-01, s8;
	s21 =	ssub.f32 $1.500000000e+00, s21  }
0x1c2: {  	s14 =	sadd.f32 s15, s14;
	v2 =	vand.u32 $0x7FFFFFFF, v2;
	v54 =	vld [tilespmem:s0+$0x8C00];
	v41 =	vsub.f32 v62, v55;
	(v2sf) =	vpush v63, $0xF;
	s8 =	sshra.s32 s8, $0x1;
	s15 =	smul.f32 s12, s20  }
0x1c3: {  	s1 =	sadd.f32 $1.000000000e+00, s1;
	v57 =	vmul.f32 v7, v7;
	v52 =	vld [tilespmem:s0+$0x2C00];
	v1 =	vsub.f32 v60, v1;
	v31 =	vsub.f32 v31, v56;
	(xrf2) =	vadd.scan.msk.f32 $0xffff, v5;
	s8 =	ssub.s32 $0x5F3759DF, s8;
	s10 =	smul.f32 s21, s11  }
0x1c4: {  	v56 =	vld [tilespmem:s0+$0x8C20];
	v62 =	vmul.f32 v29, v29;
	v5 =	vmul.f32 v26, v26;
	v3 =	vand.u32 $0x7FFFFFFF, v41;
	s11 =	ssub.f32 $1.500000000e+00, s29;
	s20 =	smul.f32 s8, s18  }
0x1c5: {  	v0 =	vadd.f32 v0, v1;
	(xrf2) =	vadd.scan.msk.f32 $0xffff, v51;
	v51 =	vld [tilespmem:s0+$0x8C30];
	v31 =	vand.u32 $0x7FFFFFFF, v31;
	v3 =	vsub.f32 v3, v4;
	s21 =	smax.f32 s1, $0.0e+00;
	s1 =	simm.s32 $0x100;
	s15 =	ssub.f32 $1.500000000e+00, s15  }
0x1c6: {  	v4 =	vadd.f32 v5, v62;
	v2 =	vsub.f32 v31, v2;
	v31 =	vmul.f32 v35, v35;
	s14 =	sadd.f32 s21, s14;
	v1 =	vld [tilespmem:s1+$0x4C10];
	s11 =	smul.f32 s11, s9  }
0x1c7: {  	v55 =	vmul.f32 v34, v34;
	v5 =	vmul.f32 v24, v24;
	s21 =	sadd.f32 $1.000000000e+00, s17;
	v41 =	vld [tilespmem:s1+$0xC20];
	s20 =	smul.f32 s8, s20  }
0x1c8: {  	v57 =	vadd.f32 v57, v4;
	v31 =	vadd.f32 v31, v53;
	v4 =	vld [tilespmem:s1+$0xAC10];
	v63 =	vmul.f32 s10, v30;
	s9 =	smul.f32 s12, s15  }
0x1c9: {  	v11 =	vmovc v10;
	v62 =	vmul.f32 s5, v39;
	v0 =	vadd.f32 v0, v3;
	v3 =	vld [tilespmem:s1+$0x4C00];
	v45 =	vmul.f32 s10, v45;
	s15 =	smul.f32 $5.000000000e-01, s6;
	s12 =	smax.f32 s21, $0.0e+00;
	s6 =	sshra.s32 s6, $0x1  }
0x1ca: {  	v10 =	vmovc v19;
	v12 =	vmovc v8;
	v31 =	vadd.f32 v55, v31;
	v39 =	vld [tilespmem:s1+$0x4C20];
	v54 =	vadd.f32 v63, v54;
	v38 =	vmul.f32 s11, v38;
	s12 =	sadd.f32 s12, s14;
	s17 =	ssub.s32 $0x5F3759DF, s6;
	s7 =	smul.f32 s9, s7  }
0x1cb: {  	v8 =	vmovc v18;
	v19 =	vmovc v17;
	v30 =	vld [tilespmem:s1+$0xAC20];
	v58 =	vmul.f32 s10, v50;
	v32 =	vmul.f32 s11, v32;
	s14 =	ssub.f32 $1.500000000e+00, s20;
	v45 =	vadd.f32 v45, v59;
	s22 =	smul.f32 s17, s15  }
0x1cc: {  	v18 =	vmovc v6;
	v17 =	vmovc v16;
	v60 =	vmul.f32 s11, v40;
	v40 =	vld [tilespmem:s1+$0xAC00];
	v50 =	vsub.f32 v54, v38;
	v54 =	vmul.f32 s10, v43;
	s20 =	spop (v2sf);
	s7 =	smul.f32 s7, s9  }
0x1cd: {  	v0 =	vadd.f32 v0, v2;
	s21 =	sadd.f32 $1.000000000e+00, s16;
	v2, _, _ =	vpop (xrf2);
	v38 =	vmul.f32 s11, v42;
	v42 =	vld [tilespmem:s1+$0x6C10];
	v53 =	vsub.f32 v45, v32;
	s16 =	sshra.s32 s20, $0x1;
	s6 =	smul.f32 $5.000000000e-01, s20  }
0x1ce: {  	v16 =	vmovc v9;
	v9 =	vmovc v7;
	v55 =	vmul.f32 s5, v47;
	v47 =	vld [tilespmem:s1+$0xAC30];
	s14 =	smul.f32 s8, s14;
	(v2sf) =	vpush v2, $0xF;
	v32 =	vadd.f32 v54, v56;
	s10 =	ssub.s32 $0x5F3759DF, s16;
	s7 =	ssub.f32 $1.500000000e+00, s7  }
0x1cf: {  	v59 =	vadd.f32 v5, v57;
	v63 =	vmul.f32 s5, v44;
	v5 =	vadd.f32 v58, v51;
	v44 =	vld [tilespmem:s1+$0xC10];
	(xrf2) =	vadd.scan.msk.f32 $0xffff, v0;
	v2, _, _ =	vpop (xrf2);
	s20 =	smax.f32 s21, $0.0e+00;
	s21 =	smul.f32 s10, s6  }
0x1d0: {  	v58 =	vmul.f32 s5, v46;
	v46 =	vld [tilespmem:s1+$0xC30];
	v51 =	vmul.f32 v41, v41;
	(xrf2) =	vadd.scan.msk.f32 $0xffff, v31;
	v31 =	vmovc v1;
	(v2sf) =	vpush v2, $0xF;
	s29 =	sadd.f32 s20, s12;
	s5 =	smul.f32 s7, s9  }
0x1d1: {  	v43 =	vld [tilespmem:s1+$0x6C00];
	v2 =	vmul.f32 v30, v30;
	v54 =	vsub.f32 v5, v38;
	(xrf2) =	vadd.scan.msk.f32 $0xffff, v59;
	v5 =	vmul.f32 v40, v40;
	s20 =	smul.f32 s17, s22;
	s8 =	spop (v2sf)  }
0x1d2: {  	v45 =	vld [tilespmem:s1+$0x6C30];
	v57 =	vsub.f32 v32, v60;
	v38 =	vmovc v4;
	v0 =	vmul.f32 v42, v42;
	s7 =	sshra.s32 s8, $0x1;
	s11 =	smul.f32 s10, s21;
	s21 =	simm.s32 $0x500;
	v32 =	vmovc v3;
	v56 =	vmul.f32 s5, v48  }
.LBB2_4:
0x1d3: {  	v38 =	vmul.f32 v38, v4  }
0x1d4: {  	v31 =	vmul.f32 v31, v1;
	v59 =	vld [tilespmem:s0+$0x2C20]  }
0x1d5: {  	v48 =	vmovc v28;
	v32 =	vmul.f32 v32, v3;
	v5 =	vadd.f32 v38, v5;
	v28 =	vadd.f32 v56, v52;
	v56 =	vld [tilespmem:s1+$0x4C30]  }
0x1d6: {  	v38 =	vmul.f32 s5, v36;
	v52 =	vmul.f32 s5, v37;
	v37 =	vmovc v15;
	v15 =	vmov v26;
	v26 =	vld [tilespmem:$0x1FF70]  }
0x1d7: {  	s11 =	ssub.f32 $1.500000000e+00, s11;
	v31 =	vadd.f32 v31, v32;
	v2 =	vadd.f32 v2, v5;
	v5 =	vmul.f32 v47, v47  }
0x1d8: {  	v32 =	vmul.f32 v39, v39;
	v63 =	vsub.f32 v28, v63;
	v28 =	vadd.f32 v52, v49  }
0x1d9: {  	v6, _, _ =	vpop (xrf2);
	s11 =	smul.f32 s10, s11;
	v60 =	vmul.f32 v46, v46;
	v38 =	vadd.f32 v38, v59  }
0x1da: {  	s12 =	smul.f32 s14, s18;
	s9 =	smov.u32 s21;
	s16 =	sadd.s32 $0x100, s21;
	v50 =	vand.u32 $0x7FFFFFFF, v50;
	v49 =	vadd.f32 v5, v2;
	v31 =	vadd.f32 v32, v31;
	v52 =	vmovc v9;
	v9 =	vmovc v41;
	v41 =	vld [tilespmem:s0+$0x2C30]  }
0x1db: {  	p0 =	sne.s32 s21, $0x7F00;
	s20 =	ssub.f32 $1.500000000e+00, s20;
	s21 =	smul.f32 s11, s6;
	v5, _, _ =	vpop (xrf2);
	v36 =	vmov v26;
	[tilespmem:$0x1FF70] =	vst v52;
	v52 =	vsub.f32 v28, v62;
	v62 =	vmul.f32 v56, v56  }
0x1dc: {  	s0 =	smov.u32 s30;
	s30 =	smov.u32 s31;
	s31 =	smov.u32 s1;
	v26 =	vmovc v44;
	(v2sf) =	vpush v5, $0xF;
	v5 =	vmul.f32 s5, v33;
	v28 =	vmovc v47;
	v47 =	vmul.f32 v43, v43  }
0x1dd: {  	s10 =	smul.f32 s17, s20;
	(xrf2) =	vadd.scan.msk.f32 $0xffff, v49;
	v33 =	vmov v14;
	v59 =	vld [tilespmem:s31+$0xC00];
	v2, _, _ =	vpop (xrf2);
	s1 =	spop (v2sf);
	(v2sf) =	vpush v6, $0xF;
	v6 =	vadd.f32 v62, v31  }
0x1de: {  	s17 =	smul.f32 s21, s11;
	v14 =	vmovc v24;
	v24 =	vmovc v46;
	v46 =	vand.u32 $0x7FFFFFFF, v54;
	v0 =	vadd.f32 v0, v47;
	v31 =	vsub.f32 v38, v58  }
0x1df: {  	s6 =	smul.f32 $5.000000000e-01, s8;
	v49 =	vld [tilespmem:s0+$0x2C10];
	v44 =	vmul.f32 v44, v26;
	v5 =	vadd.f32 v5, v41;
	s18 =	spop (v2sf);
	(v2sf) =	vpush v2, $0xF;
	(xrf2) =	vadd.scan.msk.f32 $0xffff, v6  }
0x1e0: {  	s15 =	smul.f32 s10, s15;
	s17 =	ssub.f32 $1.500000000e+00, s17;
	v32 =	vld [tilespmem:s0+$0x8C00];
	v2 =	vand.u32 $0x7FFFFFFF, v63;
	v63 =	vand.u32 $0x7FFFFFFF, v52;
	v6 =	vand.u32 $0x7FFFFFFF, v53  }
0x1e1: {  	s8 =	smul.f32 s12, s14;
	v54 =	vld [tilespmem:s0+$0x8C20];
	v58 =	vand.u32 $0x7FFFFFFF, v57;
	v2 =	vsub.f32 v2, v50;
	v6 =	vsub.f32 v63, v6  }
0x1e2: {  	s7 =	ssub.s32 $0x5F3759DF, s7;
	s12 =	smul.f32 s17, s11;
	v47 =	vld [tilespmem:s31+$0x6C20];
	v62 =	vmul.f32 v59, v59;
	v5 =	vsub.f32 v5, v55;
	v31 =	vand.u32 $0x7FFFFFFF, v31  }
0x1e3: {  	v7 =	vmovc v61;
	v61 =	vmul.f32 v45, v45;
	s22 =	smul.f32 s7, s6;
	v52 =	vld [tilespmem:s0+$0x2C00];
	v41 =	vsub.f32 v31, v58;
	v2 =	vadd.f32 v6, v2  }
0x1e4: {  	s15 =	smul.f32 s15, s10;
	v55 =	vmul.f32 s12, v21;
	v21 =	vmovc v34;
	v34 =	vmovc v45;
	v45 =	vld [tilespmem:s0+$0x8C30];
	v38 =	vadd.f32 v44, v62;
	v5 =	vand.u32 $0x7FFFFFFF, v5  }
0x1e5: {  	s22 =	smul.f32 s7, s22;
	s21 =	sshra.s32 s18, $0x1;
	v53 =	vmul.f32 s12, v11;
	v11 =	vmovc v22;
	v22 =	vmovc v42;
	v42 =	vld [tilespmem:s0+$0x8C10];
	v58 =	vsub.f32 v5, v46;
	v2 =	vadd.f32 v2, v41  }
0x1e6: {  	s11 =	sshra.s32 s1, $0x1;
	s18 =	smul.f32 $5.000000000e-01, s18;
	s5 =	ssub.s32 $0x5F3759DF, s21;
	v62 =	vld [tilespmem:$0x1FF20]  }
0x1e7: {  	s21 =	ssub.f32 $1.500000000e+00, s15;
	s15 =	smul.f32 $5.000000000e-01, s1;
	s1 =	sshra.s32 s9, $0x2;
	v44 =	vadd.f32 v51, v38;
	v51 =	vld [tilespmem:$0x1FF40];
	v2 =	vadd.f32 v2, v58  }
0x1e8: {  	v63 =	vmul.f32 s12, v23;
	v23 =	vmov v25;
	v25 =	vmov v43;
	s20 =	smul.f32 s5, s18;
	v31 =	vld [tilespmem:s1+$0x4C10];
	v43, _, _ =	vpop (xrf2)  }
0x1e9: {  	s22 =	ssub.f32 $1.500000000e+00, s22;
	v57 =	vmul.f32 v47, v47;
	s10 =	smul.f32 s21, s10;
	v58, _, _ =	vpop (xrf2);
	(xrf2) =	vadd.scan.msk.f32 $0xffff, v2;
	v2 =	vld [tilespmem:$0x1FF30]  }
0x1ea: {  	s8 =	ssub.f32 $1.500000000e+00, s8;
	v50 =	vmov v8;
	v8 =	vmov v40;
	v40 =	vld [tilespmem:s1+$0xAC00];
	s20 =	smul.f32 s5, s20  }
0x1eb: {  	s17 =	ssub.s32 $0x5F3759DF, s11;
	s11 =	smul.f32 s7, s22;
	v6 =	vld [tilespmem:s1+$0xAC20];
	v0 =	vadd.f32 v57, v0;
	v13 =	vmul.f32 s10, v13;
	v27 =	vmul.f32 s10, v27  }
0x1ec: {  	v32 =	vadd.f32 v63, v32;
	v38 =	vld [tilespmem:s1+$0xAC10];
	v63 =	vmul.f32 s10, v62;
	v51 =	vmul.f32 s10, v51;
	s10 =	ssub.f32 $1.500000000e+00, s20;
	s20 =	smul.f32 s8, s14  }
0x1ed: {  	v41 =	vld [tilespmem:s1+$0xC20];
	v0 =	vadd.f32 v61, v0  }
0x1ee: {  	[tilespmem:$0x1FF20] =	vst v50;
	s6 =	smul.f32 s11, s6;
	v5 =	vmov v12;
	v50 =	vsub.f32 v32, v63;
	v63 =	vmul.f32 s20, v2;
	v2 =	vld [tilespmem:$0x1FF80]  }
0x1ef: {  	s9 =	smul.f32 s17, s15;
	[tilespmem:$0x1FF40] =	vst v5;
	v5 =	vadd.f32 v53, v42;
	(xrf2) =	vadd.scan.msk.f32 $0xffff, v0;
	v0 =	vld [tilespmem:$0x1FF60]  }
0x1f0: {  	s22 =	smul.f32 s6, s11;
	v42 =	vld [tilespmem:s1+$0x6C10]  }
0x1f1: {  	v57 =	vmul.f32 s12, v10;
	v10 =	vmovc v35;
	v35 =	vmovc v47;
	v32 =	vld [tilespmem:s1+$0x4C00];
	v53 =	vsub.f32 v5, v13;
	v5 =	vadd.f32 v55, v45;
	s12 =	spop (v2sf);
	s14 =	smul.f32 s5, s10  }
0x1f2: {  	v46 =	vld [tilespmem:s1+$0xC30];
	(v2sf) =	vpush v43, $0xF;
	v12 =	vmovc v30;
	v60 =	vadd.f32 v60, v44;
	v30 =	vmovc v6;
	v13 =	vmov v19;
	s6 =	smul.f32 $5.000000000e-01, s12  }
0x1f3: {  	v19 =	vmovc v4;
	s21 =	sshra.s32 s12, $0x1;
	v62 =	vmul.f32 s20, v7;
	v7 =	vadd.f32 v57, v54;
	s12 =	ssub.f32 $1.500000000e+00, s22;
	s10 =	spop (v2sf);
	v61 =	vmovc v2;
	v2 =	vmov v1;
	v1 =	vld [tilespmem:$0x1FF50]  }
.Ltmp1:
0x1f4: {  	v43 =	vld [tilespmem:s1+$0x6C00];
	v4 =	vmovc v38;
	v54 =	vsub.f32 v5, v27;
	v27 =	vmovc v48;
	s5 =	sadd.f32 $1.000000000e+00, s10;
	s10 =	ssub.s32 $0x5F3759DF, s21;
	v55 =	vmul.f32 s20, v0;
	v0 =	vmov v17;
	(pc) =	sbr.rel @p0 .LBB2_4-.Ltmp1, $4  }
0x1f5: {  	v47 =	vld [tilespmem:s1+$0xAC30];
	v57 =	vsub.f32 v7, v51;
	v51 =	vmul.f32 v41, v41;
	v5 =	vmovc v16;
	(xrf2) =	vadd.scan.msk.f32 $0xffff, v60;
	s8 =	spop (v2sf);
	s21 =	smul.f32 s10, s6;
	[tilespmem:$0x1FF30] =	vst v0  }
0x1f6: {  	v44 =	vld [tilespmem:s1+$0xC10];
	v16 =	vmovc v39;
	(v2sf) =	vpush v58, $0xF;
	s22 =	smax.f32 s5, $0.0e+00;
	s5 =	smul.f32 s12, s11;
	v17 =	vmovc v3;
	v3 =	vmov v32;
	v0 =	vmul.f32 v42, v42;
	[tilespmem:$0x1FF50] =	vst v5  }
0x1f7: {  	v45 =	vld [tilespmem:s1+$0x6C30];
	s7 =	sshra.s32 s8, $0x1;
	s11 =	smul.f32 s10, s21;
	v5 =	vmul.f32 v40, v40;
	[tilespmem:$0x1FF80] =	vst v2;
	v2 =	vmul.f32 v6, v30;
	v6 =	vmovc v18;
	v18 =	vmov v56  }
0x1f8: {  	v39 =	vld [tilespmem:s1+$0x4C20];
	s29 =	sadd.f32 s22, s29;
	s21 =	smov.u32 s16;
	v56 =	vmul.f32 s5, v20;
	v20 =	vmovc v29;
	v29 =	vmovc v59;
	[tilespmem:$0x1FF60] =	vst v6;
	v58 =	vmul.f32 s20, v1;
	v1 =	vmov v31;
	s20 =	smul.f32 s17, s9  }
0x1f9: {  	s9 =	ssub.f32 $1.500000000e+00, s11  }
0x1fa: {  	s22 =	smul.f32 s14, s18  }
0x1fb: {  	s10 =	smul.f32 s10, s9  }
0x1fc: {  	v6 =	vmul.f32 v38, v4;
	s12 =	ssub.f32 $1.500000000e+00, s20;
	s9 =	smul.f32 $5.000000000e-01, s8  }
0x1fd: {  	v48 =	vmul.f32 s5, v37;
	s11 =	smul.f32 s22, s14  }
0x1fe: {  	v5 =	vadd.f32 v6, v5;
	v6 =	vmul.f32 v31, v1;
	v31 =	vmul.f32 v32, v3;
	s12 =	smul.f32 s17, s12  }
0x1ff: {  	v37 =	vld [tilespmem:s1+$0x4C30];
	s7 =	ssub.s32 $0x5F3759DF, s7;
	v56 =	vadd.f32 v56, v52;
	v59 =	vadd.f32 v48, v49;
	s6 =	smul.f32 s10, s6  }
0x200: {  	v52 =	vld [tilespmem:s0+$0x2C20];
	v2 =	vadd.f32 v2, v5;
	v5 =	vadd.f32 v6, v31;
	v6 =	vmul.f32 v47, v47;
	s16 =	smul.f32 s7, s9  }
0x201: {  	v60, _, _ =	vpop (xrf2);
	v48 =	vand.u32 $0x7FFFFFFF, v50;
	v32 =	vsub.f32 v56, v63;
	s15 =	smul.f32 s12, s15  }
0x202: {  	v56 =	vld [tilespmem:s0+$0x2C30];
	v63 =	vmul.f32 v39, v39;
	v38 =	vsub.f32 v59, v62;
	v31, _, _ =	vpop (xrf2);
	s6 =	smul.f32 s6, s10;
	v2 =	vadd.f32 v6, v2  }
0x203: {  	v6 =	vmul.f32 v43, v43;
	s16 =	smul.f32 s7, s16;
	(v2sf) =	vpush v31, $0xF;
	v31 =	vmul.f32 s5, v36  }
0x204: {  	v59 =	vmul.f32 v37, v37;
	v32 =	vand.u32 $0x7FFFFFFF, v32;
	v5 =	vadd.f32 v63, v5;
	s8 =	smul.f32 s15, s12;
	s6 =	ssub.f32 $1.500000000e+00, s6  }
0x205: {  	s17 =	spop (v2sf);
	v0 =	vadd.f32 v0, v6;
	v6 =	vmul.f32 s5, v33;
	s16 =	ssub.f32 $1.500000000e+00, s16;
	v31 =	vadd.f32 v31, v52  }
0x206: {  	v62 =	vld [tilespmem:s1+$0x6C20];
	v63 =	vand.u32 $0x7FFFFFFF, v53;
	(v2sf) =	vpush v60, $0xF;
	v5 =	vadd.f32 v59, v5;
	s8 =	ssub.f32 $1.500000000e+00, s8;
	s6 =	smul.f32 s6, s10  }
0x207: {  	(xrf2) =	vadd.scan.msk.f32 $0xffff, v2;
	v2 =	vand.u32 $0x7FFFFFFF, v38;
	v6 =	vadd.f32 v6, v56;
	s16 =	smul.f32 s7, s16;
	v31 =	vsub.f32 v31, v58  }
0x208: {  	v60, _, _ =	vpop (xrf2);
	v2 =	vsub.f32 v2, v63;
	(xrf2) =	vadd.scan.msk.f32 $0xffff, v5;
	v5 =	vsub.f32 v32, v48;
	s8 =	smul.f32 s8, s12  }
0x209: {  	v49 =	vand.u32 $0x7FFFFFFF, v57;
	s18 =	spop (v2sf);
	v6 =	vsub.f32 v6, v55;
	s9 =	smul.f32 s16, s9;
	v31 =	vand.u32 $0x7FFFFFFF, v31  }
0x20a: {  	v2 =	vadd.f32 v2, v5;
	s0 =	smul.f32 $5.000000000e-01, s18;
	s5 =	sshra.s32 s18, $0x1;
	v31 =	vsub.f32 v31, v49  }
0x20b: {  	v50 =	vmul.f32 v62, v62;
	v5 =	vand.u32 $0x7FFFFFFF, v54;
	s10 =	ssub.s32 $0x5F3759DF, s5;
	s5 =	smul.f32 $5.000000000e-01, s17;
	v6 =	vand.u32 $0x7FFFFFFF, v6  }
0x20c: {  	s18 =	ssub.f32 $1.500000000e+00, s11;
	s9 =	smul.f32 s9, s16;
	v5 =	vsub.f32 v6, v5;
	v2 =	vadd.f32 v2, v31  }
0x20d: {  	s21 =	sshra.s32 s17, $0x1;
	v0 =	vadd.f32 v50, v0;
	s20 =	smul.f32 s10, s0;
	v6 =	vmul.f32 v45, v45  }
0x20e: {  	v52 =	vld [tilespmem:s1+$0xC00];
	s12 =	ssub.s32 $0x5F3759DF, s21;
	(v2sf) =	vpush v60, $0xF;
	s7 =	smul.f32 s18, s14;
	v2 =	vadd.f32 v2, v5  }
0x20f: {  	s17 =	smul.f32 s12, s5;
	v0 =	vadd.f32 v6, v0  }
0x210: {  	s22 =	smul.f32 s10, s20  }
0x211: {  	s17 =	smul.f32 s12, s17  }
0x212: {  	s15 =	ssub.f32 $1.500000000e+00, s22;
	(xrf2) =	vadd.scan.msk.f32 $0xffff, v2;
	s20 =	spop (v2sf);
	v2, _, _ =	vpop (xrf2)  }
0x213: {  	v5 =	vmul.f32 v52, v52;
	(xrf2) =	vadd.scan.msk.f32 $0xffff, v0;
	s21 =	sshra.s32 s20, $0x1;
	s11 =	smul.f32 $5.000000000e-01, s20;
	v0, _, _ =	vpop (xrf2);
	(v2sf) =	vpush v2, $0xF;
	v2 =	vmul.f32 v44, v44  }
0x214: {  	s9 =	ssub.f32 $1.500000000e+00, s9;
	s10 =	smul.f32 s10, s15;
	s14 =	ssub.s32 $0x5F3759DF, s21;
	(v2sf) =	vpush v0, $0xF  }
0x215: {  	s22 =	smul.f32 s14, s11;
	v0 =	vadd.f32 v2, v5  }
0x216: {  	v7 =	vld [tilespmem:$0x1FF20];
	s15 =	smul.f32 s9, s16  }
0x217: {  	s20 =	ssub.f32 $1.500000000e+00, s17;
	v2 =	vmul.f32 v46, v46;
	s18 =	smul.f32 s14, s22;
	v0 =	vadd.f32 v51, v0  }
0x218: {  	s0 =	smul.f32 s10, s0  }
0x219: {  	s12 =	smul.f32 s12, s20;
	s18 =	ssub.f32 $1.500000000e+00, s18;
	v0 =	vadd.f32 v2, v0  }
0x21a: {  	s20 =	smul.f32 s0, s10  }
0x21b: {  	v54 =	vmul.f32 s8, v7;
	v7 =	vld [tilespmem:$0x1FF40];
	s9 =	smul.f32 s14, s18  }
0x21c: {  	v31 =	vld [tilespmem:s30+$0x8C30];
	s5 =	smul.f32 s12, s5;
	v2, _, _ =	vpop (xrf2);
	s14 =	spop (v2sf)  }
0x21d: {  	v5 =	vld [tilespmem:s30+$0x8C10];
	(xrf2) =	vadd.scan.msk.f32 $0xffff, v0;
	s21 =	spop (v2sf);
	s11 =	smul.f32 s9, s11;
	v0, _, _ =	vpop (xrf2)  }
0x21e: {  	s17 =	smul.f32 $5.000000000e-01, s21;
	s16 =	sshra.s32 s21, $0x1;
	(v2sf) =	vpush v0, $0xF  }
0x21f: {  	v53 =	vmul.f32 s6, v11;
	s16 =	ssub.s32 $0x5F3759DF, s16;
	s11 =	smul.f32 s11, s9  }
0x220: {  	v11 =	vld [tilespmem:$0x1FF30];
	v55 =	vmul.f32 s8, v7;
	v7 =	vmul.f32 s6, v21;
	s18 =	smul.f32 s16, s17  }
0x221: {  	v6 =	vmul.f32 s6, v23;
	v23 =	vld [tilespmem:s30+$0x2C00];
	s0 =	ssub.f32 $1.500000000e+00, s11;
	s11 =	smul.f32 s5, s12  }
0x222: {  	v13 =	vmul.f32 s8, v13;
	v57 =	vadd.f32 v7, v31;
	v7 =	vld [tilespmem:$0x1FF70];
	v5 =	vadd.f32 v53, v5;
	s18 =	smul.f32 s16, s18;
	s21 =	spop (v2sf)  }
0x223: {  	v56 =	vmul.f32 s6, v10;
	v10 =	vld [tilespmem:$0x1FF50];
	s22 =	spop (v2sf);
	s5 =	smul.f32 s0, s9  }
0x224: {  	v27 =	vmul.f32 s8, v27;
	v21 =	vld [tilespmem:s30+$0x2C20];
	v5 =	vsub.f32 v5, v13;
	v13 =	vmul.f32 s15, v20;
	s9 =	ssub.f32 $1.500000000e+00, s11;
	s8 =	smul.f32 $5.000000000e-01, s21  }
0x225: {  	s18 =	ssub.f32 $1.500000000e+00, s18;
	s0 =	smul.f32 $5.000000000e-01, s22  }
0x226: {  	v11 =	vmul.f32 s7, v11;
	v13 =	vadd.f32 v13, v23;
	s22 =	sshra.s32 s22, $0x1;
	s9 =	smul.f32 s9, s12  }
0x227: {  	v7 =	vmul.f32 s15, v7;
	s11 =	ssub.s32 $0x5F3759DF, s22;
	s16 =	smul.f32 s16, s18  }
0x228: {  	v20 =	vmul.f32 s7, v10;
	v0 =	vld [tilespmem:s30+$0x8C00];
	v10 =	vsub.f32 v13, v11;
	(v2sf) =	vpush v2, $0xF;
	v2, _, _ =	vpop (xrf2);
	s18 =	ssub.f32 $1.500000000e+00, s20;
	s12 =	smul.f32 s11, s0  }
0x229: {  	v13 =	vadd.f32 v7, v21;
	v7 =	vld [tilespmem:$0x1FF60];
	(v2sf) =	vpush v2, $0xF;
	s17 =	smul.f32 s16, s17  }
0x22a: {  	s22 =	sshra.s32 s21, $0x1;
	s10 =	smul.f32 s18, s10  }
0x22b: {  	v31 =	vld [tilespmem:s30+$0x2C30];
	s21 =	smul.f32 s11, s12;
	s12 =	ssub.s32 $0x5F3759DF, s22  }
0x22c: {  	v2 =	vld [tilespmem:s30+$0x2C10];
	s6 =	smul.f32 s12, s8  }
0x22d: {  	v59 =	vmul.f32 s15, v15;
	v15 =	vsub.f32 v57, v27;
	v0 =	vadd.f32 v6, v0;
	v6 =	vld [tilespmem:s30+$0x8C20];
	s17 =	smul.f32 s17, s16;
	s20 =	spop (v2sf)  }
0x22e: {  	v21 =	vmul.f32 s15, v14;
	v11 =	vmul.f32 s7, v7;
	v7 =	vsub.f32 v13, v20;
	v13 =	vld [tilespmem:s31+$0x8C00];
	s21 =	ssub.f32 $1.500000000e+00, s21;
	s22 =	sshra.s32 s20, $0x1;
	s20 =	smul.f32 $5.000000000e-01, s20  }
0x22f: {  	v58 =	vmul.f32 s7, v61;
	v0 =	vsub.f32 v0, v54;
	s18 =	ssub.s32 $0x5F3759DF, s22;
	s22 =	smul.f32 s12, s6  }
0x230: {  	v14 =	vand.u32 $0x7FFFFFFF, v15;
	v10 =	vand.u32 $0x7FFFFFFF, v10;
	v20 =	vadd.f32 v21, v31;
	s6 =	smul.f32 s11, s21  }
0x231: {  	v15 =	vmul.f32 s5, v25;
	v0 =	vand.u32 $0x7FFFFFFF, v0;
	v2 =	vadd.f32 v59, v2;
	s15 =	smul.f32 s18, s20  }
0x232: {  	v6 =	vadd.f32 v56, v6;
	v0 =	vsub.f32 v10, v0;
	v10 =	vld [tilespmem:s31+$0x8C10];
	s0 =	smul.f32 s6, s0  }
0x233: {  	v15 =	vadd.f32 v15, v13;
	v13 =	vmul.f32 s9, v8;
	v8 =	vld [tilespmem:$0x1FF80];
	v2 =	vsub.f32 v2, v58;
	s7 =	smul.f32 s18, s15  }
0x234: {  	v23 =	vsub.f32 v20, v11;
	v20 =	vmul.f32 s5, v22;
	v22 =	vld [tilespmem:s31+$0x8C30];
	v6 =	vsub.f32 v6, v55;
	s15 =	ssub.f32 $1.500000000e+00, s17  }
0x235: {  	v5 =	vand.u32 $0x7FFFFFFF, v5;
	v2 =	vand.u32 $0x7FFFFFFF, v2;
	s0 =	smul.f32 s0, s6;
	s7 =	ssub.f32 $1.500000000e+00, s7  }
0x236: {  	v7 =	vand.u32 $0x7FFFFFFF, v7;
	v6 =	vand.u32 $0x7FFFFFFF, v6;
	v2 =	vsub.f32 v2, v5;
	s21 =	ssub.f32 $1.500000000e+00, s22;
	s11 =	smul.f32 s15, s16  }
0x237: {  	v6 =	vsub.f32 v7, v6;
	v7 =	vmul.f32 s9, v12;
	v5 =	vmul.f32 s5, v34;
	s15 =	spop (v2sf);
	s17 =	smul.f32 s18, s7  }
0x238: {  	v21 =	vld [tilespmem:s31+$0x8C20];
	v10 =	vadd.f32 v20, v10;
	v20 =	vmul.f32 s10, v8;
	v0 =	vadd.f32 v2, v0;
	s22 =	spop (v2sf);
	s7 =	smul.f32 s12, s21  }
0x239: {  	v25 =	vld [tilespmem:s31+$0x2C00];
	v2 =	vand.u32 $0x7FFFFFFF, v23;
	v23 =	vsub.f32 v15, v13;
	v5 =	vadd.f32 v5, v22;
	s16 =	sshra.s32 s22, $0x1;
	s18 =	smul.f32 $5.000000000e-01, s22  }
0x23a: {  	v11 =	vld [tilespmem:s31+$0x2C10];
	v13 =	vmul.f32 s9, v28;
	v2 =	vsub.f32 v2, v14;
	v0 =	vadd.f32 v0, v6;
	s12 =	ssub.s32 $0x5F3759DF, s16;
	s21 =	smul.f32 s17, s20  }
0x23b: {  	v15 =	vld [tilespmem:s31+$0x2C20];
	v14 =	vmul.f32 s10, v17;
	v6 =	vmul.f32 s9, v19;
	s22 =	smul.f32 s12, s18  }
0x23c: {  	v5 =	vsub.f32 v5, v13;
	v0 =	vadd.f32 v0, v2;
	v2 =	vmul.f32 s5, v35;
	s8 =	smul.f32 s7, s8  }
0x23d: {  	s0 =	ssub.f32 $1.500000000e+00, s0;
	v6 =	vsub.f32 v10, v6;
	v10 =	vmul.f32 s11, v29;
	v12 =	vmul.f32 s11, v26;
	s5 =	smul.f32 s12, s22  }
0x23e: {  	v19 =	vld [tilespmem:s31+$0x2C30];
	v13 =	vmul.f32 s11, v24;
	v2 =	vadd.f32 v2, v21;
	v21 =	vmul.f32 s11, v9;
	s9 =	smul.f32 s21, s17  }
0x23f: {  	s0 =	smul.f32 s0, s6;
	v10 =	vadd.f32 v10, v25;
	v11 =	vadd.f32 v12, v11;
	v12 =	vmul.f32 s10, v16;
	s5 =	ssub.f32 $1.500000000e+00, s5  }
0x240: {  	v6 =	vand.u32 $0x7FFFFFFF, v6;
	v9 =	vand.u32 $0x7FFFFFFF, v23;
	v8 =	vadd.f32 v21, v15;
	s8 =	smul.f32 s8, s7;
	s9 =	ssub.f32 $1.500000000e+00, s9  }
0x241: {  	v3 =	vmul.f32 s0, v3;
	v10 =	vsub.f32 v10, v14;
	v11 =	vsub.f32 v11, v20;
	s5 =	smul.f32 s12, s5  }
0x242: {  	v2 =	vsub.f32 v2, v7;
	v7 =	vmul.f32 s10, v18;
	v8 =	vsub.f32 v8, v12;
	s9 =	smul.f32 s9, s17  }
0x243: {  	v10 =	vand.u32 $0x7FFFFFFF, v10;
	v12 =	vadd.f32 v13, v19;
	v13 =	vld [tilespmem:s1+$0x8C00];
	v11 =	vand.u32 $0x7FFFFFFF, v11;
	s17 =	smul.f32 s5, s18  }
0x244: {  	v1 =	vmul.f32 s0, v1;
	s8 =	ssub.f32 $1.500000000e+00, s8;
	v6 =	vsub.f32 v11, v6;
	v9 =	vsub.f32 v10, v9;
	v10 =	vld [tilespmem:s1+$0x8C10]  }
0x245: {  	v2 =	vand.u32 $0x7FFFFFFF, v2;
	v7 =	vsub.f32 v12, v7;
	v8 =	vand.u32 $0x7FFFFFFF, v8;
	s10 =	smul.f32 s17, s5  }
0x246: {  	s7 =	smul.f32 s8, s7;
	v2 =	vsub.f32 v8, v2;
	v6 =	vadd.f32 v6, v9;
	v8 =	vld [tilespmem:s1+$0x8C30];
	v11 =	vmul.f32 s9, v43  }
0x247: {  	v5 =	vand.u32 $0x7FFFFFFF, v5;
	v12 =	vld [tilespmem:s1+$0x2C00];
	v14 =	vmul.f32 s9, v45;
	v9 =	vmul.f32 s9, v42;
	s18 =	ssub.f32 $1.500000000e+00, s10  }
0x248: {  	v7 =	vand.u32 $0x7FFFFFFF, v7;
	v4 =	vmul.f32 s7, v4;
	v2 =	vadd.f32 v6, v2;
	v6 =	vld [tilespmem:s1+$0x2C10]  }
0x249: {  	v15 =	vmul.f32 s7, v30;
	v11 =	vadd.f32 v11, v13;
	v13 =	vld [tilespmem:s1+$0x8C20];
	v9 =	vadd.f32 v9, v10;
	s5 =	smul.f32 s18, s5  }
0x24a: {  	v16 =	vld [tilespmem:s1+$0x2C20];
	v5 =	vsub.f32 v7, v5;
	v7 =	vmul.f32 s7, v40;
	v10 =	vmul.f32 s7, v47  }
0x24b: {  	v4 =	vsub.f32 v9, v4;
	v8 =	vadd.f32 v14, v8;
	v9 =	vmul.f32 s5, v52  }
0x24c: {  	v7 =	vsub.f32 v11, v7;
	v11 =	vmul.f32 s9, v62;
	v14 =	vmul.f32 s5, v44  }
0x24d: {  	v17 =	vld [tilespmem:s1+$0x2C30];
	v8 =	vsub.f32 v8, v10;
	v9 =	vadd.f32 v9, v12;
	v12 =	vmul.f32 s5, v41  }
0x24e: {  	v4 =	vand.u32 $0x7FFFFFFF, v4;
	v11 =	vadd.f32 v11, v13;
	v6 =	vadd.f32 v14, v6  }
0x24f: {  	v13 =	vmul.f32 s0, v39;
	v3 =	vsub.f32 v9, v3;
	v9 =	vadd.f32 v12, v16  }
0x250: {  	v7 =	vand.u32 $0x7FFFFFFF, v7;
	v10 =	vmul.f32 s5, v46;
	v1 =	vsub.f32 v6, v1  }
0x251: {  	v11 =	vsub.f32 v11, v15;
	v12 =	vmul.f32 s0, v37;
	v6 =	vsub.f32 v9, v13  }
0x252: {  	v3 =	vand.u32 $0x7FFFFFFF, v3;
	v9 =	vadd.f32 v10, v17;
	v1 =	vand.u32 $0x7FFFFFFF, v1  }
0x253: {  	v1 =	vsub.f32 v1, v4;
	v3 =	vsub.f32 v3, v7  }
0x254: {  	v4 =	vand.u32 $0x7FFFFFFF, v11;
	v7 =	vsub.f32 v9, v12;
	v6 =	vand.u32 $0x7FFFFFFF, v6  }
0x255: {  	v4 =	vsub.f32 v6, v4;
	v1 =	vadd.f32 v1, v3  }
0x256: {  	v2 =	vadd.f32 v2, v5;
	v3 =	vand.u32 $0x7FFFFFFF, v8;
	v5 =	vand.u32 $0x7FFFFFFF, v7  }
0x257: {  	(xrf2) =	vadd.scan.msk.f32 $0xffff, v0;
	v0 =	vsub.f32 v5, v3;
	v1 =	vadd.f32 v1, v4;
	_ =	sdelay $0x1  }
0x258: {  	v0 =	vadd.f32 v1, v0  }
0x259: {  	(xrf2) =	vadd.scan.msk.f32 $0xffff, v2  }
0x25a: {  	(xrf2) =	vadd.scan.msk.f32 $0xffff, v0;
	_ =	sdelay $0x7  }
0x25b: {  	v0, _, _ =	vpop (xrf2)  }
0x25c: {  	(v2sf) =	vpush v0, $0xF;
	v0, _, _ =	vpop (xrf2)  }
0x25d: {  	(v2sf) =	vpush v0, $0xF;
	v0, _, _ =	vpop (xrf2)  }
0x25e: {  	(v2sf) =	vpush v0, $0xF  }
0x25f: {  	s20 =	simm.s32 $0x100  }
0x260: {  	[tilespmem:s23], [sflag:$0x1] =	stream.indirect.gather [hbm4b:s3+s19], $0x40, s20, s19, $0xb8;
	[tilespmem:$0xCC10] =	vst v63  }
0x261: {  	s21 =	simm.s32 $0x2C00;
	s22 =	simm.s32 $0x300  }
0x262: {  	[tilespmem:s21], [sflag:$0x1] =	stream.indirect.gather [hbm4b:s4+s19], $0x40, s22, s19, $0xb8;
	[tilespmem:$0xCC10] =	vst v63  }
0x263: {  	s6 =	simm.s32 $0x500;
	s5 =	simm.s32 $0x4C00  }
0x264: {  	[tilespmem:s5], [sflag:$0x1] =	stream.indirect.gather [hbm4b:s3+s19], $0x40, s6, s19, $0xb8;
	[tilespmem:$0xCC10] =	vst v63  }
0x265: {  	s8 =	simm.s32 $0x700;
	s7 =	simm.s32 $0x6C00  }
0x266: {  	[tilespmem:s7], [sflag:$0x1] =	stream.indirect.gather [hbm4b:s3+s19], $0x40, s8, s19, $0xb8;
	[tilespmem:$0xCC10] =	vst v63  }
0x267: {  	s9 =	simm.s32 $0x900  }
0x268: {  	[tilespmem:s24], [sflag:$0x1] =	stream.indirect.gather [hbm4b:s4+s19], $0x40, s9, s19, $0xb8;
	[tilespmem:$0xCC10] =	vst v63  }
0x269: {  	s10 =	simm.s32 $0xB00  }
0x26a: {  	[tilespmem:s25], [sflag:$0x1] =	stream.indirect.gather [hbm4b:s3+s19], $0x40, s10, s19, $0xb8;
	[tilespmem:$0xCC10] =	vst v63  }
0x26b: {  	s1 =	spop (v2sf)  }
0x26c: {  	s17 =	spop (v2sf)  }
0x26d: {  	s16 =	spop (v2sf)  }
0x26e: {  	_ =	swait.ge [sflag:s26], $0x2000  }
0x26f: {  	[sflag:s26] =	ssyncset.done $0x0  }
0x270: {  	[sflag:s26] =	ssyncadd.s32 $0xFFFFE000  }
0x271: {  	_ =	swait.ge [sflag:s26], $0x2000  }
0x272: {  	[sflag:s26] =	ssyncset.done $0x0  }
0x273: {  	[sflag:s26] =	ssyncadd.s32 $0xFFFFE000  }
0x274: {  	_ =	swait.ge [sflag:s26], $0x2000  }
0x275: {  	[sflag:s26] =	ssyncset.done $0x0  }
0x276: {  	[sflag:s26] =	ssyncadd.s32 $0xFFFFE000  }
0x277: {  	_ =	swait.ge [sflag:s26], $0x2000  }
0x278: {  	[sflag:s26] =	ssyncset.done $0x0  }
0x279: {  	[sflag:s26] =	ssyncadd.s32 $0xFFFFE000  }
0x27a: {  	_ =	swait.ge [sflag:s26], $0x2000  }
0x27b: {  	[sflag:s26] =	ssyncset.done $0x0  }
0x27c: {  	[sflag:s26] =	ssyncadd.s32 $0xFFFFE000  }
0x27d: {  	_ =	swait.ge [sflag:s26], $0x2000  }
0x27e: {  	[sflag:s26] =	ssyncset.done $0x0  }
0x27f: {  	s18 =	simm.s32 $0x0;
	[sflag:s26] =	ssyncadd.s32 $0xFFFFE000  }
0x280: {  	v58 =	vld [tilespmem:s18+$0xAC20]  }
0x281: {  	v12 =	vld [tilespmem:s18+$0x4C10]  }
0x282: {  	v16 =	vld [tilespmem:s18+$0xAC10]  }
0x283: {  	v17 =	vld [tilespmem:s18+$0xAC00]  }
0x284: {  	v25 =	vld [tilespmem:s18+$0x4C00]  }
0x285: {  	v3 =	vld [tilespmem:s18+$0x6C10]  }
0x286: {  	v59 =	vld [tilespmem:s18+$0x4C20]  }
0x287: {  	v22 =	vld [tilespmem:s18+$0xAC30]  }
0x288: {  	v29 =	vld [tilespmem:s18+$0x4C30];
	v0 =	vmul.f32 v17, v17;
	v1 =	vmul.f32 v16, v16  }
0x289: {  	v7 =	vld [tilespmem:s18+$0x6C00];
	v2 =	vmul.f32 v12, v12;
	v4 =	vmul.f32 v25, v25  }
0x28a: {  	v5 =	vmul.f32 v58, v58;
	v0 =	vadd.f32 v1, v0  }
0x28b: {  	v34 =	vld [tilespmem:s18+$0x6C20];
	v1 =	vadd.f32 v2, v4;
	v4 =	vmul.f32 v59, v59  }
0x28c: {  	v0 =	vadd.f32 v5, v0;
	v5 =	vmul.f32 v22, v22  }
0x28d: {  	v2 =	vld [tilespmem:s18+$0x6C30];
	v1 =	vadd.f32 v4, v1;
	v4 =	vmul.f32 v29, v29  }
0x28e: {  	v6 =	vmul.f32 v3, v3;
	v8 =	vmul.f32 v7, v7;
	v0 =	vadd.f32 v5, v0  }
0x28f: {  	v1 =	vadd.f32 v4, v1  }
0x290: {  	v4 =	vadd.f32 v6, v8;
	(xrf2) =	vadd.scan.msk.f32 $0xffff, v0;
	v0 =	vmul.f32 v34, v34  }
0x291: {  	(xrf2) =	vadd.scan.msk.f32 $0xffff, v1  }
0x292: {  	v28 =	vld [tilespmem:s18+$0xC00];
	v1 =	vmul.f32 v2, v2;
	v0 =	vadd.f32 v0, v4  }
0x293: {  	v26 =	vld [tilespmem:s18+$0xC10]  }
0x294: {  	v0 =	vadd.f32 v1, v0  }
0x295: {  	v24 =	vld [tilespmem:s18+$0xC20]  }
0x296: {  	s0 =	simm.s32 $0x40;
	(xrf2) =	vadd.scan.msk.f32 $0xffff, v0  }
0x297: {  	v32 =	vld [tilespmem:s0+$0xAC10];
	v1 =	vmul.f32 v28, v28  }
0x298: {  	v31 =	vld [tilespmem:s18+$0xC30];
	v0 =	vmul.f32 v26, v26  }
0x299: {  	v38 =	vld [tilespmem:s0+$0xAC00]  }
0x29a: {  	v44 =	vld [tilespmem:s0+$0x4C00];
	v5 =	vmul.f32 v24, v24;
	v0 =	vadd.f32 v0, v1;
	v4, _, _ =	vpop (xrf2)  }
0x29b: {  	v39 =	vld [tilespmem:s0+$0x4C10];
	v1, _, _ =	vpop (xrf2);
	(v2sf) =	vpush v4, $0xF  }
0x29c: {  	v40 =	vld [tilespmem:s0+$0xAC20];
	v0 =	vadd.f32 v5, v0;
	v5 =	vmul.f32 v32, v32;
	(v2sf) =	vpush v1, $0xF  }
0x29d: {  	v46 =	vld [tilespmem:s0+$0x4C20]  }
0x29e: {  	v42 =	vld [tilespmem:s0+$0xAC30];
	v4 =	vmul.f32 v38, v38;
	v1 =	vmul.f32 v31, v31  }
0x29f: {  	v47 =	vld [tilespmem:s0+$0x4C30];
	v6 =	vmul.f32 v44, v44  }
0x2a0: {  	v4 =	vadd.f32 v5, v4;
	v0 =	vadd.f32 v1, v0;
	v1 =	vmul.f32 v39, v39;
	v5, _, _ =	vpop (xrf2)  }
0x2a1: {  	v8 =	vmul.f32 v40, v40;
	(v2sf) =	vpush v5, $0xF  }
0x2a2: {  	(xrf2) =	vadd.scan.msk.f32 $0xffff, v0;
	v0 =	vadd.f32 v1, v6;
	v1 =	vmul.f32 v46, v46  }
0x2a3: {  	v30 =	vld [tilespmem:s0+$0x6C00];
	v4 =	vadd.f32 v8, v4;
	v5 =	vmul.f32 v42, v42  }
0x2a4: {  	v0 =	vadd.f32 v1, v0;
	v1 =	vmul.f32 v47, v47  }
0x2a5: {  	v45 =	vld [tilespmem:s0+$0x6C10];
	v4 =	vadd.f32 v5, v4  }
0x2a6: {  	v0 =	vadd.f32 v1, v0  }
0x2a7: {  	v43 =	vld [tilespmem:s0+$0x6C20];
	(xrf2) =	vadd.scan.msk.f32 $0xffff, v4  }
0x2a8: {  	v50 =	vld [tilespmem:s0+$0x6C30];
	v1 =	vmul.f32 v30, v30;
	(xrf2) =	vadd.scan.msk.f32 $0xffff, v0;
	_ =	sdelay $0x1  }
0x2a9: {  	v0 =	vmul.f32 v45, v45;
	s11 =	spop (v2sf)  }
0x2aa: {  	s12 =	spop (v2sf)  }
0x2ab: {  	v0 =	vadd.f32 v0, v1;
	v1, _, _ =	vpop (xrf2);
	s20 =	sshra.s32 s12, $0x1;
	s8 =	smul.f32 $5.000000000e-01, s12  }
0x2ac: {  	v4 =	vmul.f32 v43, v43;
	(v2sf) =	vpush v1, $0xF;
	v1 =	vmul.f32 v50, v50;
	s7 =	ssub.s32 $0x5F3759DF, s20  }
0x2ad: {  	s21 =	smul.f32 s7, s8  }
0x2ae: {  	v0 =	vadd.f32 v4, v0;
	s6 =	smul.f32 $5.000000000e-01, s11  }
0x2af: {  	s22 =	sshra.s32 s11, $0x1;
	s11 =	smul.f32 s7, s21;
	s12 =	spop (v2sf)  }
0x2b0: {  	v37 =	vld [tilespmem:s0+$0xC10];
	s10 =	ssub.s32 $0x5F3759DF, s22;
	v0 =	vadd.f32 v1, v0;
	v1, _, _ =	vpop (xrf2);
	s20 =	sshra.s32 s12, $0x1;
	s9 =	smul.f32 $5.000000000e-01, s12  }
0x2b1: {  	v48 =	vld [tilespmem:s0+$0xC00];
	v4, _, _ =	vpop (xrf2);
	(v2sf) =	vpush v1, $0xF;
	s12 =	smul.f32 s10, s6;
	s5 =	ssub.f32 $1.500000000e+00, s11;
	s11 =	ssub.s32 $0x5F3759DF, s20  }
0x2b2: {  	(xrf2) =	vadd.scan.msk.f32 $0xffff, v0;
	(v2sf) =	vpush v4, $0xF;
	s21 =	smul.f32 s11, s9  }
0x2b3: {  	v36 =	vld [tilespmem:s0+$0xC20];
	s12 =	smul.f32 s10, s12  }
0x2b4: {  	s30 =	simm.s32 $0x80;
	v33 =	vld [tilespmem:s0+$0xC30];
	s5 =	smul.f32 s7, s5  }
0x2b5: {  	v61 =	vld [tilespmem:s30+$0x4C10];
	s22 =	smul.f32 s11, s21  }
0x2b6: {  	v13 =	vld [tilespmem:s30+$0xAC10];
	v0 =	vmul.f32 v37, v37;
	v1 =	vmul.f32 v48, v48;
	s8 =	smul.f32 s5, s8  }
0x2b7: {  	v5 =	vld [tilespmem:s30+$0xAC00];
	s7 =	ssub.f32 $1.500000000e+00, s22  }
0x2b8: {  	v8 =	vld [tilespmem:s30+$0x4C00];
	v4 =	vmul.f32 v36, v36;
	v0 =	vadd.f32 v0, v1;
	s12 =	ssub.f32 $1.500000000e+00, s12;
	s8 =	smul.f32 s8, s5  }
0x2b9: {  	v10 =	vld [tilespmem:s30+$0xAC20];
	s7 =	smul.f32 s11, s7  }
0x2ba: {  	v18 =	vld [tilespmem:s30+$0x4C20];
	v1 =	vmul.f32 v33, v33;
	v0 =	vadd.f32 v4, v0;
	s11 =	smul.f32 s10, s12  }
0x2bb: {  	v27 =	vld [tilespmem:s30+$0xAC30];
	s20 =	spop (v2sf);
	s9 =	smul.f32 s7, s9  }
0x2bc: {  	v6 =	vld [tilespmem:s30+$0x4C30];
	[tilespmem:$0x1FEB0] =	vst v5;
	v4 =	vmul.f32 v5, v5;
	v5 =	vmul.f32 v13, v13;
	v0 =	vadd.f32 v1, v0;
	v9, _, _ =	vpop (xrf2);
	s21 =	sshra.s32 s20, $0x1;
	s20 =	smul.f32 $5.000000000e-01, s20  }
0x2bd: {  	[tilespmem:$0x1FEC0] =	vst v8;
	v8 =	vmul.f32 v8, v8;
	v1 =	vmul.f32 v61, v61;
	(v2sf) =	vpush v9, $0xF;
	s12 =	ssub.s32 $0x5F3759DF, s21;
	s9 =	smul.f32 s9, s7  }
0x2be: {  	v19 =	vmul.f32 v10, v10;
	v4 =	vadd.f32 v5, v4;
	(xrf2) =	vadd.scan.msk.f32 $0xffff, v0;
	s22 =	smul.f32 s12, s20  }
0x2bf: {  	v23 =	vld [tilespmem:s30+$0x6C00];
	v5 =	vmul.f32 v18, v18;
	v1 =	vadd.f32 v1, v8;
	s6 =	smul.f32 s11, s6;
	s9 =	ssub.f32 $1.500000000e+00, s9  }
0x2c0: {  	v14 =	vld [tilespmem:s30+$0xC00];
	v0 =	vadd.f32 v19, v4;
	v4 =	vmul.f32 v27, v27;
	s10 =	spop (v2sf);
	s21 =	smul.f32 s12, s22  }
0x2c1: {  	v41 =	vld [tilespmem:s18+$0x2C00];
	v1 =	vadd.f32 v5, v1;
	v5 =	vmul.f32 v6, v6;
	s6 =	smul.f32 s6, s11;
	s22 =	spop (v2sf)  }
0x2c2: {  	[tilespmem:$0x1FED0] =	vst v10;
	v10 =	vld [tilespmem:s30+$0x6C10];
	v0 =	vadd.f32 v4, v0;
	s9 =	smul.f32 s9, s7;
	s21 =	ssub.f32 $1.500000000e+00, s21  }
0x2c3: {  	v51 =	vld [tilespmem:s18+$0x8C20];
	v1 =	vadd.f32 v5, v1;
	s7 =	smul.f32 $5.000000000e-01, s22;
	s22 =	sshra.s32 s22, $0x1  }
0x2c4: {  	v19 =	vld [tilespmem:s30+$0x6C20];
	(xrf2) =	vadd.scan.msk.f32 $0xffff, v0;
	s6 =	ssub.f32 $1.500000000e+00, s6;
	s22 =	ssub.s32 $0x5F3759DF, s22;
	s21 =	smul.f32 s12, s21  }
0x2c5: {  	v9 =	vld [tilespmem:s30+$0xC10];
	(xrf2) =	vadd.scan.msk.f32 $0xffff, v1;
	s12 =	smul.f32 s22, s7  }
0x2c6: {  	[tilespmem:$0x1FEE0] =	vst v18;
	v18 =	vld [tilespmem:s30+$0x6C30];
	s11 =	smul.f32 s6, s11  }
0x2c7: {  	v8 =	vld [tilespmem:s30+$0xC20];
	v4 =	vmul.f32 v10, v10;
	v5 =	vmul.f32 v23, v23;
	s6 =	ssub.f32 $1.500000000e+00, s8;
	s12 =	smul.f32 s22, s12  }
0x2c8: {  	[tilespmem:$0x1FEF0] =	vst v6;
	v6 =	vld [tilespmem:s30+$0xC30];
	v60, _, _ =	vpop (xrf2);
	s20 =	smul.f32 s21, s20  }
0x2c9: {  	v63 =	vmul.f32 v19, v19;
	v1 =	vld [tilespmem:s18+$0x8C00];
	v4 =	vadd.f32 v4, v5;
	(v2sf) =	vpush v60, $0xF;
	s6 =	smul.f32 s6, s5;
	s8 =	ssub.f32 $1.500000000e+00, s12  }
0x2ca: {  	v52 =	vld [tilespmem:s18+$0x8C30];
	v62 =	vmul.f32 v9, v9;
	s12 =	smul.f32 s20, s21  }
0x2cb: {  	s31 =	simm.s32 $0xC0;
	v56 =	vld [tilespmem:s18+$0x8C10];
	v54 =	vmul.f32 v18, v18;
	v5 =	vmul.f32 v14, v14;
	v4 =	vadd.f32 v63, v4;
	s5 =	smul.f32 s22, s8  }
0x2cc: {  	v20 =	vmovc v14;
	v21 =	vmov v18;
	v18 =	vld [tilespmem:s31+$0xAC00];
	v49 =	vmul.f32 v8, v8;
	v60 =	vmul.f32 s9, v7;
	s22 =	ssub.f32 $1.500000000e+00, s12;
	s20 =	spop (v2sf)  }
0x2cd: {  	v0 =	vld [tilespmem:s18+$0x2C10];
	v14 =	vmovc v6;
	v57 =	vmul.f32 v6, v6;
	v5 =	vadd.f32 v62, v5;
	v4 =	vadd.f32 v54, v4;
	s12 =	smul.f32 $5.000000000e-01, s20  }
0x2ce: {  	[tilespmem:$0x1FF00] =	vst v8;
	v8 =	vld [tilespmem:s31+$0xAC20];
	v2 =	vmul.f32 s9, v2;
	v3 =	vmul.f32 s9, v3;
	v1 =	vadd.f32 v60, v1;
	v62, _, _ =	vpop (xrf2);
	s20 =	sshra.s32 s20, $0x1;
	s8 =	smul.f32 s22, s21  }
0x2cf: {  	v6 =	vld [tilespmem:s31+$0x4C10];
	v60 =	vmul.f32 s11, v17;
	(v2sf) =	vpush v62, $0xF;
	v62 =	vmul.f32 s11, v16;
	v63, _, _ =	vpop (xrf2);
	s22 =	sshra.s32 s10, $0x1;
	s10 =	smul.f32 $5.000000000e-01, s10;
	s20 =	ssub.s32 $0x5F3759DF, s20  }
0x2d0: {  	v15 =	vmovc v9;
	v9 =	vld [tilespmem:s31+$0x4C20];
	(v2sf) =	vpush v63, $0xF;
	v63 =	vmul.f32 s11, v58;
	v58 =	vmul.f32 s11, v22;
	s21 =	ssub.s32 $0x5F3759DF, s22;
	s11 =	smul.f32 s20, s12  }
0x2d1: {  	v5 =	vadd.f32 v49, v5;
	(xrf2) =	vadd.scan.msk.f32 $0xffff, v4;
	v4 =	vmul.f32 s9, v34;
	v17 =	vld [tilespmem:s31+$0xAC10];
	v3 =	vadd.f32 v3, v56;
	s22 =	smul.f32 s21, s10  }
0x2d2: {  	v35 =	vmul.f32 s6, v25;
	v49 =	vmul.f32 s6, v12;
	v2 =	vadd.f32 v2, v52;
	v16 =	vld [tilespmem:s31+$0x4C00];
	s11 =	smul.f32 s20, s11  }
0x2d3: {  	v7 =	vld [tilespmem:s31+$0xC20];
	v52 =	vmul.f32 v8, v8;
	v55 =	vmul.f32 s6, v59;
	v5 =	vadd.f32 v57, v5;
	s9 =	smul.f32 s21, s22  }
0x2d4: {  	v25 =	vld [tilespmem:s31+$0x6C00];
	v56 =	vmul.f32 s6, v29;
	v4 =	vadd.f32 v4, v51;
	v1 =	vsub.f32 v1, v60;
	s22 =	smul.f32 s5, s7  }
0x2d5: {  	v51 =	vmul.f32 v6, v6;
	(xrf2) =	vadd.scan.msk.f32 $0xffff, v5;
	v5 =	vmul.f32 v18, v18;
	v22 =	vld [tilespmem:s31+$0x6C10];
	v3 =	vsub.f32 v3, v62;
	s11 =	ssub.f32 $1.500000000e+00, s11  }
0x2d6: {  	v29 =	vld [tilespmem:s31+$0xC00];
	v1 =	vand.u32 $0x7FFFFFFF, v1;
	v60 =	vmul.f32 v17, v17;
	v2 =	vsub.f32 v2, v58;
	s9 =	ssub.f32 $1.500000000e+00, s9;
	s22 =	smul.f32 s22, s5  }
0x2d7: {  	s14 =	sadd.f32 $1.000000000e+00, s14;
	[tilespmem:$0x1FF10] =	vst v6;
	v6 =	vld [tilespmem:s31+$0x4C30];
	v4 =	vsub.f32 v4, v63;
	v63 =	vmul.f32 v16, v16;
	v62 =	vmul.f32 s8, v26;
	s11 =	smul.f32 s20, s11  }
0x2d8: {  	v58 =	vld [tilespmem:s18+$0x2C20];
	v5 =	vadd.f32 v60, v5;
	v60 =	vmul.f32 v9, v9;
	v34 =	vmul.f32 s8, v28;
	s9 =	smul.f32 s21, s9;
	s21 =	spop (v2sf)  }
0x2d9: {  	s14 =	smax.f32 s14, $0.0e+00;
	v3 =	vand.u32 $0x7FFFFFFF, v3;
	v28 =	vld [tilespmem:s31+$0xAC30];
	v54 =	vmul.f32 s8, v24;
	v31 =	vmul.f32 s8, v31;
	s7 =	smul.f32 $5.000000000e-01, s21  }
0x2da: {  	v57 =	vmul.f32 v22, v22;
	v51 =	vadd.f32 v51, v63;
	v5 =	vadd.f32 v52, v5;
	v52 =	vld [tilespmem:s18+$0x2C30];
	s22 =	ssub.f32 $1.500000000e+00, s22;
	s12 =	smul.f32 s11, s12  }
0x2db: {  	s15 =	sadd.f32 $1.000000000e+00, s15;
	v59 =	vld [tilespmem:s0+$0x8C10];
	v63 =	vmul.f32 v25, v25;
	v41 =	vadd.f32 v34, v41;
	v0 =	vadd.f32 v62, v0;
	v62, _, _ =	vpop (xrf2);
	s10 =	smul.f32 s9, s10  }
0x2dc: {  	s14 =	sadd.f32 s14, s29;
	v26 =	vld [tilespmem:s31+$0xC10];
	v51 =	vadd.f32 v60, v51;
	v60 =	vmul.f32 v6, v6;
	(v2sf) =	vpush v62, $0xF;
	s5 =	smul.f32 s22, s5  }
0x2dd: {  	s15 =	smax.f32 s15, $0.0e+00;
	v24 =	vld [tilespmem:s31+$0xC30];
	v4 =	vand.u32 $0x7FFFFFFF, v4;
	v53 =	vadd.f32 v57, v63;
	v0 =	vsub.f32 v0, v49;
	s20 =	sshra.s32 s21, $0x1;
	s21 =	smul.f32 s12, s11  }
0x2de: {  	v34 =	vld [tilespmem:s31+$0x6C30];
	v35 =	vsub.f32 v41, v35;
	v41 =	vmul.f32 v28, v28;
	v51 =	vadd.f32 v60, v51;
	s6 =	spop (v2sf);
	s12 =	ssub.s32 $0x5F3759DF, s20;
	s29 =	smul.f32 s10, s9  }
0x2df: {  	v49 =	vld [tilespmem:s0+$0x2C10];
	v62 =	vadd.f32 v54, v58;
	v31 =	vadd.f32 v31, v52;
	v0 =	vand.u32 $0x7FFFFFFF, v0;
	s20 =	smul.f32 s12, s7;
	s8 =	spop (v2sf)  }
0x2e0: {  	v63, _, _ =	vpop (xrf2);
	v60 =	vand.u32 $0x7FFFFFFF, v35;
	v35 =	vld [tilespmem:s31+$0x6C20];
	v5 =	vadd.f32 v41, v5;
	v0 =	vsub.f32 v0, v3;
	s18 =	smul.f32 $5.000000000e-01, s8;
	s21 =	ssub.f32 $1.500000000e+00, s21  }
0x2e1: {  	s14 =	sadd.f32 s15, s14;
	v2 =	vand.u32 $0x7FFFFFFF, v2;
	v54 =	vld [tilespmem:s0+$0x8C00];
	v41 =	vsub.f32 v62, v55;
	(v2sf) =	vpush v63, $0xF;
	s8 =	sshra.s32 s8, $0x1;
	s15 =	smul.f32 s12, s20  }
0x2e2: {  	s1 =	sadd.f32 $1.000000000e+00, s1;
	v57 =	vmul.f32 v7, v7;
	v52 =	vld [tilespmem:s0+$0x2C00];
	v1 =	vsub.f32 v60, v1;
	v31 =	vsub.f32 v31, v56;
	(xrf2) =	vadd.scan.msk.f32 $0xffff, v5;
	s8 =	ssub.s32 $0x5F3759DF, s8;
	s10 =	smul.f32 s21, s11  }
0x2e3: {  	v56 =	vld [tilespmem:s0+$0x8C20];
	v62 =	vmul.f32 v29, v29;
	v5 =	vmul.f32 v26, v26;
	v3 =	vand.u32 $0x7FFFFFFF, v41;
	s11 =	ssub.f32 $1.500000000e+00, s29;
	s20 =	smul.f32 s8, s18  }
0x2e4: {  	v0 =	vadd.f32 v0, v1;
	(xrf2) =	vadd.scan.msk.f32 $0xffff, v51;
	v51 =	vld [tilespmem:s0+$0x8C30];
	v31 =	vand.u32 $0x7FFFFFFF, v31;
	v3 =	vsub.f32 v3, v4;
	s21 =	smax.f32 s1, $0.0e+00;
	s1 =	simm.s32 $0x100;
	s15 =	ssub.f32 $1.500000000e+00, s15  }
0x2e5: {  	v4 =	vadd.f32 v5, v62;
	v2 =	vsub.f32 v31, v2;
	v31 =	vmul.f32 v35, v35;
	s14 =	sadd.f32 s21, s14;
	v1 =	vld [tilespmem:s1+$0x4C10];
	s11 =	smul.f32 s11, s9  }
0x2e6: {  	v55 =	vmul.f32 v34, v34;
	v5 =	vmul.f32 v24, v24;
	s21 =	sadd.f32 $1.000000000e+00, s17;
	v41 =	vld [tilespmem:s1+$0xC20];
	s20 =	smul.f32 s8, s20  }
0x2e7: {  	v57 =	vadd.f32 v57, v4;
	v31 =	vadd.f32 v31, v53;
	v4 =	vld [tilespmem:s1+$0xAC10];
	v63 =	vmul.f32 s10, v30;
	s9 =	smul.f32 s12, s15  }
0x2e8: {  	v11 =	vmovc v10;
	v62 =	vmul.f32 s5, v39;
	v0 =	vadd.f32 v0, v3;
	v3 =	vld [tilespmem:s1+$0x4C00];
	v45 =	vmul.f32 s10, v45;
	s15 =	smul.f32 $5.000000000e-01, s6;
	s12 =	smax.f32 s21, $0.0e+00;
	s6 =	sshra.s32 s6, $0x1  }
0x2e9: {  	v10 =	vmovc v19;
	v12 =	vmovc v8;
	v31 =	vadd.f32 v55, v31;
	v39 =	vld [tilespmem:s1+$0x4C20];
	v54 =	vadd.f32 v63, v54;
	v38 =	vmul.f32 s11, v38;
	s12 =	sadd.f32 s12, s14;
	s17 =	ssub.s32 $0x5F3759DF, s6;
	s7 =	smul.f32 s9, s7  }
0x2ea: {  	v8 =	vmovc v18;
	v19 =	vmovc v17;
	v30 =	vld [tilespmem:s1+$0xAC20];
	v58 =	vmul.f32 s10, v50;
	v32 =	vmul.f32 s11, v32;
	s14 =	ssub.f32 $1.500000000e+00, s20;
	v45 =	vadd.f32 v45, v59;
	s22 =	smul.f32 s17, s15  }
0x2eb: {  	v18 =	vmovc v6;
	v17 =	vmovc v16;
	v60 =	vmul.f32 s11, v40;
	v40 =	vld [tilespmem:s1+$0xAC00];
	v50 =	vsub.f32 v54, v38;
	v54 =	vmul.f32 s10, v43;
	s20 =	spop (v2sf);
	s7 =	smul.f32 s7, s9  }
0x2ec: {  	v0 =	vadd.f32 v0, v2;
	s21 =	sadd.f32 $1.000000000e+00, s16;
	v2, _, _ =	vpop (xrf2);
	v38 =	vmul.f32 s11, v42;
	v42 =	vld [tilespmem:s1+$0x6C10];
	v53 =	vsub.f32 v45, v32;
	s16 =	sshra.s32 s20, $0x1;
	s6 =	smul.f32 $5.000000000e-01, s20  }
0x2ed: {  	v16 =	vmovc v9;
	v9 =	vmovc v7;
	v55 =	vmul.f32 s5, v47;
	v47 =	vld [tilespmem:s1+$0xAC30];
	s14 =	smul.f32 s8, s14;
	(v2sf) =	vpush v2, $0xF;
	v32 =	vadd.f32 v54, v56;
	s10 =	ssub.s32 $0x5F3759DF, s16;
	s7 =	ssub.f32 $1.500000000e+00, s7  }
0x2ee: {  	v59 =	vadd.f32 v5, v57;
	v63 =	vmul.f32 s5, v44;
	v5 =	vadd.f32 v58, v51;
	v44 =	vld [tilespmem:s1+$0xC10];
	(xrf2) =	vadd.scan.msk.f32 $0xffff, v0;
	v2, _, _ =	vpop (xrf2);
	s20 =	smax.f32 s21, $0.0e+00;
	s21 =	smul.f32 s10, s6  }
0x2ef: {  	v58 =	vmul.f32 s5, v46;
	v46 =	vld [tilespmem:s1+$0xC30];
	v51 =	vmul.f32 v41, v41;
	(xrf2) =	vadd.scan.msk.f32 $0xffff, v31;
	v31 =	vmovc v1;
	(v2sf) =	vpush v2, $0xF;
	s29 =	sadd.f32 s20, s12;
	s5 =	smul.f32 s7, s9  }
0x2f0: {  	v43 =	vld [tilespmem:s1+$0x6C00];
	v2 =	vmul.f32 v30, v30;
	v54 =	vsub.f32 v5, v38;
	(xrf2) =	vadd.scan.msk.f32 $0xffff, v59;
	v5 =	vmul.f32 v40, v40;
	s20 =	smul.f32 s17, s22;
	s8 =	spop (v2sf)  }
0x2f1: {  	v45 =	vld [tilespmem:s1+$0x6C30];
	v57 =	vsub.f32 v32, v60;
	v38 =	vmovc v4;
	v0 =	vmul.f32 v42, v42;
	s7 =	sshra.s32 s8, $0x1;
	s11 =	smul.f32 s10, s21;
	s21 =	simm.s32 $0x500;
	v32 =	vmovc v3;
	v56 =	vmul.f32 s5, v48  }
.LBB2_6:
0x2f2: {  	v38 =	vmul.f32 v38, v4  }
0x2f3: {  	v31 =	vmul.f32 v31, v1;
	v59 =	vld [tilespmem:s0+$0x2C20]  }
0x2f4: {  	v48 =	vmovc v28;
	v32 =	vmul.f32 v32, v3;
	v5 =	vadd.f32 v38, v5;
	v28 =	vadd.f32 v56, v52;
	v56 =	vld [tilespmem:s1+$0x4C30]  }
0x2f5: {  	v38 =	vmul.f32 s5, v36;
	v52 =	vmul.f32 s5, v37;
	v37 =	vmovc v15;
	v15 =	vmov v26;
	v26 =	vld [tilespmem:$0x1FF00]  }
0x2f6: {  	s11 =	ssub.f32 $1.500000000e+00, s11;
	v31 =	vadd.f32 v31, v32;
	v2 =	vadd.f32 v2, v5;
	v5 =	vmul.f32 v47, v47  }
0x2f7: {  	v32 =	vmul.f32 v39, v39;
	v63 =	vsub.f32 v28, v63;
	v28 =	vadd.f32 v52, v49  }
0x2f8: {  	v6, _, _ =	vpop (xrf2);
	s11 =	smul.f32 s10, s11;
	v60 =	vmul.f32 v46, v46;
	v38 =	vadd.f32 v38, v59  }
0x2f9: {  	s12 =	smul.f32 s14, s18;
	s9 =	smov.u32 s21;
	s16 =	sadd.s32 $0x100, s21;
	v50 =	vand.u32 $0x7FFFFFFF, v50;
	v49 =	vadd.f32 v5, v2;
	v31 =	vadd.f32 v32, v31;
	v52 =	vmovc v9;
	v9 =	vmovc v41;
	v41 =	vld [tilespmem:s0+$0x2C30]  }
0x2fa: {  	p0 =	sne.s32 s21, $0x7F00;
	s20 =	ssub.f32 $1.500000000e+00, s20;
	s21 =	smul.f32 s11, s6;
	v5, _, _ =	vpop (xrf2);
	v36 =	vmov v26;
	[tilespmem:$0x1FF00] =	vst v52;
	v52 =	vsub.f32 v28, v62;
	v62 =	vmul.f32 v56, v56  }
0x2fb: {  	s0 =	smov.u32 s30;
	s30 =	smov.u32 s31;
	s31 =	smov.u32 s1;
	v26 =	vmovc v44;
	(v2sf) =	vpush v5, $0xF;
	v5 =	vmul.f32 s5, v33;
	v28 =	vmovc v47;
	v47 =	vmul.f32 v43, v43  }
0x2fc: {  	s10 =	smul.f32 s17, s20;
	(xrf2) =	vadd.scan.msk.f32 $0xffff, v49;
	v33 =	vmov v14;
	v59 =	vld [tilespmem:s31+$0xC00];
	v2, _, _ =	vpop (xrf2);
	s1 =	spop (v2sf);
	(v2sf) =	vpush v6, $0xF;
	v6 =	vadd.f32 v62, v31  }
0x2fd: {  	s17 =	smul.f32 s21, s11;
	v14 =	vmovc v24;
	v24 =	vmovc v46;
	v46 =	vand.u32 $0x7FFFFFFF, v54;
	v0 =	vadd.f32 v0, v47;
	v31 =	vsub.f32 v38, v58  }
0x2fe: {  	s6 =	smul.f32 $5.000000000e-01, s8;
	v49 =	vld [tilespmem:s0+$0x2C10];
	v44 =	vmul.f32 v44, v26;
	v5 =	vadd.f32 v5, v41;
	s18 =	spop (v2sf);
	(v2sf) =	vpush v2, $0xF;
	(xrf2) =	vadd.scan.msk.f32 $0xffff, v6  }
0x2ff: {  	s15 =	smul.f32 s10, s15;
	s17 =	ssub.f32 $1.500000000e+00, s17;
	v32 =	vld [tilespmem:s0+$0x8C00];
	v2 =	vand.u32 $0x7FFFFFFF, v63;
	v63 =	vand.u32 $0x7FFFFFFF, v52;
	v6 =	vand.u32 $0x7FFFFFFF, v53  }
0x300: {  	s8 =	smul.f32 s12, s14;
	v54 =	vld [tilespmem:s0+$0x8C20];
	v58 =	vand.u32 $0x7FFFFFFF, v57;
	v2 =	vsub.f32 v2, v50;
	v6 =	vsub.f32 v63, v6  }
0x301: {  	s7 =	ssub.s32 $0x5F3759DF, s7;
	s12 =	smul.f32 s17, s11;
	v47 =	vld [tilespmem:s31+$0x6C20];
	v62 =	vmul.f32 v59, v59;
	v5 =	vsub.f32 v5, v55;
	v31 =	vand.u32 $0x7FFFFFFF, v31  }
0x302: {  	v7 =	vmovc v61;
	v61 =	vmul.f32 v45, v45;
	s22 =	smul.f32 s7, s6;
	v52 =	vld [tilespmem:s0+$0x2C00];
	v41 =	vsub.f32 v31, v58;
	v2 =	vadd.f32 v6, v2  }
0x303: {  	s15 =	smul.f32 s15, s10;
	v55 =	vmul.f32 s12, v21;
	v21 =	vmovc v34;
	v34 =	vmovc v45;
	v45 =	vld [tilespmem:s0+$0x8C30];
	v38 =	vadd.f32 v44, v62;
	v5 =	vand.u32 $0x7FFFFFFF, v5  }
0x304: {  	s22 =	smul.f32 s7, s22;
	s21 =	sshra.s32 s18, $0x1;
	v53 =	vmul.f32 s12, v11;
	v11 =	vmovc v22;
	v22 =	vmovc v42;
	v42 =	vld [tilespmem:s0+$0x8C10];
	v58 =	vsub.f32 v5, v46;
	v2 =	vadd.f32 v2, v41  }
0x305: {  	s11 =	sshra.s32 s1, $0x1;
	s18 =	smul.f32 $5.000000000e-01, s18;
	s5 =	ssub.s32 $0x5F3759DF, s21;
	v62 =	vld [tilespmem:$0x1FEB0]  }
0x306: {  	s21 =	ssub.f32 $1.500000000e+00, s15;
	s15 =	smul.f32 $5.000000000e-01, s1;
	s1 =	sshra.s32 s9, $0x2;
	v44 =	vadd.f32 v51, v38;
	v51 =	vld [tilespmem:$0x1FED0];
	v2 =	vadd.f32 v2, v58  }
0x307: {  	v63 =	vmul.f32 s12, v23;
	v23 =	vmov v25;
	v25 =	vmov v43;
	s20 =	smul.f32 s5, s18;
	v31 =	vld [tilespmem:s1+$0x4C10];
	v43, _, _ =	vpop (xrf2)  }
0x308: {  	s22 =	ssub.f32 $1.500000000e+00, s22;
	v57 =	vmul.f32 v47, v47;
	s10 =	smul.f32 s21, s10;
	v58, _, _ =	vpop (xrf2);
	(xrf2) =	vadd.scan.msk.f32 $0xffff, v2;
	v2 =	vld [tilespmem:$0x1FEC0]  }
0x309: {  	s8 =	ssub.f32 $1.500000000e+00, s8;
	v50 =	vmov v8;
	v8 =	vmov v40;
	v40 =	vld [tilespmem:s1+$0xAC00];
	s20 =	smul.f32 s5, s20  }
0x30a: {  	s17 =	ssub.s32 $0x5F3759DF, s11;
	s11 =	smul.f32 s7, s22;
	v6 =	vld [tilespmem:s1+$0xAC20];
	v0 =	vadd.f32 v57, v0;
	v13 =	vmul.f32 s10, v13;
	v27 =	vmul.f32 s10, v27  }
0x30b: {  	v32 =	vadd.f32 v63, v32;
	v38 =	vld [tilespmem:s1+$0xAC10];
	v63 =	vmul.f32 s10, v62;
	v51 =	vmul.f32 s10, v51;
	s10 =	ssub.f32 $1.500000000e+00, s20;
	s20 =	smul.f32 s8, s14  }
0x30c: {  	v41 =	vld [tilespmem:s1+$0xC20];
	v0 =	vadd.f32 v61, v0  }
0x30d: {  	[tilespmem:$0x1FEB0] =	vst v50;
	s6 =	smul.f32 s11, s6;
	v5 =	vmov v12;
	v50 =	vsub.f32 v32, v63;
	v63 =	vmul.f32 s20, v2;
	v2 =	vld [tilespmem:$0x1FF10]  }
0x30e: {  	s9 =	smul.f32 s17, s15;
	[tilespmem:$0x1FED0] =	vst v5;
	v5 =	vadd.f32 v53, v42;
	(xrf2) =	vadd.scan.msk.f32 $0xffff, v0;
	v0 =	vld [tilespmem:$0x1FEF0]  }
0x30f: {  	s22 =	smul.f32 s6, s11;
	v42 =	vld [tilespmem:s1+$0x6C10]  }
0x310: {  	v57 =	vmul.f32 s12, v10;
	v10 =	vmovc v35;
	v35 =	vmovc v47;
	v32 =	vld [tilespmem:s1+$0x4C00];
	v53 =	vsub.f32 v5, v13;
	v5 =	vadd.f32 v55, v45;
	s12 =	spop (v2sf);
	s14 =	smul.f32 s5, s10  }
0x311: {  	v46 =	vld [tilespmem:s1+$0xC30];
	(v2sf) =	vpush v43, $0xF;
	v12 =	vmovc v30;
	v60 =	vadd.f32 v60, v44;
	v30 =	vmovc v6;
	v13 =	vmov v19;
	s6 =	smul.f32 $5.000000000e-01, s12  }
0x312: {  	v19 =	vmovc v4;
	s21 =	sshra.s32 s12, $0x1;
	v62 =	vmul.f32 s20, v7;
	v7 =	vadd.f32 v57, v54;
	s12 =	ssub.f32 $1.500000000e+00, s22;
	s10 =	spop (v2sf);
	v61 =	vmovc v2;
	v2 =	vmov v1;
	v1 =	vld [tilespmem:$0x1FEE0]  }
.Ltmp2:
0x313: {  	v43 =	vld [tilespmem:s1+$0x6C00];
	v4 =	vmovc v38;
	v54 =	vsub.f32 v5, v27;
	v27 =	vmovc v48;
	s5 =	sadd.f32 $1.000000000e+00, s10;
	s10 =	ssub.s32 $0x5F3759DF, s21;
	v55 =	vmul.f32 s20, v0;
	v0 =	vmov v17;
	(pc) =	sbr.rel @p0 .LBB2_6-.Ltmp2, $4  }
0x314: {  	v47 =	vld [tilespmem:s1+$0xAC30];
	v57 =	vsub.f32 v7, v51;
	v51 =	vmul.f32 v41, v41;
	v5 =	vmovc v16;
	(xrf2) =	vadd.scan.msk.f32 $0xffff, v60;
	s8 =	spop (v2sf);
	s21 =	smul.f32 s10, s6;
	[tilespmem:$0x1FEC0] =	vst v0  }
0x315: {  	v44 =	vld [tilespmem:s1+$0xC10];
	v16 =	vmovc v39;
	(v2sf) =	vpush v58, $0xF;
	s22 =	smax.f32 s5, $0.0e+00;
	s5 =	smul.f32 s12, s11;
	v17 =	vmovc v3;
	v3 =	vmov v32;
	v0 =	vmul.f32 v42, v42;
	[tilespmem:$0x1FEE0] =	vst v5  }
0x316: {  	v45 =	vld [tilespmem:s1+$0x6C30];
	s7 =	sshra.s32 s8, $0x1;
	s11 =	smul.f32 s10, s21;
	v5 =	vmul.f32 v40, v40;
	[tilespmem:$0x1FF10] =	vst v2;
	v2 =	vmul.f32 v6, v30;
	v6 =	vmovc v18;
	v18 =	vmov v56  }
0x317: {  	v39 =	vld [tilespmem:s1+$0x4C20];
	s29 =	sadd.f32 s22, s29;
	s21 =	smov.u32 s16;
	v56 =	vmul.f32 s5, v20;
	v20 =	vmovc v29;
	v29 =	vmovc v59;
	[tilespmem:$0x1FEF0] =	vst v6;
	v58 =	vmul.f32 s20, v1;
	v1 =	vmov v31;
	s20 =	smul.f32 s17, s9  }
0x318: {  	s9 =	ssub.f32 $1.500000000e+00, s11  }
0x319: {  	s22 =	smul.f32 s14, s18  }
0x31a: {  	s10 =	smul.f32 s10, s9  }
0x31b: {  	v6 =	vmul.f32 v38, v4;
	s12 =	ssub.f32 $1.500000000e+00, s20;
	s9 =	smul.f32 $5.000000000e-01, s8  }
0x31c: {  	v48 =	vmul.f32 s5, v37;
	s11 =	smul.f32 s22, s14  }
0x31d: {  	v5 =	vadd.f32 v6, v5;
	v6 =	vmul.f32 v31, v1;
	v31 =	vmul.f32 v32, v3;
	s12 =	smul.f32 s17, s12  }
0x31e: {  	v37 =	vld [tilespmem:s1+$0x4C30];
	s7 =	ssub.s32 $0x5F3759DF, s7;
	v56 =	vadd.f32 v56, v52;
	v59 =	vadd.f32 v48, v49;
	s6 =	smul.f32 s10, s6  }
0x31f: {  	v52 =	vld [tilespmem:s0+$0x2C20];
	v2 =	vadd.f32 v2, v5;
	v5 =	vadd.f32 v6, v31;
	v6 =	vmul.f32 v47, v47;
	s16 =	smul.f32 s7, s9  }
0x320: {  	v60, _, _ =	vpop (xrf2);
	v48 =	vand.u32 $0x7FFFFFFF, v50;
	v32 =	vsub.f32 v56, v63;
	s15 =	smul.f32 s12, s15  }
0x321: {  	v56 =	vld [tilespmem:s0+$0x2C30];
	v63 =	vmul.f32 v39, v39;
	v38 =	vsub.f32 v59, v62;
	v31, _, _ =	vpop (xrf2);
	s6 =	smul.f32 s6, s10;
	v2 =	vadd.f32 v6, v2  }
0x322: {  	v6 =	vmul.f32 v43, v43;
	s16 =	smul.f32 s7, s16;
	(v2sf) =	vpush v31, $0xF;
	v31 =	vmul.f32 s5, v36  }
0x323: {  	v59 =	vmul.f32 v37, v37;
	v32 =	vand.u32 $0x7FFFFFFF, v32;
	v5 =	vadd.f32 v63, v5;
	s8 =	smul.f32 s15, s12;
	s6 =	ssub.f32 $1.500000000e+00, s6  }
0x324: {  	s17 =	spop (v2sf);
	v0 =	vadd.f32 v0, v6;
	v6 =	vmul.f32 s5, v33;
	s16 =	ssub.f32 $1.500000000e+00, s16;
	v31 =	vadd.f32 v31, v52  }
0x325: {  	v62 =	vld [tilespmem:s1+$0x6C20];
	v63 =	vand.u32 $0x7FFFFFFF, v53;
	(v2sf) =	vpush v60, $0xF;
	v5 =	vadd.f32 v59, v5;
	s8 =	ssub.f32 $1.500000000e+00, s8;
	s6 =	smul.f32 s6, s10  }
0x326: {  	(xrf2) =	vadd.scan.msk.f32 $0xffff, v2;
	v2 =	vand.u32 $0x7FFFFFFF, v38;
	v6 =	vadd.f32 v6, v56;
	s16 =	smul.f32 s7, s16;
	v31 =	vsub.f32 v31, v58  }
0x327: {  	v60, _, _ =	vpop (xrf2);
	v2 =	vsub.f32 v2, v63;
	(xrf2) =	vadd.scan.msk.f32 $0xffff, v5;
	v5 =	vsub.f32 v32, v48;
	s8 =	smul.f32 s8, s12  }
0x328: {  	v49 =	vand.u32 $0x7FFFFFFF, v57;
	s18 =	spop (v2sf);
	v6 =	vsub.f32 v6, v55;
	s9 =	smul.f32 s16, s9;
	v31 =	vand.u32 $0x7FFFFFFF, v31  }
0x329: {  	v2 =	vadd.f32 v2, v5;
	s0 =	smul.f32 $5.000000000e-01, s18;
	s5 =	sshra.s32 s18, $0x1;
	v31 =	vsub.f32 v31, v49  }
0x32a: {  	v50 =	vmul.f32 v62, v62;
	v5 =	vand.u32 $0x7FFFFFFF, v54;
	s10 =	ssub.s32 $0x5F3759DF, s5;
	s5 =	smul.f32 $5.000000000e-01, s17;
	v6 =	vand.u32 $0x7FFFFFFF, v6  }
0x32b: {  	s18 =	ssub.f32 $1.500000000e+00, s11;
	s9 =	smul.f32 s9, s16;
	v5 =	vsub.f32 v6, v5;
	v2 =	vadd.f32 v2, v31  }
0x32c: {  	s21 =	sshra.s32 s17, $0x1;
	v0 =	vadd.f32 v50, v0;
	s20 =	smul.f32 s10, s0;
	v6 =	vmul.f32 v45, v45  }
0x32d: {  	v52 =	vld [tilespmem:s1+$0xC00];
	s12 =	ssub.s32 $0x5F3759DF, s21;
	(v2sf) =	vpush v60, $0xF;
	s7 =	smul.f32 s18, s14;
	v2 =	vadd.f32 v2, v5  }
0x32e: {  	s17 =	smul.f32 s12, s5;
	v0 =	vadd.f32 v6, v0  }
0x32f: {  	s22 =	smul.f32 s10, s20  }
0x330: {  	s17 =	smul.f32 s12, s17  }
0x331: {  	s15 =	ssub.f32 $1.500000000e+00, s22;
	(xrf2) =	vadd.scan.msk.f32 $0xffff, v2;
	s20 =	spop (v2sf);
	v2, _, _ =	vpop (xrf2)  }
0x332: {  	v5 =	vmul.f32 v52, v52;
	(xrf2) =	vadd.scan.msk.f32 $0xffff, v0;
	s21 =	sshra.s32 s20, $0x1;
	s11 =	smul.f32 $5.000000000e-01, s20;
	v0, _, _ =	vpop (xrf2);
	(v2sf) =	vpush v2, $0xF;
	v2 =	vmul.f32 v44, v44  }
0x333: {  	s9 =	ssub.f32 $1.500000000e+00, s9;
	s10 =	smul.f32 s10, s15;
	s14 =	ssub.s32 $0x5F3759DF, s21;
	(v2sf) =	vpush v0, $0xF  }
0x334: {  	s22 =	smul.f32 s14, s11;
	v0 =	vadd.f32 v2, v5  }
0x335: {  	v7 =	vld [tilespmem:$0x1FEB0];
	s15 =	smul.f32 s9, s16  }
0x336: {  	s20 =	ssub.f32 $1.500000000e+00, s17;
	v2 =	vmul.f32 v46, v46;
	s18 =	smul.f32 s14, s22;
	v0 =	vadd.f32 v51, v0  }
0x337: {  	s0 =	smul.f32 s10, s0  }
0x338: {  	s12 =	smul.f32 s12, s20;
	s18 =	ssub.f32 $1.500000000e+00, s18;
	v0 =	vadd.f32 v2, v0  }
0x339: {  	s20 =	smul.f32 s0, s10  }
0x33a: {  	v54 =	vmul.f32 s8, v7;
	v7 =	vld [tilespmem:$0x1FED0];
	s9 =	smul.f32 s14, s18  }
0x33b: {  	v31 =	vld [tilespmem:s30+$0x8C30];
	s5 =	smul.f32 s12, s5;
	v2, _, _ =	vpop (xrf2);
	s14 =	spop (v2sf)  }
0x33c: {  	v5 =	vld [tilespmem:s30+$0x8C10];
	(xrf2) =	vadd.scan.msk.f32 $0xffff, v0;
	s21 =	spop (v2sf);
	s11 =	smul.f32 s9, s11;
	v0, _, _ =	vpop (xrf2)  }
0x33d: {  	s17 =	smul.f32 $5.000000000e-01, s21;
	s16 =	sshra.s32 s21, $0x1;
	(v2sf) =	vpush v0, $0xF  }
0x33e: {  	v53 =	vmul.f32 s6, v11;
	s16 =	ssub.s32 $0x5F3759DF, s16;
	s11 =	smul.f32 s11, s9  }
0x33f: {  	v11 =	vld [tilespmem:$0x1FEC0];
	v55 =	vmul.f32 s8, v7;
	v7 =	vmul.f32 s6, v21;
	s18 =	smul.f32 s16, s17  }
0x340: {  	v6 =	vmul.f32 s6, v23;
	v23 =	vld [tilespmem:s30+$0x2C00];
	s0 =	ssub.f32 $1.500000000e+00, s11;
	s11 =	smul.f32 s5, s12  }
0x341: {  	v13 =	vmul.f32 s8, v13;
	v57 =	vadd.f32 v7, v31;
	v7 =	vld [tilespmem:$0x1FF00];
	v5 =	vadd.f32 v53, v5;
	s18 =	smul.f32 s16, s18;
	s21 =	spop (v2sf)  }
0x342: {  	v56 =	vmul.f32 s6, v10;
	v10 =	vld [tilespmem:$0x1FEE0];
	s22 =	spop (v2sf);
	s5 =	smul.f32 s0, s9  }
0x343: {  	v27 =	vmul.f32 s8, v27;
	v21 =	vld [tilespmem:s30+$0x2C20];
	v5 =	vsub.f32 v5, v13;
	v13 =	vmul.f32 s15, v20;
	s9 =	ssub.f32 $1.500000000e+00, s11;
	s8 =	smul.f32 $5.000000000e-01, s21  }
0x344: {  	s18 =	ssub.f32 $1.500000000e+00, s18;
	s0 =	smul.f32 $5.000000000e-01, s22  }
0x345: {  	v11 =	vmul.f32 s7, v11;
	v13 =	vadd.f32 v13, v23;
	s22 =	sshra.s32 s22, $0x1;
	s9 =	smul.f32 s9, s12  }
0x346: {  	v7 =	vmul.f32 s15, v7;
	s11 =	ssub.s32 $0x5F3759DF, s22;
	s16 =	smul.f32 s16, s18  }
0x347: {  	v20 =	vmul.f32 s7, v10;
	v0 =	vld [tilespmem:s30+$0x8C00];
	v10 =	vsub.f32 v13, v11;
	(v2sf) =	vpush v2, $0xF;
	v2, _, _ =	vpop (xrf2);
	s18 =	ssub.f32 $1.500000000e+00, s20;
	s12 =	smul.f32 s11, s0  }
0x348: {  	v13 =	vadd.f32 v7, v21;
	v7 =	vld [tilespmem:$0x1FEF0];
	(v2sf) =	vpush v2, $0xF;
	s17 =	smul.f32 s16, s17  }
0x349: {  	s22 =	sshra.s32 s21, $0x1;
	s10 =	smul.f32 s18, s10  }
0x34a: {  	v31 =	vld [tilespmem:s30+$0x2C30];
	s21 =	smul.f32 s11, s12;
	s12 =	ssub.s32 $0x5F3759DF, s22  }
0x34b: {  	v2 =	vld [tilespmem:s30+$0x2C10];
	s6 =	smul.f32 s12, s8  }
0x34c: {  	v59 =	vmul.f32 s15, v15;
	v15 =	vsub.f32 v57, v27;
	v0 =	vadd.f32 v6, v0;
	v6 =	vld [tilespmem:s30+$0x8C20];
	s17 =	smul.f32 s17, s16;
	s20 =	spop (v2sf)  }
0x34d: {  	v21 =	vmul.f32 s15, v14;
	v11 =	vmul.f32 s7, v7;
	v7 =	vsub.f32 v13, v20;
	v13 =	vld [tilespmem:s31+$0x8C00];
	s21 =	ssub.f32 $1.500000000e+00, s21;
	s22 =	sshra.s32 s20, $0x1;
	s20 =	smul.f32 $5.000000000e-01, s20  }
0x34e: {  	v58 =	vmul.f32 s7, v61;
	v0 =	vsub.f32 v0, v54;
	s18 =	ssub.s32 $0x5F3759DF, s22;
	s22 =	smul.f32 s12, s6  }
0x34f: {  	v14 =	vand.u32 $0x7FFFFFFF, v15;
	v10 =	vand.u32 $0x7FFFFFFF, v10;
	v20 =	vadd.f32 v21, v31;
	s6 =	smul.f32 s11, s21  }
0x350: {  	v15 =	vmul.f32 s5, v25;
	v0 =	vand.u32 $0x7FFFFFFF, v0;
	v2 =	vadd.f32 v59, v2;
	s15 =	smul.f32 s18, s20  }
0x351: {  	v6 =	vadd.f32 v56, v6;
	v0 =	vsub.f32 v10, v0;
	v10 =	vld [tilespmem:s31+$0x8C10];
	s0 =	smul.f32 s6, s0  }
0x352: {  	v15 =	vadd.f32 v15, v13;
	v13 =	vmul.f32 s9, v8;
	v8 =	vld [tilespmem:$0x1FF10];
	v2 =	vsub.f32 v2, v58;
	s7 =	smul.f32 s18, s15  }
0x353: {  	v23 =	vsub.f32 v20, v11;
	v20 =	vmul.f32 s5, v22;
	v22 =	vld [tilespmem:s31+$0x8C30];
	v6 =	vsub.f32 v6, v55;
	s15 =	ssub.f32 $1.500000000e+00, s17  }
0x354: {  	v5 =	vand.u32 $0x7FFFFFFF, v5;
	v2 =	vand.u32 $0x7FFFFFFF, v2;
	s0 =	smul.f32 s0, s6;
	s7 =	ssub.f32 $1.500000000e+00, s7  }
0x355: {  	v7 =	vand.u32 $0x7FFFFFFF, v7;
	v6 =	vand.u32 $0x7FFFFFFF, v6;
	v2 =	vsub.f32 v2, v5;
	s21 =	ssub.f32 $1.500000000e+00, s22;
	s11 =	smul.f32 s15, s16  }
0x356: {  	v6 =	vsub.f32 v7, v6;
	v7 =	vmul.f32 s9, v12;
	v5 =	vmul.f32 s5, v34;
	s15 =	spop (v2sf);
	s17 =	smul.f32 s18, s7  }
0x357: {  	v21 =	vld [tilespmem:s31+$0x8C20];
	v10 =	vadd.f32 v20, v10;
	v20 =	vmul.f32 s10, v8;
	v0 =	vadd.f32 v2, v0;
	s22 =	spop (v2sf);
	s7 =	smul.f32 s12, s21  }
0x358: {  	v25 =	vld [tilespmem:s31+$0x2C00];
	v2 =	vand.u32 $0x7FFFFFFF, v23;
	v23 =	vsub.f32 v15, v13;
	v5 =	vadd.f32 v5, v22;
	s16 =	sshra.s32 s22, $0x1;
	s21 =	smul.f32 $5.000000000e-01, s22  }
0x359: {  	v11 =	vld [tilespmem:s31+$0x2C10];
	v13 =	vmul.f32 s9, v28;
	v2 =	vsub.f32 v2, v14;
	v0 =	vadd.f32 v0, v6;
	s0 =	ssub.f32 $1.500000000e+00, s0;
	s12 =	ssub.s32 $0x5F3759DF, s16  }
0x35a: {  	v15 =	vld [tilespmem:s31+$0x2C20];
	v14 =	vmul.f32 s10, v17;
	v6 =	vmul.f32 s9, v19;
	s18 =	smul.f32 s12, s21  }
0x35b: {  	v5 =	vsub.f32 v5, v13;
	v0 =	vadd.f32 v0, v2;
	v2 =	vmul.f32 s5, v35;
	s0 =	smul.f32 s0, s6  }
0x35c: {  	v6 =	vsub.f32 v10, v6;
	v10 =	vmul.f32 s11, v29;
	v12 =	vmul.f32 s11, v26;
	s5 =	smul.f32 s12, s18  }
0x35d: {  	v19 =	vld [tilespmem:s31+$0x2C30];
	v13 =	vmul.f32 s11, v24;
	s22 =	smul.f32 s17, s20;
	v2 =	vadd.f32 v2, v21;
	v21 =	vmul.f32 s11, v9  }
0x35e: {  	v10 =	vadd.f32 v10, v25;
	v11 =	vadd.f32 v12, v11;
	s8 =	smul.f32 s7, s8;
	v12 =	vmul.f32 s10, v16;
	s5 =	ssub.f32 $1.500000000e+00, s5  }
0x35f: {  	v6 =	vand.u32 $0x7FFFFFFF, v6;
	v9 =	vand.u32 $0x7FFFFFFF, v23;
	s9 =	smul.f32 s22, s17;
	v8 =	vadd.f32 v21, v15  }
0x360: {  	v3 =	vmul.f32 s0, v3;
	v10 =	vsub.f32 v10, v14;
	v11 =	vsub.f32 v11, v20;
	s5 =	smul.f32 s12, s5  }
0x361: {  	s8 =	smul.f32 s8, s7;
	v2 =	vsub.f32 v2, v7;
	v7 =	vmul.f32 s10, v18;
	s9 =	ssub.f32 $1.500000000e+00, s9;
	v8 =	vsub.f32 v8, v12  }
0x362: {  	v10 =	vand.u32 $0x7FFFFFFF, v10;
	v12 =	vadd.f32 v13, v19;
	v13 =	vld [tilespmem:s1+$0x8C00];
	v11 =	vand.u32 $0x7FFFFFFF, v11;
	s20 =	smul.f32 s5, s21  }
0x363: {  	v1 =	vmul.f32 s0, v1;
	s8 =	ssub.f32 $1.500000000e+00, s8;
	v6 =	vsub.f32 v11, v6;
	v9 =	vsub.f32 v10, v9;
	v10 =	vld [tilespmem:s1+$0x8C10];
	s9 =	smul.f32 s9, s17  }
0x364: {  	v2 =	vand.u32 $0x7FFFFFFF, v2;
	v7 =	vsub.f32 v12, v7;
	v8 =	vand.u32 $0x7FFFFFFF, v8;
	s10 =	smul.f32 s20, s5  }
0x365: {  	s7 =	smul.f32 s8, s7;
	v2 =	vsub.f32 v8, v2;
	v6 =	vadd.f32 v6, v9;
	v8 =	vld [tilespmem:s1+$0x8C30];
	v11 =	vmul.f32 s9, v43  }
0x366: {  	v5 =	vand.u32 $0x7FFFFFFF, v5;
	v12 =	vld [tilespmem:s1+$0x2C00];
	v14 =	vmul.f32 s9, v45;
	v9 =	vmul.f32 s9, v42;
	s21 =	ssub.f32 $1.500000000e+00, s10  }
0x367: {  	v7 =	vand.u32 $0x7FFFFFFF, v7;
	v4 =	vmul.f32 s7, v4;
	v2 =	vadd.f32 v6, v2;
	v6 =	vld [tilespmem:s1+$0x2C10]  }
0x368: {  	v15 =	vmul.f32 s7, v30;
	v11 =	vadd.f32 v11, v13;
	v13 =	vld [tilespmem:s1+$0x8C20];
	v9 =	vadd.f32 v9, v10;
	s5 =	smul.f32 s21, s5  }
0x369: {  	v16 =	vld [tilespmem:s1+$0x2C20];
	v5 =	vsub.f32 v7, v5;
	v7 =	vmul.f32 s7, v40;
	v10 =	vmul.f32 s7, v47  }
0x36a: {  	v4 =	vsub.f32 v9, v4;
	v8 =	vadd.f32 v14, v8;
	v9 =	vmul.f32 s5, v52  }
0x36b: {  	v7 =	vsub.f32 v11, v7;
	v11 =	vmul.f32 s9, v62;
	v14 =	vmul.f32 s5, v44  }
0x36c: {  	v17 =	vld [tilespmem:s1+$0x2C30];
	v8 =	vsub.f32 v8, v10;
	v9 =	vadd.f32 v9, v12;
	v12 =	vmul.f32 s5, v41  }
0x36d: {  	v4 =	vand.u32 $0x7FFFFFFF, v4;
	v11 =	vadd.f32 v11, v13;
	v6 =	vadd.f32 v14, v6  }
0x36e: {  	v13 =	vmul.f32 s0, v39;
	v3 =	vsub.f32 v9, v3;
	v9 =	vadd.f32 v12, v16  }
0x36f: {  	v7 =	vand.u32 $0x7FFFFFFF, v7;
	v10 =	vmul.f32 s5, v46;
	v1 =	vsub.f32 v6, v1  }
0x370: {  	v11 =	vsub.f32 v11, v15;
	v12 =	vmul.f32 s0, v37;
	v6 =	vsub.f32 v9, v13  }
0x371: {  	v3 =	vand.u32 $0x7FFFFFFF, v3;
	v9 =	vadd.f32 v10, v17;
	v1 =	vand.u32 $0x7FFFFFFF, v1  }
0x372: {  	v1 =	vsub.f32 v1, v4;
	v3 =	vsub.f32 v3, v7  }
0x373: {  	v4 =	vand.u32 $0x7FFFFFFF, v11;
	v7 =	vsub.f32 v9, v12;
	v6 =	vand.u32 $0x7FFFFFFF, v6  }
0x374: {  	v4 =	vsub.f32 v6, v4;
	v1 =	vadd.f32 v1, v3  }
0x375: {  	v2 =	vadd.f32 v2, v5;
	v3 =	vand.u32 $0x7FFFFFFF, v8;
	v5 =	vand.u32 $0x7FFFFFFF, v7  }
0x376: {  	(xrf2) =	vadd.scan.msk.f32 $0xffff, v0;
	v0 =	vsub.f32 v5, v3;
	v1 =	vadd.f32 v1, v4;
	_ =	sdelay $0x1  }
0x377: {  	v0 =	vadd.f32 v1, v0  }
0x378: {  	(xrf2) =	vadd.scan.msk.f32 $0xffff, v2  }
0x379: {  	(xrf2) =	vadd.scan.msk.f32 $0xffff, v0;
	_ =	sdelay $0x7  }
0x37a: {  	v0, _, _ =	vpop (xrf2)  }
0x37b: {  	(v2sf) =	vpush v0, $0xF;
	v0, _, _ =	vpop (xrf2)  }
0x37c: {  	(v2sf) =	vpush v0, $0xF;
	v0, _, _ =	vpop (xrf2)  }
0x37d: {  	(v2sf) =	vpush v0, $0xF  }
0x37e: {  	s22 =	simm.s32 $0x180  }
0x37f: {  	[tilespmem:s23], [sflag:$0x1] =	stream.indirect.gather [hbm4b:s3+s19], $0x40, s22, s19, $0xb8;
	[tilespmem:$0xCC10] =	vst v63  }
0x380: {  	s1 =	simm.s32 $0x2C00;
	s5 =	simm.s32 $0x380  }
0x381: {  	[tilespmem:s1], [sflag:$0x1] =	stream.indirect.gather [hbm4b:s4+s19], $0x40, s5, s19, $0xb8;
	[tilespmem:$0xCC10] =	vst v63  }
0x382: {  	s6 =	simm.s32 $0x4C00;
	s7 =	simm.s32 $0x580  }
0x383: {  	[tilespmem:s6], [sflag:$0x1] =	stream.indirect.gather [hbm4b:s3+s19], $0x40, s7, s19, $0xb8;
	[tilespmem:$0xCC10] =	vst v63  }
0x384: {  	s8 =	simm.s32 $0x6C00;
	s9 =	simm.s32 $0x780  }
0x385: {  	[tilespmem:s8], [sflag:$0x1] =	stream.indirect.gather [hbm4b:s3+s19], $0x40, s9, s19, $0xb8;
	[tilespmem:$0xCC10] =	vst v63  }
0x386: {  	s10 =	simm.s32 $0x980  }
0x387: {  	[tilespmem:s24], [sflag:$0x1] =	stream.indirect.gather [hbm4b:s4+s19], $0x40, s10, s19, $0xb8;
	[tilespmem:$0xCC10] =	vst v63  }
0x388: {  	s11 =	simm.s32 $0xB80  }
0x389: {  	[tilespmem:s25], [sflag:$0x1] =	stream.indirect.gather [hbm4b:s3+s19], $0x40, s11, s19, $0xb8;
	[tilespmem:$0xCC10] =	vst v63  }
0x38a: {  	s1 =	spop (v2sf)  }
0x38b: {  	s17 =	spop (v2sf)  }
0x38c: {  	s16 =	spop (v2sf)  }
0x38d: {  	_ =	swait.ge [sflag:s26], $0x2000  }
0x38e: {  	[sflag:s26] =	ssyncset.done $0x0  }
0x38f: {  	[sflag:s26] =	ssyncadd.s32 $0xFFFFE000  }
0x390: {  	_ =	swait.ge [sflag:s26], $0x2000  }
0x391: {  	[sflag:s26] =	ssyncset.done $0x0  }
0x392: {  	[sflag:s26] =	ssyncadd.s32 $0xFFFFE000  }
0x393: {  	_ =	swait.ge [sflag:s26], $0x2000  }
0x394: {  	[sflag:s26] =	ssyncset.done $0x0  }
0x395: {  	[sflag:s26] =	ssyncadd.s32 $0xFFFFE000  }
0x396: {  	_ =	swait.ge [sflag:s26], $0x2000  }
0x397: {  	[sflag:s26] =	ssyncset.done $0x0  }
0x398: {  	[sflag:s26] =	ssyncadd.s32 $0xFFFFE000  }
0x399: {  	_ =	swait.ge [sflag:s26], $0x2000  }
0x39a: {  	[sflag:s26] =	ssyncset.done $0x0  }
0x39b: {  	[sflag:s26] =	ssyncadd.s32 $0xFFFFE000  }
0x39c: {  	_ =	swait.ge [sflag:s26], $0x2000  }
0x39d: {  	[sflag:s26] =	ssyncset.done $0x0  }
0x39e: {  	s18 =	simm.s32 $0x0;
	[sflag:s26] =	ssyncadd.s32 $0xFFFFE000  }
0x39f: {  	v11 =	vld [tilespmem:s18+$0xAC20]  }
0x3a0: {  	v58 =	vld [tilespmem:s18+$0x4C10]  }
0x3a1: {  	v16 =	vld [tilespmem:s18+$0xAC10]  }
0x3a2: {  	v17 =	vld [tilespmem:s18+$0xAC00]  }
0x3a3: {  	v26 =	vld [tilespmem:s18+$0x4C00]  }
0x3a4: {  	v6 =	vld [tilespmem:s18+$0x6C10]  }
0x3a5: {  	v59 =	vld [tilespmem:s18+$0x4C20]  }
0x3a6: {  	v21 =	vld [tilespmem:s18+$0xAC30]  }
0x3a7: {  	v28 =	vld [tilespmem:s18+$0x4C30];
	v0 =	vmul.f32 v17, v17;
	v1 =	vmul.f32 v16, v16  }
0x3a8: {  	v3 =	vld [tilespmem:s18+$0x6C00];
	v2 =	vmul.f32 v58, v58;
	v4 =	vmul.f32 v26, v26  }
0x3a9: {  	v5 =	vmul.f32 v11, v11;
	v0 =	vadd.f32 v1, v0  }
0x3aa: {  	v30 =	vld [tilespmem:s18+$0x6C20];
	v1 =	vadd.f32 v2, v4;
	v2 =	vmul.f32 v59, v59  }
0x3ab: {  	v0 =	vadd.f32 v5, v0;
	v5 =	vmul.f32 v21, v21  }
0x3ac: {  	v4 =	vld [tilespmem:s18+$0x6C30];
	v1 =	vadd.f32 v2, v1;
	v2 =	vmul.f32 v28, v28  }
0x3ad: {  	v7 =	vmul.f32 v6, v6;
	v8 =	vmul.f32 v3, v3;
	v0 =	vadd.f32 v5, v0  }
0x3ae: {  	v1 =	vadd.f32 v2, v1  }
0x3af: {  	v2 =	vadd.f32 v7, v8;
	(xrf2) =	vadd.scan.msk.f32 $0xffff, v0;
	v0 =	vmul.f32 v30, v30  }
0x3b0: {  	(xrf2) =	vadd.scan.msk.f32 $0xffff, v1  }
0x3b1: {  	v29 =	vld [tilespmem:s18+$0xC00];
	v1 =	vmul.f32 v4, v4;
	v0 =	vadd.f32 v0, v2  }
0x3b2: {  	v27 =	vld [tilespmem:s18+$0xC10]  }
0x3b3: {  	v0 =	vadd.f32 v1, v0  }
0x3b4: {  	v24 =	vld [tilespmem:s18+$0xC20]  }
0x3b5: {  	s0 =	simm.s32 $0x40;
	(xrf2) =	vadd.scan.msk.f32 $0xffff, v0  }
0x3b6: {  	v32 =	vld [tilespmem:s0+$0xAC10];
	v1 =	vmul.f32 v29, v29  }
0x3b7: {  	v37 =	vld [tilespmem:s18+$0xC30];
	v0 =	vmul.f32 v27, v27  }
0x3b8: {  	v38 =	vld [tilespmem:s0+$0xAC00]  }
0x3b9: {  	v39 =	vld [tilespmem:s0+$0x4C10];
	v5 =	vmul.f32 v24, v24;
	v0 =	vadd.f32 v0, v1;
	v2, _, _ =	vpop (xrf2)  }
0x3ba: {  	v40 =	vld [tilespmem:s0+$0xAC20];
	v1, _, _ =	vpop (xrf2);
	(v2sf) =	vpush v2, $0xF  }
0x3bb: {  	v44 =	vld [tilespmem:s0+$0x4C00];
	v0 =	vadd.f32 v5, v0;
	v5 =	vmul.f32 v32, v32;
	(v2sf) =	vpush v1, $0xF  }
0x3bc: {  	v46 =	vld [tilespmem:s0+$0x4C20];
	v1 =	vmul.f32 v37, v37  }
0x3bd: {  	v41 =	vld [tilespmem:s0+$0xAC30];
	v2 =	vmul.f32 v38, v38  }
0x3be: {  	v0 =	vadd.f32 v1, v0  }
0x3bf: {  	v47 =	vld [tilespmem:s0+$0x4C30];
	v8 =	vmul.f32 v40, v40;
	v2 =	vadd.f32 v5, v2;
	v5, _, _ =	vpop (xrf2)  }
0x3c0: {  	v7 =	vmul.f32 v44, v44;
	v1 =	vmul.f32 v39, v39;
	(xrf2) =	vadd.scan.msk.f32 $0xffff, v0;
	(v2sf) =	vpush v5, $0xF  }
0x3c1: {  	v31 =	vld [tilespmem:s0+$0x6C00];
	v2 =	vadd.f32 v8, v2  }
0x3c2: {  	v0 =	vadd.f32 v1, v7;
	v1 =	vmul.f32 v46, v46;
	v5 =	vmul.f32 v41, v41  }
0x3c3: {  	v45 =	vld [tilespmem:s0+$0x6C10]  }
0x3c4: {  	v0 =	vadd.f32 v1, v0;
	v1 =	vmul.f32 v47, v47;
	v2 =	vadd.f32 v5, v2;
	_ =	sdelay $0x1  }
0x3c5: {  	v43 =	vld [tilespmem:s0+$0x6C20];
	v0 =	vadd.f32 v1, v0;
	v1 =	vmul.f32 v31, v31;
	(xrf2) =	vadd.scan.msk.f32 $0xffff, v2  }
0x3c6: {  	v50 =	vld [tilespmem:s0+$0x6C30]  }
0x3c7: {  	(xrf2) =	vadd.scan.msk.f32 $0xffff, v0;
	v0 =	vmul.f32 v45, v45  }
0x3c8: {  	s12 =	spop (v2sf)  }
0x3c9: {  	v0 =	vadd.f32 v0, v1;
	v1, _, _ =	vpop (xrf2);
	s20 =	spop (v2sf)  }
0x3ca: {  	(v2sf) =	vpush v1, $0xF;
	s21 =	sshra.s32 s20, $0x1;
	s8 =	smul.f32 $5.000000000e-01, s20  }
0x3cb: {  	v2 =	vmul.f32 v43, v43;
	v1 =	vmul.f32 v50, v50;
	s23 =	sshra.s32 s12, $0x1;
	s6 =	smul.f32 $5.000000000e-01, s12;
	s7 =	ssub.s32 $0x5F3759DF, s21  }
0x3cc: {  	s10 =	ssub.s32 $0x5F3759DF, s23;
	s22 =	smul.f32 s7, s8  }
0x3cd: {  	v0 =	vadd.f32 v2, v0;
	s21 =	smul.f32 s10, s6  }
0x3ce: {  	s11 =	smul.f32 s7, s22;
	s12 =	spop (v2sf)  }
0x3cf: {  	v36 =	vld [tilespmem:s0+$0xC10];
	v0 =	vadd.f32 v1, v0;
	v1, _, _ =	vpop (xrf2);
	s20 =	sshra.s32 s12, $0x1;
	s9 =	smul.f32 $5.000000000e-01, s12  }
0x3d0: {  	v48 =	vld [tilespmem:s0+$0xC00];
	(v2sf) =	vpush v1, $0xF;
	s12 =	smul.f32 s10, s21;
	s5 =	ssub.f32 $1.500000000e+00, s11;
	s11 =	ssub.s32 $0x5F3759DF, s20  }
0x3d1: {  	v2, _, _ =	vpop (xrf2);
	(xrf2) =	vadd.scan.msk.f32 $0xffff, v0;
	s22 =	smul.f32 s11, s9  }
0x3d2: {  	v35 =	vld [tilespmem:s0+$0xC20];
	(v2sf) =	vpush v2, $0xF;
	s5 =	smul.f32 s7, s5  }
0x3d3: {  	s30 =	simm.s32 $0x80;
	v34 =	vld [tilespmem:s0+$0xC30];
	s23 =	smul.f32 s11, s22  }
0x3d4: {  	v61 =	vld [tilespmem:s30+$0x4C10];
	s8 =	smul.f32 s5, s8  }
0x3d5: {  	v12 =	vld [tilespmem:s30+$0xAC10];
	v0 =	vmul.f32 v36, v36;
	v1 =	vmul.f32 v48, v48;
	s7 =	ssub.f32 $1.500000000e+00, s23  }
0x3d6: {  	v5 =	vld [tilespmem:s30+$0xAC00];
	s12 =	ssub.f32 $1.500000000e+00, s12;
	s8 =	smul.f32 s8, s5  }
0x3d7: {  	v9 =	vld [tilespmem:s30+$0x4C00];
	v2 =	vmul.f32 v35, v35;
	v0 =	vadd.f32 v0, v1;
	s7 =	smul.f32 s11, s7  }
0x3d8: {  	v14 =	vld [tilespmem:s30+$0xAC20];
	s11 =	smul.f32 s10, s12  }
0x3d9: {  	v8 =	vld [tilespmem:s30+$0x4C20];
	v1 =	vmul.f32 v34, v34;
	v0 =	vadd.f32 v2, v0;
	s20 =	spop (v2sf);
	s9 =	smul.f32 s7, s9  }
0x3da: {  	v25 =	vld [tilespmem:s30+$0xAC30];
	s21 =	sshra.s32 s20, $0x1;
	s20 =	smul.f32 $5.000000000e-01, s20  }
0x3db: {  	v7 =	vld [tilespmem:s30+$0x4C30];
	[tilespmem:$0x1FE40] =	vst v5;
	v2 =	vmul.f32 v5, v5;
	v5 =	vmul.f32 v12, v12;
	v0 =	vadd.f32 v1, v0;
	v18, _, _ =	vpop (xrf2);
	s6 =	smul.f32 s11, s6  }
0x3dc: {  	[tilespmem:$0x1FE50] =	vst v9;
	v9 =	vmul.f32 v9, v9;
	v1 =	vmul.f32 v61, v61;
	(v2sf) =	vpush v18, $0xF;
	s12 =	ssub.s32 $0x5F3759DF, s21;
	s9 =	smul.f32 s9, s7  }
0x3dd: {  	[tilespmem:$0x1FE60] =	vst v14;
	v14 =	vmul.f32 v14, v14;
	v2 =	vadd.f32 v5, v2;
	(xrf2) =	vadd.scan.msk.f32 $0xffff, v0;
	s22 =	smul.f32 s12, s20  }
0x3de: {  	v10 =	vld [tilespmem:s30+$0x6C10];
	v5 =	vmul.f32 v8, v8;
	v1 =	vadd.f32 v1, v9;
	s6 =	smul.f32 s6, s11  }
0x3df: {  	v23 =	vld [tilespmem:s30+$0x6C00];
	v0 =	vadd.f32 v14, v2;
	v2 =	vmul.f32 v25, v25;
	s9 =	ssub.f32 $1.500000000e+00, s9;
	s10 =	spop (v2sf)  }
0x3e0: {  	v20 =	vld [tilespmem:s30+$0x6C30];
	v1 =	vadd.f32 v5, v1;
	v5 =	vmul.f32 v7, v7;
	s21 =	smul.f32 s12, s22;
	s6 =	ssub.f32 $1.500000000e+00, s6  }
0x3e1: {  	v19 =	vld [tilespmem:s30+$0xC00];
	v0 =	vadd.f32 v2, v0;
	s23 =	spop (v2sf);
	s9 =	smul.f32 s9, s7  }
0x3e2: {  	v22 =	vld [tilespmem:s30+$0x6C20];
	v1 =	vadd.f32 v5, v1;
	s7 =	smul.f32 $5.000000000e-01, s23;
	s22 =	sshra.s32 s23, $0x1  }
0x3e3: {  	v42 =	vld [tilespmem:s18+$0x2C00];
	(xrf2) =	vadd.scan.msk.f32 $0xffff, v0;
	s21 =	ssub.f32 $1.500000000e+00, s21;
	s11 =	smul.f32 s6, s11;
	s22 =	ssub.s32 $0x5F3759DF, s22  }
0x3e4: {  	v9 =	vld [tilespmem:s30+$0xC10];
	(xrf2) =	vadd.scan.msk.f32 $0xffff, v1;
	s23 =	smul.f32 s22, s7  }
0x3e5: {  	[tilespmem:$0x1FE70] =	vst v8;
	v8 =	vld [tilespmem:s30+$0xC20];
	s21 =	smul.f32 s12, s21  }
0x3e6: {  	[tilespmem:$0x1FE80] =	vst v7;
	v7 =	vld [tilespmem:s30+$0xC30];
	s8 =	ssub.f32 $1.500000000e+00, s8;
	s12 =	smul.f32 s22, s23  }
0x3e7: {  	v51 =	vld [tilespmem:s18+$0x8C20];
	v2 =	vmul.f32 v10, v10;
	v5 =	vmul.f32 v23, v23;
	v60, _, _ =	vpop (xrf2);
	s20 =	smul.f32 s21, s20  }
0x3e8: {  	v1 =	vld [tilespmem:s18+$0x8C00];
	s6 =	smul.f32 s8, s5;
	(v2sf) =	vpush v60, $0xF;
	s12 =	ssub.f32 $1.500000000e+00, s12  }
0x3e9: {  	v52 =	vld [tilespmem:s18+$0x8C30];
	v62 =	vmul.f32 v9, v9;
	v2 =	vadd.f32 v2, v5;
	v5 =	vmul.f32 v19, v19;
	s20 =	smul.f32 s20, s21  }
0x3ea: {  	s31 =	simm.s32 $0xC0;
	v55 =	vld [tilespmem:s18+$0x8C10];
	v63 =	vmul.f32 v22, v22;
	v3 =	vmul.f32 s9, v3;
	s5 =	smul.f32 s22, s12  }
0x3eb: {  	v57 =	vld [tilespmem:s31+$0x4C10];
	v14 =	vmovc v8;
	v49 =	vmul.f32 v8, v8;
	v56 =	vmul.f32 v7, v7;
	v5 =	vadd.f32 v62, v5;
	s22 =	ssub.f32 $1.500000000e+00, s20;
	s23 =	spop (v2sf)  }
0x3ec: {  	v13 =	vld [tilespmem:s31+$0xAC00];
	v8 =	vmovc v9;
	v15 =	vmovc v7;
	v2 =	vadd.f32 v63, v2;
	v60 =	vmul.f32 v20, v20;
	v4 =	vmul.f32 s9, v4;
	s12 =	smul.f32 $5.000000000e-01, s23  }
0x3ed: {  	v9 =	vld [tilespmem:s31+$0xAC10];
	v33 =	vmul.f32 s9, v6;
	v63 =	vmul.f32 s11, v16;
	v1 =	vadd.f32 v3, v1;
	v62, _, _ =	vpop (xrf2);
	s20 =	sshra.s32 s23, $0x1;
	s8 =	smul.f32 s22, s21  }
0x3ee: {  	v7 =	vld [tilespmem:s31+$0xAC20];
	v28 =	vmul.f32 s6, v28;
	v2 =	vadd.f32 v60, v2;
	(v2sf) =	vpush v62, $0xF;
	v3, _, _ =	vpop (xrf2);
	s23 =	sshra.s32 s10, $0x1;
	s10 =	smul.f32 $5.000000000e-01, s10;
	s20 =	ssub.s32 $0x5F3759DF, s20  }
0x3ef: {  	v60 =	vmul.f32 s11, v11;
	v33 =	vadd.f32 v33, v55;
	v11 =	vld [tilespmem:s31+$0x4C00];
	(v2sf) =	vpush v3, $0xF;
	s21 =	ssub.s32 $0x5F3759DF, s23;
	s22 =	smul.f32 s20, s12  }
0x3f0: {  	v4 =	vadd.f32 v4, v52;
	v52 =	vmul.f32 s6, v59;
	v59 =	vld [tilespmem:s31+$0x4C30];
	v62 =	vmul.f32 s11, v21;
	(xrf2) =	vadd.scan.msk.f32 $0xffff, v2;
	s23 =	smul.f32 s21, s10  }
0x3f1: {  	v0 =	vld [tilespmem:s18+$0x2C10];
	v2 =	vmul.f32 s9, v30;
	v3 =	vadd.f32 v49, v5;
	v5 =	vmul.f32 s11, v17;
	s11 =	smul.f32 s20, s22  }
0x3f2: {  	v6 =	vld [tilespmem:s31+$0xC20];
	v55 =	vsub.f32 v33, v63;
	v33 =	vmul.f32 s6, v58;
	v63 =	vmul.f32 v9, v9;
	s9 =	smul.f32 s21, s23  }
0x3f3: {  	[tilespmem:$0x1FE90] =	vst v7;
	v21 =	vld [tilespmem:s31+$0x6C10];
	v49 =	vmul.f32 v7, v7;
	v2 =	vadd.f32 v2, v51;
	v3 =	vadd.f32 v56, v3;
	s22 =	smul.f32 s5, s7  }
0x3f4: {  	v7 =	vld [tilespmem:s31+$0x4C20];
	v4 =	vsub.f32 v4, v62;
	v51 =	vmul.f32 v57, v57;
	v17 =	vmovc v9;
	v62 =	vmul.f32 v11, v11;
	s11 =	ssub.f32 $1.500000000e+00, s11  }
0x3f5: {  	v55 =	vand.u32 $0x7FFFFFFF, v55;
	v9 =	vmovc v59;
	v59 =	vmul.f32 v59, v59;
	v1 =	vsub.f32 v1, v5;
	v56 =	vld [tilespmem:s18+$0x2C30];
	(xrf2) =	vadd.scan.msk.f32 $0xffff, v3;
	s9 =	ssub.f32 $1.500000000e+00, s9;
	s22 =	smul.f32 s22, s5  }
0x3f6: {  	s14 =	sadd.f32 $1.000000000e+00, s14;
	v30 =	vld [tilespmem:s31+$0xAC30];
	v5 =	vmul.f32 s6, v26;
	v2 =	vsub.f32 v2, v60;
	v60 =	vmul.f32 s8, v27;
	s11 =	smul.f32 s20, s11  }
0x3f7: {  	v58 =	vld [tilespmem:s18+$0x2C20];
	v4 =	vand.u32 $0x7FFFFFFF, v4;
	v3 =	vmul.f32 v13, v13;
	v29 =	vmul.f32 s8, v29;
	s9 =	smul.f32 s21, s9;
	s21 =	spop (v2sf)  }
0x3f8: {  	s14 =	smax.f32 s14, $0.0e+00;
	[tilespmem:$0x1FEA0] =	vst v57;
	v26 =	vld [tilespmem:s31+$0x6C00];
	v57 =	vmul.f32 v21, v21;
	v51 =	vadd.f32 v51, v62;
	v37 =	vmul.f32 s8, v37;
	s7 =	smul.f32 $5.000000000e-01, s21  }
0x3f9: {  	v27 =	vld [tilespmem:s31+$0xC10];
	v42 =	vadd.f32 v29, v42;
	v3 =	vadd.f32 v63, v3;
	v63 =	vmul.f32 v7, v7;
	s22 =	ssub.f32 $1.500000000e+00, s22;
	s12 =	smul.f32 s11, s12  }
0x3fa: {  	s15 =	sadd.f32 $1.000000000e+00, s15;
	v54 =	vmul.f32 s8, v24;
	v24 =	vld [tilespmem:s31+$0xC30];
	v0 =	vadd.f32 v60, v0;
	v56 =	vadd.f32 v37, v56;
	v60, _, _ =	vpop (xrf2);
	s10 =	smul.f32 s9, s10  }
0x3fb: {  	s14 =	sadd.f32 s14, s29;
	v2 =	vand.u32 $0x7FFFFFFF, v2;
	v29 =	vld [tilespmem:s31+$0x6C30];
	v62 =	vadd.f32 v63, v51;
	(v2sf) =	vpush v60, $0xF;
	s5 =	smul.f32 s22, s5  }
0x3fc: {  	s15 =	smax.f32 s15, $0.0e+00;
	v37 =	vld [tilespmem:s31+$0x6C20];
	v5 =	vsub.f32 v42, v5;
	v3 =	vadd.f32 v49, v3;
	v42 =	vmul.f32 v30, v30;
	s20 =	sshra.s32 s21, $0x1;
	s21 =	smul.f32 s12, s11  }
0x3fd: {  	v0 =	vsub.f32 v0, v33;
	v63 =	vmul.f32 v26, v26;
	v33 =	vld [tilespmem:s31+$0xC00];
	v56 =	vsub.f32 v56, v28;
	s6 =	spop (v2sf);
	s12 =	ssub.s32 $0x5F3759DF, s20;
	s29 =	smul.f32 s10, s9  }
0x3fe: {  	v1 =	vand.u32 $0x7FFFFFFF, v1;
	v49 =	vld [tilespmem:s0+$0x2C10];
	v3 =	vadd.f32 v42, v3;
	v60 =	vadd.f32 v54, v58;
	s20 =	smul.f32 s12, s7;
	s23 =	spop (v2sf)  }
0x3ff: {  	v51 =	vadd.f32 v57, v63;
	v53 =	vadd.f32 v59, v62;
	v63 =	vld [tilespmem:s0+$0x8C00];
	v5 =	vand.u32 $0x7FFFFFFF, v5;
	v62, _, _ =	vpop (xrf2);
	s18 =	smul.f32 $5.000000000e-01, s23;
	s21 =	ssub.f32 $1.500000000e+00, s21  }
0x400: {  	s14 =	sadd.f32 s15, s14;
	v0 =	vand.u32 $0x7FFFFFFF, v0;
	v58 =	vld [tilespmem:s0+$0x8C10];
	v42 =	vsub.f32 v60, v52;
	(xrf2) =	vadd.scan.msk.f32 $0xffff, v3;
	(v2sf) =	vpush v62, $0xF;
	s8 =	sshra.s32 s23, $0x1;
	s23 =	smul.f32 s12, s20  }
0x401: {  	s1 =	sadd.f32 $1.000000000e+00, s1;
	v57 =	vmul.f32 v6, v6;
	v0 =	vsub.f32 v0, v55;
	v55 =	vld [tilespmem:s0+$0x8C20];
	v1 =	vsub.f32 v5, v1;
	(xrf2) =	vadd.scan.msk.f32 $0xffff, v53;
	s8 =	ssub.s32 $0x5F3759DF, s8;
	s10 =	smul.f32 s21, s11  }
0x402: {  	v5 =	vld [tilespmem:s0+$0x8C30];
	v3 =	vmul.f32 v27, v27;
	v60 =	vmul.f32 v33, v33;
	v28 =	vand.u32 $0x7FFFFFFF, v42;
	s21 =	ssub.f32 $1.500000000e+00, s29;
	s20 =	smul.f32 s8, s18  }
0x403: {  	v59 =	vmul.f32 v24, v24;
	v52 =	vld [tilespmem:s0+$0x2C00];
	v0 =	vadd.f32 v0, v1;
	v2 =	vsub.f32 v28, v2;
	s15 =	ssub.f32 $1.500000000e+00, s23;
	s23 =	smax.f32 s1, $0.0e+00;
	s1 =	simm.s32 $0x100  }
0x404: {  	v3 =	vadd.f32 v3, v60;
	v62 =	vand.u32 $0x7FFFFFFF, v56;
	v31 =	vmul.f32 s10, v31;
	s11 =	smul.f32 s21, s9;
	v28 =	vld [tilespmem:s1+$0xAC20]  }
0x405: {  	s16 =	sadd.f32 $1.000000000e+00, s16;
	v53 =	vmul.f32 v29, v29;
	v54 =	vsub.f32 v62, v4;
	v0 =	vadd.f32 v0, v2;
	v1 =	vld [tilespmem:s1+$0x4C10];
	s20 =	smul.f32 s8, s20  }
0x406: {  	v56 =	vmul.f32 v37, v37;
	v57 =	vadd.f32 v57, v3;
	s21 =	sadd.f32 $1.000000000e+00, s17;
	v42 =	vld [tilespmem:s1+$0xC20];
	s9 =	smul.f32 s12, s15;
	v31 =	vadd.f32 v31, v63  }
0x407: {  	v0 =	vadd.f32 v0, v54;
	s14 =	sadd.f32 s23, s14;
	v60 =	vmul.f32 s10, v50;
	v4 =	vld [tilespmem:s1+$0xAC10];
	v2 =	vmul.f32 s10, v45;
	s15 =	smul.f32 $5.000000000e-01, s6;
	s6 =	sshra.s32 s6, $0x1  }
0x408: {  	v59 =	vadd.f32 v59, v57;
	v3 =	vld [tilespmem:s1+$0x4C00];
	v54 =	vmul.f32 s10, v43;
	s12 =	smax.f32 s21, $0.0e+00;
	v38 =	vmul.f32 s11, v38;
	s17 =	ssub.s32 $0x5F3759DF, s6;
	s7 =	smul.f32 s9, s7  }
0x409: {  	v43 =	vld [tilespmem:s1+$0x6C00];
	v63 =	vadd.f32 v56, v51;
	v32 =	vmul.f32 s11, v32;
	v56 =	vmul.f32 s11, v40;
	s23 =	ssub.f32 $1.500000000e+00, s20;
	s22 =	smul.f32 s17, s15  }
0x40a: {  	v40 =	vld [tilespmem:s1+$0xAC00];
	v2 =	vadd.f32 v2, v58;
	v50 =	vsub.f32 v31, v38;
	v38 =	vmul.f32 s11, v41;
	s11 =	spop (v2sf);
	s7 =	smul.f32 s7, s9;
	v31, _, _ =	vpop (xrf2)  }
0x40b: {  	v18 =	vmov v13;
	s12 =	sadd.f32 s12, s14;
	v51 =	vadd.f32 v53, v63;
	v41 =	vld [tilespmem:s1+$0x6C10];
	s20 =	sshra.s32 s11, $0x1;
	s6 =	smul.f32 $5.000000000e-01, s11;
	(v2sf) =	vpush v31, $0xF;
	v31, _, _ =	vpop (xrf2)  }
0x40c: {  	v13 =	vmovc v11;
	v11 =	vmovc v6;
	v62 =	vmul.f32 s5, v39;
	v45 =	vld [tilespmem:s1+$0x6C30];
	s14 =	smul.f32 s8, s23;
	s10 =	ssub.s32 $0x5F3759DF, s20;
	s7 =	ssub.f32 $1.500000000e+00, s7;
	(v2sf) =	vpush v31, $0xF;
	v31 =	vadd.f32 v54, v55  }
0x40d: {  	v16 =	vmovc v7;
	v39 =	vld [tilespmem:s1+$0x4C20];
	(xrf2) =	vadd.scan.msk.f32 $0xffff, v0;
	v5 =	vadd.f32 v60, v5;
	s21 =	smax.f32 s16, $0.0e+00;
	v58 =	vmul.f32 s5, v46;
	v63 =	vmul.f32 s5, v44;
	s23 =	smul.f32 s10, s6  }
0x40e: {  	v46 =	vld [tilespmem:s1+$0xC30];
	v53 =	vsub.f32 v2, v32;
	v2 =	vmul.f32 v28, v28;
	s29 =	sadd.f32 s21, s12;
	v32 =	vmovc v3;
	(xrf2) =	vadd.scan.msk.f32 $0xffff, v51;
	v55 =	vmul.f32 s5, v47;
	s5 =	smul.f32 s7, s9  }
0x40f: {  	v44 =	vld [tilespmem:s1+$0xC10];
	v51 =	vmul.f32 v42, v42;
	s20 =	smul.f32 s17, s22;
	v54 =	vsub.f32 v5, v38;
	v5 =	vmul.f32 v40, v40;
	(xrf2) =	vadd.scan.msk.f32 $0xffff, v59;
	s8 =	spop (v2sf)  }
0x410: {  	s21 =	simm.s32 $0x500;
	v47 =	vld [tilespmem:s1+$0xAC30];
	v38 =	vmovc v4;
	v0 =	vmul.f32 v41, v41;
	s11 =	smul.f32 s10, s23;
	v57 =	vsub.f32 v31, v56;
	s7 =	sshra.s32 s8, $0x1;
	v56 =	vmul.f32 s5, v48;
	v31 =	vmovc v1  }
.LBB2_8:
0x411: {  	v38 =	vmul.f32 v38, v4;
	_ =	sdelay $0x1  }
0x412: {  	v5 =	vadd.f32 v38, v5  }
0x413: {  	v48 =	vmov v30;
	v30 =	vadd.f32 v56, v52  }
0x414: {  	v59 =	vld [tilespmem:s0+$0x2C20];
	v52 =	vmul.f32 s5, v36;
	v2 =	vadd.f32 v2, v5;
	v5 =	vmul.f32 v47, v47  }
0x415: {  	v31 =	vmul.f32 v31, v1;
	v7 =	vmov v61;
	v32 =	vmul.f32 v32, v3;
	s11 =	ssub.f32 $1.500000000e+00, s11;
	v56 =	vld [tilespmem:s1+$0x4C30]  }
0x416: {  	v38 =	vmul.f32 s5, v35;
	v35 =	vmovc v14;
	v14 =	vmovc v11;
	v11 =	vmov v42;
	v42 =	vld [tilespmem:s0+$0x2C30];
	v49 =	vadd.f32 v52, v49  }
0x417: {  	v6, _, _ =	vpop (xrf2);
	v50 =	vand.u32 $0x7FFFFFFF, v50;
	v31 =	vadd.f32 v31, v32;
	s11 =	smul.f32 s10, s11;
	v61 =	vmul.f32 v45, v45  }
0x418: {  	s12 =	smul.f32 s14, s18;
	s23 =	ssub.f32 $1.500000000e+00, s20;
	v32 =	vmul.f32 v39, v39;
	v52 =	vsub.f32 v49, v62;
	v49 =	vadd.f32 v5, v2;
	v5, _, _ =	vpop (xrf2)  }
0x419: {  	v36 =	vmovc v8;
	v8 =	vmovc v27;
	v60 =	vmul.f32 v46, v46;
	s20 =	smul.f32 s11, s6;
	(v2sf) =	vpush v5, $0xF;
	v5 =	vmul.f32 s5, v34  }
0x41a: {  	s0 =	smov.u32 s30;
	s10 =	smul.f32 s17, s23;
	v27 =	vmovc v44;
	v38 =	vadd.f32 v38, v59;
	v31 =	vadd.f32 v32, v31;
	v62 =	vmul.f32 v56, v56  }
0x41b: {  	s30 =	smov.u32 s31;
	s31 =	smov.u32 s1;
	v63 =	vsub.f32 v30, v63;
	s17 =	smul.f32 s20, s11;
	v30 =	vmovc v47;
	v47 =	vmul.f32 v43, v43;
	v5 =	vadd.f32 v5, v42  }
0x41c: {  	s6 =	smul.f32 $5.000000000e-01, s8;
	v59 =	vld [tilespmem:s31+$0xC00];
	v44 =	vmul.f32 v44, v27;
	v34 =	vmovc v15;
	s1 =	spop (v2sf);
	(v2sf) =	vpush v6, $0xF;
	v6 =	vadd.f32 v62, v31  }
0x41d: {  	s15 =	smul.f32 s10, s15;
	v32 =	vld [tilespmem:s0+$0x8C00];
	v15 =	vmov v24;
	v2, _, _ =	vpop (xrf2);
	s17 =	ssub.f32 $1.500000000e+00, s17;
	v0 =	vadd.f32 v0, v47;
	(xrf2) =	vadd.scan.msk.f32 $0xffff, v49;
	v31 =	vsub.f32 v38, v58  }
0x41e: {  	s8 =	smul.f32 s12, s14;
	v24 =	vmovc v46;
	v46 =	vand.u32 $0x7FFFFFFF, v54;
	v54 =	vld [tilespmem:s0+$0x8C20];
	v5 =	vsub.f32 v5, v55;
	s22 =	spop (v2sf);
	(v2sf) =	vpush v2, $0xF;
	(xrf2) =	vadd.scan.msk.f32 $0xffff, v6  }
0x41f: {  	v49 =	vld [tilespmem:s0+$0x2C10];
	s12 =	smul.f32 s17, s11;
	v2 =	vand.u32 $0x7FFFFFFF, v63;
	v63 =	vand.u32 $0x7FFFFFFF, v52;
	v6 =	vand.u32 $0x7FFFFFFF, v53  }
0x420: {  	v47 =	vld [tilespmem:s31+$0x6C20];
	v58 =	vand.u32 $0x7FFFFFFF, v57;
	v2 =	vsub.f32 v2, v50;
	v6 =	vsub.f32 v63, v6  }
0x421: {  	s9 =	smov.u32 s21;
	s7 =	ssub.s32 $0x5F3759DF, s7;
	s15 =	smul.f32 s15, s10;
	v62 =	vmul.f32 v59, v59;
	v55 =	vmul.f32 s12, v20;
	v20 =	vmovc v29;
	v29 =	vmovc v45;
	v45 =	vld [tilespmem:s0+$0x8C30];
	v31 =	vand.u32 $0x7FFFFFFF, v31  }
0x422: {  	s11 =	sshra.s32 s1, $0x1;
	v52 =	vld [tilespmem:s0+$0x2C00];
	s23 =	sshra.s32 s22, $0x1;
	s18 =	smul.f32 $5.000000000e-01, s22;
	v42 =	vsub.f32 v31, v58;
	v2 =	vadd.f32 v6, v2  }
0x423: {  	s22 =	ssub.f32 $1.500000000e+00, s15;
	s15 =	smul.f32 $5.000000000e-01, s1;
	v53 =	vmul.f32 s12, v10;
	v10 =	vmovc v21;
	v21 =	vmovc v41;
	s1 =	sshra.s32 s9, $0x2;
	v38 =	vadd.f32 v44, v62;
	v41 =	vld [tilespmem:s0+$0x8C10];
	v5 =	vand.u32 $0x7FFFFFFF, v5  }
0x424: {  	s16 =	sadd.s32 $0x100, s21;
	p0 =	sne.s32 s21, $0x7F00;
	s21 =	smul.f32 s7, s6;
	v58 =	vsub.f32 v5, v46;
	v31 =	vld [tilespmem:s1+$0x4C10];
	v2 =	vadd.f32 v2, v42  }
0x425: {  	v46 =	vld [tilespmem:$0x1FE90]  }
0x426: {  	s21 =	smul.f32 s7, s21;
	v57 =	vmul.f32 v47, v47;
	s5 =	ssub.s32 $0x5F3759DF, s23;
	v44 =	vadd.f32 v51, v38;
	v51 =	vld [tilespmem:$0x1FE40];
	v2 =	vadd.f32 v2, v58  }
0x427: {  	v63 =	vmul.f32 s12, v23;
	v23 =	vmov v26;
	v26 =	vmov v43;
	s20 =	smul.f32 s5, s18;
	v38 =	vld [tilespmem:s1+$0xAC10];
	v43, _, _ =	vpop (xrf2)  }
0x428: {  	s23 =	ssub.f32 $1.500000000e+00, s21;
	s10 =	smul.f32 s22, s10;
	v58, _, _ =	vpop (xrf2);
	(xrf2) =	vadd.scan.msk.f32 $0xffff, v2;
	v2 =	vld [tilespmem:$0x1FE50]  }
0x429: {  	s8 =	ssub.f32 $1.500000000e+00, s8;
	v0 =	vadd.f32 v57, v0;
	v57 =	vmul.f32 s12, v22;
	v22 =	vmovc v37;
	v37 =	vmov v47;
	v47 =	vld [tilespmem:s1+$0xAC30];
	s20 =	smul.f32 s5, s20  }
0x42a: {  	s17 =	ssub.s32 $0x5F3759DF, s11;
	v6 =	vld [tilespmem:s1+$0xAC20];
	s11 =	smul.f32 s7, s23  }
0x42b: {  	v32 =	vadd.f32 v63, v32;
	v42 =	vld [tilespmem:s1+$0xC20];
	s21 =	ssub.f32 $1.500000000e+00, s20;
	s20 =	smul.f32 s8, s14  }
0x42c: {  	v12 =	vmul.f32 s10, v12;
	v0 =	vadd.f32 v61, v0;
	v63 =	vmovc v18;
	v18 =	vmov v40;
	v40 =	vld [tilespmem:$0x1FE60]  }
0x42d: {  	v5 =	vmov v28;
	s6 =	smul.f32 s11, s6;
	[tilespmem:$0x1FE40] =	vst v63;
	v62 =	vmul.f32 s10, v51;
	v63 =	vmul.f32 s20, v2;
	v2 =	vld [tilespmem:$0x1FEA0]  }
0x42e: {  	s9 =	smul.f32 s17, s15;
	[tilespmem:$0x1FE90] =	vst v5;
	v5 =	vadd.f32 v53, v41;
	(xrf2) =	vadd.scan.msk.f32 $0xffff, v0;
	v0 =	vld [tilespmem:$0x1FE80]  }
0x42f: {  	v25 =	vmul.f32 s10, v25;
	v41 =	vld [tilespmem:s1+$0x6C10];
	s23 =	smul.f32 s6, s11;
	v50 =	vsub.f32 v32, v62;
	v32 =	vmov v46  }
0x430: {  	v53 =	vsub.f32 v5, v12;
	v5 =	vadd.f32 v55, v45;
	s14 =	smul.f32 s5, s21;
	[tilespmem:$0x1FE60] =	vst v32;
	v32 =	vld [tilespmem:s1+$0x4C00]  }
0x431: {  	v60 =	vadd.f32 v60, v44;
	(v2sf) =	vpush v43, $0xF;
	v28 =	vmovc v6;
	v12 =	vmovc v17;
	s22 =	spop (v2sf);
	s12 =	ssub.f32 $1.500000000e+00, s23;
	v51 =	vmul.f32 s10, v40;
	v40 =	vld [tilespmem:s1+$0xAC00]  }
0x432: {  	v17 =	vmovc v4;
	v62 =	vmul.f32 s20, v7;
	v7 =	vadd.f32 v57, v54;
	s21 =	sshra.s32 s22, $0x1;
	s6 =	smul.f32 $5.000000000e-01, s22;
	s10 =	spop (v2sf);
	v61 =	vmovc v2;
	v2 =	vmov v1;
	v1 =	vld [tilespmem:$0x1FE70]  }
.Ltmp3:
0x433: {  	v44 =	vld [tilespmem:s1+$0xC10];
	v4 =	vmovc v38;
	v54 =	vsub.f32 v5, v25;
	v25 =	vmovc v48;
	s5 =	sadd.f32 $1.000000000e+00, s10;
	s10 =	ssub.s32 $0x5F3759DF, s21;
	v55 =	vmul.f32 s20, v0;
	v0 =	vmov v13;
	(pc) =	sbr.rel @p0 .LBB2_8-.Ltmp3, $4  }
0x434: {  	v43 =	vld [tilespmem:s1+$0x6C00];
	v5 =	vmovc v16;
	v57 =	vsub.f32 v7, v51;
	v51 =	vmul.f32 v42, v42;
	(xrf2) =	vadd.scan.msk.f32 $0xffff, v60;
	s22 =	smul.f32 s10, s6;
	[tilespmem:$0x1FE50] =	vst v0  }
0x435: {  	v45 =	vld [tilespmem:s1+$0x6C30];
	v16 =	vmovc v39;
	(v2sf) =	vpush v58, $0xF;
	s23 =	smax.f32 s5, $0.0e+00;
	s5 =	smul.f32 s12, s11;
	v13 =	vmovc v3;
	v3 =	vmov v32;
	v0 =	vmul.f32 v41, v41;
	[tilespmem:$0x1FE70] =	vst v5  }
0x436: {  	v46 =	vld [tilespmem:s1+$0xC30];
	s8 =	spop (v2sf);
	s21 =	smov.u32 s16;
	s11 =	smul.f32 s10, s22;
	v5 =	vmul.f32 v40, v40;
	[tilespmem:$0x1FEA0] =	vst v2;
	v2 =	vmul.f32 v6, v28;
	v6 =	vmovc v9;
	v9 =	vmov v56  }
0x437: {  	v39 =	vld [tilespmem:s1+$0x4C20];
	s7 =	sshra.s32 s8, $0x1;
	s29 =	sadd.f32 s23, s29;
	v56 =	vmul.f32 s5, v19;
	v19 =	vmovc v33;
	v33 =	vmovc v59;
	[tilespmem:$0x1FE80] =	vst v6;
	v58 =	vmul.f32 s20, v1;
	v1 =	vmov v31;
	s20 =	smul.f32 s17, s9  }
0x438: {  	s9 =	ssub.f32 $1.500000000e+00, s11  }
0x439: {  	s11 =	smul.f32 s14, s18  }
0x43a: {  	s12 =	ssub.f32 $1.500000000e+00, s20;
	s9 =	smul.f32 s10, s9  }
0x43b: {  	v6 =	vmul.f32 v38, v4;
	s11 =	smul.f32 s11, s14  }
0x43c: {  	s10 =	smul.f32 s17, s12  }
0x43d: {  	v5 =	vadd.f32 v6, v5;
	s18 =	smul.f32 s9, s6  }
0x43e: {  	v48 =	vmul.f32 s5, v36;
	v36 =	vld [tilespmem:s1+$0x4C30];
	v56 =	vadd.f32 v56, v52;
	s6 =	smul.f32 $5.000000000e-01, s8  }
0x43f: {  	v59 =	vmul.f32 v31, v1;
	v60 =	vmul.f32 v32, v3;
	v52 =	vld [tilespmem:s0+$0x2C30];
	s21 =	smul.f32 s10, s15  }
0x440: {  	v7 =	vmul.f32 v47, v47;
	s7 =	ssub.s32 $0x5F3759DF, s7;
	v32 =	vsub.f32 v56, v63;
	v63 =	vadd.f32 v48, v49;
	v48 =	vld [tilespmem:s0+$0x2C20];
	s20 =	smul.f32 s18, s9  }
0x441: {  	v35 =	vmul.f32 s5, v35;
	v6 =	vadd.f32 v59, v60;
	v2 =	vadd.f32 v2, v5;
	v5, _, _ =	vpop (xrf2);
	s16 =	smul.f32 s7, s6  }
0x442: {  	v60 =	vmul.f32 v39, v39;
	s11 =	ssub.f32 $1.500000000e+00, s11;
	v38 =	vsub.f32 v63, v62;
	v63 =	vmul.f32 v43, v43;
	v62, _, _ =	vpop (xrf2);
	s12 =	smul.f32 s21, s10  }
0x443: {  	v34 =	vmul.f32 s5, v34;
	v2 =	vadd.f32 v7, v2;
	(v2sf) =	vpush v62, $0xF;
	s8 =	ssub.f32 $1.500000000e+00, s20;
	s16 =	smul.f32 s7, s16  }
0x444: {  	v49 =	vmul.f32 v36, v36;
	v6 =	vadd.f32 v60, v6;
	v0 =	vadd.f32 v0, v63;
	s12 =	ssub.f32 $1.500000000e+00, s12  }
0x445: {  	v50 =	vand.u32 $0x7FFFFFFF, v50;
	v63 =	vadd.f32 v34, v52;
	v35 =	vadd.f32 v35, v48;
	s9 =	smul.f32 s8, s9;
	s20 =	ssub.f32 $1.500000000e+00, s16  }
0x446: {  	s22 =	spop (v2sf);
	v59 =	vadd.f32 v49, v6;
	v48 =	vand.u32 $0x7FFFFFFF, v38;
	v49 =	vand.u32 $0x7FFFFFFF, v53;
	s8 =	smul.f32 s12, s10  }
0x447: {  	v34 =	vld [tilespmem:s1+$0x6C20];
	v62 =	vand.u32 $0x7FFFFFFF, v32;
	(v2sf) =	vpush v5, $0xF;
	v5 =	vsub.f32 v48, v49;
	s23 =	spop (v2sf);
	s15 =	smul.f32 s7, s20  }
0x448: {  	(xrf2) =	vadd.scan.msk.f32 $0xffff, v2;
	v6 =	vsub.f32 v62, v50;
	v60 =	vsub.f32 v35, v58;
	s0 =	smul.f32 $5.000000000e-01, s23;
	s5 =	sshra.s32 s23, $0x1  }
0x449: {  	v52 =	vand.u32 $0x7FFFFFFF, v57;
	(xrf2) =	vadd.scan.msk.f32 $0xffff, v59;
	s7 =	smul.f32 s11, s14;
	s17 =	ssub.s32 $0x5F3759DF, s5  }
0x44a: {  	v31 =	vsub.f32 v63, v55;
	v55, _, _ =	vpop (xrf2);
	v5 =	vadd.f32 v5, v6;
	v2 =	vand.u32 $0x7FFFFFFF, v60;
	s18 =	smul.f32 s17, s0  }
0x44b: {  	(v2sf) =	vpush v55, $0xF;
	v2 =	vsub.f32 v2, v52;
	s5 =	smul.f32 $5.000000000e-01, s22  }
0x44c: {  	v53 =	vand.u32 $0x7FFFFFFF, v54;
	s21 =	sshra.s32 s22, $0x1;
	v31 =	vand.u32 $0x7FFFFFFF, v31;
	v54 =	vmul.f32 v34, v34;
	s22 =	smul.f32 s17, s18  }
0x44d: {  	s10 =	ssub.s32 $0x5F3759DF, s21;
	v6 =	vsub.f32 v31, v53;
	s6 =	smul.f32 s15, s6;
	v2 =	vadd.f32 v5, v2  }
0x44e: {  	v56 =	vmul.f32 v45, v45;
	v35 =	vld [tilespmem:s1+$0xC00];
	v0 =	vadd.f32 v54, v0;
	s23 =	smul.f32 s10, s5;
	s12 =	ssub.f32 $1.500000000e+00, s22  }
0x44f: {  	s6 =	smul.f32 s6, s15;
	v2 =	vadd.f32 v2, v6  }
0x450: {  	v0 =	vadd.f32 v56, v0;
	s14 =	smul.f32 s17, s12  }
0x451: {  	s23 =	smul.f32 s10, s23;
	(xrf2) =	vadd.scan.msk.f32 $0xffff, v2  }
0x452: {  	v57, _, _ =	vpop (xrf2);
	(xrf2) =	vadd.scan.msk.f32 $0xffff, v0;
	s18 =	spop (v2sf);
	s12 =	smul.f32 s14, s0  }
0x453: {  	v59 =	vmul.f32 v44, v44;
	v52 =	vld [tilespmem:$0x1FE40];
	v60 =	vmul.f32 v35, v35;
	(v2sf) =	vpush v57, $0xF;
	v58, _, _ =	vpop (xrf2);
	s20 =	sshra.s32 s18, $0x1;
	s11 =	smul.f32 $5.000000000e-01, s18  }
0x454: {  	s6 =	ssub.f32 $1.500000000e+00, s6;
	(v2sf) =	vpush v58, $0xF;
	v58 =	vmul.f32 s8, v25;
	v25 =	vld [tilespmem:$0x1FE60];
	s18 =	ssub.s32 $0x5F3759DF, s20;
	s12 =	smul.f32 s12, s14  }
0x455: {  	v0 =	vadd.f32 v59, v60;
	s21 =	smul.f32 s18, s11  }
0x456: {  	s16 =	smul.f32 s6, s15  }
0x457: {  	v62 =	vmul.f32 v46, v46;
	v0 =	vadd.f32 v51, v0;
	s12 =	ssub.f32 $1.500000000e+00, s12;
	s22 =	smul.f32 s18, s21  }
0x458: {  	v12 =	vmul.f32 s8, v12;
	v5 =	vmul.f32 s8, v52;
	s0 =	spop (v2sf);
	s21 =	ssub.f32 $1.500000000e+00, s23  }
0x459: {  	v0 =	vadd.f32 v62, v0;
	v62 =	vmul.f32 s16, v14;
	v14 =	vmul.f32 s8, v25;
	s8 =	smul.f32 s12, s14;
	s20 =	ssub.f32 $1.500000000e+00, s22  }
0x45a: {  	s15 =	smul.f32 s10, s21;
	s22 =	spop (v2sf)  }
0x45b: {  	(xrf2) =	vadd.scan.msk.f32 $0xffff, v0;
	v63, _, _ =	vpop (xrf2);
	s17 =	smul.f32 $5.000000000e-01, s22  }
0x45c: {  	v32, _, _ =	vpop (xrf2);
	s10 =	sshra.s32 s22, $0x1;
	s6 =	smul.f32 s18, s20  }
0x45d: {  	(v2sf) =	vpush v32, $0xF;
	s18 =	ssub.s32 $0x5F3759DF, s10;
	s23 =	smul.f32 s15, s5  }
0x45e: {  	s21 =	smul.f32 s18, s17  }
0x45f: {  	s23 =	smul.f32 s23, s15  }
0x460: {  	v7 =	vld [tilespmem:s30+$0x2C00];
	s11 =	smul.f32 s6, s11  }
0x461: {  	v49 =	vld [tilespmem:s30+$0x8C10];
	s21 =	smul.f32 s18, s21;
	s23 =	ssub.f32 $1.500000000e+00, s23  }
0x462: {  	v38 =	vld [tilespmem:s30+$0x8C00];
	v48 =	vmul.f32 s9, v23;
	v10 =	vmul.f32 s9, v10;
	s20 =	spop (v2sf);
	s11 =	smul.f32 s11, s6  }
0x463: {  	v50 =	vld [tilespmem:s30+$0x8C30];
	v55 =	vmul.f32 s9, v20;
	v56 =	vmul.f32 s9, v22;
	s22 =	spop (v2sf);
	s9 =	smul.f32 s23, s15  }
0x464: {  	v31 =	vld [tilespmem:$0x1FE50];
	s11 =	ssub.f32 $1.500000000e+00, s11;
	s15 =	smul.f32 $5.000000000e-01, s20  }
0x465: {  	v54 =	vld [tilespmem:s30+$0x2C10];
	(v2sf) =	vpush v63, $0xF;
	v53, _, _ =	vpop (xrf2);
	s5 =	smul.f32 $5.000000000e-01, s22;
	s22 =	sshra.s32 s22, $0x1  }
0x466: {  	v6 =	vadd.f32 v10, v49;
	v57 =	vld [tilespmem:s30+$0x2C20];
	(v2sf) =	vpush v53, $0xF;
	s10 =	smul.f32 s11, s6;
	s6 =	ssub.s32 $0x5F3759DF, s22;
	s11 =	ssub.f32 $1.500000000e+00, s21  }
0x467: {  	v49 =	vld [tilespmem:$0x1FE70];
	s23 =	sshra.s32 s20, $0x1;
	s22 =	smul.f32 s6, s5  }
0x468: {  	v6 =	vsub.f32 v6, v12;
	v51 =	vld [tilespmem:s30+$0x8C20];
	v19 =	vmul.f32 s16, v19;
	s20 =	ssub.s32 $0x5F3759DF, s23;
	s11 =	smul.f32 s18, s11  }
0x469: {  	v52 =	vld [tilespmem:$0x1FE80];
	v60 =	vmul.f32 s16, v8;
	s18 =	smul.f32 s20, s15  }
0x46a: {  	v6 =	vand.u32 $0x7FFFFFFF, v6;
	v7 =	vadd.f32 v19, v7;
	v0 =	vadd.f32 v48, v38;
	s17 =	smul.f32 s11, s17  }
0x46b: {  	v2 =	vadd.f32 v60, v54;
	v38 =	vadd.f32 v62, v57;
	v48 =	vmul.f32 s7, v61;
	s21 =	smul.f32 s20, s18  }
0x46c: {  	v0 =	vsub.f32 v0, v5;
	v5 =	vadd.f32 v55, v50;
	v32 =	vmul.f32 s7, v31;
	s23 =	spop (v2sf);
	s17 =	smul.f32 s17, s11  }
0x46d: {  	v59 =	vadd.f32 v56, v51;
	v50 =	vmul.f32 s7, v49;
	v2 =	vsub.f32 v2, v48;
	v63 =	vld [tilespmem:s30+$0x2C30];
	s30 =	sshra.s32 s23, $0x1;
	s23 =	smul.f32 $5.000000000e-01, s23  }
0x46e: {  	v10 =	vmul.f32 s7, v52;
	v5 =	vsub.f32 v5, v58;
	v7 =	vsub.f32 v7, v32;
	s12 =	ssub.s32 $0x5F3759DF, s30;
	s7 =	ssub.f32 $1.500000000e+00, s17;
	s17 =	smul.f32 s6, s22  }
0x46f: {  	v51 =	vmul.f32 s16, v15;
	v12 =	vsub.f32 v59, v14;
	v20 =	vsub.f32 v38, v50;
	s16 =	smul.f32 s12, s23  }
0x470: {  	v2 =	vand.u32 $0x7FFFFFFF, v2;
	v0 =	vand.u32 $0x7FFFFFFF, v0;
	v7 =	vand.u32 $0x7FFFFFFF, v7;
	s7 =	smul.f32 s7, s11;
	s17 =	ssub.f32 $1.500000000e+00, s17  }
0x471: {  	v54 =	vld [tilespmem:s31+$0x8C00];
	v2 =	vsub.f32 v2, v6;
	v0 =	vsub.f32 v7, v0;
	s21 =	ssub.f32 $1.500000000e+00, s21;
	s14 =	smul.f32 s12, s16  }
0x472: {  	v60 =	vld [tilespmem:s31+$0x8C30];
	v55 =	vand.u32 $0x7FFFFFFF, v12;
	v57 =	vand.u32 $0x7FFFFFFF, v20;
	v53 =	vadd.f32 v51, v63;
	s6 =	smul.f32 s6, s17  }
0x473: {  	v59 =	vld [tilespmem:s31+$0x8C10];
	v6 =	vsub.f32 v57, v55;
	v0 =	vadd.f32 v2, v0;
	s11 =	smul.f32 s20, s21;
	s30 =	ssub.f32 $1.500000000e+00, s14  }
0x474: {  	v61 =	vld [tilespmem:s31+$0x8C20];
	v5 =	vand.u32 $0x7FFFFFFF, v5;
	v56 =	vsub.f32 v53, v10;
	v62 =	vmul.f32 s9, v18;
	s14 =	spop (v2sf);
	s5 =	smul.f32 s6, s5  }
0x475: {  	v31 =	vld [tilespmem:s31+$0x2C10];
	v0 =	vadd.f32 v0, v6;
	v38 =	vmul.f32 s9, v17;
	v50 =	vmul.f32 s9, v30;
	s22 =	spop (v2sf);
	s12 =	smul.f32 s12, s30  }
0x476: {  	v63 =	vld [tilespmem:s31+$0x2C00];
	v58 =	vmul.f32 s10, v26;
	v7 =	vand.u32 $0x7FFFFFFF, v56;
	v25 =	vmul.f32 s10, v21;
	s16 =	smul.f32 $5.000000000e-01, s22  }
0x477: {  	v32 =	vmul.f32 s10, v29;
	v48 =	vmul.f32 s10, v37;
	v56 =	vld [tilespmem:$0x1FE90];
	v5 =	vsub.f32 v7, v5;
	s30 =	sshra.s32 s22, $0x1;
	s22 =	smul.f32 s11, s15  }
0x478: {  	v17 =	vmul.f32 s8, v9;
	v8 =	vadd.f32 v58, v54;
	v10 =	vadd.f32 v25, v59;
	v59 =	vld [tilespmem:$0x1FEA0];
	s5 =	smul.f32 s5, s6  }
0x479: {  	v49 =	vld [tilespmem:s31+$0x2C20];
	v2 =	vadd.f32 v32, v60;
	v20 =	vadd.f32 v48, v61;
	v58 =	vmul.f32 s8, v13;
	s18 =	ssub.s32 $0x5F3759DF, s30;
	s20 =	smul.f32 s12, s23  }
0x47a: {  	v61 =	vmul.f32 s8, v16;
	v0 =	vadd.f32 v0, v5;
	v26 =	vsub.f32 v8, v62;
	s21 =	smul.f32 s18, s16  }
0x47b: {  	v54 =	vld [tilespmem:s31+$0x2C30];
	v10 =	vsub.f32 v10, v38;
	v51 =	vmul.f32 s7, v33;
	v52 =	vmul.f32 s7, v27;
	s10 =	smul.f32 s20, s12  }
0x47c: {  	v2 =	vsub.f32 v2, v50;
	v57 =	vmul.f32 s9, v56;
	v53 =	vmul.f32 s7, v11;
	s20 =	smul.f32 s18, s21  }
0x47d: {  	v60 =	vmul.f32 s8, v59;
	v7 =	vadd.f32 v51, v63;
	v55 =	vadd.f32 v52, v31;
	s9 =	smul.f32 s22, s11;
	s5 =	ssub.f32 $1.500000000e+00, s5  }
0x47e: {  	v62 =	vsub.f32 v20, v57;
	v12 =	vadd.f32 v53, v49;
	v63 =	vmul.f32 s7, v24;
	s23 =	ssub.f32 $1.500000000e+00, s20  }
0x47f: {  	v10 =	vand.u32 $0x7FFFFFFF, v10;
	v7 =	vsub.f32 v7, v58;
	v8 =	vsub.f32 v55, v60;
	s15 =	ssub.f32 $1.500000000e+00, s9;
	s5 =	smul.f32 s5, s6  }
0x480: {  	v6 =	vand.u32 $0x7FFFFFFF, v26;
	v12 =	vsub.f32 v12, v61;
	v11 =	vadd.f32 v63, v54;
	s31 =	smul.f32 s18, s23  }
0x481: {  	v23 =	vld [tilespmem:s1+$0x8C30];
	v19 =	vand.u32 $0x7FFFFFFF, v62;
	v7 =	vand.u32 $0x7FFFFFFF, v7;
	v8 =	vand.u32 $0x7FFFFFFF, v8;
	s30 =	ssub.f32 $1.500000000e+00, s10;
	s8 =	smul.f32 s15, s11  }
0x482: {  	v22 =	vld [tilespmem:s1+$0x8C10];
	v9 =	vsub.f32 v11, v17;
	v20 =	vand.u32 $0x7FFFFFFF, v12;
	v8 =	vsub.f32 v8, v10;
	s17 =	smul.f32 s31, s16  }
0x483: {  	v18 =	vld [tilespmem:s1+$0x8C00];
	v2 =	vand.u32 $0x7FFFFFFF, v2;
	v6 =	vsub.f32 v7, v6;
	v7 =	vsub.f32 v20, v19;
	s7 =	smul.f32 s30, s12  }
0x484: {  	v25 =	vld [tilespmem:s1+$0x8C20];
	v9 =	vand.u32 $0x7FFFFFFF, v9;
	v49 =	vmul.f32 s5, v3;
	v50 =	vmul.f32 s5, v1;
	s9 =	smul.f32 s17, s31  }
0x485: {  	v6 =	vadd.f32 v8, v6;
	v26 =	vmul.f32 s8, v40;
	v33 =	vmul.f32 s8, v4  }
0x486: {  	v27 =	vld [tilespmem:s1+$0x2C00];
	v2 =	vsub.f32 v9, v2;
	v21 =	vmul.f32 s7, v43;
	v29 =	vmul.f32 s7, v41;
	s9 =	ssub.f32 $1.500000000e+00, s9  }
0x487: {  	v31 =	vld [tilespmem:s1+$0x2C10];
	v6 =	vadd.f32 v6, v7;
	v32 =	vmul.f32 s7, v45;
	v37 =	vmul.f32 s7, v34  }
0x488: {  	v38 =	vld [tilespmem:s1+$0x2C20];
	v40 =	vmul.f32 s8, v47;
	v24 =	vadd.f32 v21, v18;
	v9 =	vadd.f32 v29, v22;
	s9 =	smul.f32 s9, s31  }
0x489: {  	v48 =	vmul.f32 s8, v28;
	v8 =	vadd.f32 v32, v23;
	v43 =	vadd.f32 v37, v25  }
0x48a: {  	v30 =	vsub.f32 v24, v26;
	v41 =	vmul.f32 s9, v35;
	v44 =	vmul.f32 s9, v44  }
0x48b: {  	v47 =	vld [tilespmem:s1+$0x2C30];
	v4 =	vsub.f32 v9, v33;
	v8 =	vsub.f32 v8, v40;
	v45 =	vmul.f32 s9, v42  }
0x48c: {  	v51 =	vmul.f32 s5, v39;
	v5 =	vadd.f32 v41, v27;
	v10 =	vadd.f32 v44, v31  }
0x48d: {  	v54 =	vmul.f32 s5, v36;
	v9 =	vsub.f32 v43, v48;
	v12 =	vadd.f32 v45, v38  }
0x48e: {  	v52 =	vmul.f32 s9, v46;
	v3 =	vsub.f32 v5, v49;
	v1 =	vsub.f32 v10, v50  }
0x48f: {  	v4 =	vand.u32 $0x7FFFFFFF, v4;
	v7 =	vand.u32 $0x7FFFFFFF, v30;
	v53 =	vsub.f32 v12, v51  }
0x490: {  	v5 =	vadd.f32 v52, v47;
	v3 =	vand.u32 $0x7FFFFFFF, v3;
	v1 =	vand.u32 $0x7FFFFFFF, v1  }
0x491: {  	v1 =	vsub.f32 v1, v4;
	v3 =	vsub.f32 v3, v7  }
0x492: {  	v56 =	vand.u32 $0x7FFFFFFF, v9;
	v55 =	vsub.f32 v5, v54;
	v57 =	vand.u32 $0x7FFFFFFF, v53  }
0x493: {  	v5 =	vsub.f32 v57, v56;
	v1 =	vadd.f32 v1, v3  }
0x494: {  	v2 =	vadd.f32 v6, v2;
	v58 =	vand.u32 $0x7FFFFFFF, v8;
	v4 =	vand.u32 $0x7FFFFFFF, v55  }
0x495: {  	(xrf2) =	vadd.scan.msk.f32 $0xffff, v0;
	v59 =	vsub.f32 v4, v58;
	v1 =	vadd.f32 v1, v5;
	_ =	sdelay $0x1  }
0x496: {  	(xrf2) =	vadd.scan.msk.f32 $0xffff, v2;
	v0 =	vadd.f32 v1, v59;
	_ =	sdelay $0x1  }
0x497: {  	(xrf2) =	vadd.scan.msk.f32 $0xffff, v0;
	_ =	sdelay $0x5  }
0x498: {  	v60, _, _ =	vpop (xrf2)  }
0x499: {  	(v2sf) =	vpush v60, $0xF  }
0x49a: {  	v61, _, _ =	vpop (xrf2)  }
0x49b: {  	(v2sf) =	vpush v61, $0xF  }
0x49c: {  	v62, _, _ =	vpop (xrf2)  }
0x49d: {  	(v2sf) =	vpush v62, $0xF;
	_ =	sdelay $0x7  }
0x49e: {  	s0 =	sadd.f32 $1.000000000e+00, s0;
	_ =	sdelay $0x1  }
0x49f: {  	s0 =	smax.f32 s0, $0.0e+00;
	s18 =	sadd.f32 $1.000000000e+00, s14  }
0x4a0: {  	s0 =	sadd.f32 s0, s29;
	s20 =	spop (v2sf)  }
0x4a1: {  	s1 =	smax.f32 s18, $0.0e+00;
	s5 =	sadd.f32 $1.000000000e+00, s20  }
0x4a2: {  	s0 =	sadd.f32 s1, s0;
	s21 =	spop (v2sf)  }
0x4a3: {  	s5 =	smax.f32 s5, $0.0e+00;
	s1 =	sadd.f32 $1.000000000e+00, s21  }
0x4a4: {  	s0 =	sadd.f32 s5, s0;
	s22 =	spop (v2sf)  }
0x4a5: {  	s1 =	smax.f32 s1, $0.0e+00;
	s5 =	sadd.f32 $1.000000000e+00, s22  }
0x4a6: {  	s0 =	sadd.f32 s1, s0  }
0x4a7: {  	s23 =	smax.f32 s5, $0.0e+00  }
0x4a8: {  	s0 =	sadd.f32 s23, s0;
	_ =	sdelay $0x1  }
0x4a9: {  	v63 =	vmov s0  }
0x4aa: {  	s29 =	rddreg [dreg:$0xf];
	s30 =	simm.s32 $0xCC00;
	[tilespmem:$0xCC00] =	vst v63  }
0x4ab: {  	[hbm4b:s29+s2] =	stream.linear.scatter [tilespmem:s30], [sflag:$0x2], $0x10, $0x38;
	[tilespmem:$0xCC10] =	vst v63  }
0x4ac: {  	_ =	swait.ge [sflag:s13], $0x10  }
0x4ad: {  	s28 =	sadd.s32 $0x1, s28;
	s31 =	rddreg [dreg:$0x10]  }
0x4ae: {  	p0 =	sne.s32 s28, s31  }
.Ltmp4:
0x4af: {  	_ = 	snop;
	(pc) =	sbr.rel @p0 .LBB2_1-.Ltmp4, $3  }
0x4b0: {  	_ =	sdelay $0x1  }
0x4b1: {  	[sflag:s13] =	ssyncset.done $0x0  }
0x4b2: {  	s23 =	simm.s32 $0xC00;
	[sflag:s13] =	ssyncadd.s32 $0xFFFFFFF0  }
0x4b3: {  	_ =	sfence.sel $0x180000  }
0x4b4: {  	[bflag:$0x0] =	sbarrier.arrive $0xFFFF  }
0x4b5: {  	_ =	strace $0x90000047  }
0x4b6: {  	s0 =	stileid.u32;
	[bflag:$0x2] =	sbarrier.arrive $0xFFFF  }
0x4b7: {  	p0 =	sne.s32 s0, $0x0;
	s0 =	rddreg [dreg:$0x8]  }
0x4b8: {  	s0 =	sadd.s32 @!p0 $0x100000, s0  }
0x4b9: {  	[sflag:s0] =	ssyncadd.tile.s32 @!p0 $0x1;
	_ =	shalt  }
.Lfunc_end2:
_tile_overlayer_lowered:
.L_overlay_start_2:
0x4ba: {  	(tag) =	ssettag $0x2  }
0x4bb: {  	s0 =	rddreg [dreg:$0x0];
	s2 =	stileid.u32  }
0x4bc: {  	s1 =	rddreg [dreg:$0x1];
	p0 =	sne.s32 s2, $0x0  }
0x4bd: {  	s3 =	rddreg [dreg:$0x2];
	[bflag:$0x3] =	sbarrier.arrive $0xFFFF;
	s2 =	simm.s32 @!p0 $0x1C02  }
0x4be: {  	[timem:s3], [sflag:s2] =	dma.local @!p0 [hbm:s0], s1  }
0x4bf: {  	s0 =	simm.s32 @!p0 $0x2  }
0x4c0: {  	_ =	swait.ge @!p0 [sflag:s0], s1  }
0x4c1: {  	s1 =	ssub.s32 @!p0 $0x0, s1;
	[sflag:s0] =	ssyncset.done @!p0 $0x0  }
0x4c2: {  	[sflag:s0] =	ssyncadd.s32 @!p0 s1  }
0x4c3: {  	[bflag:$0x3] =	sbarrier.arrive $0xFFFF  }
0x4c4: {  	_ =	shalt  }

</sc_bundles>
